<compile_context>
chip_gen: v7x
topology: tpu7x:2x2x1
jax: 0.10.2.dev20260603
libtpu: 0.0.44.dev20260713+nightly
codegen_flags: <defaults>
</compile_context>

<pallas_src>
import functools

import jax
import jax.numpy as jnp
from jax import lax
from jax.experimental import pallas as pl
from jax.experimental.pallas import tpu as pltpu
from jax.experimental.pallas import tpu_sc as plsc

D_MODEL = 1024
D_FF = 4096
E_TOTAL = 8
T_TOKENS = 2048
N_SLOTS = 2 * T_TOKENS
FF_BLOCK = 512
N_FF_BLOCKS = D_FF // FF_BLOCK
M_BLOCK = 256
N_M_BLOCKS = N_SLOTS // M_BLOCK
CHUNK = 512
W_PAD = 128

NUM_SC_CORES = 2
NUM_SC_SUBCORES = 16
NUM_TILES = NUM_SC_CORES * NUM_SC_SUBCORES
TOK_PER_TILE = T_TOKENS // NUM_TILES
HALF = TOK_PER_TILE // 2


def _router_body(x_ref, wg_ref, bg_ref, aux_ref, pt_ref, wa_ref, wb_ref,
                 off_ref):
    x = x_ref[...]
    wg = wg_ref[...]
    logits = lax.dot_general(x, wg, (((1,), (1,)), ((), ())),
                             preferred_element_type=jnp.float32)
    logits = logits + bg_ref[0, :][None, :]
    mx = jnp.max(logits, axis=-1, keepdims=True)
    ex = jnp.exp(logits - mx)
    probs = ex / jnp.sum(ex, axis=-1, keepdims=True)

    iota_e = lax.broadcasted_iota(jnp.int32, (T_TOKENS, E_TOTAL), 1)
    p1 = jnp.max(probs, axis=-1, keepdims=True)
    i1 = jnp.min(jnp.where(probs == p1, iota_e, E_TOTAL), axis=-1)
    oh1 = (iota_e == i1[:, None]).astype(jnp.float32)
    probs_m = jnp.where(oh1 > 0, -1.0, probs)
    p2 = jnp.max(probs_m, axis=-1, keepdims=True)
    i2 = jnp.min(jnp.where(probs_m == p2, iota_e, E_TOTAL), axis=-1)
    oh2 = (iota_e == i2[:, None]).astype(jnp.float32)
    denom = p1 + p2
    w1 = p1 / denom
    w2 = p2 / denom

    prob_mass = jnp.mean(probs, axis=0)
    counts1 = jnp.sum(oh1, axis=0)
    aux = E_TOTAL * jnp.sum(prob_mass * (counts1 / T_TOKENS))
    aux_ref[...] = jnp.reshape(aux, (1, 1))

    m12 = oh1 + oh2
    iota_r = lax.broadcasted_iota(jnp.int32, (CHUNK, CHUNK), 0)
    iota_c = lax.broadcasted_iota(jnp.int32, (CHUNK, CHUNK), 1)
    ltri = (iota_r >= iota_c).astype(jnp.float32)
    r_chunks = []
    carry = jnp.zeros((1, E_TOTAL), jnp.float32)
    for c in range(T_TOKENS // CHUNK):
        blk = m12[c * CHUNK:(c + 1) * CHUNK, :]
        r_blk = lax.dot_general(ltri, blk, (((1,), (0,)), ((), ())),
                                precision=lax.Precision.HIGHEST,
                                preferred_element_type=jnp.float32) + carry
        carry = carry + jnp.sum(blk, axis=0, keepdims=True)
        r_chunks.append(r_blk)
    r12 = jnp.concatenate(r_chunks, axis=0)
    x12 = r12 - m12

    cnt = carry
    iota_e8r = lax.broadcasted_iota(jnp.int32, (E_TOTAL, E_TOTAL), 0)
    iota_e8c = lax.broadcasted_iota(jnp.int32, (E_TOTAL, E_TOTAL), 1)
    lstrict = (iota_e8r < iota_e8c).astype(jnp.float32)
    off = lax.dot_general(cnt, lstrict, (((1,), (0,)), ((), ())),
                          precision=lax.Precision.HIGHEST,
                          preferred_element_type=jnp.float32)
    off_ref[...] = off.astype(jnp.int32)

    dest = off + x12
    p0 = jnp.sum(oh1 * dest, axis=1, keepdims=True)
    p1d = jnp.sum(oh2 * dest, axis=1, keepdims=True)
    pt = jnp.concatenate([p0, p1d], axis=1)
    pt_ref[...] = pt.T.astype(jnp.int32)

    zeros15 = jnp.zeros((T_TOKENS, W_PAD - 1), jnp.float32)
    wa_ref[...] = jnp.concatenate([w1, zeros15], axis=1)
    wb_ref[...] = jnp.concatenate([w2, zeros15], axis=1)


def _ffn_body(off_ref, xs_ref, ws_ref, w1_ref, b1_ref, w2_ref, b2_ref,
              ys_ref):
    e = pl.program_id(0)
    f = pl.program_id(1)
    start = off_ref[e]
    end = off_ref[e + 1]
    base = start // M_BLOCK
    nblk = (end + M_BLOCK - 1) // M_BLOCK - base

    w1 = w1_ref[0]
    w2 = w2_ref[0]
    b1v = b1_ref[0, 0, 0, :][None, :]
    b2v = b2_ref[0, 0, :][None, :]

    def blk_body(i, acc):
        row0 = (base + i) * M_BLOCK
        x = xs_ref[pl.ds(row0, M_BLOCK), :]
        h = lax.dot_general(x, w1, (((1,), (1,)), ((), ())),
                            preferred_element_type=jnp.float32)
        h = h + b1v
        h = 0.5 * h * (1.0 + lax.erf(h * 0.7071067811865476))
        y = lax.dot_general(h, w2, (((1,), (1,)), ((), ())),
                            preferred_element_type=jnp.float32)
        rows = row0 + lax.broadcasted_iota(jnp.int32, (M_BLOCK, 1), 0)
        mask = jnp.logical_and(rows >= start, rows < end)
        wcol = ws_ref[pl.ds(row0, M_BLOCK), 0:1]
        cur = ys_ref[pl.ds(row0, M_BLOCK), :]
        new = jnp.where(f == 0, (y + b2v) * wcol, cur + y * wcol)
        ys_ref[pl.ds(row0, M_BLOCK), :] = jnp.where(mask, new, cur)
        return acc

    lax.fori_loop(0, nblk, blk_body, 0)


@functools.cache
def _sc_kernels():
    mesh = plsc.VectorSubcoreMesh(core_axis_name="c", subcore_axis_name="s",
                                  num_cores=NUM_SC_CORES,
                                  num_subcores=NUM_SC_SUBCORES)

    @functools.partial(
        pl.kernel,
        out_type=(
            jax.ShapeDtypeStruct((N_SLOTS, D_MODEL), jnp.float32),
            jax.ShapeDtypeStruct((N_SLOTS, W_PAD), jnp.float32),
        ),
        mesh=mesh,
        scratch_types=[
            pltpu.VMEM((TOK_PER_TILE,), jnp.int32),
            pltpu.VMEM((TOK_PER_TILE,), jnp.int32),
            pltpu.VMEM((TOK_PER_TILE, D_MODEL), jnp.float32),
            pltpu.VMEM((TOK_PER_TILE, W_PAD), jnp.float32),
            pltpu.VMEM((TOK_PER_TILE, W_PAD), jnp.float32),
            pltpu.SemaphoreType.DMA,
            pltpu.SemaphoreType.DMA,
            pltpu.SemaphoreType.DMA,
            pltpu.SemaphoreType.DMA,
        ],
    )
    def dispatch_sc(x_hbm, pt_hbm, wa_hbm, wb_hbm, xs_hbm, ws_hbm,
                    idx0, idx1, rows, wra, wrb, s0, s1, s2, s3):
        wid = lax.axis_index("s") * NUM_SC_CORES + lax.axis_index("c")
        t0 = wid * TOK_PER_TILE
        pltpu.sync_copy(pt_hbm.at[pl.ds(t0, TOK_PER_TILE)], idx0)
        pltpu.sync_copy(pt_hbm.at[pl.ds(T_TOKENS + t0, TOK_PER_TILE)], idx1)
        pltpu.sync_copy(x_hbm.at[pl.ds(t0, TOK_PER_TILE)], rows)
        pltpu.sync_copy(wa_hbm.at[pl.ds(t0, TOK_PER_TILE)], wra)
        pltpu.sync_copy(wb_hbm.at[pl.ds(t0, TOK_PER_TILE)], wrb)
        cp0 = pltpu.async_copy(rows, xs_hbm.at[idx0], s0)
        cp1 = pltpu.async_copy(rows, xs_hbm.at[idx1], s1)
        cp2 = pltpu.async_copy(wra, ws_hbm.at[idx0], s2)
        cp3 = pltpu.async_copy(wrb, ws_hbm.at[idx1], s3)
        cp0.wait()
        cp1.wait()
        cp2.wait()
        cp3.wait()

    @functools.partial(
        pl.kernel,
        out_type=jax.ShapeDtypeStruct((T_TOKENS, D_MODEL), jnp.float32),
        mesh=mesh,
        scratch_types=[
            pltpu.VMEM((HALF,), jnp.int32),
            pltpu.VMEM((HALF,), jnp.int32),
            pltpu.VMEM((HALF, D_MODEL), jnp.float32),
            pltpu.VMEM((HALF, D_MODEL), jnp.float32),
            pltpu.SemaphoreType.DMA,
            pltpu.SemaphoreType.DMA,
        ],
    )
    def combine_sc(ys_hbm, pt_hbm, out_hbm, idx0, idx1, r0, r1, s0, s1):
        wid = lax.axis_index("s") * NUM_SC_CORES + lax.axis_index("c")
        t0 = wid * TOK_PER_TILE
        for b in range(2):
            tb = t0 + b * HALF
            pltpu.sync_copy(pt_hbm.at[pl.ds(tb, HALF)], idx0)
            pltpu.sync_copy(pt_hbm.at[pl.ds(T_TOKENS + tb, HALF)], idx1)
            pltpu.async_copy(ys_hbm.at[idx0], r0, s0).wait()
            pltpu.async_copy(ys_hbm.at[idx1], r1, s1).wait()

            def row_body(i, acc):
                for cc in range(D_MODEL // 16):
                    sl = pl.ds(cc * 16, 16)
                    r0[i, sl] = r0[i, sl] + r1[i, sl]
                return acc

            lax.fori_loop(0, HALF, row_body, 0)
            pltpu.sync_copy(r0, out_hbm.at[pl.ds(tb, HALF)])

    return dispatch_sc, combine_sc


def _router_call(x_flat, Wg, bg):
    return pl.pallas_call(
        _router_body,
        out_shape=(
            jax.ShapeDtypeStruct((1, 1), jnp.float32),
            jax.ShapeDtypeStruct((2, T_TOKENS), jnp.int32),
            jax.ShapeDtypeStruct((T_TOKENS, W_PAD), jnp.float32),
            jax.ShapeDtypeStruct((T_TOKENS, W_PAD), jnp.float32),
            jax.ShapeDtypeStruct((1, E_TOTAL), jnp.int32),
        ),
        in_specs=[
            pl.BlockSpec((T_TOKENS, D_MODEL), lambda: (0, 0)),
            pl.BlockSpec((E_TOTAL, D_MODEL), lambda: (0, 0)),
            pl.BlockSpec((1, E_TOTAL), lambda: (0, 0)),
        ],
        out_specs=(
            pl.BlockSpec((1, 1), lambda: (0, 0)),
            pl.BlockSpec((2, T_TOKENS), lambda: (0, 0)),
            pl.BlockSpec((T_TOKENS, W_PAD), lambda: (0, 0)),
            pl.BlockSpec((T_TOKENS, W_PAD), lambda: (0, 0)),
            pl.BlockSpec((1, E_TOTAL), lambda: (0, 0)),
        ),
    )(x_flat, Wg, bg.reshape(1, E_TOTAL))


def _ffn_call(off9, xs, ws, W1, b1, W2, b2):
    grid_spec = pltpu.PrefetchScalarGridSpec(
        num_scalar_prefetch=1,
        grid=(E_TOTAL, N_FF_BLOCKS),
        in_specs=[
            pl.BlockSpec((N_SLOTS, D_MODEL), lambda e, f, off: (0, 0)),
            pl.BlockSpec((N_SLOTS, W_PAD), lambda e, f, off: (0, 0)),
            pl.BlockSpec((1, FF_BLOCK, D_MODEL), lambda e, f, off: (e, f, 0)),
            pl.BlockSpec((1, 1, 1, FF_BLOCK), lambda e, f, off: (e, f, 0, 0)),
            pl.BlockSpec((1, D_MODEL, FF_BLOCK), lambda e, f, off: (e, 0, f)),
            pl.BlockSpec((1, 1, D_MODEL), lambda e, f, off: (e, 0, 0)),
        ],
        out_specs=pl.BlockSpec((N_SLOTS, D_MODEL), lambda e, f, off: (0, 0)),
    )
    return pl.pallas_call(
        _ffn_body,
        grid_spec=grid_spec,
        out_shape=jax.ShapeDtypeStruct((N_SLOTS, D_MODEL), jnp.float32),
    )(off9, xs, ws, W1, b1.reshape(E_TOTAL, N_FF_BLOCKS, 1, FF_BLOCK),
      W2, b2.reshape(E_TOTAL, 1, D_MODEL))


def kernel(x, Wg, bg, W1, b1, W2, b2):
    B, S, D = x.shape
    x_flat = x.reshape(-1, D)

    aux, pt, wa, wb, off = _router_call(x_flat, Wg, bg)

    off9 = jnp.concatenate(
        [off.reshape(E_TOTAL), jnp.array([N_SLOTS], jnp.int32)])
    pt_flat = pt.reshape(-1)

    dispatch_sc, combine_sc = _sc_kernels()
    xs, ws = dispatch_sc(x_flat, pt_flat, wa, wb)
    ys = _ffn_call(off9, xs, ws, W1, b1, W2, b2)
    out = combine_sc(ys, pt_flat)

    return out.reshape(B, S, D), aux[0, 0]

# --- scband reference (transcript-rebuilt; emitter-appended) ---
"""Pipeline reference for scband-mo-efateh-layer-59528246722651 (READ-ONLY COPY).

The authoritative reference and input builder live on the scoring server;
editing this copy changes nothing except your own understanding.
"""

import jax, jax.numpy as jnp
import numpy as np

D_MODEL = 1024
D_FF = 4 * D_MODEL
E_TOTAL = 8
K_ACTIVE = 2


def setup_inputs(seed: int = 0) -> dict:
    key = jax.random.key(seed)
    ks = jax.random.split(key, 8)
    x = jax.random.normal(ks[0], (1, 2048, D_MODEL), dtype=jnp.float32)
    Wg = jax.random.normal(ks[1], (E_TOTAL, D_MODEL), dtype=jnp.float32) * 0.02
    bg = jnp.zeros((E_TOTAL,), dtype=jnp.float32)
    W1 = jax.random.normal(ks[2], (E_TOTAL, D_FF, D_MODEL), dtype=jnp.float32) * 0.02
    b1 = jnp.zeros((E_TOTAL, D_FF), dtype=jnp.float32)
    W2 = jax.random.normal(ks[3], (E_TOTAL, D_MODEL, D_FF), dtype=jnp.float32) * 0.02
    b2 = jnp.zeros((E_TOTAL, D_MODEL), dtype=jnp.float32)
    return {"x": x, "Wg": Wg, "bg": bg, "W1": W1, "b1": b1, "W2": W2, "b2": b2}


def reference(x, Wg, bg, W1, b1, W2, b2):
    B, S, D = x.shape
    flat_x = x.reshape(-1, D)
    routing_logits = flat_x @ Wg.T + bg
    routing_probs = jax.nn.softmax(routing_logits, axis=-1)
    prob_mass = jnp.mean(routing_probs, axis=0)
    expert_indices = jnp.argmax(routing_probs, axis=-1)
    tokens_per_expert = jnp.bincount(expert_indices, length=E_TOTAL).astype(jnp.float32)
    fraction_tokens = tokens_per_expert / (B * S)
    aux_loss = E_TOTAL * jnp.sum(prob_mass * fraction_tokens)
    routing_weights, selected_experts = jax.lax.top_k(routing_probs, K_ACTIVE)
    routing_weights = routing_weights / jnp.sum(routing_weights, axis=-1, keepdims=True)
    final_output = jnp.zeros_like(flat_x)
    for e in range(E_TOTAL):
        # combined routing weight for expert e per token; 0 if token not routed to e
        w_e = jnp.sum(routing_weights * (selected_experts == e), axis=-1)
        h = jax.nn.gelu(flat_x @ W1[e].T + b1[e], approximate=False)
        y = h @ W2[e].T + b2[e]
        final_output = final_output + y * w_e[:, None]
    return final_output.reshape(x.shape), aux_loss

if __name__ == "__main__":
    import jax
    _d = setup_inputs()
    print(jax.jit(kernel)(*tuple(_d.values())))

</pallas_src>

<mosaic_0001>
#map = affine_map<(d0, d1) -> (0, 0)>
#map1 = affine_map<(d0, d1) -> (0)>
module attributes {stable_mosaic.version = 14 : i64} {
  func.func @dispatch_sc(%arg0: i32, %arg1: i32, %arg2: memref<2048x1024xf32, #tpu.memory_space<hbm>>, %arg3: memref<4096xi32, #tpu.memory_space<hbm>>, %arg4: memref<2048x128xf32, #tpu.memory_space<hbm>>, %arg5: memref<2048x128xf32, #tpu.memory_space<hbm>>, %arg6: memref<4096x1024xf32, #tpu.memory_space<hbm>>, %arg7: memref<4096x128xf32, #tpu.memory_space<hbm>>, %arg8: memref<64xi32, #tpu.memory_space<vmem>>, %arg9: memref<64xi32, #tpu.memory_space<vmem>>, %arg10: memref<64x1024xf32, #tpu.memory_space<vmem>>, %arg11: memref<64x128xf32, #tpu.memory_space<vmem>>, %arg12: memref<64x128xf32, #tpu.memory_space<vmem>>, %arg13: memref<!tpu.dma_semaphore, #tpu.memory_space<semaphore_mem>>, %arg14: memref<!tpu.dma_semaphore, #tpu.memory_space<semaphore_mem>>, %arg15: memref<!tpu.dma_semaphore, #tpu.memory_space<semaphore_mem>>, %arg16: memref<!tpu.dma_semaphore, #tpu.memory_space<semaphore_mem>>) attributes {dimension_semantics = [#tpu.dimension_semantics<core_parallel>, #tpu.dimension_semantics<subcore_parallel>], iteration_bounds = array<i64: 2, 16>, scalar_prefetch = 0 : i64, scratch_operands = 9 : i64, tpu.core_type = #tpu.core_type<sc_vector_subcore>, window_params = [{transform_indices = #map}, {transform_indices = #map1}, {transform_indices = #map}, {transform_indices = #map}, {transform_indices = #map}, {transform_indices = #map}]} {
    %mul3A = arith.constant 2 : i32
    %mul3A_0 = arith.muli %arg1, %mul3A : i32
    %add3A = arith.addi %mul3A_0, %arg0 : i32
    %mul3A_1 = arith.constant 64 : i32
    %mul3A_2 = arith.muli %add3A, %mul3A_1 : i32
    "tpu.region"() ({
      %run_scoped3A = tpu.sem_alloc : memref<!tpu.dma_semaphore, #tpu.memory_space<semaphore_mem>>
      %dma_start3A_27 = tpu.memref_slice %arg3[%mul3A_2] : memref<4096xi32, #tpu.memory_space<hbm>> -> memref<64xi32, #tpu.memory_space<hbm>>
      %dma_start3A_28 = tpu.memref_slice %arg3[%mul3A_2] : memref<4096xi32, #tpu.memory_space<hbm>> -> memref<64xi32, #tpu.memory_space<hbm>>
      tpu.enqueue_dma source(%dma_start3A_28 : memref<64xi32, #tpu.memory_space<hbm>>) target(%arg8 : memref<64xi32, #tpu.memory_space<vmem>>) target_semaphore(%run_scoped3A : memref<!tpu.dma_semaphore, #tpu.memory_space<semaphore_mem>>)
      %dma_wait3A_29 = tpu.memref_slice %arg3[%mul3A_2] : memref<4096xi32, #tpu.memory_space<hbm>> -> memref<64xi32, #tpu.memory_space<hbm>>
      %dma_wait3A_30 = tpu.memref_slice %arg3[%mul3A_2] : memref<4096xi32, #tpu.memory_space<hbm>> -> memref<64xi32, #tpu.memory_space<hbm>>
      tpu.wait_dma2 semaphore(%run_scoped3A : memref<!tpu.dma_semaphore, #tpu.memory_space<semaphore_mem>>) src(%dma_wait3A_30 : memref<64xi32, #tpu.memory_space<hbm>>) dst(%arg8 : memref<64xi32, #tpu.memory_space<vmem>>)
      tpu.yield
    }) : () -> ()
    %add3A_3 = arith.constant 2048 : i32
    %add3A_4 = arith.addi %add3A_3, %mul3A_2 : i32
    "tpu.region"() ({
      %run_scoped3A = tpu.sem_alloc : memref<!tpu.dma_semaphore, #tpu.memory_space<semaphore_mem>>
      %dma_start3A_27 = tpu.memref_slice %arg3[%add3A_4] : memref<4096xi32, #tpu.memory_space<hbm>> -> memref<64xi32, #tpu.memory_space<hbm>>
      %dma_start3A_28 = tpu.memref_slice %arg3[%add3A_4] : memref<4096xi32, #tpu.memory_space<hbm>> -> memref<64xi32, #tpu.memory_space<hbm>>
      tpu.enqueue_dma source(%dma_start3A_28 : memref<64xi32, #tpu.memory_space<hbm>>) target(%arg9 : memref<64xi32, #tpu.memory_space<vmem>>) target_semaphore(%run_scoped3A : memref<!tpu.dma_semaphore, #tpu.memory_space<semaphore_mem>>)
      %dma_wait3A_29 = tpu.memref_slice %arg3[%add3A_4] : memref<4096xi32, #tpu.memory_space<hbm>> -> memref<64xi32, #tpu.memory_space<hbm>>
      %dma_wait3A_30 = tpu.memref_slice %arg3[%add3A_4] : memref<4096xi32, #tpu.memory_space<hbm>> -> memref<64xi32, #tpu.memory_space<hbm>>
      tpu.wait_dma2 semaphore(%run_scoped3A : memref<!tpu.dma_semaphore, #tpu.memory_space<semaphore_mem>>) src(%dma_wait3A_30 : memref<64xi32, #tpu.memory_space<hbm>>) dst(%arg9 : memref<64xi32, #tpu.memory_space<vmem>>)
      tpu.yield
    }) : () -> ()
    "tpu.region"() ({
      %run_scoped3A = tpu.sem_alloc : memref<!tpu.dma_semaphore, #tpu.memory_space<semaphore_mem>>
      %dma_start3A_27 = arith.constant 0 : i32
      %dma_start3A_28 = tpu.memref_slice %arg2[%mul3A_2, %dma_start3A_27] : memref<2048x1024xf32, #tpu.memory_space<hbm>> -> memref<64x1024xf32, #tpu.memory_space<hbm>>
      %dma_start3A_29 = arith.constant 0 : i32
      %dma_start3A_30 = tpu.memref_slice %arg2[%mul3A_2, %dma_start3A_29] : memref<2048x1024xf32, #tpu.memory_space<hbm>> -> memref<64x1024xf32, #tpu.memory_space<hbm>>
      tpu.enqueue_dma source(%dma_start3A_30 : memref<64x1024xf32, #tpu.memory_space<hbm>>) target(%arg10 : memref<64x1024xf32, #tpu.memory_space<vmem>>) target_semaphore(%run_scoped3A : memref<!tpu.dma_semaphore, #tpu.memory_space<semaphore_mem>>)
      %dma_wait3A_31 = arith.constant 0 : i32
      %dma_wait3A_32 = tpu.memref_slice %arg2[%mul3A_2, %dma_wait3A_31] : memref<2048x1024xf32, #tpu.memory_space<hbm>> -> memref<64x1024xf32, #tpu.memory_space<hbm>>
      %dma_wait3A_33 = arith.constant 0 : i32
      %dma_wait3A_34 = tpu.memref_slice %arg2[%mul3A_2, %dma_wait3A_33] : memref<2048x1024xf32, #tpu.memory_space<hbm>> -> memref<64x1024xf32, #tpu.memory_space<hbm>>
      tpu.wait_dma2 semaphore(%run_scoped3A : memref<!tpu.dma_semaphore, #tpu.memory_space<semaphore_mem>>) src(%dma_wait3A_34 : memref<64x1024xf32, #tpu.memory_space<hbm>>) dst(%arg10 : memref<64x1024xf32, #tpu.memory_space<vmem>>)
      tpu.yield
    }) : () -> ()
    "tpu.region"() ({
      %run_scoped3A = tpu.sem_alloc : memref<!tpu.dma_semaphore, #tpu.memory_space<semaphore_mem>>
      %dma_start3A_27 = arith.constant 0 : i32
      %dma_start3A_28 = tpu.memref_slice %arg4[%mul3A_2, %dma_start3A_27] : memref<2048x128xf32, #tpu.memory_space<hbm>> -> memref<64x128xf32, #tpu.memory_space<hbm>>
      %dma_start3A_29 = arith.constant 0 : i32
      %dma_start3A_30 = tpu.memref_slice %arg4[%mul3A_2, %dma_start3A_29] : memref<2048x128xf32, #tpu.memory_space<hbm>> -> memref<64x128xf32, #tpu.memory_space<hbm>>
      tpu.enqueue_dma source(%dma_start3A_30 : memref<64x128xf32, #tpu.memory_space<hbm>>) target(%arg11 : memref<64x128xf32, #tpu.memory_space<vmem>>) target_semaphore(%run_scoped3A : memref<!tpu.dma_semaphore, #tpu.memory_space<semaphore_mem>>)
      %dma_wait3A_31 = arith.constant 0 : i32
      %dma_wait3A_32 = tpu.memref_slice %arg4[%mul3A_2, %dma_wait3A_31] : memref<2048x128xf32, #tpu.memory_space<hbm>> -> memref<64x128xf32, #tpu.memory_space<hbm>>
      %dma_wait3A_33 = arith.constant 0 : i32
      %dma_wait3A_34 = tpu.memref_slice %arg4[%mul3A_2, %dma_wait3A_33] : memref<2048x128xf32, #tpu.memory_space<hbm>> -> memref<64x128xf32, #tpu.memory_space<hbm>>
      tpu.wait_dma2 semaphore(%run_scoped3A : memref<!tpu.dma_semaphore, #tpu.memory_space<semaphore_mem>>) src(%dma_wait3A_34 : memref<64x128xf32, #tpu.memory_space<hbm>>) dst(%arg11 : memref<64x128xf32, #tpu.memory_space<vmem>>)
      tpu.yield
    }) : () -> ()
    "tpu.region"() ({
      %run_scoped3A = tpu.sem_alloc : memref<!tpu.dma_semaphore, #tpu.memory_space<semaphore_mem>>
      %dma_start3A_27 = arith.constant 0 : i32
      %dma_start3A_28 = tpu.memref_slice %arg5[%mul3A_2, %dma_start3A_27] : memref<2048x128xf32, #tpu.memory_space<hbm>> -> memref<64x128xf32, #tpu.memory_space<hbm>>
      %dma_start3A_29 = arith.constant 0 : i32
      %dma_start3A_30 = tpu.memref_slice %arg5[%mul3A_2, %dma_start3A_29] : memref<2048x128xf32, #tpu.memory_space<hbm>> -> memref<64x128xf32, #tpu.memory_space<hbm>>
      tpu.enqueue_dma source(%dma_start3A_30 : memref<64x128xf32, #tpu.memory_space<hbm>>) target(%arg12 : memref<64x128xf32, #tpu.memory_space<vmem>>) target_semaphore(%run_scoped3A : memref<!tpu.dma_semaphore, #tpu.memory_space<semaphore_mem>>)
      %dma_wait3A_31 = arith.constant 0 : i32
      %dma_wait3A_32 = tpu.memref_slice %arg5[%mul3A_2, %dma_wait3A_31] : memref<2048x128xf32, #tpu.memory_space<hbm>> -> memref<64x128xf32, #tpu.memory_space<hbm>>
      %dma_wait3A_33 = arith.constant 0 : i32
      %dma_wait3A_34 = tpu.memref_slice %arg5[%mul3A_2, %dma_wait3A_33] : memref<2048x128xf32, #tpu.memory_space<hbm>> -> memref<64x128xf32, #tpu.memory_space<hbm>>
      tpu.wait_dma2 semaphore(%run_scoped3A : memref<!tpu.dma_semaphore, #tpu.memory_space<semaphore_mem>>) src(%dma_wait3A_34 : memref<64x128xf32, #tpu.memory_space<hbm>>) dst(%arg12 : memref<64x128xf32, #tpu.memory_space<vmem>>)
      tpu.yield
    }) : () -> ()
    %dma_start3A = arith.constant 0 : i32
    %dma_start3A_5 = arith.constant 0 : i32
    %dma_start3A_6 = tpu.memref_slice %arg6[%dma_start3A, %dma_start3A_5] : memref<4096x1024xf32, #tpu.memory_space<hbm>> -> memref<4096x1024xf32, #tpu.memory_space<hbm>>
    tpu.enqueue_indirect_dma source(%arg10 : memref<64x1024xf32, #tpu.memory_space<vmem>>) target(%dma_start3A_6 : memref<4096x1024xf32, #tpu.memory_space<hbm>>) offsets(%arg8 : memref<64xi32, #tpu.memory_space<vmem>>) semaphore(%arg13 : memref<!tpu.dma_semaphore, #tpu.memory_space<semaphore_mem>>)
    %dma_start3A_7 = arith.constant 0 : i32
    %dma_start3A_8 = arith.constant 0 : i32
    %dma_start3A_9 = tpu.memref_slice %arg6[%dma_start3A_7, %dma_start3A_8] : memref<4096x1024xf32, #tpu.memory_space<hbm>> -> memref<4096x1024xf32, #tpu.memory_space<hbm>>
    tpu.enqueue_indirect_dma source(%arg10 : memref<64x1024xf32, #tpu.memory_space<vmem>>) target(%dma_start3A_9 : memref<4096x1024xf32, #tpu.memory_space<hbm>>) offsets(%arg9 : memref<64xi32, #tpu.memory_space<vmem>>) semaphore(%arg14 : memref<!tpu.dma_semaphore, #tpu.memory_space<semaphore_mem>>)
    %dma_start3A_10 = arith.constant 0 : i32
    %dma_start3A_11 = arith.constant 0 : i32
    %dma_start3A_12 = tpu.memref_slice %arg7[%dma_start3A_10, %dma_start3A_11] : memref<4096x128xf32, #tpu.memory_space<hbm>> -> memref<4096x128xf32, #tpu.memory_space<hbm>>
    tpu.enqueue_indirect_dma source(%arg11 : memref<64x128xf32, #tpu.memory_space<vmem>>) target(%dma_start3A_12 : memref<4096x128xf32, #tpu.memory_space<hbm>>) offsets(%arg8 : memref<64xi32, #tpu.memory_space<vmem>>) semaphore(%arg15 : memref<!tpu.dma_semaphore, #tpu.memory_space<semaphore_mem>>)
    %dma_start3A_13 = arith.constant 0 : i32
    %dma_start3A_14 = arith.constant 0 : i32
    %dma_start3A_15 = tpu.memref_slice %arg7[%dma_start3A_13, %dma_start3A_14] : memref<4096x128xf32, #tpu.memory_space<hbm>> -> memref<4096x128xf32, #tpu.memory_space<hbm>>
    tpu.enqueue_indirect_dma source(%arg12 : memref<64x128xf32, #tpu.memory_space<vmem>>) target(%dma_start3A_15 : memref<4096x128xf32, #tpu.memory_space<hbm>>) offsets(%arg9 : memref<64xi32, #tpu.memory_space<vmem>>) semaphore(%arg16 : memref<!tpu.dma_semaphore, #tpu.memory_space<semaphore_mem>>)
    %dma_wait3A = arith.constant 0 : i32
    %dma_wait3A_16 = arith.constant 0 : i32
    %dma_wait3A_17 = tpu.memref_slice %arg6[%dma_wait3A, %dma_wait3A_16] : memref<4096x1024xf32, #tpu.memory_space<hbm>> -> memref<4096x1024xf32, #tpu.memory_space<hbm>>
    tpu.wait_indirect_dma semaphore(%arg13 : memref<!tpu.dma_semaphore, #tpu.memory_space<semaphore_mem>>) src(%arg10 : memref<64x1024xf32, #tpu.memory_space<vmem>>) dst(%dma_wait3A_17 : memref<4096x1024xf32, #tpu.memory_space<hbm>>)
    %dma_wait3A_18 = arith.constant 0 : i32
    %dma_wait3A_19 = arith.constant 0 : i32
    %dma_wait3A_20 = tpu.memref_slice %arg6[%dma_wait3A_18, %dma_wait3A_19] : memref<4096x1024xf32, #tpu.memory_space<hbm>> -> memref<4096x1024xf32, #tpu.memory_space<hbm>>
    tpu.wait_indirect_dma semaphore(%arg14 : memref<!tpu.dma_semaphore, #tpu.memory_space<semaphore_mem>>) src(%arg10 : memref<64x1024xf32, #tpu.memory_space<vmem>>) dst(%dma_wait3A_20 : memref<4096x1024xf32, #tpu.memory_space<hbm>>)
    %dma_wait3A_21 = arith.constant 0 : i32
    %dma_wait3A_22 = arith.constant 0 : i32
    %dma_wait3A_23 = tpu.memref_slice %arg7[%dma_wait3A_21, %dma_wait3A_22] : memref<4096x128xf32, #tpu.memory_space<hbm>> -> memref<4096x128xf32, #tpu.memory_space<hbm>>
    tpu.wait_indirect_dma semaphore(%arg15 : memref<!tpu.dma_semaphore, #tpu.memory_space<semaphore_mem>>) src(%arg11 : memref<64x128xf32, #tpu.memory_space<vmem>>) dst(%dma_wait3A_23 : memref<4096x128xf32, #tpu.memory_space<hbm>>)
    %dma_wait3A_24 = arith.constant 0 : i32
    %dma_wait3A_25 = arith.constant 0 : i32
    %dma_wait3A_26 = tpu.memref_slice %arg7[%dma_wait3A_24, %dma_wait3A_25] : memref<4096x128xf32, #tpu.memory_space<hbm>> -> memref<4096x128xf32, #tpu.memory_space<hbm>>
    tpu.wait_indirect_dma semaphore(%arg16 : memref<!tpu.dma_semaphore, #tpu.memory_space<semaphore_mem>>) src(%arg12 : memref<64x128xf32, #tpu.memory_space<vmem>>) dst(%dma_wait3A_26 : memref<4096x128xf32, #tpu.memory_space<hbm>>)
    return
  }
}

#map = affine_map<(d0, d1) -> (0, 0)>
#map1 = affine_map<(d0, d1) -> (0)>
module attributes {stable_mosaic.version = 14 : i64} {
  func.func @combine_sc(%arg0: i32, %arg1: i32, %arg2: memref<4096x1024xf32, #tpu.memory_space<hbm>>, %arg3: memref<4096xi32, #tpu.memory_space<hbm>>, %arg4: memref<2048x1024xf32, #tpu.memory_space<hbm>>, %arg5: memref<32xi32, #tpu.memory_space<vmem>>, %arg6: memref<32xi32, #tpu.memory_space<vmem>>, %arg7: memref<32x1024xf32, #tpu.memory_space<vmem>>, %arg8: memref<32x1024xf32, #tpu.memory_space<vmem>>, %arg9: memref<!tpu.dma_semaphore, #tpu.memory_space<semaphore_mem>>, %arg10: memref<!tpu.dma_semaphore, #tpu.memory_space<semaphore_mem>>) attributes {dimension_semantics = [#tpu.dimension_semantics<core_parallel>, #tpu.dimension_semantics<subcore_parallel>], iteration_bounds = array<i64: 2, 16>, scalar_prefetch = 0 : i64, scratch_operands = 6 : i64, tpu.core_type = #tpu.core_type<sc_vector_subcore>, window_params = [{transform_indices = #map}, {transform_indices = #map1}, {transform_indices = #map}]} {
    %mul3A = arith.constant 2 : i32
    %mul3A_0 = arith.muli %arg1, %mul3A : i32
    %add3A = arith.addi %mul3A_0, %arg0 : i32
    %mul3A_1 = arith.constant 64 : i32
    %mul3A_2 = arith.muli %add3A, %mul3A_1 : i32
    %add3A_3 = arith.constant 0 : i32
    %add3A_4 = arith.addi %mul3A_2, %add3A_3 : i32
    "tpu.region"() ({
      %run_scoped3A = tpu.sem_alloc : memref<!tpu.dma_semaphore, #tpu.memory_space<semaphore_mem>>
      %dma_start3A_44 = tpu.memref_slice %arg3[%add3A_4] : memref<4096xi32, #tpu.memory_space<hbm>> -> memref<32xi32, #tpu.memory_space<hbm>>
      %dma_start3A_45 = tpu.memref_slice %arg3[%add3A_4] : memref<4096xi32, #tpu.memory_space<hbm>> -> memref<32xi32, #tpu.memory_space<hbm>>
      tpu.enqueue_dma source(%dma_start3A_45 : memref<32xi32, #tpu.memory_space<hbm>>) target(%arg5 : memref<32xi32, #tpu.memory_space<vmem>>) target_semaphore(%run_scoped3A : memref<!tpu.dma_semaphore, #tpu.memory_space<semaphore_mem>>)
      %dma_wait3A_46 = tpu.memref_slice %arg3[%add3A_4] : memref<4096xi32, #tpu.memory_space<hbm>> -> memref<32xi32, #tpu.memory_space<hbm>>
      %dma_wait3A_47 = tpu.memref_slice %arg3[%add3A_4] : memref<4096xi32, #tpu.memory_space<hbm>> -> memref<32xi32, #tpu.memory_space<hbm>>
      tpu.wait_dma2 semaphore(%run_scoped3A : memref<!tpu.dma_semaphore, #tpu.memory_space<semaphore_mem>>) src(%dma_wait3A_47 : memref<32xi32, #tpu.memory_space<hbm>>) dst(%arg5 : memref<32xi32, #tpu.memory_space<vmem>>)
      tpu.yield
    }) : () -> ()
    %add3A_5 = arith.constant 2048 : i32
    %add3A_6 = arith.addi %add3A_5, %add3A_4 : i32
    "tpu.region"() ({
      %run_scoped3A = tpu.sem_alloc : memref<!tpu.dma_semaphore, #tpu.memory_space<semaphore_mem>>
      %dma_start3A_44 = tpu.memref_slice %arg3[%add3A_6] : memref<4096xi32, #tpu.memory_space<hbm>> -> memref<32xi32, #tpu.memory_space<hbm>>
      %dma_start3A_45 = tpu.memref_slice %arg3[%add3A_6] : memref<4096xi32, #tpu.memory_space<hbm>> -> memref<32xi32, #tpu.memory_space<hbm>>
      tpu.enqueue_dma source(%dma_start3A_45 : memref<32xi32, #tpu.memory_space<hbm>>) target(%arg6 : memref<32xi32, #tpu.memory_space<vmem>>) target_semaphore(%run_scoped3A : memref<!tpu.dma_semaphore, #tpu.memory_space<semaphore_mem>>)
      %dma_wait3A_46 = tpu.memref_slice %arg3[%add3A_6] : memref<4096xi32, #tpu.memory_space<hbm>> -> memref<32xi32, #tpu.memory_space<hbm>>
      %dma_wait3A_47 = tpu.memref_slice %arg3[%add3A_6] : memref<4096xi32, #tpu.memory_space<hbm>> -> memref<32xi32, #tpu.memory_space<hbm>>
      tpu.wait_dma2 semaphore(%run_scoped3A : memref<!tpu.dma_semaphore, #tpu.memory_space<semaphore_mem>>) src(%dma_wait3A_47 : memref<32xi32, #tpu.memory_space<hbm>>) dst(%arg6 : memref<32xi32, #tpu.memory_space<vmem>>)
      tpu.yield
    }) : () -> ()
    %dma_start3A = arith.constant 0 : i32
    %dma_start3A_7 = arith.constant 0 : i32
    %dma_start3A_8 = tpu.memref_slice %arg2[%dma_start3A, %dma_start3A_7] : memref<4096x1024xf32, #tpu.memory_space<hbm>> -> memref<4096x1024xf32, #tpu.memory_space<hbm>>
    tpu.enqueue_indirect_dma source(%dma_start3A_8 : memref<4096x1024xf32, #tpu.memory_space<hbm>>) target(%arg7 : memref<32x1024xf32, #tpu.memory_space<vmem>>) offsets(%arg5 : memref<32xi32, #tpu.memory_space<vmem>>) semaphore(%arg9 : memref<!tpu.dma_semaphore, #tpu.memory_space<semaphore_mem>>)
    %dma_wait3A = arith.constant 0 : i32
    %dma_wait3A_9 = arith.constant 0 : i32
    %dma_wait3A_10 = tpu.memref_slice %arg2[%dma_wait3A, %dma_wait3A_9] : memref<4096x1024xf32, #tpu.memory_space<hbm>> -> memref<4096x1024xf32, #tpu.memory_space<hbm>>
    tpu.wait_indirect_dma semaphore(%arg9 : memref<!tpu.dma_semaphore, #tpu.memory_space<semaphore_mem>>) src(%dma_wait3A_10 : memref<4096x1024xf32, #tpu.memory_space<hbm>>) dst(%arg7 : memref<32x1024xf32, #tpu.memory_space<vmem>>)
    %dma_start3A_11 = arith.constant 0 : i32
    %dma_start3A_12 = arith.constant 0 : i32
    %dma_start3A_13 = tpu.memref_slice %arg2[%dma_start3A_11, %dma_start3A_12] : memref<4096x1024xf32, #tpu.memory_space<hbm>> -> memref<4096x1024xf32, #tpu.memory_space<hbm>>
    tpu.enqueue_indirect_dma source(%dma_start3A_13 : memref<4096x1024xf32, #tpu.memory_space<hbm>>) target(%arg8 : memref<32x1024xf32, #tpu.memory_space<vmem>>) offsets(%arg6 : memref<32xi32, #tpu.memory_space<vmem>>) semaphore(%arg10 : memref<!tpu.dma_semaphore, #tpu.memory_space<semaphore_mem>>)
    %dma_wait3A_14 = arith.constant 0 : i32
    %dma_wait3A_15 = arith.constant 0 : i32
    %dma_wait3A_16 = tpu.memref_slice %arg2[%dma_wait3A_14, %dma_wait3A_15] : memref<4096x1024xf32, #tpu.memory_space<hbm>> -> memref<4096x1024xf32, #tpu.memory_space<hbm>>
    tpu.wait_indirect_dma semaphore(%arg10 : memref<!tpu.dma_semaphore, #tpu.memory_space<semaphore_mem>>) src(%dma_wait3A_16 : memref<4096x1024xf32, #tpu.memory_space<hbm>>) dst(%arg8 : memref<32x1024xf32, #tpu.memory_space<vmem>>)
    %scan3A = arith.constant 0 : i32
    %scan3A_17 = arith.constant 0 : i32
    %scan3A_18 = arith.constant 32 : i32
    %scan3A_19 = arith.addi %scan3A_17, %scan3A_18 : i32
    %scan3A_20 = arith.constant 1 : i32
    scf.for %scan3A_44 = %scan3A_17 to %scan3A_19 step %scan3A_20  : i32 {
      %get3A = arith.index_cast %scan3A_44 : i32 to index
      %get3A_45 = arith.constant 0 : index
      %get3A_46 = tpu.vector_load %arg7[%get3A, %get3A_45] {strides = array<i32>} : memref<32x1024xf32, #tpu.memory_space<vmem>>, vector<1x16xf32>,
      %get3A_47 = vector.shape_cast %get3A_46 : vector<1x16xf32> to vector<16xf32>
      %get3A_48 = arith.index_cast %scan3A_44 : i32 to index
      %get3A_49 = arith.constant 0 : index
      %get3A_50 = tpu.vector_load %arg8[%get3A_48, %get3A_49] {strides = array<i32>} : memref<32x1024xf32, #tpu.memory_space<vmem>>, vector<1x16xf32>,
      %get3A_51 = vector.shape_cast %get3A_50 : vector<1x16xf32> to vector<16xf32>
      %add3A_52 = arith.addf %get3A_47, %get3A_51 : vector<16xf32>
      %swap3A = arith.index_cast %scan3A_44 : i32 to index
      %swap3A_53 = arith.constant 0 : index
      %swap3A_54 = tpu.vector_load %arg7[%swap3A, %swap3A_53] {strides = array<i32>} : memref<32x1024xf32, #tpu.memory_space<vmem>>, vector<1x16xf32>,
      %swap3A_55 = vector.shape_cast %swap3A_54 : vector<1x16xf32> to vector<16xf32>
      %swap3A_56 = vector.shape_cast %add3A_52 : vector<16xf32> to vector<1x16xf32>
      tpu.vector_store %arg7[%swap3A, %swap3A_53], %swap3A_56 {strides = array<i32>} : memref<32x1024xf32, #tpu.memory_space<vmem>>, vector<1x16xf32>,
      %get3A_57 = arith.index_cast %scan3A_44 : i32 to index
      %get3A_58 = arith.constant 16 : index
      %get3A_59 = tpu.vector_load %arg7[%get3A_57, %get3A_58] {strides = array<i32>} : memref<32x1024xf32, #tpu.memory_space<vmem>>, vector<1x16xf32>,
      %get3A_60 = vector.shape_cast %get3A_59 : vector<1x16xf32> to vector<16xf32>
      %get3A_61 = arith.index_cast %scan3A_44 : i32 to index
      %get3A_62 = arith.constant 16 : index
      %get3A_63 = tpu.vector_load %arg8[%get3A_61, %get3A_62] {strides = array<i32>} : memref<32x1024xf32, #tpu.memory_space<vmem>>, vector<1x16xf32>,
      %get3A_64 = vector.shape_cast %get3A_63 : vector<1x16xf32> to vector<16xf32>
      %add3A_65 = arith.addf %get3A_60, %get3A_64 : vector<16xf32>
      %swap3A_66 = arith.index_cast %scan3A_44 : i32 to index
      %swap3A_67 = arith.constant 16 : index
      %swap3A_68 = tpu.vector_load %arg7[%swap3A_66, %swap3A_67] {strides = array<i32>} : memref<32x1024xf32, #tpu.memory_space<vmem>>, vector<1x16xf32>,
      %swap3A_69 = vector.shape_cast %swap3A_68 : vector<1x16xf32> to vector<16xf32>
      %swap3A_70 = vector.shape_cast %add3A_65 : vector<16xf32> to vector<1x16xf32>
      tpu.vector_store %arg7[%swap3A_66, %swap3A_67], %swap3A_70 {strides = array<i32>} : memref<32x1024xf32, #tpu.memory_space<vmem>>, vector<1x16xf32>,
      %get3A_71 = arith.index_cast %scan3A_44 : i32 to index
      %get3A_72 = arith.constant 32 : index
      %get3A_73 = tpu.vector_load %arg7[%get3A_71, %get3A_72] {strides = array<i32>} : memref<32x1024xf32, #tpu.memory_space<vmem>>, vector<1x16xf32>,
      %get3A_74 = vector.shape_cast %get3A_73 : vector<1x16xf32> to vector<16xf32>
      %get3A_75 = arith.index_cast %scan3A_44 : i32 to index
      %get3A_76 = arith.constant 32 : index
      %get3A_77 = tpu.vector_load %arg8[%get3A_75, %get3A_76] {strides = array<i32>} : memref<32x1024xf32, #tpu.memory_space<vmem>>, vector<1x16xf32>,
      %get3A_78 = vector.shape_cast %get3A_77 : vector<1x16xf32> to vector<16xf32>
      %add3A_79 = arith.addf %get3A_74, %get3A_78 : vector<16xf32>
      %swap3A_80 = arith.index_cast %scan3A_44 : i32 to index
      %swap3A_81 = arith.constant 32 : index
      %swap3A_82 = tpu.vector_load %arg7[%swap3A_80, %swap3A_81] {strides = array<i32>} : memref<32x1024xf32, #tpu.memory_space<vmem>>, vector<1x16xf32>,
      %swap3A_83 = vector.shape_cast %swap3A_82 : vector<1x16xf32> to vector<16xf32>
      %swap3A_84 = vector.shape_cast %add3A_79 : vector<16xf32> to vector<1x16xf32>
      tpu.vector_store %arg7[%swap3A_80, %swap3A_81], %swap3A_84 {strides = array<i32>} : memref<32x1024xf32, #tpu.memory_space<vmem>>, vector<1x16xf32>,
      %get3A_85 = arith.index_cast %scan3A_44 : i32 to index
      %get3A_86 = arith.constant 48 : index
      %get3A_87 = tpu.vector_load %arg7[%get3A_85, %get3A_86] {strides = array<i32>} : memref<32x1024xf32, #tpu.memory_space<vmem>>, vector<1x16xf32>,
      %get3A_88 = vector.shape_cast %get3A_87 : vector<1x16xf32> to vector<16xf32>
      %get3A_89 = arith.index_cast %scan3A_44 : i32 to index
      %get3A_90 = arith.constant 48 : index
      %get3A_91 = tpu.vector_load %arg8[%get3A_89, %get3A_90] {strides = array<i32>} : memref<32x1024xf32, #tpu.memory_space<vmem>>, vector<1x16xf32>,
      %get3A_92 = vector.shape_cast %get3A_91 : vector<1x16xf32> to vector<16xf32>
      %add3A_93 = arith.addf %get3A_88, %get3A_92 : vector<16xf32>
      %swap3A_94 = arith.index_cast %scan3A_44 : i32 to index
      %swap3A_95 = arith.constant 48 : index
      %swap3A_96 = tpu.vector_load %arg7[%swap3A_94, %swap3A_95] {strides = array<i32>} : memref<32x1024xf32, #tpu.memory_space<vmem>>, vector<1x16xf32>,
      %swap3A_97 = vector.shape_cast %swap3A_96 : vector<1x16xf32> to vector<16xf32>
      %swap3A_98 = vector.shape_cast %add3A_93 : vector<16xf32> to vector<1x16xf32>
      tpu.vector_store %arg7[%swap3A_94, %swap3A_95], %swap3A_98 {strides = array<i32>} : memref<32x1024xf32, #tpu.memory_space<vmem>>, vector<1x16xf32>,
      %get3A_99 = arith.index_cast %scan3A_44 : i32 to index
      %get3A_100 = arith.constant 64 : index
      %get3A_101 = tpu.vector_load %arg7[%get3A_99, %get3A_100] {strides = array<i32>} : memref<32x1024xf32, #tpu.memory_space<vmem>>, vector<1x16xf32>,
      %get3A_102 = vector.shape_cast %get3A_101 : vector<1x16xf32> to vector<16xf32>
      %get3A_103 = arith.index_cast %scan3A_44 : i32 to index
      %get3A_104 = arith.constant 64 : index
      %get3A_105 = tpu.vector_load %arg8[%get3A_103, %get3A_104] {strides = array<i32>} : memref<32x1024xf32, #tpu.memory_space<vmem>>, vector<1x16xf32>,
      %get3A_106 = vector.shape_cast %get3A_105 : vector<1x16xf32> to vector<16xf32>
      %add3A_107 = arith.addf %get3A_102, %get3A_106 : vector<16xf32>
      %swap3A_108 = arith.index_cast %scan3A_44 : i32 to index
      %swap3A_109 = arith.constant 64 : index
      %swap3A_110 = tpu.vector_load %arg7[%swap3A_108, %swap3A_109] {strides = array<i32>} : memref<32x1024xf32, #tpu.memory_space<vmem>>, vector<1x16xf32>,
      %swap3A_111 = vector.shape_cast %swap3A_110 : vector<1x16xf32> to vector<16xf32>
      %swap3A_112 = vector.shape_cast %add3A_107 : vector<16xf32> to vector<1x16xf32>
      tpu.vector_store %arg7[%swap3A_108, %swap3A_109], %swap3A_112 {strides = array<i32>} : memref<32x1024xf32, #tpu.memory_space<vmem>>, vector<1x16xf32>,
      %get3A_113 = arith.index_cast %scan3A_44 : i32 to index
      %get3A_114 = arith.constant 80 : index
      %get3A_115 = tpu.vector_load %arg7[%get3A_113, %get3A_114] {strides = array<i32>} : memref<32x1024xf32, #tpu.memory_space<vmem>>, vector<1x16xf32>,
      %get3A_116 = vector.shape_cast %get3A_115 : vector<1x16xf32> to vector<16xf32>
      %get3A_117 = arith.index_cast %scan3A_44 : i32 to index
      %get3A_118 = arith.constant 80 : index
      %get3A_119 = tpu.vector_load %arg8[%get3A_117, %get3A_118] {strides = array<i32>} : memref<32x1024xf32, #tpu.memory_space<vmem>>, vector<1x16xf32>,
      %get3A_120 = vector.shape_cast %get3A_119 : vector<1x16xf32> to vector<16xf32>
      %add3A_121 = arith.addf %get3A_116, %get3A_120 : vector<16xf32>
      %swap3A_122 = arith.index_cast %scan3A_44 : i32 to index
      %swap3A_123 = arith.constant 80 : index
      %swap3A_124 = tpu.vector_load %arg7[%swap3A_122, %swap3A_123] {strides = array<i32>} : memref<32x1024xf32, #tpu.memory_space<vmem>>, vector<1x16xf32>,
      %swap3A_125 = vector.shape_cast %swap3A_124 : vector<1x16xf32> to vector<16xf32>
      %swap3A_126 = vector.shape_cast %add3A_121 : vector<16xf32> to vector<1x16xf32>
      tpu.vector_store %arg7[%swap3A_122, %swap3A_123], %swap3A_126 {strides = array<i32>} : memref<32x1024xf32, #tpu.memory_space<vmem>>, vector<1x16xf32>,
      %get3A_127 = arith.index_cast %scan3A_44 : i32 to index
      %get3A_128 = arith.constant 96 : index
      %get3A_129 = tpu.vector_load %arg7[%get3A_127, %get3A_128] {strides = array<i32>} : memref<32x1024xf32, #tpu.memory_space<vmem>>, vector<1x16xf32>,
      %get3A_130 = vector.shape_cast %get3A_129 : vector<1x16xf32> to vector<16xf32>
      %get3A_131 = arith.index_cast %scan3A_44 : i32 to index
      %get3A_132 = arith.constant 96 : index
      %get3A_133 = tpu.vector_load %arg8[%get3A_131, %get3A_132] {strides = array<i32>} : memref<32x1024xf32, #tpu.memory_space<vmem>>, vector<1x16xf32>,
      %get3A_134 = vector.shape_cast %get3A_133 : vector<1x16xf32> to vector<16xf32>
      %add3A_135 = arith.addf %get3A_130, %get3A_134 : vector<16xf32>
      %swap3A_136 = arith.index_cast %scan3A_44 : i32 to index
      %swap3A_137 = arith.constant 96 : index
      %swap3A_138 = tpu.vector_load %arg7[%swap3A_136, %swap3A_137] {strides = array<i32>} : memref<32x1024xf32, #tpu.memory_space<vmem>>, vector<1x16xf32>,
      %swap3A_139 = vector.shape_cast %swap3A_138 : vector<1x16xf32> to vector<16xf32>
      %swap3A_140 = vector.shape_cast %add3A_135 : vector<16xf32> to vector<1x16xf32>
      tpu.vector_store %arg7[%swap3A_136, %swap3A_137], %swap3A_140 {strides = array<i32>} : memref<32x1024xf32, #tpu.memory_space<vmem>>, vector<1x16xf32>,
      %get3A_141 = arith.index_cast %scan3A_44 : i32 to index
      %get3A_142 = arith.constant 112 : index
      %get3A_143 = tpu.vector_load %arg7[%get3A_141, %get3A_142] {strides = array<i32>} : memref<32x1024xf32, #tpu.memory_space<vmem>>, vector<1x16xf32>,
      %get3A_144 = vector.shape_cast %get3A_143 : vector<1x16xf32> to vector<16xf32>
      %get3A_145 = arith.index_cast %scan3A_44 : i32 to index
      %get3A_146 = arith.constant 112 : index
      %get3A_147 = tpu.vector_load %arg8[%get3A_145, %get3A_146] {strides = array<i32>} : memref<32x1024xf32, #tpu.memory_space<vmem>>, vector<1x16xf32>,
      %get3A_148 = vector.shape_cast %get3A_147 : vector<1x16xf32> to vector<16xf32>
      %add3A_149 = arith.addf %get3A_144, %get3A_148 : vector<16xf32>
      %swap3A_150 = arith.index_cast %scan3A_44 : i32 to index
      %swap3A_151 = arith.constant 112 : index
      %swap3A_152 = tpu.vector_load %arg7[%swap3A_150, %swap3A_151] {strides = array<i32>} : memref<32x1024xf32, #tpu.memory_space<vmem>>, vector<1x16xf32>,
      %swap3A_153 = vector.shape_cast %swap3A_152 : vector<1x16xf32> to vector<16xf32>
      %swap3A_154 = vector.shape_cast %add3A_149 : vector<16xf32> to vector<1x16xf32>
      tpu.vector_store %arg7[%swap3A_150, %swap3A_151], %swap3A_154 {strides = array<i32>} : memref<32x1024xf32, #tpu.memory_space<vmem>>, vector<1x16xf32>,
      %get3A_155 = arith.index_cast %scan3A_44 : i32 to index
      %get3A_156 = arith.constant 128 : index
      %get3A_157 = tpu.vector_load %arg7[%get3A_155, %get3A_156] {strides = array<i32>} : memref<32x1024xf32, #tpu.memory_space<vmem>>, vector<1x16xf32>,
      %get3A_158 = vector.shape_cast %get3A_157 : vector<1x16xf32> to vector<16xf32>
      %get3A_159 = arith.index_cast %scan3A_44 : i32 to index
      %get3A_160 = arith.constant 128 : index
      %get3A_161 = tpu.vector_load %arg8[%get3A_159, %get3A_160] {strides = array<i32>} : memref<32x1024xf32, #tpu.memory_space<vmem>>, vector<1x16xf32>,
      %get3A_162 = vector.shape_cast %get3A_161 : vector<1x16xf32> to vector<16xf32>
      %add3A_163 = arith.addf %get3A_158, %get3A_162 : vector<16xf32>
      %swap3A_164 = arith.index_cast %scan3A_44 : i32 to index
      %swap3A_165 = arith.constant 128 : index
      %swap3A_166 = tpu.vector_load %arg7[%swap3A_164, %swap3A_165] {strides = array<i32>} : memref<32x1024xf32, #tpu.memory_space<vmem>>, vector<1x16xf32>,
      %swap3A_167 = vector.shape_cast %swap3A_166 : vector<1x16xf32> to vector<16xf32>
      %swap3A_168 = vector.shape_cast %add3A_163 : vector<16xf32> to vector<1x16xf32>
      tpu.vector_store %arg7[%swap3A_164, %swap3A_165], %swap3A_168 {strides = array<i32>} : memref<32x1024xf32, #tpu.memory_space<vmem>>, vector<1x16xf32>,
      %get3A_169 = arith.index_cast %scan3A_44 : i32 to index
      %get3A_170 = arith.constant 144 : index
      %get3A_171 = tpu.vector_load %arg7[%get3A_169, %get3A_170] {strides = array<i32>} : memref<32x1024xf32, #tpu.memory_space<vmem>>, vector<1x16xf32>,
      %get3A_172 = vector.shape_cast %get3A_171 : vector<1x16xf32> to vector<16xf32>
      %get3A_173 = arith.index_cast %scan3A_44 : i32 to index
      %get3A_174 = arith.constant 144 : index
      %get3A_175 = tpu.vector_load %arg8[%get3A_173, %get3A_174] {strides = array<i32>} : memref<32x1024xf32, #tpu.memory_space<vmem>>, vector<1x16xf32>,
      %get3A_176 = vector.shape_cast %get3A_175 : vector<1x16xf32> to vector<16xf32>
      %add3A_177 = arith.addf %get3A_172, %get3A_176 : vector<16xf32>
      %swap3A_178 = arith.index_cast %scan3A_44 : i32 to index
      %swap3A_179 = arith.constant 144 : index
      %swap3A_180 = tpu.vector_load %arg7[%swap3A_178, %swap3A_179] {strides = array<i32>} : memref<32x1024xf32, #tpu.memory_space<vmem>>, vector<1x16xf32>,
      %swap3A_181 = vector.shape_cast %swap3A_180 : vector<1x16xf32> to vector<16xf32>
      %swap3A_182 = vector.shape_cast %add3A_177 : vector<16xf32> to vector<1x16xf32>
      tpu.vector_store %arg7[%swap3A_178, %swap3A_179], %swap3A_182 {strides = array<i32>} : memref<32x1024xf32, #tpu.memory_space<vmem>>, vector<1x16xf32>,
      %get3A_183 = arith.index_cast %scan3A_44 : i32 to index
      %get3A_184 = arith.constant 160 : index
      %get3A_185 = tpu.vector_load %arg7[%get3A_183, %get3A_184] {strides = array<i32>} : memref<32x1024xf32, #tpu.memory_space<vmem>>, vector<1x16xf32>,
      %get3A_186 = vector.shape_cast %get3A_185 : vector<1x16xf32> to vector<16xf32>
      %get3A_187 = arith.index_cast %scan3A_44 : i32 to index
      %get3A_188 = arith.constant 160 : index
      %get3A_189 = tpu.vector_load %arg8[%get3A_187, %get3A_188] {strides = array<i32>} : memref<32x1024xf32, #tpu.memory_space<vmem>>, vector<1x16xf32>,
      %get3A_190 = vector.shape_cast %get3A_189 : vector<1x16xf32> to vector<16xf32>
      %add3A_191 = arith.addf %get3A_186, %get3A_190 : vector<16xf32>
      %swap3A_192 = arith.index_cast %scan3A_44 : i32 to index
      %swap3A_193 = arith.constant 160 : index
      %swap3A_194 = tpu.vector_load %arg7[%swap3A_192, %swap3A_193] {strides = array<i32>} : memref<32x1024xf32, #tpu.memory_space<vmem>>, vector<1x16xf32>,
      %swap3A_195 = vector.shape_cast %swap3A_194 : vector<1x16xf32> to vector<16xf32>
      %swap3A_196 = vector.shape_cast %add3A_191 : vector<16xf32> to vector<1x16xf32>
      tpu.vector_store %arg7[%swap3A_192, %swap3A_193], %swap3A_196 {strides = array<i32>} : memref<32x1024xf32, #tpu.memory_space<vmem>>, vector<1x16xf32>,
      %get3A_197 = arith.index_cast %scan3A_44 : i32 to index
      %get3A_198 = arith.constant 176 : index
      %get3A_199 = tpu.vector_load %arg7[%get3A_197, %get3A_198] {strides = array<i32>} : memref<32x1024xf32, #tpu.memory_space<vmem>>, vector<1x16xf32>,
      %get3A_200 = vector.shape_cast %get3A_199 : vector<1x16xf32> to vector<16xf32>
      %get3A_201 = arith.index_cast %scan3A_44 : i32 to index
      %get3A_202 = arith.constant 176 : index
      %get3A_203 = tpu.vector_load %arg8[%get3A_201, %get3A_202] {strides = array<i32>} : memref<32x1024xf32, #tpu.memory_space<vmem>>, vector<1x16xf32>,
      %get3A_204 = vector.shape_cast %get3A_203 : vector<1x16xf32> to vector<16xf32>
      %add3A_205 = arith.addf %get3A_200, %get3A_204 : vector<16xf32>
      %swap3A_206 = arith.index_cast %scan3A_44 : i32 to index
      %swap3A_207 = arith.constant 176 : index
      %swap3A_208 = tpu.vector_load %arg7[%swap3A_206, %swap3A_207] {strides = array<i32>} : memref<32x1024xf32, #tpu.memory_space<vmem>>, vector<1x16xf32>,
      %swap3A_209 = vector.shape_cast %swap3A_208 : vector<1x16xf32> to vector<16xf32>
      %swap3A_210 = vector.shape_cast %add3A_205 : vector<16xf32> to vector<1x16xf32>
      tpu.vector_store %arg7[%swap3A_206, %swap3A_207], %swap3A_210 {strides = array<i32>} : memref<32x1024xf32, #tpu.memory_space<vmem>>, vector<1x16xf32>,
      %get3A_211 = arith.index_cast %scan3A_44 : i32 to index
      %get3A_212 = arith.constant 192 : index
      %get3A_213 = tpu.vector_load %arg7[%get3A_211, %get3A_212] {strides = array<i32>} : memref<32x1024xf32, #tpu.memory_space<vmem>>, vector<1x16xf32>,
      %get3A_214 = vector.shape_cast %get3A_213 : vector<1x16xf32> to vector<16xf32>
      %get3A_215 = arith.index_cast %scan3A_44 : i32 to index
      %get3A_216 = arith.constant 192 : index
      %get3A_217 = tpu.vector_load %arg8[%get3A_215, %get3A_216] {strides = array<i32>} : memref<32x1024xf32, #tpu.memory_space<vmem>>, vector<1x16xf32>,
      %get3A_218 = vector.shape_cast %get3A_217 : vector<1x16xf32> to vector<16xf32>
      %add3A_219 = arith.addf %get3A_214, %get3A_218 : vector<16xf32>
      %swap3A_220 = arith.index_cast %scan3A_44 : i32 to index
      %swap3A_221 = arith.constant 192 : index
      %swap3A_222 = tpu.vector_load %arg7[%swap3A_220, %swap3A_221] {strides = array<i32>} : memref<32x1024xf32, #tpu.memory_space<vmem>>, vector<1x16xf32>,
      %swap3A_223 = vector.shape_cast %swap3A_222 : vector<1x16xf32> to vector<16xf32>
      %swap3A_224 = vector.shape_cast %add3A_219 : vector<16xf32> to vector<1x16xf32>
      tpu.vector_store %arg7[%swap3A_220, %swap3A_221], %swap3A_224 {strides = array<i32>} : memref<32x1024xf32, #tpu.memory_space<vmem>>, vector<1x16xf32>,
      %get3A_225 = arith.index_cast %scan3A_44 : i32 to index
      %get3A_226 = arith.constant 208 : index
      %get3A_227 = tpu.vector_load %arg7[%get3A_225, %get3A_226] {strides = array<i32>} : memref<32x1024xf32, #tpu.memory_space<vmem>>, vector<1x16xf32>,
      %get3A_228 = vector.shape_cast %get3A_227 : vector<1x16xf32> to vector<16xf32>
      %get3A_229 = arith.index_cast %scan3A_44 : i32 to index
      %get3A_230 = arith.constant 208 : index
      %get3A_231 = tpu.vector_load %arg8[%get3A_229, %get3A_230] {strides = array<i32>} : memref<32x1024xf32, #tpu.memory_space<vmem>>, vector<1x16xf32>,
      %get3A_232 = vector.shape_cast %get3A_231 : vector<1x16xf32> to vector<16xf32>
      %add3A_233 = arith.addf %get3A_228, %get3A_232 : vector<16xf32>
      %swap3A_234 = arith.index_cast %scan3A_44 : i32 to index
      %swap3A_235 = arith.constant 208 : index
      %swap3A_236 = tpu.vector_load %arg7[%swap3A_234, %swap3A_235] {strides = array<i32>} : memref<32x1024xf32, #tpu.memory_space<vmem>>, vector<1x16xf32>,
      %swap3A_237 = vector.shape_cast %swap3A_236 : vector<1x16xf32> to vector<16xf32>
      %swap3A_238 = vector.shape_cast %add3A_233 : vector<16xf32> to vector<1x16xf32>
      tpu.vector_store %arg7[%swap3A_234, %swap3A_235], %swap3A_238 {strides = array<i32>} : memref<32x1024xf32, #tpu.memory_space<vmem>>, vector<1x16xf32>,
      %get3A_239 = arith.index_cast %scan3A_44 : i32 to index
      %get3A_240 = arith.constant 224 : index
      %get3A_241 = tpu.vector_load %arg7[%get3A_239, %get3A_240] {strides = array<i32>} : memref<32x1024xf32, #tpu.memory_space<vmem>>, vector<1x16xf32>,
      %get3A_242 = vector.shape_cast %get3A_241 : vector<1x16xf32> to vector<16xf32>
      %get3A_243 = arith.index_cast %scan3A_44 : i32 to index
      %get3A_244 = arith.constant 224 : index
      %get3A_245 = tpu.vector_load %arg8[%get3A_243, %get3A_244] {strides = array<i32>} : memref<32x1024xf32, #tpu.memory_space<vmem>>, vector<1x16xf32>,
      %get3A_246 = vector.shape_cast %get3A_245 : vector<1x16xf32> to vector<16xf32>
      %add3A_247 = arith.addf %get3A_242, %get3A_246 : vector<16xf32>
      %swap3A_248 = arith.index_cast %scan3A_44 : i32 to index
      %swap3A_249 = arith.constant 224 : index
      %swap3A_250 = tpu.vector_load %arg7[%swap3A_248, %swap3A_249] {strides = array<i32>} : memref<32x1024xf32, #tpu.memory_space<vmem>>, vector<1x16xf32>,
      %swap3A_251 = vector.shape_cast %swap3A_250 : vector<1x16xf32> to vector<16xf32>
      %swap3A_252 = vector.shape_cast %add3A_247 : vector<16xf32> to vector<1x16xf32>
      tpu.vector_store %arg7[%swap3A_248, %swap3A_249], %swap3A_252 {strides = array<i32>} : memref<32x1024xf32, #tpu.memory_space<vmem>>, vector<1x16xf32>,
      %get3A_253 = arith.index_cast %scan3A_44 : i32 to index
      %get3A_254 = arith.constant 240 : index
      %get3A_255 = tpu.vector_load %arg7[%get3A_253, %get3A_254] {strides = array<i32>} : memref<32x1024xf32, #tpu.memory_space<vmem>>, vector<1x16xf32>,
      %get3A_256 = vector.shape_cast %get3A_255 : vector<1x16xf32> to vector<16xf32>
      %get3A_257 = arith.index_cast %scan3A_44 : i32 to index
      %get3A_258 = arith.constant 240 : index
      %get3A_259 = tpu.vector_load %arg8[%get3A_257, %get3A_258] {strides = array<i32>} : memref<32x1024xf32, #tpu.memory_space<vmem>>, vector<1x16xf32>,
      %get3A_260 = vector.shape_cast %get3A_259 : vector<1x16xf32> to vector<16xf32>
      %add3A_261 = arith.addf %get3A_256, %get3A_260 : vector<16xf32>
      %swap3A_262 = arith.index_cast %scan3A_44 : i32 to index
      %swap3A_263 = arith.constant 240 : index
      %swap3A_264 = tpu.vector_load %arg7[%swap3A_262, %swap3A_263] {strides = array<i32>} : memref<32x1024xf32, #tpu.memory_space<vmem>>, vector<1x16xf32>,
      %swap3A_265 = vector.shape_cast %swap3A_264 : vector<1x16xf32> to vector<16xf32>
      %swap3A_266 = vector.shape_cast %add3A_261 : vector<16xf32> to vector<1x16xf32>
      tpu.vector_store %arg7[%swap3A_262, %swap3A_263], %swap3A_266 {strides = array<i32>} : memref<32x1024xf32, #tpu.memory_space<vmem>>, vector<1x16xf32>,
      %get3A_267 = arith.index_cast %scan3A_44 : i32 to index
      %get3A_268 = arith.constant 256 : index
      %get3A_269 = tpu.vector_load %arg7[%get3A_267, %get3A_268] {strides = array<i32>} : memref<32x1024xf32, #tpu.memory_space<vmem>>, vector<1x16xf32>,
      %get3A_270 = vector.shape_cast %get3A_269 : vector<1x16xf32> to vector<16xf32>
      %get3A_271 = arith.index_cast %scan3A_44 : i32 to index
      %get3A_272 = arith.constant 256 : index
      %get3A_273 = tpu.vector_load %arg8[%get3A_271, %get3A_272] {strides = array<i32>} : memref<32x1024xf32, #tpu.memory_space<vmem>>, vector<1x16xf32>,
      %get3A_274 = vector.shape_cast %get3A_273 : vector<1x16xf32> to vector<16xf32>
      %add3A_275 = arith.addf %get3A_270, %get3A_274 : vector<16xf32>
      %swap3A_276 = arith.index_cast %scan3A_44 : i32 to index
      %swap3A_277 = arith.constant 256 : index
      %swap3A_278 = tpu.vector_load %arg7[%swap3A_276, %swap3A_277] {strides = array<i32>} : memref<32x1024xf32, #tpu.memory_space<vmem>>, vector<1x16xf32>,
      %swap3A_279 = vector.shape_cast %swap3A_278 : vector<1x16xf32> to vector<16xf32>
      %swap3A_280 = vector.shape_cast %add3A_275 : vector<16xf32> to vector<1x16xf32>
      tpu.vector_store %arg7[%swap3A_276, %swap3A_277], %swap3A_280 {strides = array<i32>} : memref<32x1024xf32, #tpu.memory_space<vmem>>, vector<1x16xf32>,
      %get3A_281 = arith.index_cast %scan3A_44 : i32 to index
      %get3A_282 = arith.constant 272 : index
      %get3A_283 = tpu.vector_load %arg7[%get3A_281, %get3A_282] {strides = array<i32>} : memref<32x1024xf32, #tpu.memory_space<vmem>>, vector<1x16xf32>,
      %get3A_284 = vector.shape_cast %get3A_283 : vector<1x16xf32> to vector<16xf32>
      %get3A_285 = arith.index_cast %scan3A_44 : i32 to index
      %get3A_286 = arith.constant 272 : index
      %get3A_287 = tpu.vector_load %arg8[%get3A_285, %get3A_286] {strides = array<i32>} : memref<32x1024xf32, #tpu.memory_space<vmem>>, vector<1x16xf32>,
      %get3A_288 = vector.shape_cast %get3A_287 : vector<1x16xf32> to vector<16xf32>
      %add3A_289 = arith.addf %get3A_284, %get3A_288 : vector<16xf32>
      %swap3A_290 = arith.index_cast %scan3A_44 : i32 to index
      %swap3A_291 = arith.constant 272 : index
      %swap3A_292 = tpu.vector_load %arg7[%swap3A_290, %swap3A_291] {strides = array<i32>} : memref<32x1024xf32, #tpu.memory_space<vmem>>, vector<1x16xf32>,
      %swap3A_293 = vector.shape_cast %swap3A_292 : vector<1x16xf32> to vector<16xf32>
      %swap3A_294 = vector.shape_cast %add3A_289 : vector<16xf32> to vector<1x16xf32>
      tpu.vector_store %arg7[%swap3A_290, %swap3A_291], %swap3A_294 {strides = array<i32>} : memref<32x1024xf32, #tpu.memory_space<vmem>>, vector<1x16xf32>,
      %get3A_295 = arith.index_cast %scan3A_44 : i32 to index
      %get3A_296 = arith.constant 288 : index
      %get3A_297 = tpu.vector_load %arg7[%get3A_295, %get3A_296] {strides = array<i32>} : memref<32x1024xf32, #tpu.memory_space<vmem>>, vector<1x16xf32>,
      %get3A_298 = vector.shape_cast %get3A_297 : vector<1x16xf32> to vector<16xf32>
      %get3A_299 = arith.index_cast %scan3A_44 : i32 to index
      %get3A_300 = arith.constant 288 : index
      %get3A_301 = tpu.vector_load %arg8[%get3A_299, %get3A_300] {strides = array<i32>} : memref<32x1024xf32, #tpu.memory_space<vmem>>, vector<1x16xf32>,
      %get3A_302 = vector.shape_cast %get3A_301 : vector<1x16xf32> to vector<16xf32>
      %add3A_303 = arith.addf %get3A_298, %get3A_302 : vector<16xf32>
      %swap3A_304 = arith.index_cast %scan3A_44 : i32 to index
      %swap3A_305 = arith.constant 288 : index
      %swap3A_306 = tpu.vector_load %arg7[%swap3A_304, %swap3A_305] {strides = array<i32>} : memref<32x1024xf32, #tpu.memory_space<vmem>>, vector<1x16xf32>,
      %swap3A_307 = vector.shape_cast %swap3A_306 : vector<1x16xf32> to vector<16xf32>
      %swap3A_308 = vector.shape_cast %add3A_303 : vector<16xf32> to vector<1x16xf32>
      tpu.vector_store %arg7[%swap3A_304, %swap3A_305], %swap3A_308 {strides = array<i32>} : memref<32x1024xf32, #tpu.memory_space<vmem>>, vector<1x16xf32>,
      %get3A_309 = arith.index_cast %scan3A_44 : i32 to index
      %get3A_310 = arith.constant 304 : index
      %get3A_311 = tpu.vector_load %arg7[%get3A_309, %get3A_310] {strides = array<i32>} : memref<32x1024xf32, #tpu.memory_space<vmem>>, vector<1x16xf32>,
      %get3A_312 = vector.shape_cast %get3A_311 : vector<1x16xf32> to vector<16xf32>
      %get3A_313 = arith.index_cast %scan3A_44 : i32 to index
      %get3A_314 = arith.constant 304 : index
      %get3A_315 = tpu.vector_load %arg8[%get3A_313, %get3A_314] {strides = array<i32>} : memref<32x1024xf32, #tpu.memory_space<vmem>>, vector<1x16xf32>,
      %get3A_316 = vector.shape_cast %get3A_315 : vector<1x16xf32> to vector<16xf32>
      %add3A_317 = arith.addf %get3A_312, %get3A_316 : vector<16xf32>
      %swap3A_318 = arith.index_cast %scan3A_44 : i32 to index
      %swap3A_319 = arith.constant 304 : index
      %swap3A_320 = tpu.vector_load %arg7[%swap3A_318, %swap3A_319] {strides = array<i32>} : memref<32x1024xf32, #tpu.memory_space<vmem>>, vector<1x16xf32>,
      %swap3A_321 = vector.shape_cast %swap3A_320 : vector<1x16xf32> to vector<16xf32>
      %swap3A_322 = vector.shape_cast %add3A_317 : vector<16xf32> to vector<1x16xf32>
      tpu.vector_store %arg7[%swap3A_318, %swap3A_319], %swap3A_322 {strides = array<i32>} : memref<32x1024xf32, #tpu.memory_space<vmem>>, vector<1x16xf32>,
      %get3A_323 = arith.index_cast %scan3A_44 : i32 to index
      %get3A_324 = arith.constant 320 : index
      %get3A_325 = tpu.vector_load %arg7[%get3A_323, %get3A_324] {strides = array<i32>} : memref<32x1024xf32, #tpu.memory_space<vmem>>, vector<1x16xf32>,
      %get3A_326 = vector.shape_cast %get3A_325 : vector<1x16xf32> to vector<16xf32>
      %get3A_327 = arith.index_cast %scan3A_44 : i32 to index
      %get3A_328 = arith.constant 320 : index
      %get3A_329 = tpu.vector_load %arg8[%get3A_327, %get3A_328] {strides = array<i32>} : memref<32x1024xf32, #tpu.memory_space<vmem>>, vector<1x16xf32>,
      %get3A_330 = vector.shape_cast %get3A_329 : vector<1x16xf32> to vector<16xf32>
      %add3A_331 = arith.addf %get3A_326, %get3A_330 : vector<16xf32>
      %swap3A_332 = arith.index_cast %scan3A_44 : i32 to index
      %swap3A_333 = arith.constant 320 : index
      %swap3A_334 = tpu.vector_load %arg7[%swap3A_332, %swap3A_333] {strides = array<i32>} : memref<32x1024xf32, #tpu.memory_space<vmem>>, vector<1x16xf32>,
      %swap3A_335 = vector.shape_cast %swap3A_334 : vector<1x16xf32> to vector<16xf32>
      %swap3A_336 = vector.shape_cast %add3A_331 : vector<16xf32> to vector<1x16xf32>
      tpu.vector_store %arg7[%swap3A_332, %swap3A_333], %swap3A_336 {strides = array<i32>} : memref<32x1024xf32, #tpu.memory_space<vmem>>, vector<1x16xf32>,
      %get3A_337 = arith.index_cast %scan3A_44 : i32 to index
      %get3A_338 = arith.constant 336 : index
      %get3A_339 = tpu.vector_load %arg7[%get3A_337, %get3A_338] {strides = array<i32>} : memref<32x1024xf32, #tpu.memory_space<vmem>>, vector<1x16xf32>,
      %get3A_340 = vector.shape_cast %get3A_339 : vector<1x16xf32> to vector<16xf32>
      %get3A_341 = arith.index_cast %scan3A_44 : i32 to index
      %get3A_342 = arith.constant 336 : index
      %get3A_343 = tpu.vector_load %arg8[%get3A_341, %get3A_342] {strides = array<i32>} : memref<32x1024xf32, #tpu.memory_space<vmem>>, vector<1x16xf32>,
      %get3A_344 = vector.shape_cast %get3A_343 : vector<1x16xf32> to vector<16xf32>
      %add3A_345 = arith.addf %get3A_340, %get3A_344 : vector<16xf32>
      %swap3A_346 = arith.index_cast %scan3A_44 : i32 to index
      %swap3A_347 = arith.constant 336 : index
      %swap3A_348 = tpu.vector_load %arg7[%swap3A_346, %swap3A_347] {strides = array<i32>} : memref<32x1024xf32, #tpu.memory_space<vmem>>, vector<1x16xf32>,
      %swap3A_349 = vector.shape_cast %swap3A_348 : vector<1x16xf32> to vector<16xf32>
      %swap3A_350 = vector.shape_cast %add3A_345 : vector<16xf32> to vector<1x16xf32>
      tpu.vector_store %arg7[%swap3A_346, %swap3A_347], %swap3A_350 {strides = array<i32>} : memref<32x1024xf32, #tpu.memory_space<vmem>>, vector<1x16xf32>,
      %get3A_351 = arith.index_cast %scan3A_44 : i32 to index
      %get3A_352 = arith.constant 352 : index
      %get3A_353 = tpu.vector_load %arg7[%get3A_351, %get3A_352] {strides = array<i32>} : memref<32x1024xf32, #tpu.memory_space<vmem>>, vector<1x16xf32>,
      %get3A_354 = vector.shape_cast %get3A_353 : vector<1x16xf32> to vector<16xf32>
      %get3A_355 = arith.index_cast %scan3A_44 : i32 to index
      %get3A_356 = arith.constant 352 : index
      %get3A_357 = tpu.vector_load %arg8[%get3A_355, %get3A_356] {strides = array<i32>} : memref<32x1024xf32, #tpu.memory_space<vmem>>, vector<1x16xf32>,
      %get3A_358 = vector.shape_cast %get3A_357 : vector<1x16xf32> to vector<16xf32>
      %add3A_359 = arith.addf %get3A_354, %get3A_358 : vector<16xf32>
      %swap3A_360 = arith.index_cast %scan3A_44 : i32 to index
      %swap3A_361 = arith.constant 352 : index
      %swap3A_362 = tpu.vector_load %arg7[%swap3A_360, %swap3A_361] {strides = array<i32>} : memref<32x1024xf32, #tpu.memory_space<vmem>>, vector<1x16xf32>,
      %swap3A_363 = vector.shape_cast %swap3A_362 : vector<1x16xf32> to vector<16xf32>
      %swap3A_364 = vector.shape_cast %add3A_359 : vector<16xf32> to vector<1x16xf32>
      tpu.vector_store %arg7[%swap3A_360, %swap3A_361], %swap3A_364 {strides = array<i32>} : memref<32x1024xf32, #tpu.memory_space<vmem>>, vector<1x16xf32>,
      %get3A_365 = arith.index_cast %scan3A_44 : i32 to index
      %get3A_366 = arith.constant 368 : index
      %get3A_367 = tpu.vector_load %arg7[%get3A_365, %get3A_366] {strides = array<i32>} : memref<32x1024xf32, #tpu.memory_space<vmem>>, vector<1x16xf32>,
      %get3A_368 = vector.shape_cast %get3A_367 : vector<1x16xf32> to vector<16xf32>
      %get3A_369 = arith.index_cast %scan3A_44 : i32 to index
      %get3A_370 = arith.constant 368 : index
      %get3A_371 = tpu.vector_load %arg8[%get3A_369, %get3A_370] {strides = array<i32>} : memref<32x1024xf32, #tpu.memory_space<vmem>>, vector<1x16xf32>,
      %get3A_372 = vector.shape_cast %get3A_371 : vector<1x16xf32> to vector<16xf32>
      %add3A_373 = arith.addf %get3A_368, %get3A_372 : vector<16xf32>
      %swap3A_374 = arith.index_cast %scan3A_44 : i32 to index
      %swap3A_375 = arith.constant 368 : index
      %swap3A_376 = tpu.vector_load %arg7[%swap3A_374, %swap3A_375] {strides = array<i32>} : memref<32x1024xf32, #tpu.memory_space<vmem>>, vector<1x16xf32>,
      %swap3A_377 = vector.shape_cast %swap3A_376 : vector<1x16xf32> to vector<16xf32>
      %swap3A_378 = vector.shape_cast %add3A_373 : vector<16xf32> to vector<1x16xf32>
      tpu.vector_store %arg7[%swap3A_374, %swap3A_375], %swap3A_378 {strides = array<i32>} : memref<32x1024xf32, #tpu.memory_space<vmem>>, vector<1x16xf32>,
      %get3A_379 = arith.index_cast %scan3A_44 : i32 to index
      %get3A_380 = arith.constant 384 : index
      %get3A_381 = tpu.vector_load %arg7[%get3A_379, %get3A_380] {strides = array<i32>} : memref<32x1024xf32, #tpu.memory_space<vmem>>, vector<1x16xf32>,
      %get3A_382 = vector.shape_cast %get3A_381 : vector<1x16xf32> to vector<16xf32>
      %get3A_383 = arith.index_cast %scan3A_44 : i32 to index
      %get3A_384 = arith.constant 384 : index
      %get3A_385 = tpu.vector_load %arg8[%get3A_383, %get3A_384] {strides = array<i32>} : memref<32x1024xf32, #tpu.memory_space<vmem>>, vector<1x16xf32>,
      %get3A_386 = vector.shape_cast %get3A_385 : vector<1x16xf32> to vector<16xf32>
      %add3A_387 = arith.addf %get3A_382, %get3A_386 : vector<16xf32>
      %swap3A_388 = arith.index_cast %scan3A_44 : i32 to index
      %swap3A_389 = arith.constant 384 : index
      %swap3A_390 = tpu.vector_load %arg7[%swap3A_388, %swap3A_389] {strides = array<i32>} : memref<32x1024xf32, #tpu.memory_space<vmem>>, vector<1x16xf32>,
      %swap3A_391 = vector.shape_cast %swap3A_390 : vector<1x16xf32> to vector<16xf32>
      %swap3A_392 = vector.shape_cast %add3A_387 : vector<16xf32> to vector<1x16xf32>
      tpu.vector_store %arg7[%swap3A_388, %swap3A_389], %swap3A_392 {strides = array<i32>} : memref<32x1024xf32, #tpu.memory_space<vmem>>, vector<1x16xf32>,
      %get3A_393 = arith.index_cast %scan3A_44 : i32 to index
      %get3A_394 = arith.constant 400 : index
      %get3A_395 = tpu.vector_load %arg7[%get3A_393, %get3A_394] {strides = array<i32>} : memref<32x1024xf32, #tpu.memory_space<vmem>>, vector<1x16xf32>,
      %get3A_396 = vector.shape_cast %get3A_395 : vector<1x16xf32> to vector<16xf32>
      %get3A_397 = arith.index_cast %scan3A_44 : i32 to index
      %get3A_398 = arith.constant 400 : index
      %get3A_399 = tpu.vector_load %arg8[%get3A_397, %get3A_398] {strides = array<i32>} : memref<32x1024xf32, #tpu.memory_space<vmem>>, vector<1x16xf32>,
      %get3A_400 = vector.shape_cast %get3A_399 : vector<1x16xf32> to vector<16xf32>
      %add3A_401 = arith.addf %get3A_396, %get3A_400 : vector<16xf32>
      %swap3A_402 = arith.index_cast %scan3A_44 : i32 to index
      %swap3A_403 = arith.constant 400 : index
      %swap3A_404 = tpu.vector_load %arg7[%swap3A_402, %swap3A_403] {strides = array<i32>} : memref<32x1024xf32, #tpu.memory_space<vmem>>, vector<1x16xf32>,
      %swap3A_405 = vector.shape_cast %swap3A_404 : vector<1x16xf32> to vector<16xf32>
      %swap3A_406 = vector.shape_cast %add3A_401 : vector<16xf32> to vector<1x16xf32>
      tpu.vector_store %arg7[%swap3A_402, %swap3A_403], %swap3A_406 {strides = array<i32>} : memref<32x1024xf32, #tpu.memory_space<vmem>>, vector<1x16xf32>,
      %get3A_407 = arith.index_cast %scan3A_44 : i32 to index
      %get3A_408 = arith.constant 416 : index
      %get3A_409 = tpu.vector_load %arg7[%get3A_407, %get3A_408] {strides = array<i32>} : memref<32x1024xf32, #tpu.memory_space<vmem>>, vector<1x16xf32>,
      %get3A_410 = vector.shape_cast %get3A_409 : vector<1x16xf32> to vector<16xf32>
      %get3A_411 = arith.index_cast %scan3A_44 : i32 to index
      %get3A_412 = arith.constant 416 : index
      %get3A_413 = tpu.vector_load %arg8[%get3A_411, %get3A_412] {strides = array<i32>} : memref<32x1024xf32, #tpu.memory_space<vmem>>, vector<1x16xf32>,
      %get3A_414 = vector.shape_cast %get3A_413 : vector<1x16xf32> to vector<16xf32>
      %add3A_415 = arith.addf %get3A_410, %get3A_414 : vector<16xf32>
      %swap3A_416 = arith.index_cast %scan3A_44 : i32 to index
      %swap3A_417 = arith.constant 416 : index
      %swap3A_418 = tpu.vector_load %arg7[%swap3A_416, %swap3A_417] {strides = array<i32>} : memref<32x1024xf32, #tpu.memory_space<vmem>>, vector<1x16xf32>,
      %swap3A_419 = vector.shape_cast %swap3A_418 : vector<1x16xf32> to vector<16xf32>
      %swap3A_420 = vector.shape_cast %add3A_415 : vector<16xf32> to vector<1x16xf32>
      tpu.vector_store %arg7[%swap3A_416, %swap3A_417], %swap3A_420 {strides = array<i32>} : memref<32x1024xf32, #tpu.memory_space<vmem>>, vector<1x16xf32>,
      %get3A_421 = arith.index_cast %scan3A_44 : i32 to index
      %get3A_422 = arith.constant 432 : index
      %get3A_423 = tpu.vector_load %arg7[%get3A_421, %get3A_422] {strides = array<i32>} : memref<32x1024xf32, #tpu.memory_space<vmem>>, vector<1x16xf32>,
      %get3A_424 = vector.shape_cast %get3A_423 : vector<1x16xf32> to vector<16xf32>
      %get3A_425 = arith.index_cast %scan3A_44 : i32 to index
      %get3A_426 = arith.constant 432 : index
      %get3A_427 = tpu.vector_load %arg8[%get3A_425, %get3A_426] {strides = array<i32>} : memref<32x1024xf32, #tpu.memory_space<vmem>>, vector<1x16xf32>,
      %get3A_428 = vector.shape_cast %get3A_427 : vector<1x16xf32> to vector<16xf32>
      %add3A_429 = arith.addf %get3A_424, %get3A_428 : vector<16xf32>
      %swap3A_430 = arith.index_cast %scan3A_44 : i32 to index
      %swap3A_431 = arith.constant 432 : index
      %swap3A_432 = tpu.vector_load %arg7[%swap3A_430, %swap3A_431] {strides = array<i32>} : memref<32x1024xf32, #tpu.memory_space<vmem>>, vector<1x16xf32>,
      %swap3A_433 = vector.shape_cast %swap3A_432 : vector<1x16xf32> to vector<16xf32>
      %swap3A_434 = vector.shape_cast %add3A_429 : vector<16xf32> to vector<1x16xf32>
      tpu.vector_store %arg7[%swap3A_430, %swap3A_431], %swap3A_434 {strides = array<i32>} : memref<32x1024xf32, #tpu.memory_space<vmem>>, vector<1x16xf32>,
      %get3A_435 = arith.index_cast %scan3A_44 : i32 to index
      %get3A_436 = arith.constant 448 : index
      %get3A_437 = tpu.vector_load %arg7[%get3A_435, %get3A_436] {strides = array<i32>} : memref<32x1024xf32, #tpu.memory_space<vmem>>, vector<1x16xf32>,
      %get3A_438 = vector.shape_cast %get3A_437 : vector<1x16xf32> to vector<16xf32>
      %get3A_439 = arith.index_cast %scan3A_44 : i32 to index
      %get3A_440 = arith.constant 448 : index
      %get3A_441 = tpu.vector_load %arg8[%get3A_439, %get3A_440] {strides = array<i32>} : memref<32x1024xf32, #tpu.memory_space<vmem>>, vector<1x16xf32>,
      %get3A_442 = vector.shape_cast %get3A_441 : vector<1x16xf32> to vector<16xf32>
      %add3A_443 = arith.addf %get3A_438, %get3A_442 : vector<16xf32>
      %swap3A_444 = arith.index_cast %scan3A_44 : i32 to index
      %swap3A_445 = arith.constant 448 : index
      %swap3A_446 = tpu.vector_load %arg7[%swap3A_444, %swap3A_445] {strides = array<i32>} : memref<32x1024xf32, #tpu.memory_space<vmem>>, vector<1x16xf32>,
      %swap3A_447 = vector.shape_cast %swap3A_446 : vector<1x16xf32> to vector<16xf32>
      %swap3A_448 = vector.shape_cast %add3A_443 : vector<16xf32> to vector<1x16xf32>
      tpu.vector_store %arg7[%swap3A_444, %swap3A_445], %swap3A_448 {strides = array<i32>} : memref<32x1024xf32, #tpu.memory_space<vmem>>, vector<1x16xf32>,
      %get3A_449 = arith.index_cast %scan3A_44 : i32 to index
      %get3A_450 = arith.constant 464 : index
      %get3A_451 = tpu.vector_load %arg7[%get3A_449, %get3A_450] {strides = array<i32>} : memref<32x1024xf32, #tpu.memory_space<vmem>>, vector<1x16xf32>,
      %get3A_452 = vector.shape_cast %get3A_451 : vector<1x16xf32> to vector<16xf32>
      %get3A_453 = arith.index_cast %scan3A_44 : i32 to index
      %get3A_454 = arith.constant 464 : index
      %get3A_455 = tpu.vector_load %arg8[%get3A_453, %get3A_454] {strides = array<i32>} : memref<32x1024xf32, #tpu.memory_space<vmem>>, vector<1x16xf32>,
      %get3A_456 = vector.shape_cast %get3A_455 : vector<1x16xf32> to vector<16xf32>
      %add3A_457 = arith.addf %get3A_452, %get3A_456 : vector<16xf32>
      %swap3A_458 = arith.index_cast %scan3A_44 : i32 to index
      %swap3A_459 = arith.constant 464 : index
      %swap3A_460 = tpu.vector_load %arg7[%swap3A_458, %swap3A_459] {strides = array<i32>} : memref<32x1024xf32, #tpu.memory_space<vmem>>, vector<1x16xf32>,
      %swap3A_461 = vector.shape_cast %swap3A_460 : vector<1x16xf32> to vector<16xf32>
      %swap3A_462 = vector.shape_cast %add3A_457 : vector<16xf32> to vector<1x16xf32>
      tpu.vector_store %arg7[%swap3A_458, %swap3A_459], %swap3A_462 {strides = array<i32>} : memref<32x1024xf32, #tpu.memory_space<vmem>>, vector<1x16xf32>,
      %get3A_463 = arith.index_cast %scan3A_44 : i32 to index
      %get3A_464 = arith.constant 480 : index
      %get3A_465 = tpu.vector_load %arg7[%get3A_463, %get3A_464] {strides = array<i32>} : memref<32x1024xf32, #tpu.memory_space<vmem>>, vector<1x16xf32>,
      %get3A_466 = vector.shape_cast %get3A_465 : vector<1x16xf32> to vector<16xf32>
      %get3A_467 = arith.index_cast %scan3A_44 : i32 to index
      %get3A_468 = arith.constant 480 : index
      %get3A_469 = tpu.vector_load %arg8[%get3A_467, %get3A_468] {strides = array<i32>} : memref<32x1024xf32, #tpu.memory_space<vmem>>, vector<1x16xf32>,
      %get3A_470 = vector.shape_cast %get3A_469 : vector<1x16xf32> to vector<16xf32>
      %add3A_471 = arith.addf %get3A_466, %get3A_470 : vector<16xf32>
      %swap3A_472 = arith.index_cast %scan3A_44 : i32 to index
      %swap3A_473 = arith.constant 480 : index
      %swap3A_474 = tpu.vector_load %arg7[%swap3A_472, %swap3A_473] {strides = array<i32>} : memref<32x1024xf32, #tpu.memory_space<vmem>>, vector<1x16xf32>,
      %swap3A_475 = vector.shape_cast %swap3A_474 : vector<1x16xf32> to vector<16xf32>
      %swap3A_476 = vector.shape_cast %add3A_471 : vector<16xf32> to vector<1x16xf32>
      tpu.vector_store %arg7[%swap3A_472, %swap3A_473], %swap3A_476 {strides = array<i32>} : memref<32x1024xf32, #tpu.memory_space<vmem>>, vector<1x16xf32>,
      %get3A_477 = arith.index_cast %scan3A_44 : i32 to index
      %get3A_478 = arith.constant 496 : index
      %get3A_479 = tpu.vector_load %arg7[%get3A_477, %get3A_478] {strides = array<i32>} : memref<32x1024xf32, #tpu.memory_space<vmem>>, vector<1x16xf32>,
      %get3A_480 = vector.shape_cast %get3A_479 : vector<1x16xf32> to vector<16xf32>
      %get3A_481 = arith.index_cast %scan3A_44 : i32 to index
      %get3A_482 = arith.constant 496 : index
      %get3A_483 = tpu.vector_load %arg8[%get3A_481, %get3A_482] {strides = array<i32>} : memref<32x1024xf32, #tpu.memory_space<vmem>>, vector<1x16xf32>,
      %get3A_484 = vector.shape_cast %get3A_483 : vector<1x16xf32> to vector<16xf32>
      %add3A_485 = arith.addf %get3A_480, %get3A_484 : vector<16xf32>
      %swap3A_486 = arith.index_cast %scan3A_44 : i32 to index
      %swap3A_487 = arith.constant 496 : index
      %swap3A_488 = tpu.vector_load %arg7[%swap3A_486, %swap3A_487] {strides = array<i32>} : memref<32x1024xf32, #tpu.memory_space<vmem>>, vector<1x16xf32>,
      %swap3A_489 = vector.shape_cast %swap3A_488 : vector<1x16xf32> to vector<16xf32>
      %swap3A_490 = vector.shape_cast %add3A_485 : vector<16xf32> to vector<1x16xf32>
      tpu.vector_store %arg7[%swap3A_486, %swap3A_487], %swap3A_490 {strides = array<i32>} : memref<32x1024xf32, #tpu.memory_space<vmem>>, vector<1x16xf32>,
      %get3A_491 = arith.index_cast %scan3A_44 : i32 to index
      %get3A_492 = arith.constant 512 : index
      %get3A_493 = tpu.vector_load %arg7[%get3A_491, %get3A_492] {strides = array<i32>} : memref<32x1024xf32, #tpu.memory_space<vmem>>, vector<1x16xf32>,
      %get3A_494 = vector.shape_cast %get3A_493 : vector<1x16xf32> to vector<16xf32>
      %get3A_495 = arith.index_cast %scan3A_44 : i32 to index
      %get3A_496 = arith.constant 512 : index
      %get3A_497 = tpu.vector_load %arg8[%get3A_495, %get3A_496] {strides = array<i32>} : memref<32x1024xf32, #tpu.memory_space<vmem>>, vector<1x16xf32>,
      %get3A_498 = vector.shape_cast %get3A_497 : vector<1x16xf32> to vector<16xf32>
      %add3A_499 = arith.addf %get3A_494, %get3A_498 : vector<16xf32>
      %swap3A_500 = arith.index_cast %scan3A_44 : i32 to index
      %swap3A_501 = arith.constant 512 : index
      %swap3A_502 = tpu.vector_load %arg7[%swap3A_500, %swap3A_501] {strides = array<i32>} : memref<32x1024xf32, #tpu.memory_space<vmem>>, vector<1x16xf32>,
      %swap3A_503 = vector.shape_cast %swap3A_502 : vector<1x16xf32> to vector<16xf32>
      %swap3A_504 = vector.shape_cast %add3A_499 : vector<16xf32> to vector<1x16xf32>
      tpu.vector_store %arg7[%swap3A_500, %swap3A_501], %swap3A_504 {strides = array<i32>} : memref<32x1024xf32, #tpu.memory_space<vmem>>, vector<1x16xf32>,
      %get3A_505 = arith.index_cast %scan3A_44 : i32 to index
      %get3A_506 = arith.constant 528 : index
      %get3A_507 = tpu.vector_load %arg7[%get3A_505, %get3A_506] {strides = array<i32>} : memref<32x1024xf32, #tpu.memory_space<vmem>>, vector<1x16xf32>,
      %get3A_508 = vector.shape_cast %get3A_507 : vector<1x16xf32> to vector<16xf32>
      %get3A_509 = arith.index_cast %scan3A_44 : i32 to index
      %get3A_510 = arith.constant 528 : index
      %get3A_511 = tpu.vector_load %arg8[%get3A_509, %get3A_510] {strides = array<i32>} : memref<32x1024xf32, #tpu.memory_space<vmem>>, vector<1x16xf32>,
      %get3A_512 = vector.shape_cast %get3A_511 : vector<1x16xf32> to vector<16xf32>
      %add3A_513 = arith.addf %get3A_508, %get3A_512 : vector<16xf32>
      %swap3A_514 = arith.index_cast %scan3A_44 : i32 to index
      %swap3A_515 = arith.constant 528 : index
      %swap3A_516 = tpu.vector_load %arg7[%swap3A_514, %swap3A_515] {strides = array<i32>} : memref<32x1024xf32, #tpu.memory_space<vmem>>, vector<1x16xf32>,
      %swap3A_517 = vector.shape_cast %swap3A_516 : vector<1x16xf32> to vector<16xf32>
      %swap3A_518 = vector.shape_cast %add3A_513 : vector<16xf32> to vector<1x16xf32>
      tpu.vector_store %arg7[%swap3A_514, %swap3A_515], %swap3A_518 {strides = array<i32>} : memref<32x1024xf32, #tpu.memory_space<vmem>>, vector<1x16xf32>,
      %get3A_519 = arith.index_cast %scan3A_44 : i32 to index
      %get3A_520 = arith.constant 544 : index
      %get3A_521 = tpu.vector_load %arg7[%get3A_519, %get3A_520] {strides = array<i32>} : memref<32x1024xf32, #tpu.memory_space<vmem>>, vector<1x16xf32>,
      %get3A_522 = vector.shape_cast %get3A_521 : vector<1x16xf32> to vector<16xf32>
      %get3A_523 = arith.index_cast %scan3A_44 : i32 to index
      %get3A_524 = arith.constant 544 : index
      %get3A_525 = tpu.vector_load %arg8[%get3A_523, %get3A_524] {strides = array<i32>} : memref<32x1024xf32, #tpu.memory_space<vmem>>, vector<1x16xf32>,
      %get3A_526 = vector.shape_cast %get3A_525 : vector<1x16xf32> to vector<16xf32>
      %add3A_527 = arith.addf %get3A_522, %get3A_526 : vector<16xf32>
      %swap3A_528 = arith.index_cast %scan3A_44 : i32 to index
      %swap3A_529 = arith.constant 544 : index
      %swap3A_530 = tpu.vector_load %arg7[%swap3A_528, %swap3A_529] {strides = array<i32>} : memref<32x1024xf32, #tpu.memory_space<vmem>>, vector<1x16xf32>,
      %swap3A_531 = vector.shape_cast %swap3A_530 : vector<1x16xf32> to vector<16xf32>
      %swap3A_532 = vector.shape_cast %add3A_527 : vector<16xf32> to vector<1x16xf32>
      tpu.vector_store %arg7[%swap3A_528, %swap3A_529], %swap3A_532 {strides = array<i32>} : memref<32x1024xf32, #tpu.memory_space<vmem>>, vector<1x16xf32>,
      %get3A_533 = arith.index_cast %scan3A_44 : i32 to index
      %get3A_534 = arith.constant 560 : index
      %get3A_535 = tpu.vector_load %arg7[%get3A_533, %get3A_534] {strides = array<i32>} : memref<32x1024xf32, #tpu.memory_space<vmem>>, vector<1x16xf32>,
      %get3A_536 = vector.shape_cast %get3A_535 : vector<1x16xf32> to vector<16xf32>
      %get3A_537 = arith.index_cast %scan3A_44 : i32 to index
      %get3A_538 = arith.constant 560 : index
      %get3A_539 = tpu.vector_load %arg8[%get3A_537, %get3A_538] {strides = array<i32>} : memref<32x1024xf32, #tpu.memory_space<vmem>>, vector<1x16xf32>,
      %get3A_540 = vector.shape_cast %get3A_539 : vector<1x16xf32> to vector<16xf32>
      %add3A_541 = arith.addf %get3A_536, %get3A_540 : vector<16xf32>
      %swap3A_542 = arith.index_cast %scan3A_44 : i32 to index
      %swap3A_543 = arith.constant 560 : index
      %swap3A_544 = tpu.vector_load %arg7[%swap3A_542, %swap3A_543] {strides = array<i32>} : memref<32x1024xf32, #tpu.memory_space<vmem>>, vector<1x16xf32>,
      %swap3A_545 = vector.shape_cast %swap3A_544 : vector<1x16xf32> to vector<16xf32>
      %swap3A_546 = vector.shape_cast %add3A_541 : vector<16xf32> to vector<1x16xf32>
      tpu.vector_store %arg7[%swap3A_542, %swap3A_543], %swap3A_546 {strides = array<i32>} : memref<32x1024xf32, #tpu.memory_space<vmem>>, vector<1x16xf32>,
      %get3A_547 = arith.index_cast %scan3A_44 : i32 to index
      %get3A_548 = arith.constant 576 : index
      %get3A_549 = tpu.vector_load %arg7[%get3A_547, %get3A_548] {strides = array<i32>} : memref<32x1024xf32, #tpu.memory_space<vmem>>, vector<1x16xf32>,
      %get3A_550 = vector.shape_cast %get3A_549 : vector<1x16xf32> to vector<16xf32>
      %get3A_551 = arith.index_cast %scan3A_44 : i32 to index
      %get3A_552 = arith.constant 576 : index
      %get3A_553 = tpu.vector_load %arg8[%get3A_551, %get3A_552] {strides = array<i32>} : memref<32x1024xf32, #tpu.memory_space<vmem>>, vector<1x16xf32>,
      %get3A_554 = vector.shape_cast %get3A_553 : vector<1x16xf32> to vector<16xf32>
      %add3A_555 = arith.addf %get3A_550, %get3A_554 : vector<16xf32>
      %swap3A_556 = arith.index_cast %scan3A_44 : i32 to index
      %swap3A_557 = arith.constant 576 : index
      %swap3A_558 = tpu.vector_load %arg7[%swap3A_556, %swap3A_557] {strides = array<i32>} : memref<32x1024xf32, #tpu.memory_space<vmem>>, vector<1x16xf32>,
      %swap3A_559 = vector.shape_cast %swap3A_558 : vector<1x16xf32> to vector<16xf32>
      %swap3A_560 = vector.shape_cast %add3A_555 : vector<16xf32> to vector<1x16xf32>
      tpu.vector_store %arg7[%swap3A_556, %swap3A_557], %swap3A_560 {strides = array<i32>} : memref<32x1024xf32, #tpu.memory_space<vmem>>, vector<1x16xf32>,
      %get3A_561 = arith.index_cast %scan3A_44 : i32 to index
      %get3A_562 = arith.constant 592 : index
      %get3A_563 = tpu.vector_load %arg7[%get3A_561, %get3A_562] {strides = array<i32>} : memref<32x1024xf32, #tpu.memory_space<vmem>>, vector<1x16xf32>,
      %get3A_564 = vector.shape_cast %get3A_563 : vector<1x16xf32> to vector<16xf32>
      %get3A_565 = arith.index_cast %scan3A_44 : i32 to index
      %get3A_566 = arith.constant 592 : index
      %get3A_567 = tpu.vector_load %arg8[%get3A_565, %get3A_566] {strides = array<i32>} : memref<32x1024xf32, #tpu.memory_space<vmem>>, vector<1x16xf32>,
      %get3A_568 = vector.shape_cast %get3A_567 : vector<1x16xf32> to vector<16xf32>
      %add3A_569 = arith.addf %get3A_564, %get3A_568 : vector<16xf32>
      %swap3A_570 = arith.index_cast %scan3A_44 : i32 to index
      %swap3A_571 = arith.constant 592 : index
      %swap3A_572 = tpu.vector_load %arg7[%swap3A_570, %swap3A_571] {strides = array<i32>} : memref<32x1024xf32, #tpu.memory_space<vmem>>, vector<1x16xf32>,
      %swap3A_573 = vector.shape_cast %swap3A_572 : vector<1x16xf32> to vector<16xf32>
      %swap3A_574 = vector.shape_cast %add3A_569 : vector<16xf32> to vector<1x16xf32>
      tpu.vector_store %arg7[%swap3A_570, %swap3A_571], %swap3A_574 {strides = array<i32>} : memref<32x1024xf32, #tpu.memory_space<vmem>>, vector<1x16xf32>,
      %get3A_575 = arith.index_cast %scan3A_44 : i32 to index
      %get3A_576 = arith.constant 608 : index
      %get3A_577 = tpu.vector_load %arg7[%get3A_575, %get3A_576] {strides = array<i32>} : memref<32x1024xf32, #tpu.memory_space<vmem>>, vector<1x16xf32>,
      %get3A_578 = vector.shape_cast %get3A_577 : vector<1x16xf32> to vector<16xf32>
      %get3A_579 = arith.index_cast %scan3A_44 : i32 to index
      %get3A_580 = arith.constant 608 : index
      %get3A_581 = tpu.vector_load %arg8[%get3A_579, %get3A_580] {strides = array<i32>} : memref<32x1024xf32, #tpu.memory_space<vmem>>, vector<1x16xf32>,
      %get3A_582 = vector.shape_cast %get3A_581 : vector<1x16xf32> to vector<16xf32>
      %add3A_583 = arith.addf %get3A_578, %get3A_582 : vector<16xf32>
      %swap3A_584 = arith.index_cast %scan3A_44 : i32 to index
      %swap3A_585 = arith.constant 608 : index
      %swap3A_586 = tpu.vector_load %arg7[%swap3A_584, %swap3A_585] {strides = array<i32>} : memref<32x1024xf32, #tpu.memory_space<vmem>>, vector<1x16xf32>,
      %swap3A_587 = vector.shape_cast %swap3A_586 : vector<1x16xf32> to vector<16xf32>
      %swap3A_588 = vector.shape_cast %add3A_583 : vector<16xf32> to vector<1x16xf32>
      tpu.vector_store %arg7[%swap3A_584, %swap3A_585], %swap3A_588 {strides = array<i32>} : memref<32x1024xf32, #tpu.memory_space<vmem>>, vector<1x16xf32>,
      %get3A_589 = arith.index_cast %scan3A_44 : i32 to index
      %get3A_590 = arith.constant 624 : index
      %get3A_591 = tpu.vector_load %arg7[%get3A_589, %get3A_590] {strides = array<i32>} : memref<32x1024xf32, #tpu.memory_space<vmem>>, vector<1x16xf32>,
      %get3A_592 = vector.shape_cast %get3A_591 : vector<1x16xf32> to vector<16xf32>
      %get3A_593 = arith.index_cast %scan3A_44 : i32 to index
      %get3A_594 = arith.constant 624 : index
      %get3A_595 = tpu.vector_load %arg8[%get3A_593, %get3A_594] {strides = array<i32>} : memref<32x1024xf32, #tpu.memory_space<vmem>>, vector<1x16xf32>,
      %get3A_596 = vector.shape_cast %get3A_595 : vector<1x16xf32> to vector<16xf32>
      %add3A_597 = arith.addf %get3A_592, %get3A_596 : vector<16xf32>
      %swap3A_598 = arith.index_cast %scan3A_44 : i32 to index
      %swap3A_599 = arith.constant 624 : index
      %swap3A_600 = tpu.vector_load %arg7[%swap3A_598, %swap3A_599] {strides = array<i32>} : memref<32x1024xf32, #tpu.memory_space<vmem>>, vector<1x16xf32>,
      %swap3A_601 = vector.shape_cast %swap3A_600 : vector<1x16xf32> to vector<16xf32>
      %swap3A_602 = vector.shape_cast %add3A_597 : vector<16xf32> to vector<1x16xf32>
      tpu.vector_store %arg7[%swap3A_598, %swap3A_599], %swap3A_602 {strides = array<i32>} : memref<32x1024xf32, #tpu.memory_space<vmem>>, vector<1x16xf32>,
      %get3A_603 = arith.index_cast %scan3A_44 : i32 to index
      %get3A_604 = arith.constant 640 : index
      %get3A_605 = tpu.vector_load %arg7[%get3A_603, %get3A_604] {strides = array<i32>} : memref<32x1024xf32, #tpu.memory_space<vmem>>, vector<1x16xf32>,
      %get3A_606 = vector.shape_cast %get3A_605 : vector<1x16xf32> to vector<16xf32>
      %get3A_607 = arith.index_cast %scan3A_44 : i32 to index
      %get3A_608 = arith.constant 640 : index
      %get3A_609 = tpu.vector_load %arg8[%get3A_607, %get3A_608] {strides = array<i32>} : memref<32x1024xf32, #tpu.memory_space<vmem>>, vector<1x16xf32>,
      %get3A_610 = vector.shape_cast %get3A_609 : vector<1x16xf32> to vector<16xf32>
      %add3A_611 = arith.addf %get3A_606, %get3A_610 : vector<16xf32>
      %swap3A_612 = arith.index_cast %scan3A_44 : i32 to index
      %swap3A_613 = arith.constant 640 : index
      %swap3A_614 = tpu.vector_load %arg7[%swap3A_612, %swap3A_613] {strides = array<i32>} : memref<32x1024xf32, #tpu.memory_space<vmem>>, vector<1x16xf32>,
      %swap3A_615 = vector.shape_cast %swap3A_614 : vector<1x16xf32> to vector<16xf32>
      %swap3A_616 = vector.shape_cast %add3A_611 : vector<16xf32> to vector<1x16xf32>
      tpu.vector_store %arg7[%swap3A_612, %swap3A_613], %swap3A_616 {strides = array<i32>} : memref<32x1024xf32, #tpu.memory_space<vmem>>, vector<1x16xf32>,
      %get3A_617 = arith.index_cast %scan3A_44 : i32 to index
      %get3A_618 = arith.constant 656 : index
      %get3A_619 = tpu.vector_load %arg7[%get3A_617, %get3A_618] {strides = array<i32>} : memref<32x1024xf32, #tpu.memory_space<vmem>>, vector<1x16xf32>,
      %get3A_620 = vector.shape_cast %get3A_619 : vector<1x16xf32> to vector<16xf32>
      %get3A_621 = arith.index_cast %scan3A_44 : i32 to index
      %get3A_622 = arith.constant 656 : index
      %get3A_623 = tpu.vector_load %arg8[%get3A_621, %get3A_622] {strides = array<i32>} : memref<32x1024xf32, #tpu.memory_space<vmem>>, vector<1x16xf32>,
      %get3A_624 = vector.shape_cast %get3A_623 : vector<1x16xf32> to vector<16xf32>
      %add3A_625 = arith.addf %get3A_620, %get3A_624 : vector<16xf32>
      %swap3A_626 = arith.index_cast %scan3A_44 : i32 to index
      %swap3A_627 = arith.constant 656 : index
      %swap3A_628 = tpu.vector_load %arg7[%swap3A_626, %swap3A_627] {strides = array<i32>} : memref<32x1024xf32, #tpu.memory_space<vmem>>, vector<1x16xf32>,
      %swap3A_629 = vector.shape_cast %swap3A_628 : vector<1x16xf32> to vector<16xf32>
      %swap3A_630 = vector.shape_cast %add3A_625 : vector<16xf32> to vector<1x16xf32>
      tpu.vector_store %arg7[%swap3A_626, %swap3A_627], %swap3A_630 {strides = array<i32>} : memref<32x1024xf32, #tpu.memory_space<vmem>>, vector<1x16xf32>,
      %get3A_631 = arith.index_cast %scan3A_44 : i32 to index
      %get3A_632 = arith.constant 672 : index
      %get3A_633 = tpu.vector_load %arg7[%get3A_631, %get3A_632] {strides = array<i32>} : memref<32x1024xf32, #tpu.memory_space<vmem>>, vector<1x16xf32>,
      %get3A_634 = vector.shape_cast %get3A_633 : vector<1x16xf32> to vector<16xf32>
      %get3A_635 = arith.index_cast %scan3A_44 : i32 to index
      %get3A_636 = arith.constant 672 : index
      %get3A_637 = tpu.vector_load %arg8[%get3A_635, %get3A_636] {strides = array<i32>} : memref<32x1024xf32, #tpu.memory_space<vmem>>, vector<1x16xf32>,
      %get3A_638 = vector.shape_cast %get3A_637 : vector<1x16xf32> to vector<16xf32>
      %add3A_639 = arith.addf %get3A_634, %get3A_638 : vector<16xf32>
      %swap3A_640 = arith.index_cast %scan3A_44 : i32 to index
      %swap3A_641 = arith.constant 672 : index
      %swap3A_642 = tpu.vector_load %arg7[%swap3A_640, %swap3A_641] {strides = array<i32>} : memref<32x1024xf32, #tpu.memory_space<vmem>>, vector<1x16xf32>,
      %swap3A_643 = vector.shape_cast %swap3A_642 : vector<1x16xf32> to vector<16xf32>
      %swap3A_644 = vector.shape_cast %add3A_639 : vector<16xf32> to vector<1x16xf32>
      tpu.vector_store %arg7[%swap3A_640, %swap3A_641], %swap3A_644 {strides = array<i32>} : memref<32x1024xf32, #tpu.memory_space<vmem>>, vector<1x16xf32>,
      %get3A_645 = arith.index_cast %scan3A_44 : i32 to index
      %get3A_646 = arith.constant 688 : index
      %get3A_647 = tpu.vector_load %arg7[%get3A_645, %get3A_646] {strides = array<i32>} : memref<32x1024xf32, #tpu.memory_space<vmem>>, vector<1x16xf32>,
      %get3A_648 = vector.shape_cast %get3A_647 : vector<1x16xf32> to vector<16xf32>
      %get3A_649 = arith.index_cast %scan3A_44 : i32 to index
      %get3A_650 = arith.constant 688 : index
      %get3A_651 = tpu.vector_load %arg8[%get3A_649, %get3A_650] {strides = array<i32>} : memref<32x1024xf32, #tpu.memory_space<vmem>>, vector<1x16xf32>,
      %get3A_652 = vector.shape_cast %get3A_651 : vector<1x16xf32> to vector<16xf32>
      %add3A_653 = arith.addf %get3A_648, %get3A_652 : vector<16xf32>
      %swap3A_654 = arith.index_cast %scan3A_44 : i32 to index
      %swap3A_655 = arith.constant 688 : index
      %swap3A_656 = tpu.vector_load %arg7[%swap3A_654, %swap3A_655] {strides = array<i32>} : memref<32x1024xf32, #tpu.memory_space<vmem>>, vector<1x16xf32>,
      %swap3A_657 = vector.shape_cast %swap3A_656 : vector<1x16xf32> to vector<16xf32>
      %swap3A_658 = vector.shape_cast %add3A_653 : vector<16xf32> to vector<1x16xf32>
      tpu.vector_store %arg7[%swap3A_654, %swap3A_655], %swap3A_658 {strides = array<i32>} : memref<32x1024xf32, #tpu.memory_space<vmem>>, vector<1x16xf32>,
      %get3A_659 = arith.index_cast %scan3A_44 : i32 to index
      %get3A_660 = arith.constant 704 : index
      %get3A_661 = tpu.vector_load %arg7[%get3A_659, %get3A_660] {strides = array<i32>} : memref<32x1024xf32, #tpu.memory_space<vmem>>, vector<1x16xf32>,
      %get3A_662 = vector.shape_cast %get3A_661 : vector<1x16xf32> to vector<16xf32>
      %get3A_663 = arith.index_cast %scan3A_44 : i32 to index
      %get3A_664 = arith.constant 704 : index
      %get3A_665 = tpu.vector_load %arg8[%get3A_663, %get3A_664] {strides = array<i32>} : memref<32x1024xf32, #tpu.memory_space<vmem>>, vector<1x16xf32>,
      %get3A_666 = vector.shape_cast %get3A_665 : vector<1x16xf32> to vector<16xf32>
      %add3A_667 = arith.addf %get3A_662, %get3A_666 : vector<16xf32>
      %swap3A_668 = arith.index_cast %scan3A_44 : i32 to index
      %swap3A_669 = arith.constant 704 : index
      %swap3A_670 = tpu.vector_load %arg7[%swap3A_668, %swap3A_669] {strides = array<i32>} : memref<32x1024xf32, #tpu.memory_space<vmem>>, vector<1x16xf32>,
      %swap3A_671 = vector.shape_cast %swap3A_670 : vector<1x16xf32> to vector<16xf32>
      %swap3A_672 = vector.shape_cast %add3A_667 : vector<16xf32> to vector<1x16xf32>
      tpu.vector_store %arg7[%swap3A_668, %swap3A_669], %swap3A_672 {strides = array<i32>} : memref<32x1024xf32, #tpu.memory_space<vmem>>, vector<1x16xf32>,
      %get3A_673 = arith.index_cast %scan3A_44 : i32 to index
      %get3A_674 = arith.constant 720 : index
      %get3A_675 = tpu.vector_load %arg7[%get3A_673, %get3A_674] {strides = array<i32>} : memref<32x1024xf32, #tpu.memory_space<vmem>>, vector<1x16xf32>,
      %get3A_676 = vector.shape_cast %get3A_675 : vector<1x16xf32> to vector<16xf32>
      %get3A_677 = arith.index_cast %scan3A_44 : i32 to index
      %get3A_678 = arith.constant 720 : index
      %get3A_679 = tpu.vector_load %arg8[%get3A_677, %get3A_678] {strides = array<i32>} : memref<32x1024xf32, #tpu.memory_space<vmem>>, vector<1x16xf32>,
      %get3A_680 = vector.shape_cast %get3A_679 : vector<1x16xf32> to vector<16xf32>
      %add3A_681 = arith.addf %get3A_676, %get3A_680 : vector<16xf32>
      %swap3A_682 = arith.index_cast %scan3A_44 : i32 to index
      %swap3A_683 = arith.constant 720 : index
      %swap3A_684 = tpu.vector_load %arg7[%swap3A_682, %swap3A_683] {strides = array<i32>} : memref<32x1024xf32, #tpu.memory_space<vmem>>, vector<1x16xf32>,
      %swap3A_685 = vector.shape_cast %swap3A_684 : vector<1x16xf32> to vector<16xf32>
      %swap3A_686 = vector.shape_cast %add3A_681 : vector<16xf32> to vector<1x16xf32>
      tpu.vector_store %arg7[%swap3A_682, %swap3A_683], %swap3A_686 {strides = array<i32>} : memref<32x1024xf32, #tpu.memory_space<vmem>>, vector<1x16xf32>,
      %get3A_687 = arith.index_cast %scan3A_44 : i32 to index
      %get3A_688 = arith.constant 736 : index
      %get3A_689 = tpu.vector_load %arg7[%get3A_687, %get3A_688] {strides = array<i32>} : memref<32x1024xf32, #tpu.memory_space<vmem>>, vector<1x16xf32>,
      %get3A_690 = vector.shape_cast %get3A_689 : vector<1x16xf32> to vector<16xf32>
      %get3A_691 = arith.index_cast %scan3A_44 : i32 to index
      %get3A_692 = arith.constant 736 : index
      %get3A_693 = tpu.vector_load %arg8[%get3A_691, %get3A_692] {strides = array<i32>} : memref<32x1024xf32, #tpu.memory_space<vmem>>, vector<1x16xf32>,
      %get3A_694 = vector.shape_cast %get3A_693 : vector<1x16xf32> to vector<16xf32>
      %add3A_695 = arith.addf %get3A_690, %get3A_694 : vector<16xf32>
      %swap3A_696 = arith.index_cast %scan3A_44 : i32 to index
      %swap3A_697 = arith.constant 736 : index
      %swap3A_698 = tpu.vector_load %arg7[%swap3A_696, %swap3A_697] {strides = array<i32>} : memref<32x1024xf32, #tpu.memory_space<vmem>>, vector<1x16xf32>,
      %swap3A_699 = vector.shape_cast %swap3A_698 : vector<1x16xf32> to vector<16xf32>
      %swap3A_700 = vector.shape_cast %add3A_695 : vector<16xf32> to vector<1x16xf32>
      tpu.vector_store %arg7[%swap3A_696, %swap3A_697], %swap3A_700 {strides = array<i32>} : memref<32x1024xf32, #tpu.memory_space<vmem>>, vector<1x16xf32>,
      %get3A_701 = arith.index_cast %scan3A_44 : i32 to index
      %get3A_702 = arith.constant 752 : index
      %get3A_703 = tpu.vector_load %arg7[%get3A_701, %get3A_702] {strides = array<i32>} : memref<32x1024xf32, #tpu.memory_space<vmem>>, vector<1x16xf32>,
      %get3A_704 = vector.shape_cast %get3A_703 : vector<1x16xf32> to vector<16xf32>
      %get3A_705 = arith.index_cast %scan3A_44 : i32 to index
      %get3A_706 = arith.constant 752 : index
      %get3A_707 = tpu.vector_load %arg8[%get3A_705, %get3A_706] {strides = array<i32>} : memref<32x1024xf32, #tpu.memory_space<vmem>>, vector<1x16xf32>,
      %get3A_708 = vector.shape_cast %get3A_707 : vector<1x16xf32> to vector<16xf32>
      %add3A_709 = arith.addf %get3A_704, %get3A_708 : vector<16xf32>
      %swap3A_710 = arith.index_cast %scan3A_44 : i32 to index
      %swap3A_711 = arith.constant 752 : index
      %swap3A_712 = tpu.vector_load %arg7[%swap3A_710, %swap3A_711] {strides = array<i32>} : memref<32x1024xf32, #tpu.memory_space<vmem>>, vector<1x16xf32>,
      %swap3A_713 = vector.shape_cast %swap3A_712 : vector<1x16xf32> to vector<16xf32>
      %swap3A_714 = vector.shape_cast %add3A_709 : vector<16xf32> to vector<1x16xf32>
      tpu.vector_store %arg7[%swap3A_710, %swap3A_711], %swap3A_714 {strides = array<i32>} : memref<32x1024xf32, #tpu.memory_space<vmem>>, vector<1x16xf32>,
      %get3A_715 = arith.index_cast %scan3A_44 : i32 to index
      %get3A_716 = arith.constant 768 : index
      %get3A_717 = tpu.vector_load %arg7[%get3A_715, %get3A_716] {strides = array<i32>} : memref<32x1024xf32, #tpu.memory_space<vmem>>, vector<1x16xf32>,
      %get3A_718 = vector.shape_cast %get3A_717 : vector<1x16xf32> to vector<16xf32>
      %get3A_719 = arith.index_cast %scan3A_44 : i32 to index
      %get3A_720 = arith.constant 768 : index
      %get3A_721 = tpu.vector_load %arg8[%get3A_719, %get3A_720] {strides = array<i32>} : memref<32x1024xf32, #tpu.memory_space<vmem>>, vector<1x16xf32>,
      %get3A_722 = vector.shape_cast %get3A_721 : vector<1x16xf32> to vector<16xf32>
      %add3A_723 = arith.addf %get3A_718, %get3A_722 : vector<16xf32>
      %swap3A_724 = arith.index_cast %scan3A_44 : i32 to index
      %swap3A_725 = arith.constant 768 : index
      %swap3A_726 = tpu.vector_load %arg7[%swap3A_724, %swap3A_725] {strides = array<i32>} : memref<32x1024xf32, #tpu.memory_space<vmem>>, vector<1x16xf32>,
      %swap3A_727 = vector.shape_cast %swap3A_726 : vector<1x16xf32> to vector<16xf32>
      %swap3A_728 = vector.shape_cast %add3A_723 : vector<16xf32> to vector<1x16xf32>
      tpu.vector_store %arg7[%swap3A_724, %swap3A_725], %swap3A_728 {strides = array<i32>} : memref<32x1024xf32, #tpu.memory_space<vmem>>, vector<1x16xf32>,
      %get3A_729 = arith.index_cast %scan3A_44 : i32 to index
      %get3A_730 = arith.constant 784 : index
      %get3A_731 = tpu.vector_load %arg7[%get3A_729, %get3A_730] {strides = array<i32>} : memref<32x1024xf32, #tpu.memory_space<vmem>>, vector<1x16xf32>,
      %get3A_732 = vector.shape_cast %get3A_731 : vector<1x16xf32> to vector<16xf32>
      %get3A_733 = arith.index_cast %scan3A_44 : i32 to index
      %get3A_734 = arith.constant 784 : index
      %get3A_735 = tpu.vector_load %arg8[%get3A_733, %get3A_734] {strides = array<i32>} : memref<32x1024xf32, #tpu.memory_space<vmem>>, vector<1x16xf32>,
      %get3A_736 = vector.shape_cast %get3A_735 : vector<1x16xf32> to vector<16xf32>
      %add3A_737 = arith.addf %get3A_732, %get3A_736 : vector<16xf32>
      %swap3A_738 = arith.index_cast %scan3A_44 : i32 to index
      %swap3A_739 = arith.constant 784 : index
      %swap3A_740 = tpu.vector_load %arg7[%swap3A_738, %swap3A_739] {strides = array<i32>} : memref<32x1024xf32, #tpu.memory_space<vmem>>, vector<1x16xf32>,
      %swap3A_741 = vector.shape_cast %swap3A_740 : vector<1x16xf32> to vector<16xf32>
      %swap3A_742 = vector.shape_cast %add3A_737 : vector<16xf32> to vector<1x16xf32>
      tpu.vector_store %arg7[%swap3A_738, %swap3A_739], %swap3A_742 {strides = array<i32>} : memref<32x1024xf32, #tpu.memory_space<vmem>>, vector<1x16xf32>,
      %get3A_743 = arith.index_cast %scan3A_44 : i32 to index
      %get3A_744 = arith.constant 800 : index
      %get3A_745 = tpu.vector_load %arg7[%get3A_743, %get3A_744] {strides = array<i32>} : memref<32x1024xf32, #tpu.memory_space<vmem>>, vector<1x16xf32>,
      %get3A_746 = vector.shape_cast %get3A_745 : vector<1x16xf32> to vector<16xf32>
      %get3A_747 = arith.index_cast %scan3A_44 : i32 to index
      %get3A_748 = arith.constant 800 : index
      %get3A_749 = tpu.vector_load %arg8[%get3A_747, %get3A_748] {strides = array<i32>} : memref<32x1024xf32, #tpu.memory_space<vmem>>, vector<1x16xf32>,
      %get3A_750 = vector.shape_cast %get3A_749 : vector<1x16xf32> to vector<16xf32>
      %add3A_751 = arith.addf %get3A_746, %get3A_750 : vector<16xf32>
      %swap3A_752 = arith.index_cast %scan3A_44 : i32 to index
      %swap3A_753 = arith.constant 800 : index
      %swap3A_754 = tpu.vector_load %arg7[%swap3A_752, %swap3A_753] {strides = array<i32>} : memref<32x1024xf32, #tpu.memory_space<vmem>>, vector<1x16xf32>,
      %swap3A_755 = vector.shape_cast %swap3A_754 : vector<1x16xf32> to vector<16xf32>
      %swap3A_756 = vector.shape_cast %add3A_751 : vector<16xf32> to vector<1x16xf32>
      tpu.vector_store %arg7[%swap3A_752, %swap3A_753], %swap3A_756 {strides = array<i32>} : memref<32x1024xf32, #tpu.memory_space<vmem>>, vector<1x16xf32>,
      %get3A_757 = arith.index_cast %scan3A_44 : i32 to index
      %get3A_758 = arith.constant 816 : index
      %get3A_759 = tpu.vector_load %arg7[%get3A_757, %get3A_758] {strides = array<i32>} : memref<32x1024xf32, #tpu.memory_space<vmem>>, vector<1x16xf32>,
      %get3A_760 = vector.shape_cast %get3A_759 : vector<1x16xf32> to vector<16xf32>
      %get3A_761 = arith.index_cast %scan3A_44 : i32 to index
      %get3A_762 = arith.constant 816 : index
      %get3A_763 = tpu.vector_load %arg8[%get3A_761, %get3A_762] {strides = array<i32>} : memref<32x1024xf32, #tpu.memory_space<vmem>>, vector<1x16xf32>,
      %get3A_764 = vector.shape_cast %get3A_763 : vector<1x16xf32> to vector<16xf32>
      %add3A_765 = arith.addf %get3A_760, %get3A_764 : vector<16xf32>
      %swap3A_766 = arith.index_cast %scan3A_44 : i32 to index
      %swap3A_767 = arith.constant 816 : index
      %swap3A_768 = tpu.vector_load %arg7[%swap3A_766, %swap3A_767] {strides = array<i32>} : memref<32x1024xf32, #tpu.memory_space<vmem>>, vector<1x16xf32>,
      %swap3A_769 = vector.shape_cast %swap3A_768 : vector<1x16xf32> to vector<16xf32>
      %swap3A_770 = vector.shape_cast %add3A_765 : vector<16xf32> to vector<1x16xf32>
      tpu.vector_store %arg7[%swap3A_766, %swap3A_767], %swap3A_770 {strides = array<i32>} : memref<32x1024xf32, #tpu.memory_space<vmem>>, vector<1x16xf32>,
      %get3A_771 = arith.index_cast %scan3A_44 : i32 to index
      %get3A_772 = arith.constant 832 : index
      %get3A_773 = tpu.vector_load %arg7[%get3A_771, %get3A_772] {strides = array<i32>} : memref<32x1024xf32, #tpu.memory_space<vmem>>, vector<1x16xf32>,
      %get3A_774 = vector.shape_cast %get3A_773 : vector<1x16xf32> to vector<16xf32>
      %get3A_775 = arith.index_cast %scan3A_44 : i32 to index
      %get3A_776 = arith.constant 832 : index
      %get3A_777 = tpu.vector_load %arg8[%get3A_775, %get3A_776] {strides = array<i32>} : memref<32x1024xf32, #tpu.memory_space<vmem>>, vector<1x16xf32>,
      %get3A_778 = vector.shape_cast %get3A_777 : vector<1x16xf32> to vector<16xf32>
      %add3A_779 = arith.addf %get3A_774, %get3A_778 : vector<16xf32>
      %swap3A_780 = arith.index_cast %scan3A_44 : i32 to index
      %swap3A_781 = arith.constant 832 : index
      %swap3A_782 = tpu.vector_load %arg7[%swap3A_780, %swap3A_781] {strides = array<i32>} : memref<32x1024xf32, #tpu.memory_space<vmem>>, vector<1x16xf32>,
      %swap3A_783 = vector.shape_cast %swap3A_782 : vector<1x16xf32> to vector<16xf32>
      %swap3A_784 = vector.shape_cast %add3A_779 : vector<16xf32> to vector<1x16xf32>
      tpu.vector_store %arg7[%swap3A_780, %swap3A_781], %swap3A_784 {strides = array<i32>} : memref<32x1024xf32, #tpu.memory_space<vmem>>, vector<1x16xf32>,
      %get3A_785 = arith.index_cast %scan3A_44 : i32 to index
      %get3A_786 = arith.constant 848 : index
      %get3A_787 = tpu.vector_load %arg7[%get3A_785, %get3A_786] {strides = array<i32>} : memref<32x1024xf32, #tpu.memory_space<vmem>>, vector<1x16xf32>,
      %get3A_788 = vector.shape_cast %get3A_787 : vector<1x16xf32> to vector<16xf32>
      %get3A_789 = arith.index_cast %scan3A_44 : i32 to index
      %get3A_790 = arith.constant 848 : index
      %get3A_791 = tpu.vector_load %arg8[%get3A_789, %get3A_790] {strides = array<i32>} : memref<32x1024xf32, #tpu.memory_space<vmem>>, vector<1x16xf32>,
      %get3A_792 = vector.shape_cast %get3A_791 : vector<1x16xf32> to vector<16xf32>
      %add3A_793 = arith.addf %get3A_788, %get3A_792 : vector<16xf32>
      %swap3A_794 = arith.index_cast %scan3A_44 : i32 to index
      %swap3A_795 = arith.constant 848 : index
      %swap3A_796 = tpu.vector_load %arg7[%swap3A_794, %swap3A_795] {strides = array<i32>} : memref<32x1024xf32, #tpu.memory_space<vmem>>, vector<1x16xf32>,
      %swap3A_797 = vector.shape_cast %swap3A_796 : vector<1x16xf32> to vector<16xf32>
      %swap3A_798 = vector.shape_cast %add3A_793 : vector<16xf32> to vector<1x16xf32>
      tpu.vector_store %arg7[%swap3A_794, %swap3A_795], %swap3A_798 {strides = array<i32>} : memref<32x1024xf32, #tpu.memory_space<vmem>>, vector<1x16xf32>,
      %get3A_799 = arith.index_cast %scan3A_44 : i32 to index
      %get3A_800 = arith.constant 864 : index
      %get3A_801 = tpu.vector_load %arg7[%get3A_799, %get3A_800] {strides = array<i32>} : memref<32x1024xf32, #tpu.memory_space<vmem>>, vector<1x16xf32>,
      %get3A_802 = vector.shape_cast %get3A_801 : vector<1x16xf32> to vector<16xf32>
      %get3A_803 = arith.index_cast %scan3A_44 : i32 to index
      %get3A_804 = arith.constant 864 : index
      %get3A_805 = tpu.vector_load %arg8[%get3A_803, %get3A_804] {strides = array<i32>} : memref<32x1024xf32, #tpu.memory_space<vmem>>, vector<1x16xf32>,
      %get3A_806 = vector.shape_cast %get3A_805 : vector<1x16xf32> to vector<16xf32>
      %add3A_807 = arith.addf %get3A_802, %get3A_806 : vector<16xf32>
      %swap3A_808 = arith.index_cast %scan3A_44 : i32 to index
      %swap3A_809 = arith.constant 864 : index
      %swap3A_810 = tpu.vector_load %arg7[%swap3A_808, %swap3A_809] {strides = array<i32>} : memref<32x1024xf32, #tpu.memory_space<vmem>>, vector<1x16xf32>,
      %swap3A_811 = vector.shape_cast %swap3A_810 : vector<1x16xf32> to vector<16xf32>
      %swap3A_812 = vector.shape_cast %add3A_807 : vector<16xf32> to vector<1x16xf32>
      tpu.vector_store %arg7[%swap3A_808, %swap3A_809], %swap3A_812 {strides = array<i32>} : memref<32x1024xf32, #tpu.memory_space<vmem>>, vector<1x16xf32>,
      %get3A_813 = arith.index_cast %scan3A_44 : i32 to index
      %get3A_814 = arith.constant 880 : index
      %get3A_815 = tpu.vector_load %arg7[%get3A_813, %get3A_814] {strides = array<i32>} : memref<32x1024xf32, #tpu.memory_space<vmem>>, vector<1x16xf32>,
      %get3A_816 = vector.shape_cast %get3A_815 : vector<1x16xf32> to vector<16xf32>
      %get3A_817 = arith.index_cast %scan3A_44 : i32 to index
      %get3A_818 = arith.constant 880 : index
      %get3A_819 = tpu.vector_load %arg8[%get3A_817, %get3A_818] {strides = array<i32>} : memref<32x1024xf32, #tpu.memory_space<vmem>>, vector<1x16xf32>,
      %get3A_820 = vector.shape_cast %get3A_819 : vector<1x16xf32> to vector<16xf32>
      %add3A_821 = arith.addf %get3A_816, %get3A_820 : vector<16xf32>
      %swap3A_822 = arith.index_cast %scan3A_44 : i32 to index
      %swap3A_823 = arith.constant 880 : index
      %swap3A_824 = tpu.vector_load %arg7[%swap3A_822, %swap3A_823] {strides = array<i32>} : memref<32x1024xf32, #tpu.memory_space<vmem>>, vector<1x16xf32>,
      %swap3A_825 = vector.shape_cast %swap3A_824 : vector<1x16xf32> to vector<16xf32>
      %swap3A_826 = vector.shape_cast %add3A_821 : vector<16xf32> to vector<1x16xf32>
      tpu.vector_store %arg7[%swap3A_822, %swap3A_823], %swap3A_826 {strides = array<i32>} : memref<32x1024xf32, #tpu.memory_space<vmem>>, vector<1x16xf32>,
      %get3A_827 = arith.index_cast %scan3A_44 : i32 to index
      %get3A_828 = arith.constant 896 : index
      %get3A_829 = tpu.vector_load %arg7[%get3A_827, %get3A_828] {strides = array<i32>} : memref<32x1024xf32, #tpu.memory_space<vmem>>, vector<1x16xf32>,
      %get3A_830 = vector.shape_cast %get3A_829 : vector<1x16xf32> to vector<16xf32>
      %get3A_831 = arith.index_cast %scan3A_44 : i32 to index
      %get3A_832 = arith.constant 896 : index
      %get3A_833 = tpu.vector_load %arg8[%get3A_831, %get3A_832] {strides = array<i32>} : memref<32x1024xf32, #tpu.memory_space<vmem>>, vector<1x16xf32>,
      %get3A_834 = vector.shape_cast %get3A_833 : vector<1x16xf32> to vector<16xf32>
      %add3A_835 = arith.addf %get3A_830, %get3A_834 : vector<16xf32>
      %swap3A_836 = arith.index_cast %scan3A_44 : i32 to index
      %swap3A_837 = arith.constant 896 : index
      %swap3A_838 = tpu.vector_load %arg7[%swap3A_836, %swap3A_837] {strides = array<i32>} : memref<32x1024xf32, #tpu.memory_space<vmem>>, vector<1x16xf32>,
      %swap3A_839 = vector.shape_cast %swap3A_838 : vector<1x16xf32> to vector<16xf32>
      %swap3A_840 = vector.shape_cast %add3A_835 : vector<16xf32> to vector<1x16xf32>
      tpu.vector_store %arg7[%swap3A_836, %swap3A_837], %swap3A_840 {strides = array<i32>} : memref<32x1024xf32, #tpu.memory_space<vmem>>, vector<1x16xf32>,
      %get3A_841 = arith.index_cast %scan3A_44 : i32 to index
      %get3A_842 = arith.constant 912 : index
      %get3A_843 = tpu.vector_load %arg7[%get3A_841, %get3A_842] {strides = array<i32>} : memref<32x1024xf32, #tpu.memory_space<vmem>>, vector<1x16xf32>,
      %get3A_844 = vector.shape_cast %get3A_843 : vector<1x16xf32> to vector<16xf32>
      %get3A_845 = arith.index_cast %scan3A_44 : i32 to index
      %get3A_846 = arith.constant 912 : index
      %get3A_847 = tpu.vector_load %arg8[%get3A_845, %get3A_846] {strides = array<i32>} : memref<32x1024xf32, #tpu.memory_space<vmem>>, vector<1x16xf32>,
      %get3A_848 = vector.shape_cast %get3A_847 : vector<1x16xf32> to vector<16xf32>
      %add3A_849 = arith.addf %get3A_844, %get3A_848 : vector<16xf32>
      %swap3A_850 = arith.index_cast %scan3A_44 : i32 to index
      %swap3A_851 = arith.constant 912 : index
      %swap3A_852 = tpu.vector_load %arg7[%swap3A_850, %swap3A_851] {strides = array<i32>} : memref<32x1024xf32, #tpu.memory_space<vmem>>, vector<1x16xf32>,
      %swap3A_853 = vector.shape_cast %swap3A_852 : vector<1x16xf32> to vector<16xf32>
      %swap3A_854 = vector.shape_cast %add3A_849 : vector<16xf32> to vector<1x16xf32>
      tpu.vector_store %arg7[%swap3A_850, %swap3A_851], %swap3A_854 {strides = array<i32>} : memref<32x1024xf32, #tpu.memory_space<vmem>>, vector<1x16xf32>,
      %get3A_855 = arith.index_cast %scan3A_44 : i32 to index
      %get3A_856 = arith.constant 928 : index
      %get3A_857 = tpu.vector_load %arg7[%get3A_855, %get3A_856] {strides = array<i32>} : memref<32x1024xf32, #tpu.memory_space<vmem>>, vector<1x16xf32>,
      %get3A_858 = vector.shape_cast %get3A_857 : vector<1x16xf32> to vector<16xf32>
      %get3A_859 = arith.index_cast %scan3A_44 : i32 to index
      %get3A_860 = arith.constant 928 : index
      %get3A_861 = tpu.vector_load %arg8[%get3A_859, %get3A_860] {strides = array<i32>} : memref<32x1024xf32, #tpu.memory_space<vmem>>, vector<1x16xf32>,
      %get3A_862 = vector.shape_cast %get3A_861 : vector<1x16xf32> to vector<16xf32>
      %add3A_863 = arith.addf %get3A_858, %get3A_862 : vector<16xf32>
      %swap3A_864 = arith.index_cast %scan3A_44 : i32 to index
      %swap3A_865 = arith.constant 928 : index
      %swap3A_866 = tpu.vector_load %arg7[%swap3A_864, %swap3A_865] {strides = array<i32>} : memref<32x1024xf32, #tpu.memory_space<vmem>>, vector<1x16xf32>,
      %swap3A_867 = vector.shape_cast %swap3A_866 : vector<1x16xf32> to vector<16xf32>
      %swap3A_868 = vector.shape_cast %add3A_863 : vector<16xf32> to vector<1x16xf32>
      tpu.vector_store %arg7[%swap3A_864, %swap3A_865], %swap3A_868 {strides = array<i32>} : memref<32x1024xf32, #tpu.memory_space<vmem>>, vector<1x16xf32>,
      %get3A_869 = arith.index_cast %scan3A_44 : i32 to index
      %get3A_870 = arith.constant 944 : index
      %get3A_871 = tpu.vector_load %arg7[%get3A_869, %get3A_870] {strides = array<i32>} : memref<32x1024xf32, #tpu.memory_space<vmem>>, vector<1x16xf32>,
      %get3A_872 = vector.shape_cast %get3A_871 : vector<1x16xf32> to vector<16xf32>
      %get3A_873 = arith.index_cast %scan3A_44 : i32 to index
      %get3A_874 = arith.constant 944 : index
      %get3A_875 = tpu.vector_load %arg8[%get3A_873, %get3A_874] {strides = array<i32>} : memref<32x1024xf32, #tpu.memory_space<vmem>>, vector<1x16xf32>,
      %get3A_876 = vector.shape_cast %get3A_875 : vector<1x16xf32> to vector<16xf32>
      %add3A_877 = arith.addf %get3A_872, %get3A_876 : vector<16xf32>
      %swap3A_878 = arith.index_cast %scan3A_44 : i32 to index
      %swap3A_879 = arith.constant 944 : index
      %swap3A_880 = tpu.vector_load %arg7[%swap3A_878, %swap3A_879] {strides = array<i32>} : memref<32x1024xf32, #tpu.memory_space<vmem>>, vector<1x16xf32>,
      %swap3A_881 = vector.shape_cast %swap3A_880 : vector<1x16xf32> to vector<16xf32>
      %swap3A_882 = vector.shape_cast %add3A_877 : vector<16xf32> to vector<1x16xf32>
      tpu.vector_store %arg7[%swap3A_878, %swap3A_879], %swap3A_882 {strides = array<i32>} : memref<32x1024xf32, #tpu.memory_space<vmem>>, vector<1x16xf32>,
      %get3A_883 = arith.index_cast %scan3A_44 : i32 to index
      %get3A_884 = arith.constant 960 : index
      %get3A_885 = tpu.vector_load %arg7[%get3A_883, %get3A_884] {strides = array<i32>} : memref<32x1024xf32, #tpu.memory_space<vmem>>, vector<1x16xf32>,
      %get3A_886 = vector.shape_cast %get3A_885 : vector<1x16xf32> to vector<16xf32>
      %get3A_887 = arith.index_cast %scan3A_44 : i32 to index
      %get3A_888 = arith.constant 960 : index
      %get3A_889 = tpu.vector_load %arg8[%get3A_887, %get3A_888] {strides = array<i32>} : memref<32x1024xf32, #tpu.memory_space<vmem>>, vector<1x16xf32>,
      %get3A_890 = vector.shape_cast %get3A_889 : vector<1x16xf32> to vector<16xf32>
      %add3A_891 = arith.addf %get3A_886, %get3A_890 : vector<16xf32>
      %swap3A_892 = arith.index_cast %scan3A_44 : i32 to index
      %swap3A_893 = arith.constant 960 : index
      %swap3A_894 = tpu.vector_load %arg7[%swap3A_892, %swap3A_893] {strides = array<i32>} : memref<32x1024xf32, #tpu.memory_space<vmem>>, vector<1x16xf32>,
      %swap3A_895 = vector.shape_cast %swap3A_894 : vector<1x16xf32> to vector<16xf32>
      %swap3A_896 = vector.shape_cast %add3A_891 : vector<16xf32> to vector<1x16xf32>
      tpu.vector_store %arg7[%swap3A_892, %swap3A_893], %swap3A_896 {strides = array<i32>} : memref<32x1024xf32, #tpu.memory_space<vmem>>, vector<1x16xf32>,
      %get3A_897 = arith.index_cast %scan3A_44 : i32 to index
      %get3A_898 = arith.constant 976 : index
      %get3A_899 = tpu.vector_load %arg7[%get3A_897, %get3A_898] {strides = array<i32>} : memref<32x1024xf32, #tpu.memory_space<vmem>>, vector<1x16xf32>,
      %get3A_900 = vector.shape_cast %get3A_899 : vector<1x16xf32> to vector<16xf32>
      %get3A_901 = arith.index_cast %scan3A_44 : i32 to index
      %get3A_902 = arith.constant 976 : index
      %get3A_903 = tpu.vector_load %arg8[%get3A_901, %get3A_902] {strides = array<i32>} : memref<32x1024xf32, #tpu.memory_space<vmem>>, vector<1x16xf32>,
      %get3A_904 = vector.shape_cast %get3A_903 : vector<1x16xf32> to vector<16xf32>
      %add3A_905 = arith.addf %get3A_900, %get3A_904 : vector<16xf32>
      %swap3A_906 = arith.index_cast %scan3A_44 : i32 to index
      %swap3A_907 = arith.constant 976 : index
      %swap3A_908 = tpu.vector_load %arg7[%swap3A_906, %swap3A_907] {strides = array<i32>} : memref<32x1024xf32, #tpu.memory_space<vmem>>, vector<1x16xf32>,
      %swap3A_909 = vector.shape_cast %swap3A_908 : vector<1x16xf32> to vector<16xf32>
      %swap3A_910 = vector.shape_cast %add3A_905 : vector<16xf32> to vector<1x16xf32>
      tpu.vector_store %arg7[%swap3A_906, %swap3A_907], %swap3A_910 {strides = array<i32>} : memref<32x1024xf32, #tpu.memory_space<vmem>>, vector<1x16xf32>,
      %get3A_911 = arith.index_cast %scan3A_44 : i32 to index
      %get3A_912 = arith.constant 992 : index
      %get3A_913 = tpu.vector_load %arg7[%get3A_911, %get3A_912] {strides = array<i32>} : memref<32x1024xf32, #tpu.memory_space<vmem>>, vector<1x16xf32>,
      %get3A_914 = vector.shape_cast %get3A_913 : vector<1x16xf32> to vector<16xf32>
      %get3A_915 = arith.index_cast %scan3A_44 : i32 to index
      %get3A_916 = arith.constant 992 : index
      %get3A_917 = tpu.vector_load %arg8[%get3A_915, %get3A_916] {strides = array<i32>} : memref<32x1024xf32, #tpu.memory_space<vmem>>, vector<1x16xf32>,
      %get3A_918 = vector.shape_cast %get3A_917 : vector<1x16xf32> to vector<16xf32>
      %add3A_919 = arith.addf %get3A_914, %get3A_918 : vector<16xf32>
      %swap3A_920 = arith.index_cast %scan3A_44 : i32 to index
      %swap3A_921 = arith.constant 992 : index
      %swap3A_922 = tpu.vector_load %arg7[%swap3A_920, %swap3A_921] {strides = array<i32>} : memref<32x1024xf32, #tpu.memory_space<vmem>>, vector<1x16xf32>,
      %swap3A_923 = vector.shape_cast %swap3A_922 : vector<1x16xf32> to vector<16xf32>
      %swap3A_924 = vector.shape_cast %add3A_919 : vector<16xf32> to vector<1x16xf32>
      tpu.vector_store %arg7[%swap3A_920, %swap3A_921], %swap3A_924 {strides = array<i32>} : memref<32x1024xf32, #tpu.memory_space<vmem>>, vector<1x16xf32>,
      %get3A_925 = arith.index_cast %scan3A_44 : i32 to index
      %get3A_926 = arith.constant 1008 : index
      %get3A_927 = tpu.vector_load %arg7[%get3A_925, %get3A_926] {strides = array<i32>} : memref<32x1024xf32, #tpu.memory_space<vmem>>, vector<1x16xf32>,
      %get3A_928 = vector.shape_cast %get3A_927 : vector<1x16xf32> to vector<16xf32>
      %get3A_929 = arith.index_cast %scan3A_44 : i32 to index
      %get3A_930 = arith.constant 1008 : index
      %get3A_931 = tpu.vector_load %arg8[%get3A_929, %get3A_930] {strides = array<i32>} : memref<32x1024xf32, #tpu.memory_space<vmem>>, vector<1x16xf32>,
      %get3A_932 = vector.shape_cast %get3A_931 : vector<1x16xf32> to vector<16xf32>
      %add3A_933 = arith.addf %get3A_928, %get3A_932 : vector<16xf32>
      %swap3A_934 = arith.index_cast %scan3A_44 : i32 to index
      %swap3A_935 = arith.constant 1008 : index
      %swap3A_936 = tpu.vector_load %arg7[%swap3A_934, %swap3A_935] {strides = array<i32>} : memref<32x1024xf32, #tpu.memory_space<vmem>>, vector<1x16xf32>,
      %swap3A_937 = vector.shape_cast %swap3A_936 : vector<1x16xf32> to vector<16xf32>
      %swap3A_938 = vector.shape_cast %add3A_933 : vector<16xf32> to vector<1x16xf32>
      tpu.vector_store %arg7[%swap3A_934, %swap3A_935], %swap3A_938 {strides = array<i32>} : memref<32x1024xf32, #tpu.memory_space<vmem>>, vector<1x16xf32>,
    }
    %scan3A_21 = arith.constant 32 : i32
    "tpu.region"() ({
      %run_scoped3A = tpu.sem_alloc : memref<!tpu.dma_semaphore, #tpu.memory_space<semaphore_mem>>
      %dma_start3A_44 = arith.constant 0 : i32
      %dma_start3A_45 = tpu.memref_slice %arg4[%add3A_4, %dma_start3A_44] : memref<2048x1024xf32, #tpu.memory_space<hbm>> -> memref<32x1024xf32, #tpu.memory_space<hbm>>
      %dma_start3A_46 = arith.constant 0 : i32
      %dma_start3A_47 = tpu.memref_slice %arg4[%add3A_4, %dma_start3A_46] : memref<2048x1024xf32, #tpu.memory_space<hbm>> -> memref<32x1024xf32, #tpu.memory_space<hbm>>
      tpu.enqueue_dma source(%arg7 : memref<32x1024xf32, #tpu.memory_space<vmem>>) target(%dma_start3A_47 : memref<32x1024xf32, #tpu.memory_space<hbm>>) target_semaphore(%run_scoped3A : memref<!tpu.dma_semaphore, #tpu.memory_space<semaphore_mem>>)
      %dma_wait3A_48 = arith.constant 0 : i32
      %dma_wait3A_49 = tpu.memref_slice %arg4[%add3A_4, %dma_wait3A_48] : memref<2048x1024xf32, #tpu.memory_space<hbm>> -> memref<32x1024xf32, #tpu.memory_space<hbm>>
      %dma_wait3A_50 = arith.constant 0 : i32
      %dma_wait3A_51 = tpu.memref_slice %arg4[%add3A_4, %dma_wait3A_50] : memref<2048x1024xf32, #tpu.memory_space<hbm>> -> memref<32x1024xf32, #tpu.memory_space<hbm>>
      tpu.wait_dma2 semaphore(%run_scoped3A : memref<!tpu.dma_semaphore, #tpu.memory_space<semaphore_mem>>) src(%arg7 : memref<32x1024xf32, #tpu.memory_space<vmem>>) dst(%dma_wait3A_51 : memref<32x1024xf32, #tpu.memory_space<hbm>>)
      tpu.yield
    }) : () -> ()
    %add3A_22 = arith.constant 32 : i32
    %add3A_23 = arith.addi %mul3A_2, %add3A_22 : i32
    "tpu.region"() ({
      %run_scoped3A = tpu.sem_alloc : memref<!tpu.dma_semaphore, #tpu.memory_space<semaphore_mem>>
      %dma_start3A_44 = tpu.memref_slice %arg3[%add3A_23] : memref<4096xi32, #tpu.memory_space<hbm>> -> memref<32xi32, #tpu.memory_space<hbm>>
      %dma_start3A_45 = tpu.memref_slice %arg3[%add3A_23] : memref<4096xi32, #tpu.memory_space<hbm>> -> memref<32xi32, #tpu.memory_space<hbm>>
      tpu.enqueue_dma source(%dma_start3A_45 : memref<32xi32, #tpu.memory_space<hbm>>) target(%arg5 : memref<32xi32, #tpu.memory_space<vmem>>) target_semaphore(%run_scoped3A : memref<!tpu.dma_semaphore, #tpu.memory_space<semaphore_mem>>)
      %dma_wait3A_46 = tpu.memref_slice %arg3[%add3A_23] : memref<4096xi32, #tpu.memory_space<hbm>> -> memref<32xi32, #tpu.memory_space<hbm>>
      %dma_wait3A_47 = tpu.memref_slice %arg3[%add3A_23] : memref<4096xi32, #tpu.memory_space<hbm>> -> memref<32xi32, #tpu.memory_space<hbm>>
      tpu.wait_dma2 semaphore(%run_scoped3A : memref<!tpu.dma_semaphore, #tpu.memory_space<semaphore_mem>>) src(%dma_wait3A_47 : memref<32xi32, #tpu.memory_space<hbm>>) dst(%arg5 : memref<32xi32, #tpu.memory_space<vmem>>)
      tpu.yield
    }) : () -> ()
    %add3A_24 = arith.constant 2048 : i32
    %add3A_25 = arith.addi %add3A_24, %add3A_23 : i32
    "tpu.region"() ({
      %run_scoped3A = tpu.sem_alloc : memref<!tpu.dma_semaphore, #tpu.memory_space<semaphore_mem>>
      %dma_start3A_44 = tpu.memref_slice %arg3[%add3A_25] : memref<4096xi32, #tpu.memory_space<hbm>> -> memref<32xi32, #tpu.memory_space<hbm>>
      %dma_start3A_45 = tpu.memref_slice %arg3[%add3A_25] : memref<4096xi32, #tpu.memory_space<hbm>> -> memref<32xi32, #tpu.memory_space<hbm>>
      tpu.enqueue_dma source(%dma_start3A_45 : memref<32xi32, #tpu.memory_space<hbm>>) target(%arg6 : memref<32xi32, #tpu.memory_space<vmem>>) target_semaphore(%run_scoped3A : memref<!tpu.dma_semaphore, #tpu.memory_space<semaphore_mem>>)
      %dma_wait3A_46 = tpu.memref_slice %arg3[%add3A_25] : memref<4096xi32, #tpu.memory_space<hbm>> -> memref<32xi32, #tpu.memory_space<hbm>>
      %dma_wait3A_47 = tpu.memref_slice %arg3[%add3A_25] : memref<4096xi32, #tpu.memory_space<hbm>> -> memref<32xi32, #tpu.memory_space<hbm>>
      tpu.wait_dma2 semaphore(%run_scoped3A : memref<!tpu.dma_semaphore, #tpu.memory_space<semaphore_mem>>) src(%dma_wait3A_47 : memref<32xi32, #tpu.memory_space<hbm>>) dst(%arg6 : memref<32xi32, #tpu.memory_space<vmem>>)
      tpu.yield
    }) : () -> ()
    %dma_start3A_26 = arith.constant 0 : i32
    %dma_start3A_27 = arith.constant 0 : i32
    %dma_start3A_28 = tpu.memref_slice %arg2[%dma_start3A_26, %dma_start3A_27] : memref<4096x1024xf32, #tpu.memory_space<hbm>> -> memref<4096x1024xf32, #tpu.memory_space<hbm>>
    tpu.enqueue_indirect_dma source(%dma_start3A_28 : memref<4096x1024xf32, #tpu.memory_space<hbm>>) target(%arg7 : memref<32x1024xf32, #tpu.memory_space<vmem>>) offsets(%arg5 : memref<32xi32, #tpu.memory_space<vmem>>) semaphore(%arg9 : memref<!tpu.dma_semaphore, #tpu.memory_space<semaphore_mem>>)
    %dma_wait3A_29 = arith.constant 0 : i32
    %dma_wait3A_30 = arith.constant 0 : i32
    %dma_wait3A_31 = tpu.memref_slice %arg2[%dma_wait3A_29, %dma_wait3A_30] : memref<4096x1024xf32, #tpu.memory_space<hbm>> -> memref<4096x1024xf32, #tpu.memory_space<hbm>>
    tpu.wait_indirect_dma semaphore(%arg9 : memref<!tpu.dma_semaphore, #tpu.memory_space<semaphore_mem>>) src(%dma_wait3A_31 : memref<4096x1024xf32, #tpu.memory_space<hbm>>) dst(%arg7 : memref<32x1024xf32, #tpu.memory_space<vmem>>)
    %dma_start3A_32 = arith.constant 0 : i32
    %dma_start3A_33 = arith.constant 0 : i32
    %dma_start3A_34 = tpu.memref_slice %arg2[%dma_start3A_32, %dma_start3A_33] : memref<4096x1024xf32, #tpu.memory_space<hbm>> -> memref<4096x1024xf32, #tpu.memory_space<hbm>>
    tpu.enqueue_indirect_dma source(%dma_start3A_34 : memref<4096x1024xf32, #tpu.memory_space<hbm>>) target(%arg8 : memref<32x1024xf32, #tpu.memory_space<vmem>>) offsets(%arg6 : memref<32xi32, #tpu.memory_space<vmem>>) semaphore(%arg10 : memref<!tpu.dma_semaphore, #tpu.memory_space<semaphore_mem>>)
    %dma_wait3A_35 = arith.constant 0 : i32
    %dma_wait3A_36 = arith.constant 0 : i32
    %dma_wait3A_37 = tpu.memref_slice %arg2[%dma_wait3A_35, %dma_wait3A_36] : memref<4096x1024xf32, #tpu.memory_space<hbm>> -> memref<4096x1024xf32, #tpu.memory_space<hbm>>
    tpu.wait_indirect_dma semaphore(%arg10 : memref<!tpu.dma_semaphore, #tpu.memory_space<semaphore_mem>>) src(%dma_wait3A_37 : memref<4096x1024xf32, #tpu.memory_space<hbm>>) dst(%arg8 : memref<32x1024xf32, #tpu.memory_space<vmem>>)
    %scan3A_38 = arith.constant 0 : i32
    %scan3A_39 = arith.constant 0 : i32
    %scan3A_40 = arith.constant 32 : i32
    %scan3A_41 = arith.addi %scan3A_39, %scan3A_40 : i32
    %scan3A_42 = arith.constant 1 : i32
    scf.for %scan3A_44 = %scan3A_39 to %scan3A_41 step %scan3A_42  : i32 {
      %get3A = arith.index_cast %scan3A_44 : i32 to index
      %get3A_45 = arith.constant 0 : index
      %get3A_46 = tpu.vector_load %arg7[%get3A, %get3A_45] {strides = array<i32>} : memref<32x1024xf32, #tpu.memory_space<vmem>>, vector<1x16xf32>,
      %get3A_47 = vector.shape_cast %get3A_46 : vector<1x16xf32> to vector<16xf32>
      %get3A_48 = arith.index_cast %scan3A_44 : i32 to index
      %get3A_49 = arith.constant 0 : index
      %get3A_50 = tpu.vector_load %arg8[%get3A_48, %get3A_49] {strides = array<i32>} : memref<32x1024xf32, #tpu.memory_space<vmem>>, vector<1x16xf32>,
      %get3A_51 = vector.shape_cast %get3A_50 : vector<1x16xf32> to vector<16xf32>
      %add3A_52 = arith.addf %get3A_47, %get3A_51 : vector<16xf32>
      %swap3A = arith.index_cast %scan3A_44 : i32 to index
      %swap3A_53 = arith.constant 0 : index
      %swap3A_54 = tpu.vector_load %arg7[%swap3A, %swap3A_53] {strides = array<i32>} : memref<32x1024xf32, #tpu.memory_space<vmem>>, vector<1x16xf32>,
      %swap3A_55 = vector.shape_cast %swap3A_54 : vector<1x16xf32> to vector<16xf32>
      %swap3A_56 = vector.shape_cast %add3A_52 : vector<16xf32> to vector<1x16xf32>
      tpu.vector_store %arg7[%swap3A, %swap3A_53], %swap3A_56 {strides = array<i32>} : memref<32x1024xf32, #tpu.memory_space<vmem>>, vector<1x16xf32>,
      %get3A_57 = arith.index_cast %scan3A_44 : i32 to index
      %get3A_58 = arith.constant 16 : index
      %get3A_59 = tpu.vector_load %arg7[%get3A_57, %get3A_58] {strides = array<i32>} : memref<32x1024xf32, #tpu.memory_space<vmem>>, vector<1x16xf32>,
      %get3A_60 = vector.shape_cast %get3A_59 : vector<1x16xf32> to vector<16xf32>
      %get3A_61 = arith.index_cast %scan3A_44 : i32 to index
      %get3A_62 = arith.constant 16 : index
      %get3A_63 = tpu.vector_load %arg8[%get3A_61, %get3A_62] {strides = array<i32>} : memref<32x1024xf32, #tpu.memory_space<vmem>>, vector<1x16xf32>,
      %get3A_64 = vector.shape_cast %get3A_63 : vector<1x16xf32> to vector<16xf32>
      %add3A_65 = arith.addf %get3A_60, %get3A_64 : vector<16xf32>
      %swap3A_66 = arith.index_cast %scan3A_44 : i32 to index
      %swap3A_67 = arith.constant 16 : index
      %swap3A_68 = tpu.vector_load %arg7[%swap3A_66, %swap3A_67] {strides = array<i32>} : memref<32x1024xf32, #tpu.memory_space<vmem>>, vector<1x16xf32>,
      %swap3A_69 = vector.shape_cast %swap3A_68 : vector<1x16xf32> to vector<16xf32>
      %swap3A_70 = vector.shape_cast %add3A_65 : vector<16xf32> to vector<1x16xf32>
      tpu.vector_store %arg7[%swap3A_66, %swap3A_67], %swap3A_70 {strides = array<i32>} : memref<32x1024xf32, #tpu.memory_space<vmem>>, vector<1x16xf32>,
      %get3A_71 = arith.index_cast %scan3A_44 : i32 to index
      %get3A_72 = arith.constant 32 : index
      %get3A_73 = tpu.vector_load %arg7[%get3A_71, %get3A_72] {strides = array<i32>} : memref<32x1024xf32, #tpu.memory_space<vmem>>, vector<1x16xf32>,
      %get3A_74 = vector.shape_cast %get3A_73 : vector<1x16xf32> to vector<16xf32>
      %get3A_75 = arith.index_cast %scan3A_44 : i32 to index
      %get3A_76 = arith.constant 32 : index
      %get3A_77 = tpu.vector_load %arg8[%get3A_75, %get3A_76] {strides = array<i32>} : memref<32x1024xf32, #tpu.memory_space<vmem>>, vector<1x16xf32>,
      %get3A_78 = vector.shape_cast %get3A_77 : vector<1x16xf32> to vector<16xf32>
      %add3A_79 = arith.addf %get3A_74, %get3A_78 : vector<16xf32>
      %swap3A_80 = arith.index_cast %scan3A_44 : i32 to index
      %swap3A_81 = arith.constant 32 : index
      %swap3A_82 = tpu.vector_load %arg7[%swap3A_80, %swap3A_81] {strides = array<i32>} : memref<32x1024xf32, #tpu.memory_space<vmem>>, vector<1x16xf32>,
      %swap3A_83 = vector.shape_cast %swap3A_82 : vector<1x16xf32> to vector<16xf32>
      %swap3A_84 = vector.shape_cast %add3A_79 : vector<16xf32> to vector<1x16xf32>
      tpu.vector_store %arg7[%swap3A_80, %swap3A_81], %swap3A_84 {strides = array<i32>} : memref<32x1024xf32, #tpu.memory_space<vmem>>, vector<1x16xf32>,
      %get3A_85 = arith.index_cast %scan3A_44 : i32 to index
      %get3A_86 = arith.constant 48 : index
      %get3A_87 = tpu.vector_load %arg7[%get3A_85, %get3A_86] {strides = array<i32>} : memref<32x1024xf32, #tpu.memory_space<vmem>>, vector<1x16xf32>,
      %get3A_88 = vector.shape_cast %get3A_87 : vector<1x16xf32> to vector<16xf32>
      %get3A_89 = arith.index_cast %scan3A_44 : i32 to index
      %get3A_90 = arith.constant 48 : index
      %get3A_91 = tpu.vector_load %arg8[%get3A_89, %get3A_90] {strides = array<i32>} : memref<32x1024xf32, #tpu.memory_space<vmem>>, vector<1x16xf32>,
      %get3A_92 = vector.shape_cast %get3A_91 : vector<1x16xf32> to vector<16xf32>
      %add3A_93 = arith.addf %get3A_88, %get3A_92 : vector<16xf32>
      %swap3A_94 = arith.index_cast %scan3A_44 : i32 to index
      %swap3A_95 = arith.constant 48 : index
      %swap3A_96 = tpu.vector_load %arg7[%swap3A_94, %swap3A_95] {strides = array<i32>} : memref<32x1024xf32, #tpu.memory_space<vmem>>, vector<1x16xf32>,
      %swap3A_97 = vector.shape_cast %swap3A_96 : vector<1x16xf32> to vector<16xf32>
      %swap3A_98 = vector.shape_cast %add3A_93 : vector<16xf32> to vector<1x16xf32>
      tpu.vector_store %arg7[%swap3A_94, %swap3A_95], %swap3A_98 {strides = array<i32>} : memref<32x1024xf32, #tpu.memory_space<vmem>>, vector<1x16xf32>,
      %get3A_99 = arith.index_cast %scan3A_44 : i32 to index
      %get3A_100 = arith.constant 64 : index
      %get3A_101 = tpu.vector_load %arg7[%get3A_99, %get3A_100] {strides = array<i32>} : memref<32x1024xf32, #tpu.memory_space<vmem>>, vector<1x16xf32>,
      %get3A_102 = vector.shape_cast %get3A_101 : vector<1x16xf32> to vector<16xf32>
      %get3A_103 = arith.index_cast %scan3A_44 : i32 to index
      %get3A_104 = arith.constant 64 : index
      %get3A_105 = tpu.vector_load %arg8[%get3A_103, %get3A_104] {strides = array<i32>} : memref<32x1024xf32, #tpu.memory_space<vmem>>, vector<1x16xf32>,
      %get3A_106 = vector.shape_cast %get3A_105 : vector<1x16xf32> to vector<16xf32>
      %add3A_107 = arith.addf %get3A_102, %get3A_106 : vector<16xf32>
      %swap3A_108 = arith.index_cast %scan3A_44 : i32 to index
      %swap3A_109 = arith.constant 64 : index
      %swap3A_110 = tpu.vector_load %arg7[%swap3A_108, %swap3A_109] {strides = array<i32>} : memref<32x1024xf32, #tpu.memory_space<vmem>>, vector<1x16xf32>,
      %swap3A_111 = vector.shape_cast %swap3A_110 : vector<1x16xf32> to vector<16xf32>
      %swap3A_112 = vector.shape_cast %add3A_107 : vector<16xf32> to vector<1x16xf32>
      tpu.vector_store %arg7[%swap3A_108, %swap3A_109], %swap3A_112 {strides = array<i32>} : memref<32x1024xf32, #tpu.memory_space<vmem>>, vector<1x16xf32>,
      %get3A_113 = arith.index_cast %scan3A_44 : i32 to index
      %get3A_114 = arith.constant 80 : index
      %get3A_115 = tpu.vector_load %arg7[%get3A_113, %get3A_114] {strides = array<i32>} : memref<32x1024xf32, #tpu.memory_space<vmem>>, vector<1x16xf32>,
      %get3A_116 = vector.shape_cast %get3A_115 : vector<1x16xf32> to vector<16xf32>
      %get3A_117 = arith.index_cast %scan3A_44 : i32 to index
      %get3A_118 = arith.constant 80 : index
      %get3A_119 = tpu.vector_load %arg8[%get3A_117, %get3A_118] {strides = array<i32>} : memref<32x1024xf32, #tpu.memory_space<vmem>>, vector<1x16xf32>,
      %get3A_120 = vector.shape_cast %get3A_119 : vector<1x16xf32> to vector<16xf32>
      %add3A_121 = arith.addf %get3A_116, %get3A_120 : vector<16xf32>
      %swap3A_122 = arith.index_cast %scan3A_44 : i32 to index
      %swap3A_123 = arith.constant 80 : index
      %swap3A_124 = tpu.vector_load %arg7[%swap3A_122, %swap3A_123] {strides = array<i32>} : memref<32x1024xf32, #tpu.memory_space<vmem>>, vector<1x16xf32>,
      %swap3A_125 = vector.shape_cast %swap3A_124 : vector<1x16xf32> to vector<16xf32>
      %swap3A_126 = vector.shape_cast %add3A_121 : vector<16xf32> to vector<1x16xf32>
      tpu.vector_store %arg7[%swap3A_122, %swap3A_123], %swap3A_126 {strides = array<i32>} : memref<32x1024xf32, #tpu.memory_space<vmem>>, vector<1x16xf32>,
      %get3A_127 = arith.index_cast %scan3A_44 : i32 to index
      %get3A_128 = arith.constant 96 : index
      %get3A_129 = tpu.vector_load %arg7[%get3A_127, %get3A_128] {strides = array<i32>} : memref<32x1024xf32, #tpu.memory_space<vmem>>, vector<1x16xf32>,
      %get3A_130 = vector.shape_cast %get3A_129 : vector<1x16xf32> to vector<16xf32>
      %get3A_131 = arith.index_cast %scan3A_44 : i32 to index
      %get3A_132 = arith.constant 96 : index
      %get3A_133 = tpu.vector_load %arg8[%get3A_131, %get3A_132] {strides = array<i32>} : memref<32x1024xf32, #tpu.memory_space<vmem>>, vector<1x16xf32>,
      %get3A_134 = vector.shape_cast %get3A_133 : vector<1x16xf32> to vector<16xf32>
      %add3A_135 = arith.addf %get3A_130, %get3A_134 : vector<16xf32>
      %swap3A_136 = arith.index_cast %scan3A_44 : i32 to index
      %swap3A_137 = arith.constant 96 : index
      %swap3A_138 = tpu.vector_load %arg7[%swap3A_136, %swap3A_137] {strides = array<i32>} : memref<32x1024xf32, #tpu.memory_space<vmem>>, vector<1x16xf32>,
      %swap3A_139 = vector.shape_cast %swap3A_138 : vector<1x16xf32> to vector<16xf32>
      %swap3A_140 = vector.shape_cast %add3A_135 : vector<16xf32> to vector<1x16xf32>
      tpu.vector_store %arg7[%swap3A_136, %swap3A_137], %swap3A_140 {strides = array<i32>} : memref<32x1024xf32, #tpu.memory_space<vmem>>, vector<1x16xf32>,
      %get3A_141 = arith.index_cast %scan3A_44 : i32 to index
      %get3A_142 = arith.constant 112 : index
      %get3A_143 = tpu.vector_load %arg7[%get3A_141, %get3A_142] {strides = array<i32>} : memref<32x1024xf32, #tpu.memory_space<vmem>>, vector<1x16xf32>,
      %get3A_144 = vector.shape_cast %get3A_143 : vector<1x16xf32> to vector<16xf32>
      %get3A_145 = arith.index_cast %scan3A_44 : i32 to index
      %get3A_146 = arith.constant 112 : index
      %get3A_147 = tpu.vector_load %arg8[%get3A_145, %get3A_146] {strides = array<i32>} : memref<32x1024xf32, #tpu.memory_space<vmem>>, vector<1x16xf32>,
      %get3A_148 = vector.shape_cast %get3A_147 : vector<1x16xf32> to vector<16xf32>
      %add3A_149 = arith.addf %get3A_144, %get3A_148 : vector<16xf32>
      %swap3A_150 = arith.index_cast %scan3A_44 : i32 to index
      %swap3A_151 = arith.constant 112 : index
      %swap3A_152 = tpu.vector_load %arg7[%swap3A_150, %swap3A_151] {strides = array<i32>} : memref<32x1024xf32, #tpu.memory_space<vmem>>, vector<1x16xf32>,
      %swap3A_153 = vector.shape_cast %swap3A_152 : vector<1x16xf32> to vector<16xf32>
      %swap3A_154 = vector.shape_cast %add3A_149 : vector<16xf32> to vector<1x16xf32>
      tpu.vector_store %arg7[%swap3A_150, %swap3A_151], %swap3A_154 {strides = array<i32>} : memref<32x1024xf32, #tpu.memory_space<vmem>>, vector<1x16xf32>,
      %get3A_155 = arith.index_cast %scan3A_44 : i32 to index
      %get3A_156 = arith.constant 128 : index
      %get3A_157 = tpu.vector_load %arg7[%get3A_155, %get3A_156] {strides = array<i32>} : memref<32x1024xf32, #tpu.memory_space<vmem>>, vector<1x16xf32>,
      %get3A_158 = vector.shape_cast %get3A_157 : vector<1x16xf32> to vector<16xf32>
      %get3A_159 = arith.index_cast %scan3A_44 : i32 to index
      %get3A_160 = arith.constant 128 : index
      %get3A_161 = tpu.vector_load %arg8[%get3A_159, %get3A_160] {strides = array<i32>} : memref<32x1024xf32, #tpu.memory_space<vmem>>, vector<1x16xf32>,
      %get3A_162 = vector.shape_cast %get3A_161 : vector<1x16xf32> to vector<16xf32>
      %add3A_163 = arith.addf %get3A_158, %get3A_162 : vector<16xf32>
      %swap3A_164 = arith.index_cast %scan3A_44 : i32 to index
      %swap3A_165 = arith.constant 128 : index
      %swap3A_166 = tpu.vector_load %arg7[%swap3A_164, %swap3A_165] {strides = array<i32>} : memref<32x1024xf32, #tpu.memory_space<vmem>>, vector<1x16xf32>,
      %swap3A_167 = vector.shape_cast %swap3A_166 : vector<1x16xf32> to vector<16xf32>
      %swap3A_168 = vector.shape_cast %add3A_163 : vector<16xf32> to vector<1x16xf32>
      tpu.vector_store %arg7[%swap3A_164, %swap3A_165], %swap3A_168 {strides = array<i32>} : memref<32x1024xf32, #tpu.memory_space<vmem>>, vector<1x16xf32>,
      %get3A_169 = arith.index_cast %scan3A_44 : i32 to index
      %get3A_170 = arith.constant 144 : index
      %get3A_171 = tpu.vector_load %arg7[%get3A_169, %get3A_170] {strides = array<i32>} : memref<32x1024xf32, #tpu.memory_space<vmem>>, vector<1x16xf32>,
      %get3A_172 = vector.shape_cast %get3A_171 : vector<1x16xf32> to vector<16xf32>
      %get3A_173 = arith.index_cast %scan3A_44 : i32 to index
      %get3A_174 = arith.constant 144 : index
      %get3A_175 = tpu.vector_load %arg8[%get3A_173, %get3A_174] {strides = array<i32>} : memref<32x1024xf32, #tpu.memory_space<vmem>>, vector<1x16xf32>,
      %get3A_176 = vector.shape_cast %get3A_175 : vector<1x16xf32> to vector<16xf32>
      %add3A_177 = arith.addf %get3A_172, %get3A_176 : vector<16xf32>
      %swap3A_178 = arith.index_cast %scan3A_44 : i32 to index
      %swap3A_179 = arith.constant 144 : index
      %swap3A_180 = tpu.vector_load %arg7[%swap3A_178, %swap3A_179] {strides = array<i32>} : memref<32x1024xf32, #tpu.memory_space<vmem>>, vector<1x16xf32>,
      %swap3A_181 = vector.shape_cast %swap3A_180 : vector<1x16xf32> to vector<16xf32>
      %swap3A_182 = vector.shape_cast %add3A_177 : vector<16xf32> to vector<1x16xf32>
      tpu.vector_store %arg7[%swap3A_178, %swap3A_179], %swap3A_182 {strides = array<i32>} : memref<32x1024xf32, #tpu.memory_space<vmem>>, vector<1x16xf32>,
      %get3A_183 = arith.index_cast %scan3A_44 : i32 to index
      %get3A_184 = arith.constant 160 : index
      %get3A_185 = tpu.vector_load %arg7[%get3A_183, %get3A_184] {strides = array<i32>} : memref<32x1024xf32, #tpu.memory_space<vmem>>, vector<1x16xf32>,
      %get3A_186 = vector.shape_cast %get3A_185 : vector<1x16xf32> to vector<16xf32>
      %get3A_187 = arith.index_cast %scan3A_44 : i32 to index
      %get3A_188 = arith.constant 160 : index
      %get3A_189 = tpu.vector_load %arg8[%get3A_187, %get3A_188] {strides = array<i32>} : memref<32x1024xf32, #tpu.memory_space<vmem>>, vector<1x16xf32>,
      %get3A_190 = vector.shape_cast %get3A_189 : vector<1x16xf32> to vector<16xf32>
      %add3A_191 = arith.addf %get3A_186, %get3A_190 : vector<16xf32>
      %swap3A_192 = arith.index_cast %scan3A_44 : i32 to index
      %swap3A_193 = arith.constant 160 : index
      %swap3A_194 = tpu.vector_load %arg7[%swap3A_192, %swap3A_193] {strides = array<i32>} : memref<32x1024xf32, #tpu.memory_space<vmem>>, vector<1x16xf32>,
      %swap3A_195 = vector.shape_cast %swap3A_194 : vector<1x16xf32> to vector<16xf32>
      %swap3A_196 = vector.shape_cast %add3A_191 : vector<16xf32> to vector<1x16xf32>
      tpu.vector_store %arg7[%swap3A_192, %swap3A_193], %swap3A_196 {strides = array<i32>} : memref<32x1024xf32, #tpu.memory_space<vmem>>, vector<1x16xf32>,
      %get3A_197 = arith.index_cast %scan3A_44 : i32 to index
      %get3A_198 = arith.constant 176 : index
      %get3A_199 = tpu.vector_load %arg7[%get3A_197, %get3A_198] {strides = array<i32>} : memref<32x1024xf32, #tpu.memory_space<vmem>>, vector<1x16xf32>,
      %get3A_200 = vector.shape_cast %get3A_199 : vector<1x16xf32> to vector<16xf32>
      %get3A_201 = arith.index_cast %scan3A_44 : i32 to index
      %get3A_202 = arith.constant 176 : index
      %get3A_203 = tpu.vector_load %arg8[%get3A_201, %get3A_202] {strides = array<i32>} : memref<32x1024xf32, #tpu.memory_space<vmem>>, vector<1x16xf32>,
      %get3A_204 = vector.shape_cast %get3A_203 : vector<1x16xf32> to vector<16xf32>
      %add3A_205 = arith.addf %get3A_200, %get3A_204 : vector<16xf32>
      %swap3A_206 = arith.index_cast %scan3A_44 : i32 to index
      %swap3A_207 = arith.constant 176 : index
      %swap3A_208 = tpu.vector_load %arg7[%swap3A_206, %swap3A_207] {strides = array<i32>} : memref<32x1024xf32, #tpu.memory_space<vmem>>, vector<1x16xf32>,
      %swap3A_209 = vector.shape_cast %swap3A_208 : vector<1x16xf32> to vector<16xf32>
      %swap3A_210 = vector.shape_cast %add3A_205 : vector<16xf32> to vector<1x16xf32>
      tpu.vector_store %arg7[%swap3A_206, %swap3A_207], %swap3A_210 {strides = array<i32>} : memref<32x1024xf32, #tpu.memory_space<vmem>>, vector<1x16xf32>,
      %get3A_211 = arith.index_cast %scan3A_44 : i32 to index
      %get3A_212 = arith.constant 192 : index
      %get3A_213 = tpu.vector_load %arg7[%get3A_211, %get3A_212] {strides = array<i32>} : memref<32x1024xf32, #tpu.memory_space<vmem>>, vector<1x16xf32>,
      %get3A_214 = vector.shape_cast %get3A_213 : vector<1x16xf32> to vector<16xf32>
      %get3A_215 = arith.index_cast %scan3A_44 : i32 to index
      %get3A_216 = arith.constant 192 : index
      %get3A_217 = tpu.vector_load %arg8[%get3A_215, %get3A_216] {strides = array<i32>} : memref<32x1024xf32, #tpu.memory_space<vmem>>, vector<1x16xf32>,
      %get3A_218 = vector.shape_cast %get3A_217 : vector<1x16xf32> to vector<16xf32>
      %add3A_219 = arith.addf %get3A_214, %get3A_218 : vector<16xf32>
      %swap3A_220 = arith.index_cast %scan3A_44 : i32 to index
      %swap3A_221 = arith.constant 192 : index
      %swap3A_222 = tpu.vector_load %arg7[%swap3A_220, %swap3A_221] {strides = array<i32>} : memref<32x1024xf32, #tpu.memory_space<vmem>>, vector<1x16xf32>,
      %swap3A_223 = vector.shape_cast %swap3A_222 : vector<1x16xf32> to vector<16xf32>
      %swap3A_224 = vector.shape_cast %add3A_219 : vector<16xf32> to vector<1x16xf32>
      tpu.vector_store %arg7[%swap3A_220, %swap3A_221], %swap3A_224 {strides = array<i32>} : memref<32x1024xf32, #tpu.memory_space<vmem>>, vector<1x16xf32>,
      %get3A_225 = arith.index_cast %scan3A_44 : i32 to index
      %get3A_226 = arith.constant 208 : index
      %get3A_227 = tpu.vector_load %arg7[%get3A_225, %get3A_226] {strides = array<i32>} : memref<32x1024xf32, #tpu.memory_space<vmem>>, vector<1x16xf32>,
      %get3A_228 = vector.shape_cast %get3A_227 : vector<1x16xf32> to vector<16xf32>
      %get3A_229 = arith.index_cast %scan3A_44 : i32 to index
      %get3A_230 = arith.constant 208 : index
      %get3A_231 = tpu.vector_load %arg8[%get3A_229, %get3A_230] {strides = array<i32>} : memref<32x1024xf32, #tpu.memory_space<vmem>>, vector<1x16xf32>,
      %get3A_232 = vector.shape_cast %get3A_231 : vector<1x16xf32> to vector<16xf32>
      %add3A_233 = arith.addf %get3A_228, %get3A_232 : vector<16xf32>
      %swap3A_234 = arith.index_cast %scan3A_44 : i32 to index
      %swap3A_235 = arith.constant 208 : index
      %swap3A_236 = tpu.vector_load %arg7[%swap3A_234, %swap3A_235] {strides = array<i32>} : memref<32x1024xf32, #tpu.memory_space<vmem>>, vector<1x16xf32>,
      %swap3A_237 = vector.shape_cast %swap3A_236 : vector<1x16xf32> to vector<16xf32>
      %swap3A_238 = vector.shape_cast %add3A_233 : vector<16xf32> to vector<1x16xf32>
      tpu.vector_store %arg7[%swap3A_234, %swap3A_235], %swap3A_238 {strides = array<i32>} : memref<32x1024xf32, #tpu.memory_space<vmem>>, vector<1x16xf32>,
      %get3A_239 = arith.index_cast %scan3A_44 : i32 to index
      %get3A_240 = arith.constant 224 : index
      %get3A_241 = tpu.vector_load %arg7[%get3A_239, %get3A_240] {strides = array<i32>} : memref<32x1024xf32, #tpu.memory_space<vmem>>, vector<1x16xf32>,
      %get3A_242 = vector.shape_cast %get3A_241 : vector<1x16xf32> to vector<16xf32>
      %get3A_243 = arith.index_cast %scan3A_44 : i32 to index
      %get3A_244 = arith.constant 224 : index
      %get3A_245 = tpu.vector_load %arg8[%get3A_243, %get3A_244] {strides = array<i32>} : memref<32x1024xf32, #tpu.memory_space<vmem>>, vector<1x16xf32>,
      %get3A_246 = vector.shape_cast %get3A_245 : vector<1x16xf32> to vector<16xf32>
      %add3A_247 = arith.addf %get3A_242, %get3A_246 : vector<16xf32>
      %swap3A_248 = arith.index_cast %scan3A_44 : i32 to index
      %swap3A_249 = arith.constant 224 : index
      %swap3A_250 = tpu.vector_load %arg7[%swap3A_248, %swap3A_249] {strides = array<i32>} : memref<32x1024xf32, #tpu.memory_space<vmem>>, vector<1x16xf32>,
      %swap3A_251 = vector.shape_cast %swap3A_250 : vector<1x16xf32> to vector<16xf32>
      %swap3A_252 = vector.shape_cast %add3A_247 : vector<16xf32> to vector<1x16xf32>
      tpu.vector_store %arg7[%swap3A_248, %swap3A_249], %swap3A_252 {strides = array<i32>} : memref<32x1024xf32, #tpu.memory_space<vmem>>, vector<1x16xf32>,
      %get3A_253 = arith.index_cast %scan3A_44 : i32 to index
      %get3A_254 = arith.constant 240 : index
      %get3A_255 = tpu.vector_load %arg7[%get3A_253, %get3A_254] {strides = array<i32>} : memref<32x1024xf32, #tpu.memory_space<vmem>>, vector<1x16xf32>,
      %get3A_256 = vector.shape_cast %get3A_255 : vector<1x16xf32> to vector<16xf32>
      %get3A_257 = arith.index_cast %scan3A_44 : i32 to index
      %get3A_258 = arith.constant 240 : index
      %get3A_259 = tpu.vector_load %arg8[%get3A_257, %get3A_258] {strides = array<i32>} : memref<32x1024xf32, #tpu.memory_space<vmem>>, vector<1x16xf32>,
      %get3A_260 = vector.shape_cast %get3A_259 : vector<1x16xf32> to vector<16xf32>
      %add3A_261 = arith.addf %get3A_256, %get3A_260 : vector<16xf32>
      %swap3A_262 = arith.index_cast %scan3A_44 : i32 to index
      %swap3A_263 = arith.constant 240 : index
      %swap3A_264 = tpu.vector_load %arg7[%swap3A_262, %swap3A_263] {strides = array<i32>} : memref<32x1024xf32, #tpu.memory_space<vmem>>, vector<1x16xf32>,
      %swap3A_265 = vector.shape_cast %swap3A_264 : vector<1x16xf32> to vector<16xf32>
      %swap3A_266 = vector.shape_cast %add3A_261 : vector<16xf32> to vector<1x16xf32>
      tpu.vector_store %arg7[%swap3A_262, %swap3A_263], %swap3A_266 {strides = array<i32>} : memref<32x1024xf32, #tpu.memory_space<vmem>>, vector<1x16xf32>,
      %get3A_267 = arith.index_cast %scan3A_44 : i32 to index
      %get3A_268 = arith.constant 256 : index
      %get3A_269 = tpu.vector_load %arg7[%get3A_267, %get3A_268] {strides = array<i32>} : memref<32x1024xf32, #tpu.memory_space<vmem>>, vector<1x16xf32>,
      %get3A_270 = vector.shape_cast %get3A_269 : vector<1x16xf32> to vector<16xf32>
      %get3A_271 = arith.index_cast %scan3A_44 : i32 to index
      %get3A_272 = arith.constant 256 : index
      %get3A_273 = tpu.vector_load %arg8[%get3A_271, %get3A_272] {strides = array<i32>} : memref<32x1024xf32, #tpu.memory_space<vmem>>, vector<1x16xf32>,
      %get3A_274 = vector.shape_cast %get3A_273 : vector<1x16xf32> to vector<16xf32>
      %add3A_275 = arith.addf %get3A_270, %get3A_274 : vector<16xf32>
      %swap3A_276 = arith.index_cast %scan3A_44 : i32 to index
      %swap3A_277 = arith.constant 256 : index
      %swap3A_278 = tpu.vector_load %arg7[%swap3A_276, %swap3A_277] {strides = array<i32>} : memref<32x1024xf32, #tpu.memory_space<vmem>>, vector<1x16xf32>,
      %swap3A_279 = vector.shape_cast %swap3A_278 : vector<1x16xf32> to vector<16xf32>
      %swap3A_280 = vector.shape_cast %add3A_275 : vector<16xf32> to vector<1x16xf32>
      tpu.vector_store %arg7[%swap3A_276, %swap3A_277], %swap3A_280 {strides = array<i32>} : memref<32x1024xf32, #tpu.memory_space<vmem>>, vector<1x16xf32>,
      %get3A_281 = arith.index_cast %scan3A_44 : i32 to index
      %get3A_282 = arith.constant 272 : index
      %get3A_283 = tpu.vector_load %arg7[%get3A_281, %get3A_282] {strides = array<i32>} : memref<32x1024xf32, #tpu.memory_space<vmem>>, vector<1x16xf32>,
      %get3A_284 = vector.shape_cast %get3A_283 : vector<1x16xf32> to vector<16xf32>
      %get3A_285 = arith.index_cast %scan3A_44 : i32 to index
      %get3A_286 = arith.constant 272 : index
      %get3A_287 = tpu.vector_load %arg8[%get3A_285, %get3A_286] {strides = array<i32>} : memref<32x1024xf32, #tpu.memory_space<vmem>>, vector<1x16xf32>,
      %get3A_288 = vector.shape_cast %get3A_287 : vector<1x16xf32> to vector<16xf32>
      %add3A_289 = arith.addf %get3A_284, %get3A_288 : vector<16xf32>
      %swap3A_290 = arith.index_cast %scan3A_44 : i32 to index
      %swap3A_291 = arith.constant 272 : index
      %swap3A_292 = tpu.vector_load %arg7[%swap3A_290, %swap3A_291] {strides = array<i32>} : memref<32x1024xf32, #tpu.memory_space<vmem>>, vector<1x16xf32>,
      %swap3A_293 = vector.shape_cast %swap3A_292 : vector<1x16xf32> to vector<16xf32>
      %swap3A_294 = vector.shape_cast %add3A_289 : vector<16xf32> to vector<1x16xf32>
      tpu.vector_store %arg7[%swap3A_290, %swap3A_291], %swap3A_294 {strides = array<i32>} : memref<32x1024xf32, #tpu.memory_space<vmem>>, vector<1x16xf32>,
      %get3A_295 = arith.index_cast %scan3A_44 : i32 to index
      %get3A_296 = arith.constant 288 : index
      %get3A_297 = tpu.vector_load %arg7[%get3A_295, %get3A_296] {strides = array<i32>} : memref<32x1024xf32, #tpu.memory_space<vmem>>, vector<1x16xf32>,
      %get3A_298 = vector.shape_cast %get3A_297 : vector<1x16xf32> to vector<16xf32>
      %get3A_299 = arith.index_cast %scan3A_44 : i32 to index
      %get3A_300 = arith.constant 288 : index
      %get3A_301 = tpu.vector_load %arg8[%get3A_299, %get3A_300] {strides = array<i32>} : memref<32x1024xf32, #tpu.memory_space<vmem>>, vector<1x16xf32>,
      %get3A_302 = vector.shape_cast %get3A_301 : vector<1x16xf32> to vector<16xf32>
      %add3A_303 = arith.addf %get3A_298, %get3A_302 : vector<16xf32>
      %swap3A_304 = arith.index_cast %scan3A_44 : i32 to index
      %swap3A_305 = arith.constant 288 : index
      %swap3A_306 = tpu.vector_load %arg7[%swap3A_304, %swap3A_305] {strides = array<i32>} : memref<32x1024xf32, #tpu.memory_space<vmem>>, vector<1x16xf32>,
      %swap3A_307 = vector.shape_cast %swap3A_306 : vector<1x16xf32> to vector<16xf32>
      %swap3A_308 = vector.shape_cast %add3A_303 : vector<16xf32> to vector<1x16xf32>
      tpu.vector_store %arg7[%swap3A_304, %swap3A_305], %swap3A_308 {strides = array<i32>} : memref<32x1024xf32, #tpu.memory_space<vmem>>, vector<1x16xf32>,
      %get3A_309 = arith.index_cast %scan3A_44 : i32 to index
      %get3A_310 = arith.constant 304 : index
      %get3A_311 = tpu.vector_load %arg7[%get3A_309, %get3A_310] {strides = array<i32>} : memref<32x1024xf32, #tpu.memory_space<vmem>>, vector<1x16xf32>,
      %get3A_312 = vector.shape_cast %get3A_311 : vector<1x16xf32> to vector<16xf32>
      %get3A_313 = arith.index_cast %scan3A_44 : i32 to index
      %get3A_314 = arith.constant 304 : index
      %get3A_315 = tpu.vector_load %arg8[%get3A_313, %get3A_314] {strides = array<i32>} : memref<32x1024xf32, #tpu.memory_space<vmem>>, vector<1x16xf32>,
      %get3A_316 = vector.shape_cast %get3A_315 : vector<1x16xf32> to vector<16xf32>
      %add3A_317 = arith.addf %get3A_312, %get3A_316 : vector<16xf32>
      %swap3A_318 = arith.index_cast %scan3A_44 : i32 to index
      %swap3A_319 = arith.constant 304 : index
      %swap3A_320 = tpu.vector_load %arg7[%swap3A_318, %swap3A_319] {strides = array<i32>} : memref<32x1024xf32, #tpu.memory_space<vmem>>, vector<1x16xf32>,
      %swap3A_321 = vector.shape_cast %swap3A_320 : vector<1x16xf32> to vector<16xf32>
      %swap3A_322 = vector.shape_cast %add3A_317 : vector<16xf32> to vector<1x16xf32>
      tpu.vector_store %arg7[%swap3A_318, %swap3A_319], %swap3A_322 {strides = array<i32>} : memref<32x1024xf32, #tpu.memory_space<vmem>>, vector<1x16xf32>,
      %get3A_323 = arith.index_cast %scan3A_44 : i32 to index
      %get3A_324 = arith.constant 320 : index
      %get3A_325 = tpu.vector_load %arg7[%get3A_323, %get3A_324] {strides = array<i32>} : memref<32x1024xf32, #tpu.memory_space<vmem>>, vector<1x16xf32>,
      %get3A_326 = vector.shape_cast %get3A_325 : vector<1x16xf32> to vector<16xf32>
      %get3A_327 = arith.index_cast %scan3A_44 : i32 to index
      %get3A_328 = arith.constant 320 : index
      %get3A_329 = tpu.vector_load %arg8[%get3A_327, %get3A_328] {strides = array<i32>} : memref<32x1024xf32, #tpu.memory_space<vmem>>, vector<1x16xf32>,
      %get3A_330 = vector.shape_cast %get3A_329 : vector<1x16xf32> to vector<16xf32>
      %add3A_331 = arith.addf %get3A_326, %get3A_330 : vector<16xf32>
      %swap3A_332 = arith.index_cast %scan3A_44 : i32 to index
      %swap3A_333 = arith.constant 320 : index
      %swap3A_334 = tpu.vector_load %arg7[%swap3A_332, %swap3A_333] {strides = array<i32>} : memref<32x1024xf32, #tpu.memory_space<vmem>>, vector<1x16xf32>,
      %swap3A_335 = vector.shape_cast %swap3A_334 : vector<1x16xf32> to vector<16xf32>
      %swap3A_336 = vector.shape_cast %add3A_331 : vector<16xf32> to vector<1x16xf32>
      tpu.vector_store %arg7[%swap3A_332, %swap3A_333], %swap3A_336 {strides = array<i32>} : memref<32x1024xf32, #tpu.memory_space<vmem>>, vector<1x16xf32>,
      %get3A_337 = arith.index_cast %scan3A_44 : i32 to index
      %get3A_338 = arith.constant 336 : index
      %get3A_339 = tpu.vector_load %arg7[%get3A_337, %get3A_338] {strides = array<i32>} : memref<32x1024xf32, #tpu.memory_space<vmem>>, vector<1x16xf32>,
      %get3A_340 = vector.shape_cast %get3A_339 : vector<1x16xf32> to vector<16xf32>
      %get3A_341 = arith.index_cast %scan3A_44 : i32 to index
      %get3A_342 = arith.constant 336 : index
      %get3A_343 = tpu.vector_load %arg8[%get3A_341, %get3A_342] {strides = array<i32>} : memref<32x1024xf32, #tpu.memory_space<vmem>>, vector<1x16xf32>,
      %get3A_344 = vector.shape_cast %get3A_343 : vector<1x16xf32> to vector<16xf32>
      %add3A_345 = arith.addf %get3A_340, %get3A_344 : vector<16xf32>
      %swap3A_346 = arith.index_cast %scan3A_44 : i32 to index
      %swap3A_347 = arith.constant 336 : index
      %swap3A_348 = tpu.vector_load %arg7[%swap3A_346, %swap3A_347] {strides = array<i32>} : memref<32x1024xf32, #tpu.memory_space<vmem>>, vector<1x16xf32>,
      %swap3A_349 = vector.shape_cast %swap3A_348 : vector<1x16xf32> to vector<16xf32>
      %swap3A_350 = vector.shape_cast %add3A_345 : vector<16xf32> to vector<1x16xf32>
      tpu.vector_store %arg7[%swap3A_346, %swap3A_347], %swap3A_350 {strides = array<i32>} : memref<32x1024xf32, #tpu.memory_space<vmem>>, vector<1x16xf32>,
      %get3A_351 = arith.index_cast %scan3A_44 : i32 to index
      %get3A_352 = arith.constant 352 : index
      %get3A_353 = tpu.vector_load %arg7[%get3A_351, %get3A_352] {strides = array<i32>} : memref<32x1024xf32, #tpu.memory_space<vmem>>, vector<1x16xf32>,
      %get3A_354 = vector.shape_cast %get3A_353 : vector<1x16xf32> to vector<16xf32>
      %get3A_355 = arith.index_cast %scan3A_44 : i32 to index
      %get3A_356 = arith.constant 352 : index
      %get3A_357 = tpu.vector_load %arg8[%get3A_355, %get3A_356] {strides = array<i32>} : memref<32x1024xf32, #tpu.memory_space<vmem>>, vector<1x16xf32>,
      %get3A_358 = vector.shape_cast %get3A_357 : vector<1x16xf32> to vector<16xf32>
      %add3A_359 = arith.addf %get3A_354, %get3A_358 : vector<16xf32>
      %swap3A_360 = arith.index_cast %scan3A_44 : i32 to index
      %swap3A_361 = arith.constant 352 : index
      %swap3A_362 = tpu.vector_load %arg7[%swap3A_360, %swap3A_361] {strides = array<i32>} : memref<32x1024xf32, #tpu.memory_space<vmem>>, vector<1x16xf32>,
      %swap3A_363 = vector.shape_cast %swap3A_362 : vector<1x16xf32> to vector<16xf32>
      %swap3A_364 = vector.shape_cast %add3A_359 : vector<16xf32> to vector<1x16xf32>
      tpu.vector_store %arg7[%swap3A_360, %swap3A_361], %swap3A_364 {strides = array<i32>} : memref<32x1024xf32, #tpu.memory_space<vmem>>, vector<1x16xf32>,
      %get3A_365 = arith.index_cast %scan3A_44 : i32 to index
      %get3A_366 = arith.constant 368 : index
      %get3A_367 = tpu.vector_load %arg7[%get3A_365, %get3A_366] {strides = array<i32>} : memref<32x1024xf32, #tpu.memory_space<vmem>>, vector<1x16xf32>,
      %get3A_368 = vector.shape_cast %get3A_367 : vector<1x16xf32> to vector<16xf32>
      %get3A_369 = arith.index_cast %scan3A_44 : i32 to index
      %get3A_370 = arith.constant 368 : index
      %get3A_371 = tpu.vector_load %arg8[%get3A_369, %get3A_370] {strides = array<i32>} : memref<32x1024xf32, #tpu.memory_space<vmem>>, vector<1x16xf32>,
      %get3A_372 = vector.shape_cast %get3A_371 : vector<1x16xf32> to vector<16xf32>
      %add3A_373 = arith.addf %get3A_368, %get3A_372 : vector<16xf32>
      %swap3A_374 = arith.index_cast %scan3A_44 : i32 to index
      %swap3A_375 = arith.constant 368 : index
      %swap3A_376 = tpu.vector_load %arg7[%swap3A_374, %swap3A_375] {strides = array<i32>} : memref<32x1024xf32, #tpu.memory_space<vmem>>, vector<1x16xf32>,
      %swap3A_377 = vector.shape_cast %swap3A_376 : vector<1x16xf32> to vector<16xf32>
      %swap3A_378 = vector.shape_cast %add3A_373 : vector<16xf32> to vector<1x16xf32>
      tpu.vector_store %arg7[%swap3A_374, %swap3A_375], %swap3A_378 {strides = array<i32>} : memref<32x1024xf32, #tpu.memory_space<vmem>>, vector<1x16xf32>,
      %get3A_379 = arith.index_cast %scan3A_44 : i32 to index
      %get3A_380 = arith.constant 384 : index
      %get3A_381 = tpu.vector_load %arg7[%get3A_379, %get3A_380] {strides = array<i32>} : memref<32x1024xf32, #tpu.memory_space<vmem>>, vector<1x16xf32>,
      %get3A_382 = vector.shape_cast %get3A_381 : vector<1x16xf32> to vector<16xf32>
      %get3A_383 = arith.index_cast %scan3A_44 : i32 to index
      %get3A_384 = arith.constant 384 : index
      %get3A_385 = tpu.vector_load %arg8[%get3A_383, %get3A_384] {strides = array<i32>} : memref<32x1024xf32, #tpu.memory_space<vmem>>, vector<1x16xf32>,
      %get3A_386 = vector.shape_cast %get3A_385 : vector<1x16xf32> to vector<16xf32>
      %add3A_387 = arith.addf %get3A_382, %get3A_386 : vector<16xf32>
      %swap3A_388 = arith.index_cast %scan3A_44 : i32 to index
      %swap3A_389 = arith.constant 384 : index
      %swap3A_390 = tpu.vector_load %arg7[%swap3A_388, %swap3A_389] {strides = array<i32>} : memref<32x1024xf32, #tpu.memory_space<vmem>>, vector<1x16xf32>,
      %swap3A_391 = vector.shape_cast %swap3A_390 : vector<1x16xf32> to vector<16xf32>
      %swap3A_392 = vector.shape_cast %add3A_387 : vector<16xf32> to vector<1x16xf32>
      tpu.vector_store %arg7[%swap3A_388, %swap3A_389], %swap3A_392 {strides = array<i32>} : memref<32x1024xf32, #tpu.memory_space<vmem>>, vector<1x16xf32>,
      %get3A_393 = arith.index_cast %scan3A_44 : i32 to index
      %get3A_394 = arith.constant 400 : index
      %get3A_395 = tpu.vector_load %arg7[%get3A_393, %get3A_394] {strides = array<i32>} : memref<32x1024xf32, #tpu.memory_space<vmem>>, vector<1x16xf32>,
      %get3A_396 = vector.shape_cast %get3A_395 : vector<1x16xf32> to vector<16xf32>
      %get3A_397 = arith.index_cast %scan3A_44 : i32 to index
      %get3A_398 = arith.constant 400 : index
      %get3A_399 = tpu.vector_load %arg8[%get3A_397, %get3A_398] {strides = array<i32>} : memref<32x1024xf32, #tpu.memory_space<vmem>>, vector<1x16xf32>,
      %get3A_400 = vector.shape_cast %get3A_399 : vector<1x16xf32> to vector<16xf32>
      %add3A_401 = arith.addf %get3A_396, %get3A_400 : vector<16xf32>
      %swap3A_402 = arith.index_cast %scan3A_44 : i32 to index
      %swap3A_403 = arith.constant 400 : index
      %swap3A_404 = tpu.vector_load %arg7[%swap3A_402, %swap3A_403] {strides = array<i32>} : memref<32x1024xf32, #tpu.memory_space<vmem>>, vector<1x16xf32>,
      %swap3A_405 = vector.shape_cast %swap3A_404 : vector<1x16xf32> to vector<16xf32>
      %swap3A_406 = vector.shape_cast %add3A_401 : vector<16xf32> to vector<1x16xf32>
      tpu.vector_store %arg7[%swap3A_402, %swap3A_403], %swap3A_406 {strides = array<i32>} : memref<32x1024xf32, #tpu.memory_space<vmem>>, vector<1x16xf32>,
      %get3A_407 = arith.index_cast %scan3A_44 : i32 to index
      %get3A_408 = arith.constant 416 : index
      %get3A_409 = tpu.vector_load %arg7[%get3A_407, %get3A_408] {strides = array<i32>} : memref<32x1024xf32, #tpu.memory_space<vmem>>, vector<1x16xf32>,
      %get3A_410 = vector.shape_cast %get3A_409 : vector<1x16xf32> to vector<16xf32>
      %get3A_411 = arith.index_cast %scan3A_44 : i32 to index
      %get3A_412 = arith.constant 416 : index
      %get3A_413 = tpu.vector_load %arg8[%get3A_411, %get3A_412] {strides = array<i32>} : memref<32x1024xf32, #tpu.memory_space<vmem>>, vector<1x16xf32>,
      %get3A_414 = vector.shape_cast %get3A_413 : vector<1x16xf32> to vector<16xf32>
      %add3A_415 = arith.addf %get3A_410, %get3A_414 : vector<16xf32>
      %swap3A_416 = arith.index_cast %scan3A_44 : i32 to index
      %swap3A_417 = arith.constant 416 : index
      %swap3A_418 = tpu.vector_load %arg7[%swap3A_416, %swap3A_417] {strides = array<i32>} : memref<32x1024xf32, #tpu.memory_space<vmem>>, vector<1x16xf32>,
      %swap3A_419 = vector.shape_cast %swap3A_418 : vector<1x16xf32> to vector<16xf32>
      %swap3A_420 = vector.shape_cast %add3A_415 : vector<16xf32> to vector<1x16xf32>
      tpu.vector_store %arg7[%swap3A_416, %swap3A_417], %swap3A_420 {strides = array<i32>} : memref<32x1024xf32, #tpu.memory_space<vmem>>, vector<1x16xf32>,
      %get3A_421 = arith.index_cast %scan3A_44 : i32 to index
      %get3A_422 = arith.constant 432 : index
      %get3A_423 = tpu.vector_load %arg7[%get3A_421, %get3A_422] {strides = array<i32>} : memref<32x1024xf32, #tpu.memory_space<vmem>>, vector<1x16xf32>,
      %get3A_424 = vector.shape_cast %get3A_423 : vector<1x16xf32> to vector<16xf32>
      %get3A_425 = arith.index_cast %scan3A_44 : i32 to index
      %get3A_426 = arith.constant 432 : index
      %get3A_427 = tpu.vector_load %arg8[%get3A_425, %get3A_426] {strides = array<i32>} : memref<32x1024xf32, #tpu.memory_space<vmem>>, vector<1x16xf32>,
      %get3A_428 = vector.shape_cast %get3A_427 : vector<1x16xf32> to vector<16xf32>
      %add3A_429 = arith.addf %get3A_424, %get3A_428 : vector<16xf32>
      %swap3A_430 = arith.index_cast %scan3A_44 : i32 to index
      %swap3A_431 = arith.constant 432 : index
      %swap3A_432 = tpu.vector_load %arg7[%swap3A_430, %swap3A_431] {strides = array<i32>} : memref<32x1024xf32, #tpu.memory_space<vmem>>, vector<1x16xf32>,
      %swap3A_433 = vector.shape_cast %swap3A_432 : vector<1x16xf32> to vector<16xf32>
      %swap3A_434 = vector.shape_cast %add3A_429 : vector<16xf32> to vector<1x16xf32>
      tpu.vector_store %arg7[%swap3A_430, %swap3A_431], %swap3A_434 {strides = array<i32>} : memref<32x1024xf32, #tpu.memory_space<vmem>>, vector<1x16xf32>,
      %get3A_435 = arith.index_cast %scan3A_44 : i32 to index
      %get3A_436 = arith.constant 448 : index
      %get3A_437 = tpu.vector_load %arg7[%get3A_435, %get3A_436] {strides = array<i32>} : memref<32x1024xf32, #tpu.memory_space<vmem>>, vector<1x16xf32>,
      %get3A_438 = vector.shape_cast %get3A_437 : vector<1x16xf32> to vector<16xf32>
      %get3A_439 = arith.index_cast %scan3A_44 : i32 to index
      %get3A_440 = arith.constant 448 : index
      %get3A_441 = tpu.vector_load %arg8[%get3A_439, %get3A_440] {strides = array<i32>} : memref<32x1024xf32, #tpu.memory_space<vmem>>, vector<1x16xf32>,
      %get3A_442 = vector.shape_cast %get3A_441 : vector<1x16xf32> to vector<16xf32>
      %add3A_443 = arith.addf %get3A_438, %get3A_442 : vector<16xf32>
      %swap3A_444 = arith.index_cast %scan3A_44 : i32 to index
      %swap3A_445 = arith.constant 448 : index
      %swap3A_446 = tpu.vector_load %arg7[%swap3A_444, %swap3A_445] {strides = array<i32>} : memref<32x1024xf32, #tpu.memory_space<vmem>>, vector<1x16xf32>,
      %swap3A_447 = vector.shape_cast %swap3A_446 : vector<1x16xf32> to vector<16xf32>
      %swap3A_448 = vector.shape_cast %add3A_443 : vector<16xf32> to vector<1x16xf32>
      tpu.vector_store %arg7[%swap3A_444, %swap3A_445], %swap3A_448 {strides = array<i32>} : memref<32x1024xf32, #tpu.memory_space<vmem>>, vector<1x16xf32>,
      %get3A_449 = arith.index_cast %scan3A_44 : i32 to index
      %get3A_450 = arith.constant 464 : index
      %get3A_451 = tpu.vector_load %arg7[%get3A_449, %get3A_450] {strides = array<i32>} : memref<32x1024xf32, #tpu.memory_space<vmem>>, vector<1x16xf32>,
      %get3A_452 = vector.shape_cast %get3A_451 : vector<1x16xf32> to vector<16xf32>
      %get3A_453 = arith.index_cast %scan3A_44 : i32 to index
      %get3A_454 = arith.constant 464 : index
      %get3A_455 = tpu.vector_load %arg8[%get3A_453, %get3A_454] {strides = array<i32>} : memref<32x1024xf32, #tpu.memory_space<vmem>>, vector<1x16xf32>,
      %get3A_456 = vector.shape_cast %get3A_455 : vector<1x16xf32> to vector<16xf32>
      %add3A_457 = arith.addf %get3A_452, %get3A_456 : vector<16xf32>
      %swap3A_458 = arith.index_cast %scan3A_44 : i32 to index
      %swap3A_459 = arith.constant 464 : index
      %swap3A_460 = tpu.vector_load %arg7[%swap3A_458, %swap3A_459] {strides = array<i32>} : memref<32x1024xf32, #tpu.memory_space<vmem>>, vector<1x16xf32>,
      %swap3A_461 = vector.shape_cast %swap3A_460 : vector<1x16xf32> to vector<16xf32>
      %swap3A_462 = vector.shape_cast %add3A_457 : vector<16xf32> to vector<1x16xf32>
      tpu.vector_store %arg7[%swap3A_458, %swap3A_459], %swap3A_462 {strides = array<i32>} : memref<32x1024xf32, #tpu.memory_space<vmem>>, vector<1x16xf32>,
      %get3A_463 = arith.index_cast %scan3A_44 : i32 to index
      %get3A_464 = arith.constant 480 : index
      %get3A_465 = tpu.vector_load %arg7[%get3A_463, %get3A_464] {strides = array<i32>} : memref<32x1024xf32, #tpu.memory_space<vmem>>, vector<1x16xf32>,
      %get3A_466 = vector.shape_cast %get3A_465 : vector<1x16xf32> to vector<16xf32>
      %get3A_467 = arith.index_cast %scan3A_44 : i32 to index
      %get3A_468 = arith.constant 480 : index
      %get3A_469 = tpu.vector_load %arg8[%get3A_467, %get3A_468] {strides = array<i32>} : memref<32x1024xf32, #tpu.memory_space<vmem>>, vector<1x16xf32>,
      %get3A_470 = vector.shape_cast %get3A_469 : vector<1x16xf32> to vector<16xf32>
      %add3A_471 = arith.addf %get3A_466, %get3A_470 : vector<16xf32>
      %swap3A_472 = arith.index_cast %scan3A_44 : i32 to index
      %swap3A_473 = arith.constant 480 : index
      %swap3A_474 = tpu.vector_load %arg7[%swap3A_472, %swap3A_473] {strides = array<i32>} : memref<32x1024xf32, #tpu.memory_space<vmem>>, vector<1x16xf32>,
      %swap3A_475 = vector.shape_cast %swap3A_474 : vector<1x16xf32> to vector<16xf32>
      %swap3A_476 = vector.shape_cast %add3A_471 : vector<16xf32> to vector<1x16xf32>
      tpu.vector_store %arg7[%swap3A_472, %swap3A_473], %swap3A_476 {strides = array<i32>} : memref<32x1024xf32, #tpu.memory_space<vmem>>, vector<1x16xf32>,
      %get3A_477 = arith.index_cast %scan3A_44 : i32 to index
      %get3A_478 = arith.constant 496 : index
      %get3A_479 = tpu.vector_load %arg7[%get3A_477, %get3A_478] {strides = array<i32>} : memref<32x1024xf32, #tpu.memory_space<vmem>>, vector<1x16xf32>,
      %get3A_480 = vector.shape_cast %get3A_479 : vector<1x16xf32> to vector<16xf32>
      %get3A_481 = arith.index_cast %scan3A_44 : i32 to index
      %get3A_482 = arith.constant 496 : index
      %get3A_483 = tpu.vector_load %arg8[%get3A_481, %get3A_482] {strides = array<i32>} : memref<32x1024xf32, #tpu.memory_space<vmem>>, vector<1x16xf32>,
      %get3A_484 = vector.shape_cast %get3A_483 : vector<1x16xf32> to vector<16xf32>
      %add3A_485 = arith.addf %get3A_480, %get3A_484 : vector<16xf32>
      %swap3A_486 = arith.index_cast %scan3A_44 : i32 to index
      %swap3A_487 = arith.constant 496 : index
      %swap3A_488 = tpu.vector_load %arg7[%swap3A_486, %swap3A_487] {strides = array<i32>} : memref<32x1024xf32, #tpu.memory_space<vmem>>, vector<1x16xf32>,
      %swap3A_489 = vector.shape_cast %swap3A_488 : vector<1x16xf32> to vector<16xf32>
      %swap3A_490 = vector.shape_cast %add3A_485 : vector<16xf32> to vector<1x16xf32>
      tpu.vector_store %arg7[%swap3A_486, %swap3A_487], %swap3A_490 {strides = array<i32>} : memref<32x1024xf32, #tpu.memory_space<vmem>>, vector<1x16xf32>,
      %get3A_491 = arith.index_cast %scan3A_44 : i32 to index
      %get3A_492 = arith.constant 512 : index
      %get3A_493 = tpu.vector_load %arg7[%get3A_491, %get3A_492] {strides = array<i32>} : memref<32x1024xf32, #tpu.memory_space<vmem>>, vector<1x16xf32>,
      %get3A_494 = vector.shape_cast %get3A_493 : vector<1x16xf32> to vector<16xf32>
      %get3A_495 = arith.index_cast %scan3A_44 : i32 to index
      %get3A_496 = arith.constant 512 : index
      %get3A_497 = tpu.vector_load %arg8[%get3A_495, %get3A_496] {strides = array<i32>} : memref<32x1024xf32, #tpu.memory_space<vmem>>, vector<1x16xf32>,
      %get3A_498 = vector.shape_cast %get3A_497 : vector<1x16xf32> to vector<16xf32>
      %add3A_499 = arith.addf %get3A_494, %get3A_498 : vector<16xf32>
      %swap3A_500 = arith.index_cast %scan3A_44 : i32 to index
      %swap3A_501 = arith.constant 512 : index
      %swap3A_502 = tpu.vector_load %arg7[%swap3A_500, %swap3A_501] {strides = array<i32>} : memref<32x1024xf32, #tpu.memory_space<vmem>>, vector<1x16xf32>,
      %swap3A_503 = vector.shape_cast %swap3A_502 : vector<1x16xf32> to vector<16xf32>
      %swap3A_504 = vector.shape_cast %add3A_499 : vector<16xf32> to vector<1x16xf32>
      tpu.vector_store %arg7[%swap3A_500, %swap3A_501], %swap3A_504 {strides = array<i32>} : memref<32x1024xf32, #tpu.memory_space<vmem>>, vector<1x16xf32>,
      %get3A_505 = arith.index_cast %scan3A_44 : i32 to index
      %get3A_506 = arith.constant 528 : index
      %get3A_507 = tpu.vector_load %arg7[%get3A_505, %get3A_506] {strides = array<i32>} : memref<32x1024xf32, #tpu.memory_space<vmem>>, vector<1x16xf32>,
      %get3A_508 = vector.shape_cast %get3A_507 : vector<1x16xf32> to vector<16xf32>
      %get3A_509 = arith.index_cast %scan3A_44 : i32 to index
      %get3A_510 = arith.constant 528 : index
      %get3A_511 = tpu.vector_load %arg8[%get3A_509, %get3A_510] {strides = array<i32>} : memref<32x1024xf32, #tpu.memory_space<vmem>>, vector<1x16xf32>,
      %get3A_512 = vector.shape_cast %get3A_511 : vector<1x16xf32> to vector<16xf32>
      %add3A_513 = arith.addf %get3A_508, %get3A_512 : vector<16xf32>
      %swap3A_514 = arith.index_cast %scan3A_44 : i32 to index
      %swap3A_515 = arith.constant 528 : index
      %swap3A_516 = tpu.vector_load %arg7[%swap3A_514, %swap3A_515] {strides = array<i32>} : memref<32x1024xf32, #tpu.memory_space<vmem>>, vector<1x16xf32>,
      %swap3A_517 = vector.shape_cast %swap3A_516 : vector<1x16xf32> to vector<16xf32>
      %swap3A_518 = vector.shape_cast %add3A_513 : vector<16xf32> to vector<1x16xf32>
      tpu.vector_store %arg7[%swap3A_514, %swap3A_515], %swap3A_518 {strides = array<i32>} : memref<32x1024xf32, #tpu.memory_space<vmem>>, vector<1x16xf32>,
      %get3A_519 = arith.index_cast %scan3A_44 : i32 to index
      %get3A_520 = arith.constant 544 : index
      %get3A_521 = tpu.vector_load %arg7[%get3A_519, %get3A_520] {strides = array<i32>} : memref<32x1024xf32, #tpu.memory_space<vmem>>, vector<1x16xf32>,
      %get3A_522 = vector.shape_cast %get3A_521 : vector<1x16xf32> to vector<16xf32>
      %get3A_523 = arith.index_cast %scan3A_44 : i32 to index
      %get3A_524 = arith.constant 544 : index
      %get3A_525 = tpu.vector_load %arg8[%get3A_523, %get3A_524] {strides = array<i32>} : memref<32x1024xf32, #tpu.memory_space<vmem>>, vector<1x16xf32>,
      %get3A_526 = vector.shape_cast %get3A_525 : vector<1x16xf32> to vector<16xf32>
      %add3A_527 = arith.addf %get3A_522, %get3A_526 : vector<16xf32>
      %swap3A_528 = arith.index_cast %scan3A_44 : i32 to index
      %swap3A_529 = arith.constant 544 : index
      %swap3A_530 = tpu.vector_load %arg7[%swap3A_528, %swap3A_529] {strides = array<i32>} : memref<32x1024xf32, #tpu.memory_space<vmem>>, vector<1x16xf32>,
      %swap3A_531 = vector.shape_cast %swap3A_530 : vector<1x16xf32> to vector<16xf32>
      %swap3A_532 = vector.shape_cast %add3A_527 : vector<16xf32> to vector<1x16xf32>
      tpu.vector_store %arg7[%swap3A_528, %swap3A_529], %swap3A_532 {strides = array<i32>} : memref<32x1024xf32, #tpu.memory_space<vmem>>, vector<1x16xf32>,
      %get3A_533 = arith.index_cast %scan3A_44 : i32 to index
      %get3A_534 = arith.constant 560 : index
      %get3A_535 = tpu.vector_load %arg7[%get3A_533, %get3A_534] {strides = array<i32>} : memref<32x1024xf32, #tpu.memory_space<vmem>>, vector<1x16xf32>,
      %get3A_536 = vector.shape_cast %get3A_535 : vector<1x16xf32> to vector<16xf32>
      %get3A_537 = arith.index_cast %scan3A_44 : i32 to index
      %get3A_538 = arith.constant 560 : index
      %get3A_539 = tpu.vector_load %arg8[%get3A_537, %get3A_538] {strides = array<i32>} : memref<32x1024xf32, #tpu.memory_space<vmem>>, vector<1x16xf32>,
      %get3A_540 = vector.shape_cast %get3A_539 : vector<1x16xf32> to vector<16xf32>
      %add3A_541 = arith.addf %get3A_536, %get3A_540 : vector<16xf32>
      %swap3A_542 = arith.index_cast %scan3A_44 : i32 to index
      %swap3A_543 = arith.constant 560 : index
      %swap3A_544 = tpu.vector_load %arg7[%swap3A_542, %swap3A_543] {strides = array<i32>} : memref<32x1024xf32, #tpu.memory_space<vmem>>, vector<1x16xf32>,
      %swap3A_545 = vector.shape_cast %swap3A_544 : vector<1x16xf32> to vector<16xf32>
      %swap3A_546 = vector.shape_cast %add3A_541 : vector<16xf32> to vector<1x16xf32>
      tpu.vector_store %arg7[%swap3A_542, %swap3A_543], %swap3A_546 {strides = array<i32>} : memref<32x1024xf32, #tpu.memory_space<vmem>>, vector<1x16xf32>,
      %get3A_547 = arith.index_cast %scan3A_44 : i32 to index
      %get3A_548 = arith.constant 576 : index
      %get3A_549 = tpu.vector_load %arg7[%get3A_547, %get3A_548] {strides = array<i32>} : memref<32x1024xf32, #tpu.memory_space<vmem>>, vector<1x16xf32>,
      %get3A_550 = vector.shape_cast %get3A_549 : vector<1x16xf32> to vector<16xf32>
      %get3A_551 = arith.index_cast %scan3A_44 : i32 to index
      %get3A_552 = arith.constant 576 : index
      %get3A_553 = tpu.vector_load %arg8[%get3A_551, %get3A_552] {strides = array<i32>} : memref<32x1024xf32, #tpu.memory_space<vmem>>, vector<1x16xf32>,
      %get3A_554 = vector.shape_cast %get3A_553 : vector<1x16xf32> to vector<16xf32>
      %add3A_555 = arith.addf %get3A_550, %get3A_554 : vector<16xf32>
      %swap3A_556 = arith.index_cast %scan3A_44 : i32 to index
      %swap3A_557 = arith.constant 576 : index
      %swap3A_558 = tpu.vector_load %arg7[%swap3A_556, %swap3A_557] {strides = array<i32>} : memref<32x1024xf32, #tpu.memory_space<vmem>>, vector<1x16xf32>,
      %swap3A_559 = vector.shape_cast %swap3A_558 : vector<1x16xf32> to vector<16xf32>
      %swap3A_560 = vector.shape_cast %add3A_555 : vector<16xf32> to vector<1x16xf32>
      tpu.vector_store %arg7[%swap3A_556, %swap3A_557], %swap3A_560 {strides = array<i32>} : memref<32x1024xf32, #tpu.memory_space<vmem>>, vector<1x16xf32>,
      %get3A_561 = arith.index_cast %scan3A_44 : i32 to index
      %get3A_562 = arith.constant 592 : index
      %get3A_563 = tpu.vector_load %arg7[%get3A_561, %get3A_562] {strides = array<i32>} : memref<32x1024xf32, #tpu.memory_space<vmem>>, vector<1x16xf32>,
      %get3A_564 = vector.shape_cast %get3A_563 : vector<1x16xf32> to vector<16xf32>
      %get3A_565 = arith.index_cast %scan3A_44 : i32 to index
      %get3A_566 = arith.constant 592 : index
      %get3A_567 = tpu.vector_load %arg8[%get3A_565, %get3A_566] {strides = array<i32>} : memref<32x1024xf32, #tpu.memory_space<vmem>>, vector<1x16xf32>,
      %get3A_568 = vector.shape_cast %get3A_567 : vector<1x16xf32> to vector<16xf32>
      %add3A_569 = arith.addf %get3A_564, %get3A_568 : vector<16xf32>
      %swap3A_570 = arith.index_cast %scan3A_44 : i32 to index
      %swap3A_571 = arith.constant 592 : index
      %swap3A_572 = tpu.vector_load %arg7[%swap3A_570, %swap3A_571] {strides = array<i32>} : memref<32x1024xf32, #tpu.memory_space<vmem>>, vector<1x16xf32>,
      %swap3A_573 = vector.shape_cast %swap3A_572 : vector<1x16xf32> to vector<16xf32>
      %swap3A_574 = vector.shape_cast %add3A_569 : vector<16xf32> to vector<1x16xf32>
      tpu.vector_store %arg7[%swap3A_570, %swap3A_571], %swap3A_574 {strides = array<i32>} : memref<32x1024xf32, #tpu.memory_space<vmem>>, vector<1x16xf32>,
      %get3A_575 = arith.index_cast %scan3A_44 : i32 to index
      %get3A_576 = arith.constant 608 : index
      %get3A_577 = tpu.vector_load %arg7[%get3A_575, %get3A_576] {strides = array<i32>} : memref<32x1024xf32, #tpu.memory_space<vmem>>, vector<1x16xf32>,
      %get3A_578 = vector.shape_cast %get3A_577 : vector<1x16xf32> to vector<16xf32>
      %get3A_579 = arith.index_cast %scan3A_44 : i32 to index
      %get3A_580 = arith.constant 608 : index
      %get3A_581 = tpu.vector_load %arg8[%get3A_579, %get3A_580] {strides = array<i32>} : memref<32x1024xf32, #tpu.memory_space<vmem>>, vector<1x16xf32>,
      %get3A_582 = vector.shape_cast %get3A_581 : vector<1x16xf32> to vector<16xf32>
      %add3A_583 = arith.addf %get3A_578, %get3A_582 : vector<16xf32>
      %swap3A_584 = arith.index_cast %scan3A_44 : i32 to index
      %swap3A_585 = arith.constant 608 : index
      %swap3A_586 = tpu.vector_load %arg7[%swap3A_584, %swap3A_585] {strides = array<i32>} : memref<32x1024xf32, #tpu.memory_space<vmem>>, vector<1x16xf32>,
      %swap3A_587 = vector.shape_cast %swap3A_586 : vector<1x16xf32> to vector<16xf32>
      %swap3A_588 = vector.shape_cast %add3A_583 : vector<16xf32> to vector<1x16xf32>
      tpu.vector_store %arg7[%swap3A_584, %swap3A_585], %swap3A_588 {strides = array<i32>} : memref<32x1024xf32, #tpu.memory_space<vmem>>, vector<1x16xf32>,
      %get3A_589 = arith.index_cast %scan3A_44 : i32 to index
      %get3A_590 = arith.constant 624 : index
      %get3A_591 = tpu.vector_load %arg7[%get3A_589, %get3A_590] {strides = array<i32>} : memref<32x1024xf32, #tpu.memory_space<vmem>>, vector<1x16xf32>,
      %get3A_592 = vector.shape_cast %get3A_591 : vector<1x16xf32> to vector<16xf32>
      %get3A_593 = arith.index_cast %scan3A_44 : i32 to index
      %get3A_594 = arith.constant 624 : index
      %get3A_595 = tpu.vector_load %arg8[%get3A_593, %get3A_594] {strides = array<i32>} : memref<32x1024xf32, #tpu.memory_space<vmem>>, vector<1x16xf32>,
      %get3A_596 = vector.shape_cast %get3A_595 : vector<1x16xf32> to vector<16xf32>
      %add3A_597 = arith.addf %get3A_592, %get3A_596 : vector<16xf32>
      %swap3A_598 = arith.index_cast %scan3A_44 : i32 to index
      %swap3A_599 = arith.constant 624 : index
      %swap3A_600 = tpu.vector_load %arg7[%swap3A_598, %swap3A_599] {strides = array<i32>} : memref<32x1024xf32, #tpu.memory_space<vmem>>, vector<1x16xf32>,
      %swap3A_601 = vector.shape_cast %swap3A_600 : vector<1x16xf32> to vector<16xf32>
      %swap3A_602 = vector.shape_cast %add3A_597 : vector<16xf32> to vector<1x16xf32>
      tpu.vector_store %arg7[%swap3A_598, %swap3A_599], %swap3A_602 {strides = array<i32>} : memref<32x1024xf32, #tpu.memory_space<vmem>>, vector<1x16xf32>,
      %get3A_603 = arith.index_cast %scan3A_44 : i32 to index
      %get3A_604 = arith.constant 640 : index
      %get3A_605 = tpu.vector_load %arg7[%get3A_603, %get3A_604] {strides = array<i32>} : memref<32x1024xf32, #tpu.memory_space<vmem>>, vector<1x16xf32>,
      %get3A_606 = vector.shape_cast %get3A_605 : vector<1x16xf32> to vector<16xf32>
      %get3A_607 = arith.index_cast %scan3A_44 : i32 to index
      %get3A_608 = arith.constant 640 : index
      %get3A_609 = tpu.vector_load %arg8[%get3A_607, %get3A_608] {strides = array<i32>} : memref<32x1024xf32, #tpu.memory_space<vmem>>, vector<1x16xf32>,
      %get3A_610 = vector.shape_cast %get3A_609 : vector<1x16xf32> to vector<16xf32>
      %add3A_611 = arith.addf %get3A_606, %get3A_610 : vector<16xf32>
      %swap3A_612 = arith.index_cast %scan3A_44 : i32 to index
      %swap3A_613 = arith.constant 640 : index
      %swap3A_614 = tpu.vector_load %arg7[%swap3A_612, %swap3A_613] {strides = array<i32>} : memref<32x1024xf32, #tpu.memory_space<vmem>>, vector<1x16xf32>,
      %swap3A_615 = vector.shape_cast %swap3A_614 : vector<1x16xf32> to vector<16xf32>
      %swap3A_616 = vector.shape_cast %add3A_611 : vector<16xf32> to vector<1x16xf32>
      tpu.vector_store %arg7[%swap3A_612, %swap3A_613], %swap3A_616 {strides = array<i32>} : memref<32x1024xf32, #tpu.memory_space<vmem>>, vector<1x16xf32>,
      %get3A_617 = arith.index_cast %scan3A_44 : i32 to index
      %get3A_618 = arith.constant 656 : index
      %get3A_619 = tpu.vector_load %arg7[%get3A_617, %get3A_618] {strides = array<i32>} : memref<32x1024xf32, #tpu.memory_space<vmem>>, vector<1x16xf32>,
      %get3A_620 = vector.shape_cast %get3A_619 : vector<1x16xf32> to vector<16xf32>
      %get3A_621 = arith.index_cast %scan3A_44 : i32 to index
      %get3A_622 = arith.constant 656 : index
      %get3A_623 = tpu.vector_load %arg8[%get3A_621, %get3A_622] {strides = array<i32>} : memref<32x1024xf32, #tpu.memory_space<vmem>>, vector<1x16xf32>,
      %get3A_624 = vector.shape_cast %get3A_623 : vector<1x16xf32> to vector<16xf32>
      %add3A_625 = arith.addf %get3A_620, %get3A_624 : vector<16xf32>
      %swap3A_626 = arith.index_cast %scan3A_44 : i32 to index
      %swap3A_627 = arith.constant 656 : index
      %swap3A_628 = tpu.vector_load %arg7[%swap3A_626, %swap3A_627] {strides = array<i32>} : memref<32x1024xf32, #tpu.memory_space<vmem>>, vector<1x16xf32>,
      %swap3A_629 = vector.shape_cast %swap3A_628 : vector<1x16xf32> to vector<16xf32>
      %swap3A_630 = vector.shape_cast %add3A_625 : vector<16xf32> to vector<1x16xf32>
      tpu.vector_store %arg7[%swap3A_626, %swap3A_627], %swap3A_630 {strides = array<i32>} : memref<32x1024xf32, #tpu.memory_space<vmem>>, vector<1x16xf32>,
      %get3A_631 = arith.index_cast %scan3A_44 : i32 to index
      %get3A_632 = arith.constant 672 : index
      %get3A_633 = tpu.vector_load %arg7[%get3A_631, %get3A_632] {strides = array<i32>} : memref<32x1024xf32, #tpu.memory_space<vmem>>, vector<1x16xf32>,
      %get3A_634 = vector.shape_cast %get3A_633 : vector<1x16xf32> to vector<16xf32>
      %get3A_635 = arith.index_cast %scan3A_44 : i32 to index
      %get3A_636 = arith.constant 672 : index
      %get3A_637 = tpu.vector_load %arg8[%get3A_635, %get3A_636] {strides = array<i32>} : memref<32x1024xf32, #tpu.memory_space<vmem>>, vector<1x16xf32>,
      %get3A_638 = vector.shape_cast %get3A_637 : vector<1x16xf32> to vector<16xf32>
      %add3A_639 = arith.addf %get3A_634, %get3A_638 : vector<16xf32>
      %swap3A_640 = arith.index_cast %scan3A_44 : i32 to index
      %swap3A_641 = arith.constant 672 : index
      %swap3A_642 = tpu.vector_load %arg7[%swap3A_640, %swap3A_641] {strides = array<i32>} : memref<32x1024xf32, #tpu.memory_space<vmem>>, vector<1x16xf32>,
      %swap3A_643 = vector.shape_cast %swap3A_642 : vector<1x16xf32> to vector<16xf32>
      %swap3A_644 = vector.shape_cast %add3A_639 : vector<16xf32> to vector<1x16xf32>
      tpu.vector_store %arg7[%swap3A_640, %swap3A_641], %swap3A_644 {strides = array<i32>} : memref<32x1024xf32, #tpu.memory_space<vmem>>, vector<1x16xf32>,
      %get3A_645 = arith.index_cast %scan3A_44 : i32 to index
      %get3A_646 = arith.constant 688 : index
      %get3A_647 = tpu.vector_load %arg7[%get3A_645, %get3A_646] {strides = array<i32>} : memref<32x1024xf32, #tpu.memory_space<vmem>>, vector<1x16xf32>,
      %get3A_648 = vector.shape_cast %get3A_647 : vector<1x16xf32> to vector<16xf32>
      %get3A_649 = arith.index_cast %scan3A_44 : i32 to index
      %get3A_650 = arith.constant 688 : index
      %get3A_651 = tpu.vector_load %arg8[%get3A_649, %get3A_650] {strides = array<i32>} : memref<32x1024xf32, #tpu.memory_space<vmem>>, vector<1x16xf32>,
      %get3A_652 = vector.shape_cast %get3A_651 : vector<1x16xf32> to vector<16xf32>
      %add3A_653 = arith.addf %get3A_648, %get3A_652 : vector<16xf32>
      %swap3A_654 = arith.index_cast %scan3A_44 : i32 to index
      %swap3A_655 = arith.constant 688 : index
      %swap3A_656 = tpu.vector_load %arg7[%swap3A_654, %swap3A_655] {strides = array<i32>} : memref<32x1024xf32, #tpu.memory_space<vmem>>, vector<1x16xf32>,
      %swap3A_657 = vector.shape_cast %swap3A_656 : vector<1x16xf32> to vector<16xf32>
      %swap3A_658 = vector.shape_cast %add3A_653 : vector<16xf32> to vector<1x16xf32>
      tpu.vector_store %arg7[%swap3A_654, %swap3A_655], %swap3A_658 {strides = array<i32>} : memref<32x1024xf32, #tpu.memory_space<vmem>>, vector<1x16xf32>,
      %get3A_659 = arith.index_cast %scan3A_44 : i32 to index
      %get3A_660 = arith.constant 704 : index
      %get3A_661 = tpu.vector_load %arg7[%get3A_659, %get3A_660] {strides = array<i32>} : memref<32x1024xf32, #tpu.memory_space<vmem>>, vector<1x16xf32>,
      %get3A_662 = vector.shape_cast %get3A_661 : vector<1x16xf32> to vector<16xf32>
      %get3A_663 = arith.index_cast %scan3A_44 : i32 to index
      %get3A_664 = arith.constant 704 : index
      %get3A_665 = tpu.vector_load %arg8[%get3A_663, %get3A_664] {strides = array<i32>} : memref<32x1024xf32, #tpu.memory_space<vmem>>, vector<1x16xf32>,
      %get3A_666 = vector.shape_cast %get3A_665 : vector<1x16xf32> to vector<16xf32>
      %add3A_667 = arith.addf %get3A_662, %get3A_666 : vector<16xf32>
      %swap3A_668 = arith.index_cast %scan3A_44 : i32 to index
      %swap3A_669 = arith.constant 704 : index
      %swap3A_670 = tpu.vector_load %arg7[%swap3A_668, %swap3A_669] {strides = array<i32>} : memref<32x1024xf32, #tpu.memory_space<vmem>>, vector<1x16xf32>,
      %swap3A_671 = vector.shape_cast %swap3A_670 : vector<1x16xf32> to vector<16xf32>
      %swap3A_672 = vector.shape_cast %add3A_667 : vector<16xf32> to vector<1x16xf32>
      tpu.vector_store %arg7[%swap3A_668, %swap3A_669], %swap3A_672 {strides = array<i32>} : memref<32x1024xf32, #tpu.memory_space<vmem>>, vector<1x16xf32>,
      %get3A_673 = arith.index_cast %scan3A_44 : i32 to index
      %get3A_674 = arith.constant 720 : index
      %get3A_675 = tpu.vector_load %arg7[%get3A_673, %get3A_674] {strides = array<i32>} : memref<32x1024xf32, #tpu.memory_space<vmem>>, vector<1x16xf32>,
      %get3A_676 = vector.shape_cast %get3A_675 : vector<1x16xf32> to vector<16xf32>
      %get3A_677 = arith.index_cast %scan3A_44 : i32 to index
      %get3A_678 = arith.constant 720 : index
      %get3A_679 = tpu.vector_load %arg8[%get3A_677, %get3A_678] {strides = array<i32>} : memref<32x1024xf32, #tpu.memory_space<vmem>>, vector<1x16xf32>,
      %get3A_680 = vector.shape_cast %get3A_679 : vector<1x16xf32> to vector<16xf32>
      %add3A_681 = arith.addf %get3A_676, %get3A_680 : vector<16xf32>
      %swap3A_682 = arith.index_cast %scan3A_44 : i32 to index
      %swap3A_683 = arith.constant 720 : index
      %swap3A_684 = tpu.vector_load %arg7[%swap3A_682, %swap3A_683] {strides = array<i32>} : memref<32x1024xf32, #tpu.memory_space<vmem>>, vector<1x16xf32>,
      %swap3A_685 = vector.shape_cast %swap3A_684 : vector<1x16xf32> to vector<16xf32>
      %swap3A_686 = vector.shape_cast %add3A_681 : vector<16xf32> to vector<1x16xf32>
      tpu.vector_store %arg7[%swap3A_682, %swap3A_683], %swap3A_686 {strides = array<i32>} : memref<32x1024xf32, #tpu.memory_space<vmem>>, vector<1x16xf32>,
      %get3A_687 = arith.index_cast %scan3A_44 : i32 to index
      %get3A_688 = arith.constant 736 : index
      %get3A_689 = tpu.vector_load %arg7[%get3A_687, %get3A_688] {strides = array<i32>} : memref<32x1024xf32, #tpu.memory_space<vmem>>, vector<1x16xf32>,
      %get3A_690 = vector.shape_cast %get3A_689 : vector<1x16xf32> to vector<16xf32>
      %get3A_691 = arith.index_cast %scan3A_44 : i32 to index
      %get3A_692 = arith.constant 736 : index
      %get3A_693 = tpu.vector_load %arg8[%get3A_691, %get3A_692] {strides = array<i32>} : memref<32x1024xf32, #tpu.memory_space<vmem>>, vector<1x16xf32>,
      %get3A_694 = vector.shape_cast %get3A_693 : vector<1x16xf32> to vector<16xf32>
      %add3A_695 = arith.addf %get3A_690, %get3A_694 : vector<16xf32>
      %swap3A_696 = arith.index_cast %scan3A_44 : i32 to index
      %swap3A_697 = arith.constant 736 : index
      %swap3A_698 = tpu.vector_load %arg7[%swap3A_696, %swap3A_697] {strides = array<i32>} : memref<32x1024xf32, #tpu.memory_space<vmem>>, vector<1x16xf32>,
      %swap3A_699 = vector.shape_cast %swap3A_698 : vector<1x16xf32> to vector<16xf32>
      %swap3A_700 = vector.shape_cast %add3A_695 : vector<16xf32> to vector<1x16xf32>
      tpu.vector_store %arg7[%swap3A_696, %swap3A_697], %swap3A_700 {strides = array<i32>} : memref<32x1024xf32, #tpu.memory_space<vmem>>, vector<1x16xf32>,
      %get3A_701 = arith.index_cast %scan3A_44 : i32 to index
      %get3A_702 = arith.constant 752 : index
      %get3A_703 = tpu.vector_load %arg7[%get3A_701, %get3A_702] {strides = array<i32>} : memref<32x1024xf32, #tpu.memory_space<vmem>>, vector<1x16xf32>,
      %get3A_704 = vector.shape_cast %get3A_703 : vector<1x16xf32> to vector<16xf32>
      %get3A_705 = arith.index_cast %scan3A_44 : i32 to index
      %get3A_706 = arith.constant 752 : index
      %get3A_707 = tpu.vector_load %arg8[%get3A_705, %get3A_706] {strides = array<i32>} : memref<32x1024xf32, #tpu.memory_space<vmem>>, vector<1x16xf32>,
      %get3A_708 = vector.shape_cast %get3A_707 : vector<1x16xf32> to vector<16xf32>
      %add3A_709 = arith.addf %get3A_704, %get3A_708 : vector<16xf32>
      %swap3A_710 = arith.index_cast %scan3A_44 : i32 to index
      %swap3A_711 = arith.constant 752 : index
      %swap3A_712 = tpu.vector_load %arg7[%swap3A_710, %swap3A_711] {strides = array<i32>} : memref<32x1024xf32, #tpu.memory_space<vmem>>, vector<1x16xf32>,
      %swap3A_713 = vector.shape_cast %swap3A_712 : vector<1x16xf32> to vector<16xf32>
      %swap3A_714 = vector.shape_cast %add3A_709 : vector<16xf32> to vector<1x16xf32>
      tpu.vector_store %arg7[%swap3A_710, %swap3A_711], %swap3A_714 {strides = array<i32>} : memref<32x1024xf32, #tpu.memory_space<vmem>>, vector<1x16xf32>,
      %get3A_715 = arith.index_cast %scan3A_44 : i32 to index
      %get3A_716 = arith.constant 768 : index
      %get3A_717 = tpu.vector_load %arg7[%get3A_715, %get3A_716] {strides = array<i32>} : memref<32x1024xf32, #tpu.memory_space<vmem>>, vector<1x16xf32>,
      %get3A_718 = vector.shape_cast %get3A_717 : vector<1x16xf32> to vector<16xf32>
      %get3A_719 = arith.index_cast %scan3A_44 : i32 to index
      %get3A_720 = arith.constant 768 : index
      %get3A_721 = tpu.vector_load %arg8[%get3A_719, %get3A_720] {strides = array<i32>} : memref<32x1024xf32, #tpu.memory_space<vmem>>, vector<1x16xf32>,
      %get3A_722 = vector.shape_cast %get3A_721 : vector<1x16xf32> to vector<16xf32>
      %add3A_723 = arith.addf %get3A_718, %get3A_722 : vector<16xf32>
      %swap3A_724 = arith.index_cast %scan3A_44 : i32 to index
      %swap3A_725 = arith.constant 768 : index
      %swap3A_726 = tpu.vector_load %arg7[%swap3A_724, %swap3A_725] {strides = array<i32>} : memref<32x1024xf32, #tpu.memory_space<vmem>>, vector<1x16xf32>,
      %swap3A_727 = vector.shape_cast %swap3A_726 : vector<1x16xf32> to vector<16xf32>
      %swap3A_728 = vector.shape_cast %add3A_723 : vector<16xf32> to vector<1x16xf32>
      tpu.vector_store %arg7[%swap3A_724, %swap3A_725], %swap3A_728 {strides = array<i32>} : memref<32x1024xf32, #tpu.memory_space<vmem>>, vector<1x16xf32>,
      %get3A_729 = arith.index_cast %scan3A_44 : i32 to index
      %get3A_730 = arith.constant 784 : index
      %get3A_731 = tpu.vector_load %arg7[%get3A_729, %get3A_730] {strides = array<i32>} : memref<32x1024xf32, #tpu.memory_space<vmem>>, vector<1x16xf32>,
      %get3A_732 = vector.shape_cast %get3A_731 : vector<1x16xf32> to vector<16xf32>
      %get3A_733 = arith.index_cast %scan3A_44 : i32 to index
      %get3A_734 = arith.constant 784 : index
      %get3A_735 = tpu.vector_load %arg8[%get3A_733, %get3A_734] {strides = array<i32>} : memref<32x1024xf32, #tpu.memory_space<vmem>>, vector<1x16xf32>,
      %get3A_736 = vector.shape_cast %get3A_735 : vector<1x16xf32> to vector<16xf32>
      %add3A_737 = arith.addf %get3A_732, %get3A_736 : vector<16xf32>
      %swap3A_738 = arith.index_cast %scan3A_44 : i32 to index
      %swap3A_739 = arith.constant 784 : index
      %swap3A_740 = tpu.vector_load %arg7[%swap3A_738, %swap3A_739] {strides = array<i32>} : memref<32x1024xf32, #tpu.memory_space<vmem>>, vector<1x16xf32>,
      %swap3A_741 = vector.shape_cast %swap3A_740 : vector<1x16xf32> to vector<16xf32>
      %swap3A_742 = vector.shape_cast %add3A_737 : vector<16xf32> to vector<1x16xf32>
      tpu.vector_store %arg7[%swap3A_738, %swap3A_739], %swap3A_742 {strides = array<i32>} : memref<32x1024xf32, #tpu.memory_space<vmem>>, vector<1x16xf32>,
      %get3A_743 = arith.index_cast %scan3A_44 : i32 to index
      %get3A_744 = arith.constant 800 : index
      %get3A_745 = tpu.vector_load %arg7[%get3A_743, %get3A_744] {strides = array<i32>} : memref<32x1024xf32, #tpu.memory_space<vmem>>, vector<1x16xf32>,
      %get3A_746 = vector.shape_cast %get3A_745 : vector<1x16xf32> to vector<16xf32>
      %get3A_747 = arith.index_cast %scan3A_44 : i32 to index
      %get3A_748 = arith.constant 800 : index
      %get3A_749 = tpu.vector_load %arg8[%get3A_747, %get3A_748] {strides = array<i32>} : memref<32x1024xf32, #tpu.memory_space<vmem>>, vector<1x16xf32>,
      %get3A_750 = vector.shape_cast %get3A_749 : vector<1x16xf32> to vector<16xf32>
      %add3A_751 = arith.addf %get3A_746, %get3A_750 : vector<16xf32>
      %swap3A_752 = arith.index_cast %scan3A_44 : i32 to index
      %swap3A_753 = arith.constant 800 : index
      %swap3A_754 = tpu.vector_load %arg7[%swap3A_752, %swap3A_753] {strides = array<i32>} : memref<32x1024xf32, #tpu.memory_space<vmem>>, vector<1x16xf32>,
      %swap3A_755 = vector.shape_cast %swap3A_754 : vector<1x16xf32> to vector<16xf32>
      %swap3A_756 = vector.shape_cast %add3A_751 : vector<16xf32> to vector<1x16xf32>
      tpu.vector_store %arg7[%swap3A_752, %swap3A_753], %swap3A_756 {strides = array<i32>} : memref<32x1024xf32, #tpu.memory_space<vmem>>, vector<1x16xf32>,
      %get3A_757 = arith.index_cast %scan3A_44 : i32 to index
      %get3A_758 = arith.constant 816 : index
      %get3A_759 = tpu.vector_load %arg7[%get3A_757, %get3A_758] {strides = array<i32>} : memref<32x1024xf32, #tpu.memory_space<vmem>>, vector<1x16xf32>,
      %get3A_760 = vector.shape_cast %get3A_759 : vector<1x16xf32> to vector<16xf32>
      %get3A_761 = arith.index_cast %scan3A_44 : i32 to index
      %get3A_762 = arith.constant 816 : index
      %get3A_763 = tpu.vector_load %arg8[%get3A_761, %get3A_762] {strides = array<i32>} : memref<32x1024xf32, #tpu.memory_space<vmem>>, vector<1x16xf32>,
      %get3A_764 = vector.shape_cast %get3A_763 : vector<1x16xf32> to vector<16xf32>
      %add3A_765 = arith.addf %get3A_760, %get3A_764 : vector<16xf32>
      %swap3A_766 = arith.index_cast %scan3A_44 : i32 to index
      %swap3A_767 = arith.constant 816 : index
      %swap3A_768 = tpu.vector_load %arg7[%swap3A_766, %swap3A_767] {strides = array<i32>} : memref<32x1024xf32, #tpu.memory_space<vmem>>, vector<1x16xf32>,
      %swap3A_769 = vector.shape_cast %swap3A_768 : vector<1x16xf32> to vector<16xf32>
      %swap3A_770 = vector.shape_cast %add3A_765 : vector<16xf32> to vector<1x16xf32>
      tpu.vector_store %arg7[%swap3A_766, %swap3A_767], %swap3A_770 {strides = array<i32>} : memref<32x1024xf32, #tpu.memory_space<vmem>>, vector<1x16xf32>,
      %get3A_771 = arith.index_cast %scan3A_44 : i32 to index
      %get3A_772 = arith.constant 832 : index
      %get3A_773 = tpu.vector_load %arg7[%get3A_771, %get3A_772] {strides = array<i32>} : memref<32x1024xf32, #tpu.memory_space<vmem>>, vector<1x16xf32>,
      %get3A_774 = vector.shape_cast %get3A_773 : vector<1x16xf32> to vector<16xf32>
      %get3A_775 = arith.index_cast %scan3A_44 : i32 to index
      %get3A_776 = arith.constant 832 : index
      %get3A_777 = tpu.vector_load %arg8[%get3A_775, %get3A_776] {strides = array<i32>} : memref<32x1024xf32, #tpu.memory_space<vmem>>, vector<1x16xf32>,
      %get3A_778 = vector.shape_cast %get3A_777 : vector<1x16xf32> to vector<16xf32>
      %add3A_779 = arith.addf %get3A_774, %get3A_778 : vector<16xf32>
      %swap3A_780 = arith.index_cast %scan3A_44 : i32 to index
      %swap3A_781 = arith.constant 832 : index
      %swap3A_782 = tpu.vector_load %arg7[%swap3A_780, %swap3A_781] {strides = array<i32>} : memref<32x1024xf32, #tpu.memory_space<vmem>>, vector<1x16xf32>,
      %swap3A_783 = vector.shape_cast %swap3A_782 : vector<1x16xf32> to vector<16xf32>
      %swap3A_784 = vector.shape_cast %add3A_779 : vector<16xf32> to vector<1x16xf32>
      tpu.vector_store %arg7[%swap3A_780, %swap3A_781], %swap3A_784 {strides = array<i32>} : memref<32x1024xf32, #tpu.memory_space<vmem>>, vector<1x16xf32>,
      %get3A_785 = arith.index_cast %scan3A_44 : i32 to index
      %get3A_786 = arith.constant 848 : index
      %get3A_787 = tpu.vector_load %arg7[%get3A_785, %get3A_786] {strides = array<i32>} : memref<32x1024xf32, #tpu.memory_space<vmem>>, vector<1x16xf32>,
      %get3A_788 = vector.shape_cast %get3A_787 : vector<1x16xf32> to vector<16xf32>
      %get3A_789 = arith.index_cast %scan3A_44 : i32 to index
      %get3A_790 = arith.constant 848 : index
      %get3A_791 = tpu.vector_load %arg8[%get3A_789, %get3A_790] {strides = array<i32>} : memref<32x1024xf32, #tpu.memory_space<vmem>>, vector<1x16xf32>,
      %get3A_792 = vector.shape_cast %get3A_791 : vector<1x16xf32> to vector<16xf32>
      %add3A_793 = arith.addf %get3A_788, %get3A_792 : vector<16xf32>
      %swap3A_794 = arith.index_cast %scan3A_44 : i32 to index
      %swap3A_795 = arith.constant 848 : index
      %swap3A_796 = tpu.vector_load %arg7[%swap3A_794, %swap3A_795] {strides = array<i32>} : memref<32x1024xf32, #tpu.memory_space<vmem>>, vector<1x16xf32>,
      %swap3A_797 = vector.shape_cast %swap3A_796 : vector<1x16xf32> to vector<16xf32>
      %swap3A_798 = vector.shape_cast %add3A_793 : vector<16xf32> to vector<1x16xf32>
      tpu.vector_store %arg7[%swap3A_794, %swap3A_795], %swap3A_798 {strides = array<i32>} : memref<32x1024xf32, #tpu.memory_space<vmem>>, vector<1x16xf32>,
      %get3A_799 = arith.index_cast %scan3A_44 : i32 to index
      %get3A_800 = arith.constant 864 : index
      %get3A_801 = tpu.vector_load %arg7[%get3A_799, %get3A_800] {strides = array<i32>} : memref<32x1024xf32, #tpu.memory_space<vmem>>, vector<1x16xf32>,
      %get3A_802 = vector.shape_cast %get3A_801 : vector<1x16xf32> to vector<16xf32>
      %get3A_803 = arith.index_cast %scan3A_44 : i32 to index
      %get3A_804 = arith.constant 864 : index
      %get3A_805 = tpu.vector_load %arg8[%get3A_803, %get3A_804] {strides = array<i32>} : memref<32x1024xf32, #tpu.memory_space<vmem>>, vector<1x16xf32>,
      %get3A_806 = vector.shape_cast %get3A_805 : vector<1x16xf32> to vector<16xf32>
      %add3A_807 = arith.addf %get3A_802, %get3A_806 : vector<16xf32>
      %swap3A_808 = arith.index_cast %scan3A_44 : i32 to index
      %swap3A_809 = arith.constant 864 : index
      %swap3A_810 = tpu.vector_load %arg7[%swap3A_808, %swap3A_809] {strides = array<i32>} : memref<32x1024xf32, #tpu.memory_space<vmem>>, vector<1x16xf32>,
      %swap3A_811 = vector.shape_cast %swap3A_810 : vector<1x16xf32> to vector<16xf32>
      %swap3A_812 = vector.shape_cast %add3A_807 : vector<16xf32> to vector<1x16xf32>
      tpu.vector_store %arg7[%swap3A_808, %swap3A_809], %swap3A_812 {strides = array<i32>} : memref<32x1024xf32, #tpu.memory_space<vmem>>, vector<1x16xf32>,
      %get3A_813 = arith.index_cast %scan3A_44 : i32 to index
      %get3A_814 = arith.constant 880 : index
      %get3A_815 = tpu.vector_load %arg7[%get3A_813, %get3A_814] {strides = array<i32>} : memref<32x1024xf32, #tpu.memory_space<vmem>>, vector<1x16xf32>,
      %get3A_816 = vector.shape_cast %get3A_815 : vector<1x16xf32> to vector<16xf32>
      %get3A_817 = arith.index_cast %scan3A_44 : i32 to index
      %get3A_818 = arith.constant 880 : index
      %get3A_819 = tpu.vector_load %arg8[%get3A_817, %get3A_818] {strides = array<i32>} : memref<32x1024xf32, #tpu.memory_space<vmem>>, vector<1x16xf32>,
      %get3A_820 = vector.shape_cast %get3A_819 : vector<1x16xf32> to vector<16xf32>
      %add3A_821 = arith.addf %get3A_816, %get3A_820 : vector<16xf32>
      %swap3A_822 = arith.index_cast %scan3A_44 : i32 to index
      %swap3A_823 = arith.constant 880 : index
      %swap3A_824 = tpu.vector_load %arg7[%swap3A_822, %swap3A_823] {strides = array<i32>} : memref<32x1024xf32, #tpu.memory_space<vmem>>, vector<1x16xf32>,
      %swap3A_825 = vector.shape_cast %swap3A_824 : vector<1x16xf32> to vector<16xf32>
      %swap3A_826 = vector.shape_cast %add3A_821 : vector<16xf32> to vector<1x16xf32>
      tpu.vector_store %arg7[%swap3A_822, %swap3A_823], %swap3A_826 {strides = array<i32>} : memref<32x1024xf32, #tpu.memory_space<vmem>>, vector<1x16xf32>,
      %get3A_827 = arith.index_cast %scan3A_44 : i32 to index
      %get3A_828 = arith.constant 896 : index
      %get3A_829 = tpu.vector_load %arg7[%get3A_827, %get3A_828] {strides = array<i32>} : memref<32x1024xf32, #tpu.memory_space<vmem>>, vector<1x16xf32>,
      %get3A_830 = vector.shape_cast %get3A_829 : vector<1x16xf32> to vector<16xf32>
      %get3A_831 = arith.index_cast %scan3A_44 : i32 to index
      %get3A_832 = arith.constant 896 : index
      %get3A_833 = tpu.vector_load %arg8[%get3A_831, %get3A_832] {strides = array<i32>} : memref<32x1024xf32, #tpu.memory_space<vmem>>, vector<1x16xf32>,
      %get3A_834 = vector.shape_cast %get3A_833 : vector<1x16xf32> to vector<16xf32>
      %add3A_835 = arith.addf %get3A_830, %get3A_834 : vector<16xf32>
      %swap3A_836 = arith.index_cast %scan3A_44 : i32 to index
      %swap3A_837 = arith.constant 896 : index
      %swap3A_838 = tpu.vector_load %arg7[%swap3A_836, %swap3A_837] {strides = array<i32>} : memref<32x1024xf32, #tpu.memory_space<vmem>>, vector<1x16xf32>,
      %swap3A_839 = vector.shape_cast %swap3A_838 : vector<1x16xf32> to vector<16xf32>
      %swap3A_840 = vector.shape_cast %add3A_835 : vector<16xf32> to vector<1x16xf32>
      tpu.vector_store %arg7[%swap3A_836, %swap3A_837], %swap3A_840 {strides = array<i32>} : memref<32x1024xf32, #tpu.memory_space<vmem>>, vector<1x16xf32>,
      %get3A_841 = arith.index_cast %scan3A_44 : i32 to index
      %get3A_842 = arith.constant 912 : index
      %get3A_843 = tpu.vector_load %arg7[%get3A_841, %get3A_842] {strides = array<i32>} : memref<32x1024xf32, #tpu.memory_space<vmem>>, vector<1x16xf32>,
      %get3A_844 = vector.shape_cast %get3A_843 : vector<1x16xf32> to vector<16xf32>
      %get3A_845 = arith.index_cast %scan3A_44 : i32 to index
      %get3A_846 = arith.constant 912 : index
      %get3A_847 = tpu.vector_load %arg8[%get3A_845, %get3A_846] {strides = array<i32>} : memref<32x1024xf32, #tpu.memory_space<vmem>>, vector<1x16xf32>,
      %get3A_848 = vector.shape_cast %get3A_847 : vector<1x16xf32> to vector<16xf32>
      %add3A_849 = arith.addf %get3A_844, %get3A_848 : vector<16xf32>
      %swap3A_850 = arith.index_cast %scan3A_44 : i32 to index
      %swap3A_851 = arith.constant 912 : index
      %swap3A_852 = tpu.vector_load %arg7[%swap3A_850, %swap3A_851] {strides = array<i32>} : memref<32x1024xf32, #tpu.memory_space<vmem>>, vector<1x16xf32>,
      %swap3A_853 = vector.shape_cast %swap3A_852 : vector<1x16xf32> to vector<16xf32>
      %swap3A_854 = vector.shape_cast %add3A_849 : vector<16xf32> to vector<1x16xf32>
      tpu.vector_store %arg7[%swap3A_850, %swap3A_851], %swap3A_854 {strides = array<i32>} : memref<32x1024xf32, #tpu.memory_space<vmem>>, vector<1x16xf32>,
      %get3A_855 = arith.index_cast %scan3A_44 : i32 to index
      %get3A_856 = arith.constant 928 : index
      %get3A_857 = tpu.vector_load %arg7[%get3A_855, %get3A_856] {strides = array<i32>} : memref<32x1024xf32, #tpu.memory_space<vmem>>, vector<1x16xf32>,
      %get3A_858 = vector.shape_cast %get3A_857 : vector<1x16xf32> to vector<16xf32>
      %get3A_859 = arith.index_cast %scan3A_44 : i32 to index
      %get3A_860 = arith.constant 928 : index
      %get3A_861 = tpu.vector_load %arg8[%get3A_859, %get3A_860] {strides = array<i32>} : memref<32x1024xf32, #tpu.memory_space<vmem>>, vector<1x16xf32>,
      %get3A_862 = vector.shape_cast %get3A_861 : vector<1x16xf32> to vector<16xf32>
      %add3A_863 = arith.addf %get3A_858, %get3A_862 : vector<16xf32>
      %swap3A_864 = arith.index_cast %scan3A_44 : i32 to index
      %swap3A_865 = arith.constant 928 : index
      %swap3A_866 = tpu.vector_load %arg7[%swap3A_864, %swap3A_865] {strides = array<i32>} : memref<32x1024xf32, #tpu.memory_space<vmem>>, vector<1x16xf32>,
      %swap3A_867 = vector.shape_cast %swap3A_866 : vector<1x16xf32> to vector<16xf32>
      %swap3A_868 = vector.shape_cast %add3A_863 : vector<16xf32> to vector<1x16xf32>
      tpu.vector_store %arg7[%swap3A_864, %swap3A_865], %swap3A_868 {strides = array<i32>} : memref<32x1024xf32, #tpu.memory_space<vmem>>, vector<1x16xf32>,
      %get3A_869 = arith.index_cast %scan3A_44 : i32 to index
      %get3A_870 = arith.constant 944 : index
      %get3A_871 = tpu.vector_load %arg7[%get3A_869, %get3A_870] {strides = array<i32>} : memref<32x1024xf32, #tpu.memory_space<vmem>>, vector<1x16xf32>,
      %get3A_872 = vector.shape_cast %get3A_871 : vector<1x16xf32> to vector<16xf32>
      %get3A_873 = arith.index_cast %scan3A_44 : i32 to index
      %get3A_874 = arith.constant 944 : index
      %get3A_875 = tpu.vector_load %arg8[%get3A_873, %get3A_874] {strides = array<i32>} : memref<32x1024xf32, #tpu.memory_space<vmem>>, vector<1x16xf32>,
      %get3A_876 = vector.shape_cast %get3A_875 : vector<1x16xf32> to vector<16xf32>
      %add3A_877 = arith.addf %get3A_872, %get3A_876 : vector<16xf32>
      %swap3A_878 = arith.index_cast %scan3A_44 : i32 to index
      %swap3A_879 = arith.constant 944 : index
      %swap3A_880 = tpu.vector_load %arg7[%swap3A_878, %swap3A_879] {strides = array<i32>} : memref<32x1024xf32, #tpu.memory_space<vmem>>, vector<1x16xf32>,
      %swap3A_881 = vector.shape_cast %swap3A_880 : vector<1x16xf32> to vector<16xf32>
      %swap3A_882 = vector.shape_cast %add3A_877 : vector<16xf32> to vector<1x16xf32>
      tpu.vector_store %arg7[%swap3A_878, %swap3A_879], %swap3A_882 {strides = array<i32>} : memref<32x1024xf32, #tpu.memory_space<vmem>>, vector<1x16xf32>,
      %get3A_883 = arith.index_cast %scan3A_44 : i32 to index
      %get3A_884 = arith.constant 960 : index
      %get3A_885 = tpu.vector_load %arg7[%get3A_883, %get3A_884] {strides = array<i32>} : memref<32x1024xf32, #tpu.memory_space<vmem>>, vector<1x16xf32>,
      %get3A_886 = vector.shape_cast %get3A_885 : vector<1x16xf32> to vector<16xf32>
      %get3A_887 = arith.index_cast %scan3A_44 : i32 to index
      %get3A_888 = arith.constant 960 : index
      %get3A_889 = tpu.vector_load %arg8[%get3A_887, %get3A_888] {strides = array<i32>} : memref<32x1024xf32, #tpu.memory_space<vmem>>, vector<1x16xf32>,
      %get3A_890 = vector.shape_cast %get3A_889 : vector<1x16xf32> to vector<16xf32>
      %add3A_891 = arith.addf %get3A_886, %get3A_890 : vector<16xf32>
      %swap3A_892 = arith.index_cast %scan3A_44 : i32 to index
      %swap3A_893 = arith.constant 960 : index
      %swap3A_894 = tpu.vector_load %arg7[%swap3A_892, %swap3A_893] {strides = array<i32>} : memref<32x1024xf32, #tpu.memory_space<vmem>>, vector<1x16xf32>,
      %swap3A_895 = vector.shape_cast %swap3A_894 : vector<1x16xf32> to vector<16xf32>
      %swap3A_896 = vector.shape_cast %add3A_891 : vector<16xf32> to vector<1x16xf32>
      tpu.vector_store %arg7[%swap3A_892, %swap3A_893], %swap3A_896 {strides = array<i32>} : memref<32x1024xf32, #tpu.memory_space<vmem>>, vector<1x16xf32>,
      %get3A_897 = arith.index_cast %scan3A_44 : i32 to index
      %get3A_898 = arith.constant 976 : index
      %get3A_899 = tpu.vector_load %arg7[%get3A_897, %get3A_898] {strides = array<i32>} : memref<32x1024xf32, #tpu.memory_space<vmem>>, vector<1x16xf32>,
      %get3A_900 = vector.shape_cast %get3A_899 : vector<1x16xf32> to vector<16xf32>
      %get3A_901 = arith.index_cast %scan3A_44 : i32 to index
      %get3A_902 = arith.constant 976 : index
      %get3A_903 = tpu.vector_load %arg8[%get3A_901, %get3A_902] {strides = array<i32>} : memref<32x1024xf32, #tpu.memory_space<vmem>>, vector<1x16xf32>,
      %get3A_904 = vector.shape_cast %get3A_903 : vector<1x16xf32> to vector<16xf32>
      %add3A_905 = arith.addf %get3A_900, %get3A_904 : vector<16xf32>
      %swap3A_906 = arith.index_cast %scan3A_44 : i32 to index
      %swap3A_907 = arith.constant 976 : index
      %swap3A_908 = tpu.vector_load %arg7[%swap3A_906, %swap3A_907] {strides = array<i32>} : memref<32x1024xf32, #tpu.memory_space<vmem>>, vector<1x16xf32>,
      %swap3A_909 = vector.shape_cast %swap3A_908 : vector<1x16xf32> to vector<16xf32>
      %swap3A_910 = vector.shape_cast %add3A_905 : vector<16xf32> to vector<1x16xf32>
      tpu.vector_store %arg7[%swap3A_906, %swap3A_907], %swap3A_910 {strides = array<i32>} : memref<32x1024xf32, #tpu.memory_space<vmem>>, vector<1x16xf32>,
      %get3A_911 = arith.index_cast %scan3A_44 : i32 to index
      %get3A_912 = arith.constant 992 : index
      %get3A_913 = tpu.vector_load %arg7[%get3A_911, %get3A_912] {strides = array<i32>} : memref<32x1024xf32, #tpu.memory_space<vmem>>, vector<1x16xf32>,
      %get3A_914 = vector.shape_cast %get3A_913 : vector<1x16xf32> to vector<16xf32>
      %get3A_915 = arith.index_cast %scan3A_44 : i32 to index
      %get3A_916 = arith.constant 992 : index
      %get3A_917 = tpu.vector_load %arg8[%get3A_915, %get3A_916] {strides = array<i32>} : memref<32x1024xf32, #tpu.memory_space<vmem>>, vector<1x16xf32>,
      %get3A_918 = vector.shape_cast %get3A_917 : vector<1x16xf32> to vector<16xf32>
      %add3A_919 = arith.addf %get3A_914, %get3A_918 : vector<16xf32>
      %swap3A_920 = arith.index_cast %scan3A_44 : i32 to index
      %swap3A_921 = arith.constant 992 : index
      %swap3A_922 = tpu.vector_load %arg7[%swap3A_920, %swap3A_921] {strides = array<i32>} : memref<32x1024xf32, #tpu.memory_space<vmem>>, vector<1x16xf32>,
      %swap3A_923 = vector.shape_cast %swap3A_922 : vector<1x16xf32> to vector<16xf32>
      %swap3A_924 = vector.shape_cast %add3A_919 : vector<16xf32> to vector<1x16xf32>
      tpu.vector_store %arg7[%swap3A_920, %swap3A_921], %swap3A_924 {strides = array<i32>} : memref<32x1024xf32, #tpu.memory_space<vmem>>, vector<1x16xf32>,
      %get3A_925 = arith.index_cast %scan3A_44 : i32 to index
      %get3A_926 = arith.constant 1008 : index
      %get3A_927 = tpu.vector_load %arg7[%get3A_925, %get3A_926] {strides = array<i32>} : memref<32x1024xf32, #tpu.memory_space<vmem>>, vector<1x16xf32>,
      %get3A_928 = vector.shape_cast %get3A_927 : vector<1x16xf32> to vector<16xf32>
      %get3A_929 = arith.index_cast %scan3A_44 : i32 to index
      %get3A_930 = arith.constant 1008 : index
      %get3A_931 = tpu.vector_load %arg8[%get3A_929, %get3A_930] {strides = array<i32>} : memref<32x1024xf32, #tpu.memory_space<vmem>>, vector<1x16xf32>,
      %get3A_932 = vector.shape_cast %get3A_931 : vector<1x16xf32> to vector<16xf32>
      %add3A_933 = arith.addf %get3A_928, %get3A_932 : vector<16xf32>
      %swap3A_934 = arith.index_cast %scan3A_44 : i32 to index
      %swap3A_935 = arith.constant 1008 : index
      %swap3A_936 = tpu.vector_load %arg7[%swap3A_934, %swap3A_935] {strides = array<i32>} : memref<32x1024xf32, #tpu.memory_space<vmem>>, vector<1x16xf32>,
      %swap3A_937 = vector.shape_cast %swap3A_936 : vector<1x16xf32> to vector<16xf32>
      %swap3A_938 = vector.shape_cast %add3A_933 : vector<16xf32> to vector<1x16xf32>
      tpu.vector_store %arg7[%swap3A_934, %swap3A_935], %swap3A_938 {strides = array<i32>} : memref<32x1024xf32, #tpu.memory_space<vmem>>, vector<1x16xf32>,
    }
    %scan3A_43 = arith.constant 32 : i32
    "tpu.region"() ({
      %run_scoped3A = tpu.sem_alloc : memref<!tpu.dma_semaphore, #tpu.memory_space<semaphore_mem>>
      %dma_start3A_44 = arith.constant 0 : i32
      %dma_start3A_45 = tpu.memref_slice %arg4[%add3A_23, %dma_start3A_44] : memref<2048x1024xf32, #tpu.memory_space<hbm>> -> memref<32x1024xf32, #tpu.memory_space<hbm>>
      %dma_start3A_46 = arith.constant 0 : i32
      %dma_start3A_47 = tpu.memref_slice %arg4[%add3A_23, %dma_start3A_46] : memref<2048x1024xf32, #tpu.memory_space<hbm>> -> memref<32x1024xf32, #tpu.memory_space<hbm>>
      tpu.enqueue_dma source(%arg7 : memref<32x1024xf32, #tpu.memory_space<vmem>>) target(%dma_start3A_47 : memref<32x1024xf32, #tpu.memory_space<hbm>>) target_semaphore(%run_scoped3A : memref<!tpu.dma_semaphore, #tpu.memory_space<semaphore_mem>>)
      %dma_wait3A_48 = arith.constant 0 : i32
      %dma_wait3A_49 = tpu.memref_slice %arg4[%add3A_23, %dma_wait3A_48] : memref<2048x1024xf32, #tpu.memory_space<hbm>> -> memref<32x1024xf32, #tpu.memory_space<hbm>>
      %dma_wait3A_50 = arith.constant 0 : i32
      %dma_wait3A_51 = tpu.memref_slice %arg4[%add3A_23, %dma_wait3A_50] : memref<2048x1024xf32, #tpu.memory_space<hbm>> -> memref<32x1024xf32, #tpu.memory_space<hbm>>
      tpu.wait_dma2 semaphore(%run_scoped3A : memref<!tpu.dma_semaphore, #tpu.memory_space<semaphore_mem>>) src(%arg7 : memref<32x1024xf32, #tpu.memory_space<vmem>>) dst(%dma_wait3A_51 : memref<32x1024xf32, #tpu.memory_space<hbm>>)
      tpu.yield
    }) : () -> ()
    return
  }
}

module attributes {stable_mosaic.version = 14 : i64} {
  func.func @_ffn_body(%arg0: i32, %arg1: i32, %arg2: memref<9xi32, #tpu.memory_space<smem>>, %arg3: memref<4096x1024xf32, #tpu.memory_space<vmem>>, %arg4: memref<4096x128xf32, #tpu.memory_space<vmem>>, %arg5: memref<1x512x1024xf32, #tpu.memory_space<vmem>>, %arg6: memref<1x1x1x512xf32, #tpu.memory_space<vmem>>, %arg7: memref<1x1024x512xf32, #tpu.memory_space<vmem>>, %arg8: memref<1x1x1024xf32, #tpu.memory_space<vmem>>, %arg9: memref<4096x1024xf32, #tpu.memory_space<vmem>>) attributes {dimension_semantics = [#tpu.dimension_semantics<arbitrary>, #tpu.dimension_semantics<arbitrary>], iteration_bounds = array<i64: 8, 8>, scalar_prefetch = 1 : i64, scratch_operands = 0 : i64, tpu.core_type = #tpu.core_type<tc>, window_params = [{pipeline_mode = #tpu.pipeline_mode<synchronous>, transform_indices = @transform_0, window_bounds = array<i64: 4096, 1024>}, {pipeline_mode = #tpu.pipeline_mode<synchronous>, transform_indices = @transform_1, window_bounds = array<i64: 4096, 128>}, {transform_indices = @transform_2, window_bounds = array<i64: 1, 512, 1024>}, {transform_indices = @transform_3, window_bounds = array<i64: 1, 1, 1, 512>}, {transform_indices = @transform_4, window_bounds = array<i64: 1, 1024, 512>}, {transform_indices = @transform_5, window_bounds = array<i64: 1, 1, 1024>}, {pipeline_mode = #tpu.pipeline_mode<synchronous>, transform_indices = @transform_6, window_bounds = array<i64: 4096, 1024>}]} {
    %get3A = arith.index_cast %arg0 : i32 to index
    %get3A_0 = memref.load %arg2[%get3A] : memref<9xi32, #tpu.memory_space<smem>>
    %add3A = arith.constant 1 : i32
    %add3A_1 = arith.addi %arg0, %add3A : i32
    %get3A_2 = arith.index_cast %add3A_1 : i32 to index
    %get3A_3 = memref.load %arg2[%get3A_2] : memref<9xi32, #tpu.memory_space<smem>>
    %jit3A = arith.constant 256 : i32
    %div3A = arith.divsi %get3A_0, %jit3A : i32
    %sign3A = arith.constant 0 : i32
    %sign3A_4 = arith.cmpi sgt, %get3A_0, %sign3A : i32
    %sign3A_5 = arith.extui %sign3A_4 : i1 to i32
    %sign3A_6 = arith.constant 0 : i32
    %sign3A_7 = arith.cmpi slt, %get3A_0, %sign3A_6 : i32
    %sign3A_8 = arith.extui %sign3A_7 : i1 to i32
    %sign3A_9 = arith.subi %sign3A_5, %sign3A_8 : i32
    %sign3A_10 = arith.constant 0 : i32
    %sign3A_11 = arith.cmpi sgt, %jit3A, %sign3A_10 : i32
    %sign3A_12 = arith.extui %sign3A_11 : i1 to i32
    %sign3A_13 = arith.constant 0 : i32
    %sign3A_14 = arith.cmpi slt, %jit3A, %sign3A_13 : i32
    %sign3A_15 = arith.extui %sign3A_14 : i1 to i32
    %sign3A_16 = arith.subi %sign3A_12, %sign3A_15 : i32
    %ne3A = arith.cmpi ne, %sign3A_9, %sign3A_16 : i32
    %rem3A = arith.remsi %get3A_0, %jit3A : i32
    %ne3A_17 = arith.constant 0 : i32
    %ne3A_18 = arith.cmpi ne, %rem3A, %ne3A_17 : i32
    %and3A = arith.andi %ne3A, %ne3A_18 : i1
    %sub3A = arith.constant 1 : i32
    %sub3A_19 = arith.subi %div3A, %sub3A : i32
    %select_n3A = arith.select %and3A, %sub3A_19, %div3A : i32
    %add3A_20 = arith.constant 256 : i32
    %add3A_21 = arith.addi %get3A_3, %add3A_20 : i32
    %sub3A_22 = arith.constant 1 : i32
    %sub3A_23 = arith.subi %add3A_21, %sub3A_22 : i32
    %jit3A_24 = arith.constant 256 : i32
    %div3A_25 = arith.divsi %sub3A_23, %jit3A_24 : i32
    %sign3A_26 = arith.constant 0 : i32
    %sign3A_27 = arith.cmpi sgt, %sub3A_23, %sign3A_26 : i32
    %sign3A_28 = arith.extui %sign3A_27 : i1 to i32
    %sign3A_29 = arith.constant 0 : i32
    %sign3A_30 = arith.cmpi slt, %sub3A_23, %sign3A_29 : i32
    %sign3A_31 = arith.extui %sign3A_30 : i1 to i32
    %sign3A_32 = arith.subi %sign3A_28, %sign3A_31 : i32
    %sign3A_33 = arith.constant 0 : i32
    %sign3A_34 = arith.cmpi sgt, %jit3A_24, %sign3A_33 : i32
    %sign3A_35 = arith.extui %sign3A_34 : i1 to i32
    %sign3A_36 = arith.constant 0 : i32
    %sign3A_37 = arith.cmpi slt, %jit3A_24, %sign3A_36 : i32
    %sign3A_38 = arith.extui %sign3A_37 : i1 to i32
    %sign3A_39 = arith.subi %sign3A_35, %sign3A_38 : i32
    %ne3A_40 = arith.cmpi ne, %sign3A_32, %sign3A_39 : i32
    %rem3A_41 = arith.remsi %sub3A_23, %jit3A_24 : i32
    %ne3A_42 = arith.constant 0 : i32
    %ne3A_43 = arith.cmpi ne, %rem3A_41, %ne3A_42 : i32
    %and3A_44 = arith.andi %ne3A_40, %ne3A_43 : i1
    %sub3A_45 = arith.constant 1 : i32
    %sub3A_46 = arith.subi %div3A_25, %sub3A_45 : i32
    %select_n3A_47 = arith.select %and3A_44, %sub3A_46, %div3A_25 : i32
    %sub3A_48 = arith.subi %select_n3A_47, %select_n3A : i32
    %get3A_49 = arith.constant 0 : index
    %get3A_50 = arith.constant 0 : index
    %get3A_51 = arith.constant 0 : index
    %get3A_52 = vector.load %arg5[%get3A_49, %get3A_50, %get3A_51] : memref<1x512x1024xf32, #tpu.memory_space<vmem>>, vector<1x512x1024xf32>
    %get3A_53 = vector.shape_cast %get3A_52 : vector<1x512x1024xf32> to vector<512x1024xf32>
    %get3A_54 = arith.constant 0 : index
    %get3A_55 = arith.constant 0 : index
    %get3A_56 = arith.constant 0 : index
    %get3A_57 = vector.load %arg7[%get3A_54, %get3A_55, %get3A_56] : memref<1x1024x512xf32, #tpu.memory_space<vmem>>, vector<1x1024x512xf32>
    %get3A_58 = vector.shape_cast %get3A_57 : vector<1x1024x512xf32> to vector<1024x512xf32>
    %get3A_59 = arith.constant 0 : index
    %get3A_60 = arith.constant 0 : index
    %get3A_61 = arith.constant 0 : index
    %get3A_62 = arith.constant 0 : index
    %get3A_63 = vector.load %arg6[%get3A_59, %get3A_60, %get3A_61, %get3A_62] : memref<1x1x1x512xf32, #tpu.memory_space<vmem>>, vector<1x1x1x512xf32>
    %get3A_64 = vector.shape_cast %get3A_63 : vector<1x1x1x512xf32> to vector<512xf32>
    %broadcast_in_dim3A = vector.shape_cast %get3A_64 : vector<512xf32> to vector<1x512xf32>
    %get3A_65 = arith.constant 0 : index
    %get3A_66 = arith.constant 0 : index
    %get3A_67 = arith.constant 0 : index
    %get3A_68 = vector.load %arg8[%get3A_65, %get3A_66, %get3A_67] : memref<1x1x1024xf32, #tpu.memory_space<vmem>>, vector<1x1x1024xf32>
    %get3A_69 = vector.shape_cast %get3A_68 : vector<1x1x1024xf32> to vector<1024xf32>
    %broadcast_in_dim3A_70 = vector.shape_cast %get3A_69 : vector<1024xf32> to vector<1x1024xf32>
    %while3A = arith.constant 0 : i32
    %while3A_71 = arith.constant 0 : i32
    %while3A_72 = arith.subi %sub3A_48, %while3A_71 : i32
    %while3A_73 = arith.addi %while3A_71, %while3A_72 : i32
    %while3A_74 = arith.constant 1 : i32
    %while3A_75 = arith.divsi %while3A_72, %while3A_74 : i32
    %while3A_76 = arith.muli %while3A_75, %while3A_74 : i32
    %while3A_77 = arith.addi %while3A_71, %while3A_76 : i32
    %while3A_78 = arith.constant 1 : i32
    scf.for %while3A_80 = %while3A_71 to %while3A_77 step %while3A_78  : i32 {
      %add3A_81 = arith.addi %select_n3A, %while3A_80 : i32
      %mul3A = arith.constant 256 : i32
      %mul3A_82 = arith.muli %add3A_81, %mul3A : i32
      %get3A_83 = arith.index_cast %mul3A_82 : i32 to index
      %get3A_84 = arith.constant 0 : index
      %get3A_85 = vector.load %arg3[%get3A_83, %get3A_84] : memref<4096x1024xf32, #tpu.memory_space<vmem>>, vector<256x1024xf32>
      %dot_general3A = arith.constant dense<0.000000e+00> : vector<256x512xf32>
      %dot_general3A_86 = tpu.matmul %get3A_85, %get3A_53, %dot_general3A {dimension_numbers = #tpu.dot_dimension_numbers<[1], [1], [0], [0], [0, 0, 1, 0], [], []>, transpose_lhs_hint = false} : vector<256x1024xf32>, vector<512x1024xf32>, vector<256x512xf32> -> vector<256x512xf32>
      %add3A_87 = vector.broadcast %broadcast_in_dim3A : vector<1x512xf32> to vector<256x512xf32>
      %add3A_88 = arith.addf %dot_general3A_86, %add3A_87 : vector<256x512xf32>
      %mul3A_89 = arith.constant 5.000000e-01 : f32
      %mul3A_90 = vector.broadcast %mul3A_89 : f32 to vector<256x512xf32>
      %mul3A_91 = arith.mulf %mul3A_90, %add3A_88 : vector<256x512xf32>
      %mul3A_92 = arith.constant 0.707106769 : f32
      %mul3A_93 = vector.broadcast %mul3A_92 : f32 to vector<256x512xf32>
      %mul3A_94 = arith.mulf %add3A_88, %mul3A_93 : vector<256x512xf32>
      %erf3A = math.erf %mul3A_94 : vector<256x512xf32>
      %add3A_95 = arith.constant 1.000000e+00 : f32
      %add3A_96 = vector.broadcast %add3A_95 : f32 to vector<256x512xf32>
      %add3A_97 = arith.addf %add3A_96, %erf3A : vector<256x512xf32>
      %mul3A_98 = arith.mulf %mul3A_91, %add3A_97 : vector<256x512xf32>
      %dot_general3A_99 = arith.constant dense<0.000000e+00> : vector<256x1024xf32>
      %dot_general3A_100 = tpu.matmul %mul3A_98, %get3A_58, %dot_general3A_99 {dimension_numbers = #tpu.dot_dimension_numbers<[1], [1], [0], [0], [0, 0, 1, 0], [], []>, transpose_lhs_hint = false} : vector<256x512xf32>, vector<1024x512xf32>, vector<256x1024xf32> -> vector<256x1024xf32>
      %iota3A = tpu.iota {dimensions = array<i32: 0>} : vector<256x1xi32>
      %add3A_101 = vector.broadcast %mul3A_82 : i32 to vector<256x1xi32>
      %add3A_102 = arith.addi %add3A_101, %iota3A : vector<256x1xi32>
      %ge3A = vector.broadcast %get3A_0 : i32 to vector<256x1xi32>
      %ge3A_103 = arith.cmpi sge, %add3A_102, %ge3A : vector<256x1xi32>
      %lt3A = vector.broadcast %get3A_3 : i32 to vector<256x1xi32>
      %lt3A_104 = arith.cmpi slt, %add3A_102, %lt3A : vector<256x1xi32>
      %and3A_105 = arith.andi %ge3A_103, %lt3A_104 : vector<256x1xi1>
      %get3A_106 = arith.index_cast %mul3A_82 : i32 to index
      %get3A_107 = arith.constant 0 : index
      %get3A_108 = vector.load %arg4[%get3A_106, %get3A_107] : memref<4096x128xf32, #tpu.memory_space<vmem>>, vector<256x1xf32>
      %get3A_109 = arith.index_cast %mul3A_82 : i32 to index
      %get3A_110 = arith.constant 0 : index
      %get3A_111 = vector.load %arg9[%get3A_109, %get3A_110] : memref<4096x1024xf32, #tpu.memory_space<vmem>>, vector<256x1024xf32>
      %eq3A = arith.constant 0 : i32
      %eq3A_112 = arith.cmpi eq, %arg1, %eq3A : i32
      %add3A_113 = vector.broadcast %broadcast_in_dim3A_70 : vector<1x1024xf32> to vector<256x1024xf32>
      %add3A_114 = arith.addf %dot_general3A_100, %add3A_113 : vector<256x1024xf32>
      %mul3A_115 = vector.broadcast %get3A_108 : vector<256x1xf32> to vector<256x1024xf32>
      %mul3A_116 = arith.mulf %add3A_114, %mul3A_115 : vector<256x1024xf32>
      %mul3A_117 = vector.broadcast %get3A_108 : vector<256x1xf32> to vector<256x1024xf32>
      %mul3A_118 = arith.mulf %dot_general3A_100, %mul3A_117 : vector<256x1024xf32>
      %add3A_119 = arith.addf %get3A_111, %mul3A_118 : vector<256x1024xf32>
      %select_n3A_120 = arith.select %eq3A_112, %mul3A_116, %add3A_119 : vector<256x1024xf32>
      %broadcast_in_dim3A_121 = vector.shape_cast %and3A_105 : vector<256x1xi1> to vector<256x1xi1>
      %broadcast_in_dim3A_122 = vector.broadcast %broadcast_in_dim3A_121 : vector<256x1xi1> to vector<256x1024xi1>
      %select_n3A_123 = arith.select %broadcast_in_dim3A_122, %select_n3A_120, %get3A_111 : vector<256x1024xi1>, vector<256x1024xf32>
      %swap3A = arith.index_cast %mul3A_82 : i32 to index
      %swap3A_124 = arith.constant 0 : index
      %swap3A_125 = vector.load %arg9[%swap3A, %swap3A_124] : memref<4096x1024xf32, #tpu.memory_space<vmem>>, vector<256x1024xf32>
      tpu.vector_store %arg9[%swap3A, %swap3A_124], %select_n3A_123 {strides = array<i32>} : memref<4096x1024xf32, #tpu.memory_space<vmem>>, vector<256x1024xf32>,
    }
    %while3A_79 = arith.constant 1 : i32
    scf.for %while3A_80 = %while3A_77 to %while3A_73 step %while3A_79  : i32 {
      %add3A_81 = arith.addi %select_n3A, %while3A_80 : i32
      %mul3A = arith.constant 256 : i32
      %mul3A_82 = arith.muli %add3A_81, %mul3A : i32
      %get3A_83 = arith.index_cast %mul3A_82 : i32 to index
      %get3A_84 = arith.constant 0 : index
      %get3A_85 = vector.load %arg3[%get3A_83, %get3A_84] : memref<4096x1024xf32, #tpu.memory_space<vmem>>, vector<256x1024xf32>
      %dot_general3A = arith.constant dense<0.000000e+00> : vector<256x512xf32>
      %dot_general3A_86 = tpu.matmul %get3A_85, %get3A_53, %dot_general3A {dimension_numbers = #tpu.dot_dimension_numbers<[1], [1], [0], [0], [0, 0, 1, 0], [], []>, transpose_lhs_hint = false} : vector<256x1024xf32>, vector<512x1024xf32>, vector<256x512xf32> -> vector<256x512xf32>
      %add3A_87 = vector.broadcast %broadcast_in_dim3A : vector<1x512xf32> to vector<256x512xf32>
      %add3A_88 = arith.addf %dot_general3A_86, %add3A_87 : vector<256x512xf32>
      %mul3A_89 = arith.constant 5.000000e-01 : f32
      %mul3A_90 = vector.broadcast %mul3A_89 : f32 to vector<256x512xf32>
      %mul3A_91 = arith.mulf %mul3A_90, %add3A_88 : vector<256x512xf32>
      %mul3A_92 = arith.constant 0.707106769 : f32
      %mul3A_93 = vector.broadcast %mul3A_92 : f32 to vector<256x512xf32>
      %mul3A_94 = arith.mulf %add3A_88, %mul3A_93 : vector<256x512xf32>
      %erf3A = math.erf %mul3A_94 : vector<256x512xf32>
      %add3A_95 = arith.constant 1.000000e+00 : f32
      %add3A_96 = vector.broadcast %add3A_95 : f32 to vector<256x512xf32>
      %add3A_97 = arith.addf %add3A_96, %erf3A : vector<256x512xf32>
      %mul3A_98 = arith.mulf %mul3A_91, %add3A_97 : vector<256x512xf32>
      %dot_general3A_99 = arith.constant dense<0.000000e+00> : vector<256x1024xf32>
      %dot_general3A_100 = tpu.matmul %mul3A_98, %get3A_58, %dot_general3A_99 {dimension_numbers = #tpu.dot_dimension_numbers<[1], [1], [0], [0], [0, 0, 1, 0], [], []>, transpose_lhs_hint = false} : vector<256x512xf32>, vector<1024x512xf32>, vector<256x1024xf32> -> vector<256x1024xf32>
      %iota3A = tpu.iota {dimensions = array<i32: 0>} : vector<256x1xi32>
      %add3A_101 = vector.broadcast %mul3A_82 : i32 to vector<256x1xi32>
      %add3A_102 = arith.addi %add3A_101, %iota3A : vector<256x1xi32>
      %ge3A = vector.broadcast %get3A_0 : i32 to vector<256x1xi32>
      %ge3A_103 = arith.cmpi sge, %add3A_102, %ge3A : vector<256x1xi32>
      %lt3A = vector.broadcast %get3A_3 : i32 to vector<256x1xi32>
      %lt3A_104 = arith.cmpi slt, %add3A_102, %lt3A : vector<256x1xi32>
      %and3A_105 = arith.andi %ge3A_103, %lt3A_104 : vector<256x1xi1>
      %get3A_106 = arith.index_cast %mul3A_82 : i32 to index
      %get3A_107 = arith.constant 0 : index
      %get3A_108 = vector.load %arg4[%get3A_106, %get3A_107] : memref<4096x128xf32, #tpu.memory_space<vmem>>, vector<256x1xf32>
      %get3A_109 = arith.index_cast %mul3A_82 : i32 to index
      %get3A_110 = arith.constant 0 : index
      %get3A_111 = vector.load %arg9[%get3A_109, %get3A_110] : memref<4096x1024xf32, #tpu.memory_space<vmem>>, vector<256x1024xf32>
      %eq3A = arith.constant 0 : i32
      %eq3A_112 = arith.cmpi eq, %arg1, %eq3A : i32
      %add3A_113 = vector.broadcast %broadcast_in_dim3A_70 : vector<1x1024xf32> to vector<256x1024xf32>
      %add3A_114 = arith.addf %dot_general3A_100, %add3A_113 : vector<256x1024xf32>
      %mul3A_115 = vector.broadcast %get3A_108 : vector<256x1xf32> to vector<256x1024xf32>
      %mul3A_116 = arith.mulf %add3A_114, %mul3A_115 : vector<256x1024xf32>
      %mul3A_117 = vector.broadcast %get3A_108 : vector<256x1xf32> to vector<256x1024xf32>
      %mul3A_118 = arith.mulf %dot_general3A_100, %mul3A_117 : vector<256x1024xf32>
      %add3A_119 = arith.addf %get3A_111, %mul3A_118 : vector<256x1024xf32>
      %select_n3A_120 = arith.select %eq3A_112, %mul3A_116, %add3A_119 : vector<256x1024xf32>
      %broadcast_in_dim3A_121 = vector.shape_cast %and3A_105 : vector<256x1xi1> to vector<256x1xi1>
      %broadcast_in_dim3A_122 = vector.broadcast %broadcast_in_dim3A_121 : vector<256x1xi1> to vector<256x1024xi1>
      %select_n3A_123 = arith.select %broadcast_in_dim3A_122, %select_n3A_120, %get3A_111 : vector<256x1024xi1>, vector<256x1024xf32>
      %swap3A = arith.index_cast %mul3A_82 : i32 to index
      %swap3A_124 = arith.constant 0 : index
      %swap3A_125 = vector.load %arg9[%swap3A, %swap3A_124] : memref<4096x1024xf32, #tpu.memory_space<vmem>>, vector<256x1024xf32>
      tpu.vector_store %arg9[%swap3A, %swap3A_124], %select_n3A_123 {strides = array<i32>} : memref<4096x1024xf32, #tpu.memory_space<vmem>>, vector<256x1024xf32>,
    }
    return
  }
  func.func @transform_0(%arg0: i32, %arg1: i32, %arg2: memref<9xi32, #tpu.memory_space<smem>>) -> (i32, i32) {
    %c0_i32 = arith.constant 0 : i32
    %c0_i32_0 = arith.constant 0 : i32
    %c0_i32_1 = arith.constant 0 : i32
    return %c0_i32, %c0_i32_0 : i32, i32
  }
  func.func @transform_1(%arg0: i32, %arg1: i32, %arg2: memref<9xi32, #tpu.memory_space<smem>>) -> (i32, i32) {
    %c0_i32 = arith.constant 0 : i32
    %c0_i32_0 = arith.constant 0 : i32
    %c0_i32_1 = arith.constant 0 : i32
    return %c0_i32, %c0_i32_0 : i32, i32
  }
  func.func @transform_2(%arg0: i32, %arg1: i32, %arg2: memref<9xi32, #tpu.memory_space<smem>>) -> (i32, i32, i32) {
    %c0_i32 = arith.constant 0 : i32
    %c0_i32_0 = arith.constant 0 : i32
    return %arg0, %arg1, %c0_i32 : i32, i32, i32
  }
  func.func @transform_3(%arg0: i32, %arg1: i32, %arg2: memref<9xi32, #tpu.memory_space<smem>>) -> (i32, i32, i32, i32) {
    %c0_i32 = arith.constant 0 : i32
    %c0_i32_0 = arith.constant 0 : i32
    %c0_i32_1 = arith.constant 0 : i32
    return %arg0, %arg1, %c0_i32, %c0_i32_0 : i32, i32, i32, i32
  }
  func.func @transform_4(%arg0: i32, %arg1: i32, %arg2: memref<9xi32, #tpu.memory_space<smem>>) -> (i32, i32, i32) {
    %c0_i32 = arith.constant 0 : i32
    %c0_i32_0 = arith.constant 0 : i32
    return %arg0, %c0_i32, %arg1 : i32, i32, i32
  }
  func.func @transform_5(%arg0: i32, %arg1: i32, %arg2: memref<9xi32, #tpu.memory_space<smem>>) -> (i32, i32, i32) {
    %c0_i32 = arith.constant 0 : i32
    %c0_i32_0 = arith.constant 0 : i32
    %c0_i32_1 = arith.constant 0 : i32
    return %arg0, %c0_i32, %c0_i32_0 : i32, i32, i32
  }
  func.func @transform_6(%arg0: i32, %arg1: i32, %arg2: memref<9xi32, #tpu.memory_space<smem>>) -> (i32, i32) {
    %c0_i32 = arith.constant 0 : i32
    %c0_i32_0 = arith.constant 0 : i32
    %c0_i32_1 = arith.constant 0 : i32
    return %c0_i32, %c0_i32_0 : i32, i32
  }
}

module attributes {stable_mosaic.version = 14 : i64} {
  func.func @_router_body(%arg0: memref<2048x1024xf32, #tpu.memory_space<vmem>>, %arg1: memref<8x1024xf32, #tpu.memory_space<vmem>>, %arg2: memref<1x8xf32, #tpu.memory_space<vmem>>, %arg3: memref<1x1xf32, #tpu.memory_space<vmem>>, %arg4: memref<2x2048xi32, #tpu.memory_space<vmem>>, %arg5: memref<2048x128xf32, #tpu.memory_space<vmem>>, %arg6: memref<2048x128xf32, #tpu.memory_space<vmem>>, %arg7: memref<1x8xi32, #tpu.memory_space<vmem>>) attributes {dimension_semantics = [], scalar_prefetch = 0 : i64, scratch_operands = 0 : i64, tpu.core_type = #tpu.core_type<tc>} {
    %get3A = arith.constant 0 : index
    %get3A_0 = arith.constant 0 : index
    %get3A_1 = vector.load %arg0[%get3A, %get3A_0] : memref<2048x1024xf32, #tpu.memory_space<vmem>>, vector<2048x1024xf32>
    %get3A_2 = arith.constant 0 : index
    %get3A_3 = arith.constant 0 : index
    %get3A_4 = vector.load %arg1[%get3A_2, %get3A_3] : memref<8x1024xf32, #tpu.memory_space<vmem>>, vector<8x1024xf32>
    %dot_general3A = arith.constant dense<0.000000e+00> : vector<2048x8xf32>
    %dot_general3A_5 = tpu.matmul %get3A_1, %get3A_4, %dot_general3A {dimension_numbers = #tpu.dot_dimension_numbers<[1], [1], [0], [0], [0, 0, 1, 0], [], []>, transpose_lhs_hint = false} : vector<2048x1024xf32>, vector<8x1024xf32>, vector<2048x8xf32> -> vector<2048x8xf32>
    %get3A_6 = arith.constant 0 : index
    %get3A_7 = arith.constant 0 : index
    %get3A_8 = vector.load %arg2[%get3A_6, %get3A_7] : memref<1x8xf32, #tpu.memory_space<vmem>>, vector<1x8xf32>
    %get3A_9 = vector.shape_cast %get3A_8 : vector<1x8xf32> to vector<8xf32>
    %broadcast_in_dim3A = vector.shape_cast %get3A_9 : vector<8xf32> to vector<1x8xf32>
    %add3A = vector.broadcast %broadcast_in_dim3A : vector<1x8xf32> to vector<2048x8xf32>
    %add3A_10 = arith.addf %dot_general3A_5, %add3A : vector<2048x8xf32>
    %reduce_max3A = arith.constant dense<0xFF800000> : vector<2048xf32>
    %reduce_max3A_11 = vector.multi_reduction <maximumf>, %add3A_10, %reduce_max3A [1] : vector<2048x8xf32> to vector<2048xf32>
    %broadcast_in_dim3A_12 = vector.shape_cast %reduce_max3A_11 : vector<2048xf32> to vector<2048x1xf32>
    %sub3A = vector.broadcast %broadcast_in_dim3A_12 : vector<2048x1xf32> to vector<2048x8xf32>
    %sub3A_13 = arith.subf %add3A_10, %sub3A : vector<2048x8xf32>
    %exp3A = math.exp %sub3A_13 : vector<2048x8xf32>
    %reduce_sum3A = arith.constant dense<0.000000e+00> : vector<2048xf32>
    %reduce_sum3A_14 = vector.multi_reduction <add>, %exp3A, %reduce_sum3A [1] : vector<2048x8xf32> to vector<2048xf32>
    %broadcast_in_dim3A_15 = vector.shape_cast %reduce_sum3A_14 : vector<2048xf32> to vector<2048x1xf32>
    %div3A = vector.broadcast %broadcast_in_dim3A_15 : vector<2048x1xf32> to vector<2048x8xf32>
    %div3A_16 = arith.divf %exp3A, %div3A : vector<2048x8xf32>
    %iota3A = tpu.iota {dimensions = array<i32: 1>} : vector<2048x8xi32>
    %reduce_max3A_17 = arith.constant dense<0xFF800000> : vector<2048xf32>
    %reduce_max3A_18 = vector.multi_reduction <maximumf>, %div3A_16, %reduce_max3A_17 [1] : vector<2048x8xf32> to vector<2048xf32>
    %broadcast_in_dim3A_19 = vector.shape_cast %reduce_max3A_18 : vector<2048xf32> to vector<2048x1xf32>
    %eq3A = vector.broadcast %broadcast_in_dim3A_19 : vector<2048x1xf32> to vector<2048x8xf32>
    %eq3A_20 = arith.cmpf oeq, %div3A_16, %eq3A : vector<2048x8xf32>
    %jit3A = arith.constant 8 : i32
    %broadcast_in_dim3A_21 = vector.broadcast %jit3A : i32 to vector<2048x8xi32>
    %select_n3A = arith.select %eq3A_20, %iota3A, %broadcast_in_dim3A_21 : vector<2048x8xi1>, vector<2048x8xi32>
    %reduce_min3A = arith.constant dense<2147483647> : vector<2048xi32>
    %reduce_min3A_22 = vector.multi_reduction <minsi>, %select_n3A, %reduce_min3A [1] : vector<2048x8xi32> to vector<2048xi32>
    %broadcast_in_dim3A_23 = vector.shape_cast %reduce_min3A_22 : vector<2048xi32> to vector<2048x1xi32>
    %eq3A_24 = vector.broadcast %broadcast_in_dim3A_23 : vector<2048x1xi32> to vector<2048x8xi32>
    %eq3A_25 = arith.cmpi eq, %iota3A, %eq3A_24 : vector<2048x8xi32>
    %convert_element_type3A = arith.extui %eq3A_25 : vector<2048x8xi1> to vector<2048x8xi32>
    %convert_element_type3A_26 = arith.sitofp %convert_element_type3A : vector<2048x8xi32> to vector<2048x8xf32>
    %gt3A = arith.constant 0.000000e+00 : f32
    %gt3A_27 = vector.broadcast %gt3A : f32 to vector<2048x8xf32>
    %gt3A_28 = arith.cmpf ogt, %convert_element_type3A_26, %gt3A_27 : vector<2048x8xf32>
    %jit3A_29 = arith.constant -1.000000e+00 : f32
    %broadcast_in_dim3A_30 = vector.broadcast %jit3A_29 : f32 to vector<2048x8xf32>
    %select_n3A_31 = arith.select %gt3A_28, %broadcast_in_dim3A_30, %div3A_16 : vector<2048x8xi1>, vector<2048x8xf32>
    %reduce_max3A_32 = arith.constant dense<0xFF800000> : vector<2048xf32>
    %reduce_max3A_33 = vector.multi_reduction <maximumf>, %select_n3A_31, %reduce_max3A_32 [1] : vector<2048x8xf32> to vector<2048xf32>
    %broadcast_in_dim3A_34 = vector.shape_cast %reduce_max3A_33 : vector<2048xf32> to vector<2048x1xf32>
    %eq3A_35 = vector.broadcast %broadcast_in_dim3A_34 : vector<2048x1xf32> to vector<2048x8xf32>
    %eq3A_36 = arith.cmpf oeq, %select_n3A_31, %eq3A_35 : vector<2048x8xf32>
    %jit3A_37 = arith.constant 8 : i32
    %broadcast_in_dim3A_38 = vector.broadcast %jit3A_37 : i32 to vector<2048x8xi32>
    %select_n3A_39 = arith.select %eq3A_36, %iota3A, %broadcast_in_dim3A_38 : vector<2048x8xi1>, vector<2048x8xi32>
    %reduce_min3A_40 = arith.constant dense<2147483647> : vector<2048xi32>
    %reduce_min3A_41 = vector.multi_reduction <minsi>, %select_n3A_39, %reduce_min3A_40 [1] : vector<2048x8xi32> to vector<2048xi32>
    %broadcast_in_dim3A_42 = vector.shape_cast %reduce_min3A_41 : vector<2048xi32> to vector<2048x1xi32>
    %eq3A_43 = vector.broadcast %broadcast_in_dim3A_42 : vector<2048x1xi32> to vector<2048x8xi32>
    %eq3A_44 = arith.cmpi eq, %iota3A, %eq3A_43 : vector<2048x8xi32>
    %convert_element_type3A_45 = arith.extui %eq3A_44 : vector<2048x8xi1> to vector<2048x8xi32>
    %convert_element_type3A_46 = arith.sitofp %convert_element_type3A_45 : vector<2048x8xi32> to vector<2048x8xf32>
    %add3A_47 = arith.addf %broadcast_in_dim3A_19, %broadcast_in_dim3A_34 : vector<2048x1xf32>
    %div3A_48 = arith.divf %broadcast_in_dim3A_19, %add3A_47 : vector<2048x1xf32>
    %div3A_49 = arith.divf %broadcast_in_dim3A_34, %add3A_47 : vector<2048x1xf32>
    %reduce_sum3A_50 = arith.constant dense<0.000000e+00> : vector<8xf32>
    %reduce_sum3A_51 = vector.multi_reduction <add>, %div3A_16, %reduce_sum3A_50 [0] : vector<2048x8xf32> to vector<8xf32>
    %div3A_52 = arith.constant 2.048000e+03 : f32
    %div3A_53 = vector.broadcast %div3A_52 : f32 to vector<8xf32>
    %div3A_54 = arith.divf %reduce_sum3A_51, %div3A_53 : vector<8xf32>
    %reduce_sum3A_55 = arith.constant dense<0.000000e+00> : vector<8xf32>
    %reduce_sum3A_56 = vector.multi_reduction <add>, %convert_element_type3A_26, %reduce_sum3A_55 [0] : vector<2048x8xf32> to vector<8xf32>
    %div3A_57 = arith.constant 2.048000e+03 : f32
    %div3A_58 = vector.broadcast %div3A_57 : f32 to vector<8xf32>
    %div3A_59 = arith.divf %reduce_sum3A_56, %div3A_58 : vector<8xf32>
    %mul3A = arith.mulf %div3A_54, %div3A_59 : vector<8xf32>
    %reduce_sum3A_60 = vector.shape_cast %mul3A : vector<8xf32> to vector<1x8xf32>
    %reduce_sum3A_61 = arith.constant dense<0.000000e+00> : vector<1xf32>
    %reduce_sum3A_62 = vector.multi_reduction <add>, %reduce_sum3A_60, %reduce_sum3A_61 [1] : vector<1x8xf32> to vector<1xf32>
    %reduce_sum3A_63 = vector.shape_cast %reduce_sum3A_62 : vector<1xf32> to vector<1x1xf32>
    %reduce_sum3A_64 = vector.extract %reduce_sum3A_63[0, 0] : f32 from vector<1x1xf32>
    %mul3A_65 = arith.constant 8.000000e+00 : f32
    %mul3A_66 = arith.mulf %mul3A_65, %reduce_sum3A_64 : f32
    %reshape3A = vector.broadcast %mul3A_66 : f32 to vector<1x1xf32>
    %swap3A = arith.constant 0 : index
    %swap3A_67 = arith.constant 0 : index
    %swap3A_68 = vector.load %arg3[%swap3A, %swap3A_67] : memref<1x1xf32, #tpu.memory_space<vmem>>, vector<1x1xf32>
    tpu.vector_store %arg3[%swap3A, %swap3A_67], %reshape3A {strides = array<i32>} : memref<1x1xf32, #tpu.memory_space<vmem>>, vector<1x1xf32>,
    %add3A_69 = arith.addf %convert_element_type3A_26, %convert_element_type3A_46 : vector<2048x8xf32>
    %iota3A_70 = tpu.iota {dimensions = array<i32: 0>} : vector<512x512xi32>
    %iota3A_71 = tpu.iota {dimensions = array<i32: 1>} : vector<512x512xi32>
    %ge3A = arith.cmpi sge, %iota3A_70, %iota3A_71 : vector<512x512xi32>
    %convert_element_type3A_72 = arith.extui %ge3A : vector<512x512xi1> to vector<512x512xi32>
    %convert_element_type3A_73 = arith.sitofp %convert_element_type3A_72 : vector<512x512xi32> to vector<512x512xf32>
    %broadcast_in_dim3A_74 = arith.constant 0.000000e+00 : f32
    %broadcast_in_dim3A_75 = vector.broadcast %broadcast_in_dim3A_74 : f32 to vector<1x8xf32>
    %slice3A = vector.extract_strided_slice %add3A_69 {offsets = [0, 0], sizes = [512, 8], strides = [1, 1]} : vector<2048x8xf32> to vector<512x8xf32>
    %dot_general3A_76 = arith.constant dense<0.000000e+00> : vector<512x8xf32>
    %dot_general3A_77 = tpu.matmul %convert_element_type3A_73, %slice3A, %dot_general3A_76 {dimension_numbers = #tpu.dot_dimension_numbers<[1], [0], [0], [1], [0, 0, 1, 1], [], []>, precision = #tpu.contract_precision<fp32>, transpose_lhs_hint = false} : vector<512x512xf32>, vector<512x8xf32>, vector<512x8xf32> -> vector<512x8xf32>
    %add3A_78 = vector.broadcast %broadcast_in_dim3A_75 : vector<1x8xf32> to vector<512x8xf32>
    %add3A_79 = arith.addf %dot_general3A_77, %add3A_78 : vector<512x8xf32>
    %reduce_sum3A_80 = arith.constant dense<0.000000e+00> : vector<8xf32>
    %reduce_sum3A_81 = vector.multi_reduction <add>, %slice3A, %reduce_sum3A_80 [0] : vector<512x8xf32> to vector<8xf32>
    %broadcast_in_dim3A_82 = vector.shape_cast %reduce_sum3A_81 : vector<8xf32> to vector<1x8xf32>
    %add3A_83 = arith.addf %broadcast_in_dim3A_75, %broadcast_in_dim3A_82 : vector<1x8xf32>
    %slice3A_84 = vector.extract_strided_slice %add3A_69 {offsets = [512, 0], sizes = [512, 8], strides = [1, 1]} : vector<2048x8xf32> to vector<512x8xf32>
    %dot_general3A_85 = arith.constant dense<0.000000e+00> : vector<512x8xf32>
    %dot_general3A_86 = tpu.matmul %convert_element_type3A_73, %slice3A_84, %dot_general3A_85 {dimension_numbers = #tpu.dot_dimension_numbers<[1], [0], [0], [1], [0, 0, 1, 1], [], []>, precision = #tpu.contract_precision<fp32>, transpose_lhs_hint = false} : vector<512x512xf32>, vector<512x8xf32>, vector<512x8xf32> -> vector<512x8xf32>
    %add3A_87 = vector.broadcast %add3A_83 : vector<1x8xf32> to vector<512x8xf32>
    %add3A_88 = arith.addf %dot_general3A_86, %add3A_87 : vector<512x8xf32>
    %reduce_sum3A_89 = arith.constant dense<0.000000e+00> : vector<8xf32>
    %reduce_sum3A_90 = vector.multi_reduction <add>, %slice3A_84, %reduce_sum3A_89 [0] : vector<512x8xf32> to vector<8xf32>
    %broadcast_in_dim3A_91 = vector.shape_cast %reduce_sum3A_90 : vector<8xf32> to vector<1x8xf32>
    %add3A_92 = arith.addf %add3A_83, %broadcast_in_dim3A_91 : vector<1x8xf32>
    %slice3A_93 = vector.extract_strided_slice %add3A_69 {offsets = [1024, 0], sizes = [512, 8], strides = [1, 1]} : vector<2048x8xf32> to vector<512x8xf32>
    %dot_general3A_94 = arith.constant dense<0.000000e+00> : vector<512x8xf32>
    %dot_general3A_95 = tpu.matmul %convert_element_type3A_73, %slice3A_93, %dot_general3A_94 {dimension_numbers = #tpu.dot_dimension_numbers<[1], [0], [0], [1], [0, 0, 1, 1], [], []>, precision = #tpu.contract_precision<fp32>, transpose_lhs_hint = false} : vector<512x512xf32>, vector<512x8xf32>, vector<512x8xf32> -> vector<512x8xf32>
    %add3A_96 = vector.broadcast %add3A_92 : vector<1x8xf32> to vector<512x8xf32>
    %add3A_97 = arith.addf %dot_general3A_95, %add3A_96 : vector<512x8xf32>
    %reduce_sum3A_98 = arith.constant dense<0.000000e+00> : vector<8xf32>
    %reduce_sum3A_99 = vector.multi_reduction <add>, %slice3A_93, %reduce_sum3A_98 [0] : vector<512x8xf32> to vector<8xf32>
    %broadcast_in_dim3A_100 = vector.shape_cast %reduce_sum3A_99 : vector<8xf32> to vector<1x8xf32>
    %add3A_101 = arith.addf %add3A_92, %broadcast_in_dim3A_100 : vector<1x8xf32>
    %slice3A_102 = vector.extract_strided_slice %add3A_69 {offsets = [1536, 0], sizes = [512, 8], strides = [1, 1]} : vector<2048x8xf32> to vector<512x8xf32>
    %dot_general3A_103 = arith.constant dense<0.000000e+00> : vector<512x8xf32>
    %dot_general3A_104 = tpu.matmul %convert_element_type3A_73, %slice3A_102, %dot_general3A_103 {dimension_numbers = #tpu.dot_dimension_numbers<[1], [0], [0], [1], [0, 0, 1, 1], [], []>, precision = #tpu.contract_precision<fp32>, transpose_lhs_hint = false} : vector<512x512xf32>, vector<512x8xf32>, vector<512x8xf32> -> vector<512x8xf32>
    %add3A_105 = vector.broadcast %add3A_101 : vector<1x8xf32> to vector<512x8xf32>
    %add3A_106 = arith.addf %dot_general3A_104, %add3A_105 : vector<512x8xf32>
    %reduce_sum3A_107 = arith.constant dense<0.000000e+00> : vector<8xf32>
    %reduce_sum3A_108 = vector.multi_reduction <add>, %slice3A_102, %reduce_sum3A_107 [0] : vector<512x8xf32> to vector<8xf32>
    %broadcast_in_dim3A_109 = vector.shape_cast %reduce_sum3A_108 : vector<8xf32> to vector<1x8xf32>
    %add3A_110 = arith.addf %add3A_101, %broadcast_in_dim3A_109 : vector<1x8xf32>
    %concatenate3A = tpu.concatenate %add3A_79, %add3A_88, %add3A_97, %add3A_106 in 0 : vector<512x8xf32>, vector<512x8xf32>, vector<512x8xf32>, vector<512x8xf32> -> vector<2048x8xf32>
    %sub3A_111 = arith.subf %concatenate3A, %add3A_69 : vector<2048x8xf32>
    %iota3A_112 = tpu.iota {dimensions = array<i32: 0>} : vector<8x8xi32>
    %iota3A_113 = tpu.iota {dimensions = array<i32: 1>} : vector<8x8xi32>
    %lt3A = arith.cmpi slt, %iota3A_112, %iota3A_113 : vector<8x8xi32>
    %convert_element_type3A_114 = arith.extui %lt3A : vector<8x8xi1> to vector<8x8xi32>
    %convert_element_type3A_115 = arith.sitofp %convert_element_type3A_114 : vector<8x8xi32> to vector<8x8xf32>
    %dot_general3A_116 = arith.constant dense<0.000000e+00> : vector<1x8xf32>
    %dot_general3A_117 = tpu.matmul %add3A_110, %convert_element_type3A_115, %dot_general3A_116 {dimension_numbers = #tpu.dot_dimension_numbers<[1], [0], [0], [1], [0, 0, 1, 1], [], []>, precision = #tpu.contract_precision<fp32>, transpose_lhs_hint = false} : vector<1x8xf32>, vector<8x8xf32>, vector<1x8xf32> -> vector<1x8xf32>
    %convert_element_type3A_118 = arith.fptosi %dot_general3A_117 : vector<1x8xf32> to vector<1x8xi32>
    %swap3A_119 = arith.constant 0 : index
    %swap3A_120 = arith.constant 0 : index
    %swap3A_121 = vector.load %arg7[%swap3A_119, %swap3A_120] : memref<1x8xi32, #tpu.memory_space<vmem>>, vector<1x8xi32>
    tpu.vector_store %arg7[%swap3A_119, %swap3A_120], %convert_element_type3A_118 {strides = array<i32>} : memref<1x8xi32, #tpu.memory_space<vmem>>, vector<1x8xi32>,
    %add3A_122 = vector.broadcast %dot_general3A_117 : vector<1x8xf32> to vector<2048x8xf32>
    %add3A_123 = arith.addf %add3A_122, %sub3A_111 : vector<2048x8xf32>
    %mul3A_124 = arith.mulf %convert_element_type3A_26, %add3A_123 : vector<2048x8xf32>
    %reduce_sum3A_125 = arith.constant dense<0.000000e+00> : vector<2048xf32>
    %reduce_sum3A_126 = vector.multi_reduction <add>, %mul3A_124, %reduce_sum3A_125 [1] : vector<2048x8xf32> to vector<2048xf32>
    %broadcast_in_dim3A_127 = vector.shape_cast %reduce_sum3A_126 : vector<2048xf32> to vector<2048x1xf32>
    %mul3A_128 = arith.mulf %convert_element_type3A_46, %add3A_123 : vector<2048x8xf32>
    %reduce_sum3A_129 = arith.constant dense<0.000000e+00> : vector<2048xf32>
    %reduce_sum3A_130 = vector.multi_reduction <add>, %mul3A_128, %reduce_sum3A_129 [1] : vector<2048x8xf32> to vector<2048xf32>
    %broadcast_in_dim3A_131 = vector.shape_cast %reduce_sum3A_130 : vector<2048xf32> to vector<2048x1xf32>
    %concatenate3A_132 = tpu.concatenate %broadcast_in_dim3A_127, %broadcast_in_dim3A_131 in 1 : vector<2048x1xf32>, vector<2048x1xf32> -> vector<2048x2xf32>
    %transpose3A = tpu.transpose %concatenate3A_132, [1, 0] : vector<2048x2xf32> -> vector<2x2048xf32>
    %convert_element_type3A_133 = arith.fptosi %transpose3A : vector<2x2048xf32> to vector<2x2048xi32>
    %swap3A_134 = arith.constant 0 : index
    %swap3A_135 = arith.constant 0 : index
    %swap3A_136 = vector.load %arg4[%swap3A_134, %swap3A_135] : memref<2x2048xi32, #tpu.memory_space<vmem>>, vector<2x2048xi32>
    tpu.vector_store %arg4[%swap3A_134, %swap3A_135], %convert_element_type3A_133 {strides = array<i32>} : memref<2x2048xi32, #tpu.memory_space<vmem>>, vector<2x2048xi32>,
    %broadcast_in_dim3A_137 = arith.constant 0.000000e+00 : f32
    %broadcast_in_dim3A_138 = vector.broadcast %broadcast_in_dim3A_137 : f32 to vector<2048x127xf32>
    %concatenate3A_139 = tpu.concatenate %div3A_48, %broadcast_in_dim3A_138 in 1 : vector<2048x1xf32>, vector<2048x127xf32> -> vector<2048x128xf32>
    %swap3A_140 = arith.constant 0 : index
    %swap3A_141 = arith.constant 0 : index
    %swap3A_142 = vector.load %arg5[%swap3A_140, %swap3A_141] : memref<2048x128xf32, #tpu.memory_space<vmem>>, vector<2048x128xf32>
    tpu.vector_store %arg5[%swap3A_140, %swap3A_141], %concatenate3A_139 {strides = array<i32>} : memref<2048x128xf32, #tpu.memory_space<vmem>>, vector<2048x128xf32>,
    %concatenate3A_143 = tpu.concatenate %div3A_49, %broadcast_in_dim3A_138 in 1 : vector<2048x1xf32>, vector<2048x127xf32> -> vector<2048x128xf32>
    %swap3A_144 = arith.constant 0 : index
    %swap3A_145 = arith.constant 0 : index
    %swap3A_146 = vector.load %arg6[%swap3A_144, %swap3A_145] : memref<2048x128xf32, #tpu.memory_space<vmem>>, vector<2048x128xf32>
    tpu.vector_store %arg6[%swap3A_144, %swap3A_145], %concatenate3A_143 {strides = array<i32>} : memref<2048x128xf32, #tpu.memory_space<vmem>>, vector<2048x128xf32>,
    return
  }
}

</mosaic_0001>

<sc_bundles>
// kernel: kernel.6.cloned.1.call-start
scs
__scs_entry_jumppad:
0x0: {  	(pc) =	sbr.rel $0x88, $3  }
0x1: {  	(tag) =	ssettag $0x0;
	lr =	simm.s32 $0x1  }
0x2: {  	[smem:$0x3F9A] =	sst lr;
	_ =	strace $0xD0000000  }
0x3: {  	_ = 	snop  }
0x4: {  	_ = 	snop  }
0x5: {  	_ = 	snop  }
0x6: {  	_ = 	snop  }
0x7: {  	_ = 	snop  }
__scs_overlays_trampoline_lowered:
0x8: {  	[smem:$0x3FA9] =	sst s0  }
0x9: {  	[smem:$0x3FAA] =	sst s1  }
0xa: {  	[smem:$0x3FAB] =	sst s2  }
0xb: {  	[smem:$0x3FAC] =	sst s3  }
0xc: {  	[smem:$0x3FAD] =	sst s4  }
0xd: {  	[smem:$0x3FAE] =	sst s5  }
0xe: {  	[smem:$0x3FAF] =	sst s6  }
0xf: {  	[smem:$0x3FB0] =	sst s7  }
0x10: {  	[smem:$0x3FB1] =	sst s8  }
0x11: {  	[smem:$0x3FB2] =	sst s9;
	s0 =	simm.s32 @!p0 $0x0  }
0x12: {  	s1 =	sld [smem:$0x3F98];
	s0 =	simm.s32 @p0 $0x1  }
0x13: {  	[smem:$0x3FB3] =	sst s0;
	s0 =	simm.s32 @!p1 $0x0  }
0x14: {  	s2 =	sld [smem:$0x3F97];
	s0 =	simm.s32 @p1 $0x1  }
0x15: {  	[smem:$0x3FB4] =	sst s0;
	s0 =	simm.s32 @!p2 $0x0  }
0x16: {  	s3 =	sld [smem:$0x3FDB];
	s0 =	simm.s32 @p2 $0x1  }
0x17: {  	s4 =	simm.s32 $0x1BF5;
	[smem:$0x3FB6] =	sst s0  }
0x18: {  	s0 =	sld [smem:$0x3F99];
	_ =	swait.ge [sflag:s4], $0x0  }
0x19: {  	s7 =	sld [smem:$0x3F9A]  }
0x1a: {  	s8 =	sadd.s32 $0xFFFFE003, lr  }
0x1b: {  	s9 =	sadd.s32 $0xFFFFFEF7, lr;
	s5 =	simm.s32 $0xFFFFFFFF;
	p2 =	slt.u32 s8, $0xFFFFF086  }
0x1c: {  	p1 =	slt.u32 s9, $0xF7A;
	s5 =	simm.s32 @!p2 $0x0  }
0x1d: {  	s5 =	simm.s32 @p1 $0x1;
	p0 =	seq.s32 s7, s2  }
0x1e: {  	s7 =	smul.u32 @!p0 $0xF7A, s2;
	p2 =	seq.s32 @!p0 s5, $0x0  }
0x1f: {  	s9 =	smul.u32 $0xF7A, s1;
	s8 =	simm.s32 @!p0 $0x1BF5;
	p2 =	por !p2, p0  }
0x20: {  	[sflag:s8] =	ssyncset.s32 @!p0 $0xFFFFF086;
	s6 =	sadd.s32 @!p0 s3, s7;
	s7 =	simm.s32 @!p0 $0x108  }
0x21: {  	s3 =	sadd.s32 s3, s9;
	s6 =	sadd.s32 @!p0 $0x88, s6;
	s7 =	simm.s32 @p2 $0x1082  }
0x22: {  	[simem:s7], [sflag:s8] =	dma.local @!p0 [hbm:s6], $0xF7A  }
0x23: {  	s9 =	sor.u32 $0xD0000000, s2;
	s6 =	simm.s32 $0x108;
	_ =	swait.ge @!p0 [sflag:s8], $0x0  }
0x24: {  	s3 =	sadd.s32 $0x88, s3;
	s6 =	simm.s32 @!p1 $0x1082;
	[sflag:s4] =	ssyncset.s32 $0xFFFFF086  }
0x25: {  	[simem:s6], [sflag:s4] =	dma.local [hbm:s3], $0xF7A  }
0x26: {  	[smem:$0x3F9A] =	sst s1;
	(tag) =	ssettag s2;
	_ =	strace s9  }
0x27: {  	s1 =	sld [smem:$0x3FAA]  }
0x28: {  	s2 =	sld [smem:$0x3FAB]  }
0x29: {  	s4 =	sld [smem:$0x3FAD]  }
0x2a: {  	p0 =	seq.s32 s5, $0x0;
	s5 =	sld [smem:$0x3FAE]  }
0x2b: {  	s6 =	sld [smem:$0x3FAF]  }
0x2c: {  	s7 =	sld [smem:$0x3FB0]  }
0x2d: {  	s3 =	simm.s32 $0x108;
	s8 =	sld [smem:$0x3FB1]  }
0x2e: {  	s3 =	simm.s32 @!p0 $0x1082;
	s9 =	sld [smem:$0x3FB2]  }
0x2f: {  	lr =	sadd.s32 s0, s3;
	s0 =	sld [smem:$0x3FA9]  }
0x30: {  	s3 =	sld [smem:$0x3FAC]  }
0x31: {  	[smem:$0x3FB5] =	sst s10  }
0x32: {  	s10 =	sld [smem:$0x3FB3];
	_ =	sdelay $0x3  }
0x33: {  	p0 =	seq.s32 s10, $0x1;
	s10 =	sld [smem:$0x3FB5];
	_ =	sdelay $0x3  }
0x34: {  	[smem:$0x3FB5] =	sst s10  }
0x35: {  	s10 =	sld [smem:$0x3FB4];
	_ =	sdelay $0x3  }
0x36: {  	p1 =	seq.s32 s10, $0x1;
	s10 =	sld [smem:$0x3FB5];
	_ =	sdelay $0x3  }
0x37: {  	[smem:$0x3FB5] =	sst s10  }
0x38: {  	s10 =	sld [smem:$0x3FB6]  }
0x39: {  	_ = 	snop;
	(pc) =	sbr.ind lr, $3  }
0x3a: {  	_ = 	snop  }
0x3b: {  	_ = 	snop  }
0x3c: {  	p2 =	seq.s32 s10, $0x1;
	s10 =	sld [smem:$0x3FB5]  }
0x3d: {  	_ =	shalt  }
0x3e: {  	_ =	shalt  }
0x3f: {  	_ =	shalt  }
0x40: {  	_ =	shalt  }
0x41: {  	_ =	shalt  }
0x42: {  	_ =	shalt  }
0x43: {  	_ =	shalt  }
0x44: {  	_ =	shalt  }
0x45: {  	_ =	shalt  }
0x46: {  	_ =	shalt  }
0x47: {  	_ =	shalt  }
0x48: {  	_ =	shalt  }
0x49: {  	_ =	shalt  }
0x4a: {  	_ =	shalt  }
0x4b: {  	_ =	shalt  }
0x4c: {  	_ =	shalt  }
0x4d: {  	_ =	shalt  }
0x4e: {  	_ =	shalt  }
0x4f: {  	_ =	shalt  }
0x50: {  	_ =	shalt  }
0x51: {  	_ =	shalt  }
0x52: {  	_ =	shalt  }
0x53: {  	_ =	shalt  }
0x54: {  	_ =	shalt  }
0x55: {  	_ =	shalt  }
0x56: {  	_ =	shalt  }
0x57: {  	_ =	shalt  }
0x58: {  	_ =	shalt  }
0x59: {  	_ =	shalt  }
0x5a: {  	_ =	shalt  }
0x5b: {  	_ =	shalt  }
0x5c: {  	_ =	shalt  }
0x5d: {  	_ =	shalt  }
0x5e: {  	_ =	shalt  }
0x5f: {  	_ =	shalt  }
0x60: {  	_ =	shalt  }
0x61: {  	_ =	shalt  }
0x62: {  	_ =	shalt  }
0x63: {  	_ =	shalt  }
0x64: {  	_ =	shalt  }
0x65: {  	_ =	shalt  }
0x66: {  	_ =	shalt  }
0x67: {  	_ =	shalt  }
0x68: {  	_ =	shalt  }
0x69: {  	_ =	shalt  }
0x6a: {  	_ =	shalt  }
0x6b: {  	_ =	shalt  }
0x6c: {  	_ =	shalt  }
0x6d: {  	_ =	shalt  }
0x6e: {  	_ =	shalt  }
0x6f: {  	_ =	shalt  }
0x70: {  	_ =	shalt  }
0x71: {  	_ =	shalt  }
0x72: {  	_ =	shalt  }
0x73: {  	_ =	shalt  }
0x74: {  	_ =	shalt  }
0x75: {  	_ =	shalt  }
0x76: {  	_ =	shalt  }
0x77: {  	_ =	shalt  }
0x78: {  	_ =	shalt  }
0x79: {  	_ =	shalt  }
0x7a: {  	_ =	shalt  }
0x7b: {  	_ =	shalt  }
0x7c: {  	_ =	shalt  }
0x7d: {  	_ =	shalt  }
0x7e: {  	_ =	shalt  }
0x7f: {  	_ =	shalt  }
0x80: {  	_ =	shalt  }
0x81: {  	_ =	shalt  }
0x82: {  	_ =	shalt  }
0x83: {  	_ =	shalt  }
0x84: {  	_ =	shalt  }
0x85: {  	_ =	shalt  }
0x86: {  	_ =	shalt  }
0x87: {  	_ =	shalt  }
.Lfunc_end0:
.L_simem_size_0:
called_computation_lowered:
.L_overlay_start_0:
0x88: {  	s2 =	sld [smem:$0x3FD9]  }
0x89: {  	s3 =	sld [smem:$0x3FFE];
	_ =	sdelay $0x1  }
0x8a: {  	s1 =	srdreg.scid  }
0x8b: {  	s0 =	sand.u32 $0x1, s1  }
0x8c: {  	s14 =	sshll.u32 s0, $0xA;
	s2 =	sadd.s32 s3, s2  }
0x8d: {  	s2 =	sadd.s32 s2, s14  }
0x8e: {  	[smem:$0x3FC1] =	sst s2  }
0x8f: {  	_ = 	snop  }
0x90: {  	s2 =	sld [smem:$0x3FD0];
	_ =	sdelay $0x2  }
0x91: {  	s4 =	simm.s32 $0xA;
	s5 =	simm.s32 $0x10;
	s15 =	sld [smem:$0x3FC9]  }
0x92: {  	[smem:s5], [sflag:s4] =	dma.local [hbm:s2], $0x1  }
0x93: {  	_ =	swait.eq [sflag:s4], $0x1  }
0x94: {  	[sflag:s4] =	ssyncset.done $0x0  }
0x95: {  	[sflag:s4] =	ssyncadd.s32 $0xFFFFFFFF  }
0x96: {  	s16 =	sld [smem:$0x10];
	(tm) =	ssettm $0x1  }
0x97: {  	s17 =	sld [smem:$0x3FFB];
	_ =	sdelay $0x3  }
0x98: {  	_ =	strace s17  }
0x99: {  	s4 =	sld [smem:$0x3FFC];
	_ =	sdelay $0x3  }
0x9a: {  	_ =	strace s4  }
0x9b: {  	s4 =	sld [smem:$0x3FFD];
	_ =	sdelay $0x3  }
0x9c: {  	_ =	strace s4  }
0x9d: {  	_ =	strace $0x8FFFFFFF  }
0x9e: {  	s18 =	sld [smem:$0x3FDB];
	_ =	sdelay $0x1  }
0x9f: {  	s19 =	simm.s32 $_scs_section_size  }
0xa0: {  	s6 =	simm.s32 $_size__tile_overlayer_lowered;
	s7 =	simm.s32 $_tile_overlayer_lowered  }
0xa1: {  	s22 =	simm.s32 $0x1BFF;
	s21 =	sshll.u32 s7, $0x1;
	s4 =	sadd.s32 s19, s18  }
0xa2: {  	s8 =	simm.s32 $0x0;
	s20 =	sshll.u32 s6, $0x1;
	s6 =	sadd.s32 s21, s4  }
0xa3: {  	[timem:s8], [sflag:s22] =	dma.local [hbm:s6], s20  }
0xa4: {  	_ =	swait.ge [sflag:s22], s20  }
0xa5: {  	s5 =	ssub.s32 $0x0, s20;
	[sflag:s22] =	ssyncset.done $0x0  }
0xa6: {  	[sflag:s22] =	ssyncadd.s32 s5;
	_ =	sdelay $0x1  }
0xa7: {  	s23 =	simm.s32 $0x1B8B  }
0xa8: {  	_ =	swait.ge [sflag:s23], $0x1  }
0xa9: {  	[sflag:s23] =	ssyncset.done $0x0  }
0xaa: {  	s25 =	simm.s32 $0x1B8E;
	s24 =	sld [smem:$0x3FFE];
	[sflag:s23] =	ssyncadd.s32 $0xFFFFFFFF  }
0xab: {  	s26 =	simm.s32 $execute0_lowered;
	[smem:$0x3FD2] =	sst s25  }
0xac: {  	s6 =	sshll.u32 s26, $0x1;
	_ =	strace $0x80000046;
	[dreg:$0x1] =	wrdreg $0xFFFFFFFF  }
0xad: {  	s28 =	simm.s32 $_size_execute0_lowered;
	s4 =	sadd.s32 s4, s6;
	[dreg:$0x0] =	wrdreg $0x0  }
0xae: {  	s6 =	sshll.u32 s28, $0x1;
	[dreg:$0x2] =	wrdreg s4  }
0xaf: {  	[dreg:$0x3] =	wrdreg s6  }
0xb0: {  	[dreg:$0x4] =	wrdreg $0xC0  }
0xb1: {  	_ =	task [dreg:s8], $0x5FFFF  }
0xb2: {  	[dreg:$0x1] =	wrdreg $0xFFFFFFFF  }
0xb3: {  	[dreg:$0x0] =	wrdreg $0x60  }
0xb4: {  	[dreg:$0x2] =	wrdreg s15  }
0xb5: {  	[dreg:$0x3] =	wrdreg s24  }
0xb6: {  	[dreg:$0x4] =	wrdreg s16  }
0xb7: {  	[dreg:$0x5] =	wrdreg $0x9  }
0xb8: {  	_ =	task.clear_ibuf [dreg:s8], $0x6FFFF;
	_ =	strace $0x90000046  }
0xb9: {  	s29 =	simm.s32 $0x9;
	_ =	strace $0x80000048  }
0xba: {  	_ =	swait.ge [sflag:s29], $0x1  }
0xbb: {  	[sflag:s29] =	ssyncadd.s32 $0xFFFFFFFF  }
0xbc: {  	_ =	strace $0x90000048  }
0xbd: {  	_ =	sfence  }
0xbe: {  	s30 =	sld [smem:$0x0];
	_ =	sdelay $0x2  }
0xbf: {  	s31 =	sshll.u32 s1, $0xD;
	s1 =	sshrl.u32 s1, $0x2  }
0xc0: {  	s3 =	sand.u32 $0x4000, s31;
	s1 =	sadd.s32 s1, s30  }
0xc1: {  	s0 =	sor.u32 s3, s0;
	s1 =	sshll.u32 s1, $0x11  }
0xc2: {  	s0 =	sor.u32 s1, s0  }
0xc3: {  	s0 =	sadd.s32 $0x8F2B, s0  }
0xc4: {  	[sflag:s0] =	ssyncadd.remote.s32 $0x1  }
0xc5: {  	_ =	sfence.sel $0xFFFF  }
0xc6: {  	[dreg:$0x0] =	wrdreg $0xFFFFFFFF;
	(pc) =	sbr.abs _section_cstart, $3  }
0xc7: {  	[dreg:$0x1] =	wrdreg $0xFFFFFFFF  }
0xc8: {  	_ =	task.clear_ibuf [dreg:s8], $0x2FFFF;
	_ =	strace $0x9FFFFFFF  }
0xc9: {  	(tm) =	ssettm $0x7FFFFFFF  }
tec
execute0_lowered:
.L_overlay_start_1:
0x0: {  	(tag) =	ssettag $0x1  }
0x1: {  	s0 =	srdreg.scid;
	s1 =	rddreg [dreg:$0x0]  }
0x2: {  	s3 =	stileid.u32;
	s2 =	rddreg [dreg:$0x1]  }
0x3: {  	s9 =	simm.s32 $0x5;
	s23 =	simm.s32 $0x100;
	s10 =	simm.s32 $0x2900  }
0x4: {  	s12 =	simm.s32 $0x3100;
	s13 =	simm.s32 $0x3900;
	s14 =	simm.s32 $0x4100  }
0x5: {  	s15 =	simm.s32 $0x4900;
	s16 =	simm.s32 $0x5100;
	s17 =	simm.s32 $0x5900  }
0x6: {  	s18 =	simm.s32 $0x6100;
	s19 =	simm.s32 $0x6900;
	s20 =	simm.s32 $0x7100  }
0x7: {  	s21 =	simm.s32 $0x7900;
	s22 =	simm.s32 $0x8100;
	s11 =	simm.s32 $0x8900  }
0x8: {  	s24 =	simm.s32 $0x9100;
	s29 =	simm.s32 $0xA900;
	s0 =	sand.u32 $0x1, s0  }
0x9: {  	s30 =	simm.s32 $0xB100;
	s3 =	sshll.u32 s3, $0x7;
	s4 =	sshll.u32 s0, $0x6  }
0xa: {  	s31 =	simm.s32 $0xB900;
	s0 =	ssub.s32 $0x2, s0;
	s4 =	sor.u32 s4, s3  }
0xb: {  	s3 =	simm.s32 $0x0;
	s26 =	sshrl.u32 s0, $0x1;
	s5 =	sshrl.u32 s4, $0x3  }
0xc: {  	[smem:$0x7FF] =	sst s3;
	s6 =	sshll.u32 s4, $0x4;
	s4 =	sshll.u32 s4, $0x7  }
0xd: {  	s0 =	ssub.s32 s0, s26;
	s5 =	sadd.s32 s5, s2;
	s1 =	sadd.s32 s1, s4  }
0xe: {  	_ =	strace $0x80000047;
	s7 =	sadd.s32 $0x12000, s5;
	[dreg:$0x6] =	wrdreg s1  }
0xf: {  	s6 =	sadd.s32 s6, s2;
	s5 =	sadd.s32 $0x12100, s5;
	[dreg:$0x4] =	wrdreg s7  }
0x10: {  	s26 =	simm.s32 $0xA100;
	s25 =	sadd.s32 $0x2000, s6;
	[dreg:$0x5] =	wrdreg s5  }
0x11: {  	v2 =	vlaneseq.u32;
	s4 =	sadd.s32 $0x12200, s2;
	s28 =	sadd.s32 $0xA000, s6;
	[dreg:$0x7] =	wrdreg s25  }
0x12: {  	vm0 =	vmmov $0xffff;
	v1 =	vshrl.u32 v2, $0x3;
	s8 =	smax.u32 s0, $0x1;
	s6 =	sadd.s32 $0x12400, s2;
	[dreg:$0x8] =	wrdreg s28  }
0x13: {  	v0 =	vand.u32 $0x7, v2;
	v2 =	vor.u32 $0x8, v2;
	v1 =	vmul.u32 $0x8, v1;
	s5 =	sadd.s32 $0x12300, s2;
	s7 =	sadd.s32 $0x12500, s2;
	s25 =	simm.s32 $0x9900  }
.LBB2_1:
0x14: {  	s28 =	rddreg [dreg:$0x4]  }
0x15: {  	[tilespmem:s3], [sflag:$0x5] =	stream.linear.gather [hbm4b:s28+s3], $0x40, $0x38;
	[tilespmem:$0x14100] =	vst v63  }
0x16: {  	_ =	swait.ge [sflag:s9], $0x40  }
0x17: {  	[sflag:s9] =	ssyncset.done $0x0  }
0x18: {  	s0 =	simm.s32 $0x80;
	s2 =	rddreg [dreg:$0x5];
	[sflag:s9] =	ssyncadd.s32 $0xFFFFFFC0  }
0x19: {  	[tilespmem:s0], [sflag:$0x5] =	stream.linear.gather [hbm4b:s2+s3], $0x40, $0x38;
	[tilespmem:$0x14100] =	vst v63  }
0x1a: {  	_ =	swait.ge [sflag:s9], $0x40  }
0x1b: {  	[sflag:s9] =	ssyncset.done $0x0  }
0x1c: {  	s0 =	rddreg [dreg:$0x6];
	[sflag:s9] =	ssyncadd.s32 $0xFFFFFFC0  }
0x1d: {  	[tilespmem:s23], [sflag:$0x5] =	stream.linear.gather [hbm4b:s0+s3], $0x10000, $0x38;
	[tilespmem:$0x14100] =	vst v63  }
0x1e: {  	_ =	swait.ge [sflag:s9], $0x10000  }
0x1f: {  	[sflag:s9] =	ssyncset.done $0x0  }
0x20: {  	s2 =	simm.s32 $0x10100;
	s1 =	rddreg [dreg:$0x7];
	[sflag:s9] =	ssyncadd.s32 $0xFFFF0000  }
0x21: {  	[tilespmem:s2], [sflag:$0x5] =	stream.linear.gather [hbm4b:s1+s3], $0x2000, $0x38;
	[tilespmem:$0x14100] =	vst v63  }
0x22: {  	_ =	swait.ge [sflag:s9], $0x2000  }
0x23: {  	[sflag:s9] =	ssyncset.done $0x0  }
0x24: {  	s1 =	simm.s32 $0x12100;
	s0 =	rddreg [dreg:$0x8];
	[sflag:s9] =	ssyncadd.s32 $0xFFFFE000  }
0x25: {  	[tilespmem:s1], [sflag:$0x5] =	stream.linear.gather [hbm4b:s0+s3], $0x2000, $0x38;
	[tilespmem:$0x14100] =	vst v63  }
0x26: {  	_ =	swait.ge [sflag:s9], $0x2000  }
0x27: {  	[sflag:s9] =	ssyncset.done $0x0  }
0x28: {  	[sflag:s9] =	ssyncadd.s32 $0xFFFFE000  }
0x29: {  	v3 =	vld [tilespmem:$0x0];
	_ =	sdelay $0x4  }
0x2a: {  	v4 =	vshll.u32 v3, $0x3  }
0x2b: {  	v3 =	vand.u32 $0x7, v3;
	v4 =	vand.u32 $0xFFFFFFC0, v4  }
0x2c: {  	v3 =	vor.u32 v3, v4  }
0x2d: {  	v4 =	vperm.xlane v3, v0;
	_ =	sdelay $0x1  }
0x2e: {  	v4 =	vadd.s32 v1, v4;
	_ =	sdelay $0x4  }
0x2f: {  	[hbm4b:s4+s3] =	stream.indirect_vreg.scatter [tilespmem:s23], [sflag:$0x1], $0x80, v4, vm0, $0xb8;
	[tilespmem:$0x14100] =	vst v63  }
0x30: {  	s28 =	simm.s32 $0x900;
	v3 =	vperm.xlane v3, v2  }
0x31: {  	[hbm4b:s5+s3] =	stream.indirect_vreg.scatter [tilespmem:s28], [sflag:$0x1], $0x80, v4, vm0, $0xb8;
	[tilespmem:$0x14100] =	vst v63  }
0x32: {  	s1 =	simm.s32 $0x1100;
	v3 =	vadd.s32 v1, v3  }
0x33: {  	[hbm4b:s6+s3] =	stream.indirect_vreg.scatter [tilespmem:s1], [sflag:$0x1], $0x80, v4, vm0, $0xb8;
	[tilespmem:$0x14100] =	vst v63  }
0x34: {  	s2 =	simm.s32 $0x1900  }
0x35: {  	[hbm4b:s7+s3] =	stream.indirect_vreg.scatter [tilespmem:s2], [sflag:$0x1], $0x80, v4, vm0, $0xb8;
	[tilespmem:$0x14100] =	vst v63  }
0x36: {  	s2 =	simm.s32 $0x2100  }
0x37: {  	[hbm4b:s4+s3] =	stream.indirect_vreg.scatter [tilespmem:s2], [sflag:$0x1], $0x80, v3, vm0, $0xb8;
	[tilespmem:$0x14100] =	vst v63  }
0x38: {  	_ = 	snop  }
0x39: {  	[hbm4b:s5+s3] =	stream.indirect_vreg.scatter [tilespmem:s10], [sflag:$0x1], $0x80, v3, vm0, $0xb8;
	[tilespmem:$0x14100] =	vst v63  }
0x3a: {  	_ = 	snop  }
0x3b: {  	[hbm4b:s6+s3] =	stream.indirect_vreg.scatter [tilespmem:s12], [sflag:$0x1], $0x80, v3, vm0, $0xb8;
	[tilespmem:$0x14100] =	vst v63  }
0x3c: {  	_ = 	snop  }
0x3d: {  	[hbm4b:s7+s3] =	stream.indirect_vreg.scatter [tilespmem:s13], [sflag:$0x1], $0x80, v3, vm0, $0xb8;
	[tilespmem:$0x14100] =	vst v63  }
0x3e: {  	v3 =	vld [tilespmem:$0x10];
	_ =	sdelay $0x4  }
0x3f: {  	v57 =	vshll.u32 v3, $0x3  }
0x40: {  	v3 =	vand.u32 $0x7, v3;
	v4 =	vand.u32 $0xFFFFFFC0, v57  }
0x41: {  	v3 =	vor.u32 v3, v4  }
0x42: {  	v4 =	vperm.xlane v3, v0;
	_ =	sdelay $0x1  }
0x43: {  	v4 =	vadd.s32 v1, v4;
	_ =	sdelay $0x4  }
0x44: {  	[hbm4b:s4+s3] =	stream.indirect_vreg.scatter [tilespmem:s14], [sflag:$0x1], $0x80, v4, vm0, $0xb8;
	[tilespmem:$0x14100] =	vst v63  }
0x45: {  	v3 =	vperm.xlane v3, v2  }
0x46: {  	[hbm4b:s5+s3] =	stream.indirect_vreg.scatter [tilespmem:s15], [sflag:$0x1], $0x80, v4, vm0, $0xb8;
	[tilespmem:$0x14100] =	vst v63  }
0x47: {  	v3 =	vadd.s32 v1, v3  }
0x48: {  	[hbm4b:s6+s3] =	stream.indirect_vreg.scatter [tilespmem:s16], [sflag:$0x1], $0x80, v4, vm0, $0xb8;
	[tilespmem:$0x14100] =	vst v63  }
0x49: {  	_ = 	snop  }
0x4a: {  	[hbm4b:s7+s3] =	stream.indirect_vreg.scatter [tilespmem:s17], [sflag:$0x1], $0x80, v4, vm0, $0xb8;
	[tilespmem:$0x14100] =	vst v63  }
0x4b: {  	_ = 	snop  }
0x4c: {  	[hbm4b:s4+s3] =	stream.indirect_vreg.scatter [tilespmem:s18], [sflag:$0x1], $0x80, v3, vm0, $0xb8;
	[tilespmem:$0x14100] =	vst v63  }
0x4d: {  	_ = 	snop  }
0x4e: {  	[hbm4b:s5+s3] =	stream.indirect_vreg.scatter [tilespmem:s19], [sflag:$0x1], $0x80, v3, vm0, $0xb8;
	[tilespmem:$0x14100] =	vst v63  }
0x4f: {  	_ = 	snop  }
0x50: {  	[hbm4b:s6+s3] =	stream.indirect_vreg.scatter [tilespmem:s20], [sflag:$0x1], $0x80, v3, vm0, $0xb8;
	[tilespmem:$0x14100] =	vst v63  }
0x51: {  	_ = 	snop  }
0x52: {  	[hbm4b:s7+s3] =	stream.indirect_vreg.scatter [tilespmem:s21], [sflag:$0x1], $0x80, v3, vm0, $0xb8;
	[tilespmem:$0x14100] =	vst v63  }
0x53: {  	v3 =	vld [tilespmem:$0x20];
	_ =	sdelay $0x4  }
0x54: {  	v58 =	vshll.u32 v3, $0x3  }
0x55: {  	v3 =	vand.u32 $0x7, v3;
	v4 =	vand.u32 $0xFFFFFFC0, v58  }
0x56: {  	v3 =	vor.u32 v3, v4  }
0x57: {  	v4 =	vperm.xlane v3, v0;
	_ =	sdelay $0x1  }
0x58: {  	v4 =	vadd.s32 v1, v4;
	_ =	sdelay $0x4  }
0x59: {  	[hbm4b:s4+s3] =	stream.indirect_vreg.scatter [tilespmem:s22], [sflag:$0x1], $0x80, v4, vm0, $0xb8;
	[tilespmem:$0x14100] =	vst v63  }
0x5a: {  	v3 =	vperm.xlane v3, v2  }
0x5b: {  	[hbm4b:s5+s3] =	stream.indirect_vreg.scatter [tilespmem:s11], [sflag:$0x1], $0x80, v4, vm0, $0xb8;
	[tilespmem:$0x14100] =	vst v63  }
0x5c: {  	v3 =	vadd.s32 v1, v3  }
0x5d: {  	[hbm4b:s6+s3] =	stream.indirect_vreg.scatter [tilespmem:s24], [sflag:$0x1], $0x80, v4, vm0, $0xb8;
	[tilespmem:$0x14100] =	vst v63  }
0x5e: {  	_ = 	snop  }
0x5f: {  	[hbm4b:s7+s3] =	stream.indirect_vreg.scatter [tilespmem:s25], [sflag:$0x1], $0x80, v4, vm0, $0xb8;
	[tilespmem:$0x14100] =	vst v63  }
0x60: {  	_ = 	snop  }
0x61: {  	[hbm4b:s4+s3] =	stream.indirect_vreg.scatter [tilespmem:s26], [sflag:$0x1], $0x80, v3, vm0, $0xb8;
	[tilespmem:$0x14100] =	vst v63  }
0x62: {  	_ = 	snop  }
0x63: {  	[hbm4b:s5+s3] =	stream.indirect_vreg.scatter [tilespmem:s29], [sflag:$0x1], $0x80, v3, vm0, $0xb8;
	[tilespmem:$0x14100] =	vst v63  }
0x64: {  	_ = 	snop  }
0x65: {  	[hbm4b:s6+s3] =	stream.indirect_vreg.scatter [tilespmem:s30], [sflag:$0x1], $0x80, v3, vm0, $0xb8;
	[tilespmem:$0x14100] =	vst v63  }
0x66: {  	_ = 	snop  }
0x67: {  	[hbm4b:s7+s3] =	stream.indirect_vreg.scatter [tilespmem:s31], [sflag:$0x1], $0x80, v3, vm0, $0xb8;
	[tilespmem:$0x14100] =	vst v63  }
0x68: {  	v3 =	vld [tilespmem:$0x30];
	_ =	sdelay $0x4  }
0x69: {  	v59 =	vshll.u32 v3, $0x3  }
0x6a: {  	v3 =	vand.u32 $0x7, v3;
	v4 =	vand.u32 $0xFFFFFFC0, v59  }
0x6b: {  	v3 =	vor.u32 v3, v4  }
0x6c: {  	v4 =	vperm.xlane v3, v0;
	_ =	sdelay $0x1  }
0x6d: {  	v4 =	vadd.s32 v1, v4;
	_ =	sdelay $0x3  }
0x6e: {  	s0 =	simm.s32 $0xC100  }
0x6f: {  	[hbm4b:s4+s3] =	stream.indirect_vreg.scatter [tilespmem:s0], [sflag:$0x1], $0x80, v4, vm0, $0xb8;
	[tilespmem:$0x14100] =	vst v63  }
0x70: {  	v3 =	vperm.xlane v3, v2;
	s0 =	simm.s32 $0xC900  }
0x71: {  	[hbm4b:s5+s3] =	stream.indirect_vreg.scatter [tilespmem:s0], [sflag:$0x1], $0x80, v4, vm0, $0xb8;
	[tilespmem:$0x14100] =	vst v63  }
0x72: {  	v3 =	vadd.s32 v1, v3;
	s0 =	simm.s32 $0xD100  }
0x73: {  	[hbm4b:s6+s3] =	stream.indirect_vreg.scatter [tilespmem:s0], [sflag:$0x1], $0x80, v4, vm0, $0xb8;
	[tilespmem:$0x14100] =	vst v63  }
0x74: {  	s0 =	simm.s32 $0xD900  }
0x75: {  	[hbm4b:s7+s3] =	stream.indirect_vreg.scatter [tilespmem:s0], [sflag:$0x1], $0x80, v4, vm0, $0xb8;
	[tilespmem:$0x14100] =	vst v63  }
0x76: {  	s0 =	simm.s32 $0xE100  }
0x77: {  	[hbm4b:s4+s3] =	stream.indirect_vreg.scatter [tilespmem:s0], [sflag:$0x1], $0x80, v3, vm0, $0xb8;
	[tilespmem:$0x14100] =	vst v63  }
0x78: {  	s0 =	simm.s32 $0xE900  }
0x79: {  	[hbm4b:s5+s3] =	stream.indirect_vreg.scatter [tilespmem:s0], [sflag:$0x1], $0x80, v3, vm0, $0xb8;
	[tilespmem:$0x14100] =	vst v63  }
0x7a: {  	s0 =	simm.s32 $0xF100  }
0x7b: {  	[hbm4b:s6+s3] =	stream.indirect_vreg.scatter [tilespmem:s0], [sflag:$0x1], $0x80, v3, vm0, $0xb8;
	[tilespmem:$0x14100] =	vst v63  }
0x7c: {  	s0 =	simm.s32 $0xF900  }
0x7d: {  	[hbm4b:s7+s3] =	stream.indirect_vreg.scatter [tilespmem:s0], [sflag:$0x1], $0x80, v3, vm0, $0xb8;
	[tilespmem:$0x14100] =	vst v63  }
0x7e: {  	v3 =	vld [tilespmem:$0x80];
	_ =	sdelay $0x4  }
0x7f: {  	v60 =	vshll.u32 v3, $0x3  }
0x80: {  	v3 =	vand.u32 $0x7, v3;
	v4 =	vand.u32 $0xFFFFFFC0, v60  }
0x81: {  	v3 =	vor.u32 v3, v4  }
0x82: {  	v4 =	vperm.xlane v3, v0;
	_ =	sdelay $0x1  }
0x83: {  	v4 =	vadd.s32 v1, v4;
	_ =	sdelay $0x4  }
0x84: {  	[hbm4b:s4+s3] =	stream.indirect_vreg.scatter [tilespmem:s23], [sflag:$0x2], $0x80, v4, vm0, $0xb8;
	[tilespmem:$0x14100] =	vst v63  }
0x85: {  	v3 =	vperm.xlane v3, v2  }
0x86: {  	[hbm4b:s5+s3] =	stream.indirect_vreg.scatter [tilespmem:s28], [sflag:$0x2], $0x80, v4, vm0, $0xb8;
	[tilespmem:$0x14100] =	vst v63  }
0x87: {  	v3 =	vadd.s32 v1, v3  }
0x88: {  	[hbm4b:s6+s3] =	stream.indirect_vreg.scatter [tilespmem:s1], [sflag:$0x2], $0x80, v4, vm0, $0xb8;
	[tilespmem:$0x14100] =	vst v63  }
0x89: {  	s28 =	simm.s32 $0x1900  }
0x8a: {  	[hbm4b:s7+s3] =	stream.indirect_vreg.scatter [tilespmem:s28], [sflag:$0x2], $0x80, v4, vm0, $0xb8;
	[tilespmem:$0x14100] =	vst v63  }
0x8b: {  	_ = 	snop  }
0x8c: {  	[hbm4b:s4+s3] =	stream.indirect_vreg.scatter [tilespmem:s2], [sflag:$0x2], $0x80, v3, vm0, $0xb8;
	[tilespmem:$0x14100] =	vst v63  }
0x8d: {  	_ = 	snop  }
0x8e: {  	[hbm4b:s5+s3] =	stream.indirect_vreg.scatter [tilespmem:s10], [sflag:$0x2], $0x80, v3, vm0, $0xb8;
	[tilespmem:$0x14100] =	vst v63  }
0x8f: {  	_ = 	snop  }
0x90: {  	[hbm4b:s6+s3] =	stream.indirect_vreg.scatter [tilespmem:s12], [sflag:$0x2], $0x80, v3, vm0, $0xb8;
	[tilespmem:$0x14100] =	vst v63  }
0x91: {  	_ = 	snop  }
0x92: {  	[hbm4b:s7+s3] =	stream.indirect_vreg.scatter [tilespmem:s13], [sflag:$0x2], $0x80, v3, vm0, $0xb8;
	[tilespmem:$0x14100] =	vst v63  }
0x93: {  	v3 =	vld [tilespmem:$0x90];
	_ =	sdelay $0x4  }
0x94: {  	v61 =	vshll.u32 v3, $0x3  }
0x95: {  	v3 =	vand.u32 $0x7, v3;
	v4 =	vand.u32 $0xFFFFFFC0, v61  }
0x96: {  	v3 =	vor.u32 v3, v4  }
0x97: {  	v4 =	vperm.xlane v3, v0;
	_ =	sdelay $0x1  }
0x98: {  	v4 =	vadd.s32 v1, v4;
	_ =	sdelay $0x4  }
0x99: {  	[hbm4b:s4+s3] =	stream.indirect_vreg.scatter [tilespmem:s14], [sflag:$0x2], $0x80, v4, vm0, $0xb8;
	[tilespmem:$0x14100] =	vst v63  }
0x9a: {  	v3 =	vperm.xlane v3, v2  }
0x9b: {  	[hbm4b:s5+s3] =	stream.indirect_vreg.scatter [tilespmem:s15], [sflag:$0x2], $0x80, v4, vm0, $0xb8;
	[tilespmem:$0x14100] =	vst v63  }
0x9c: {  	v3 =	vadd.s32 v1, v3  }
0x9d: {  	[hbm4b:s6+s3] =	stream.indirect_vreg.scatter [tilespmem:s16], [sflag:$0x2], $0x80, v4, vm0, $0xb8;
	[tilespmem:$0x14100] =	vst v63  }
0x9e: {  	_ = 	snop  }
0x9f: {  	[hbm4b:s7+s3] =	stream.indirect_vreg.scatter [tilespmem:s17], [sflag:$0x2], $0x80, v4, vm0, $0xb8;
	[tilespmem:$0x14100] =	vst v63  }
0xa0: {  	_ = 	snop  }
0xa1: {  	[hbm4b:s4+s3] =	stream.indirect_vreg.scatter [tilespmem:s18], [sflag:$0x2], $0x80, v3, vm0, $0xb8;
	[tilespmem:$0x14100] =	vst v63  }
0xa2: {  	_ = 	snop  }
0xa3: {  	[hbm4b:s5+s3] =	stream.indirect_vreg.scatter [tilespmem:s19], [sflag:$0x2], $0x80, v3, vm0, $0xb8;
	[tilespmem:$0x14100] =	vst v63  }
0xa4: {  	_ = 	snop  }
0xa5: {  	[hbm4b:s6+s3] =	stream.indirect_vreg.scatter [tilespmem:s20], [sflag:$0x2], $0x80, v3, vm0, $0xb8;
	[tilespmem:$0x14100] =	vst v63  }
0xa6: {  	_ = 	snop  }
0xa7: {  	[hbm4b:s7+s3] =	stream.indirect_vreg.scatter [tilespmem:s21], [sflag:$0x2], $0x80, v3, vm0, $0xb8;
	[tilespmem:$0x14100] =	vst v63  }
0xa8: {  	v3 =	vld [tilespmem:$0xA0];
	_ =	sdelay $0x4  }
0xa9: {  	v62 =	vshll.u32 v3, $0x3  }
0xaa: {  	v3 =	vand.u32 $0x7, v3;
	v4 =	vand.u32 $0xFFFFFFC0, v62  }
0xab: {  	v3 =	vor.u32 v3, v4  }
0xac: {  	v4 =	vperm.xlane v3, v0;
	_ =	sdelay $0x1  }
0xad: {  	v4 =	vadd.s32 v1, v4;
	_ =	sdelay $0x4  }
0xae: {  	[hbm4b:s4+s3] =	stream.indirect_vreg.scatter [tilespmem:s22], [sflag:$0x2], $0x80, v4, vm0, $0xb8;
	[tilespmem:$0x14100] =	vst v63  }
0xaf: {  	v3 =	vperm.xlane v3, v2  }
0xb0: {  	[hbm4b:s5+s3] =	stream.indirect_vreg.scatter [tilespmem:s11], [sflag:$0x2], $0x80, v4, vm0, $0xb8;
	[tilespmem:$0x14100] =	vst v63  }
0xb1: {  	v3 =	vadd.s32 v1, v3  }
0xb2: {  	[hbm4b:s6+s3] =	stream.indirect_vreg.scatter [tilespmem:s24], [sflag:$0x2], $0x80, v4, vm0, $0xb8;
	[tilespmem:$0x14100] =	vst v63  }
0xb3: {  	_ = 	snop  }
0xb4: {  	[hbm4b:s7+s3] =	stream.indirect_vreg.scatter [tilespmem:s25], [sflag:$0x2], $0x80, v4, vm0, $0xb8;
	[tilespmem:$0x14100] =	vst v63  }
0xb5: {  	_ = 	snop  }
0xb6: {  	[hbm4b:s4+s3] =	stream.indirect_vreg.scatter [tilespmem:s26], [sflag:$0x2], $0x80, v3, vm0, $0xb8;
	[tilespmem:$0x14100] =	vst v63  }
0xb7: {  	_ = 	snop  }
0xb8: {  	[hbm4b:s5+s3] =	stream.indirect_vreg.scatter [tilespmem:s29], [sflag:$0x2], $0x80, v3, vm0, $0xb8;
	[tilespmem:$0x14100] =	vst v63  }
0xb9: {  	_ = 	snop  }
0xba: {  	[hbm4b:s6+s3] =	stream.indirect_vreg.scatter [tilespmem:s30], [sflag:$0x2], $0x80, v3, vm0, $0xb8;
	[tilespmem:$0x14100] =	vst v63  }
0xbb: {  	_ = 	snop  }
0xbc: {  	[hbm4b:s7+s3] =	stream.indirect_vreg.scatter [tilespmem:s31], [sflag:$0x2], $0x80, v3, vm0, $0xb8;
	[tilespmem:$0x14100] =	vst v63  }
0xbd: {  	v3 =	vld [tilespmem:$0xB0];
	_ =	sdelay $0x4  }
0xbe: {  	v63 =	vshll.u32 v3, $0x3  }
0xbf: {  	v3 =	vand.u32 $0x7, v3;
	v4 =	vand.u32 $0xFFFFFFC0, v63  }
0xc0: {  	v3 =	vor.u32 v3, v4  }
0xc1: {  	v4 =	vperm.xlane v3, v0;
	_ =	sdelay $0x1  }
0xc2: {  	v4 =	vadd.s32 v1, v4;
	_ =	sdelay $0x3  }
0xc3: {  	s28 =	simm.s32 $0xC100  }
0xc4: {  	[hbm4b:s4+s3] =	stream.indirect_vreg.scatter [tilespmem:s28], [sflag:$0x2], $0x80, v4, vm0, $0xb8;
	[tilespmem:$0x14100] =	vst v63  }
0xc5: {  	s2 =	simm.s32 $0xC900;
	v3 =	vperm.xlane v3, v2  }
0xc6: {  	[hbm4b:s5+s3] =	stream.indirect_vreg.scatter [tilespmem:s2], [sflag:$0x2], $0x80, v4, vm0, $0xb8;
	[tilespmem:$0x14100] =	vst v63  }
0xc7: {  	v3 =	vadd.s32 v1, v3;
	s28 =	simm.s32 $0xD100  }
0xc8: {  	[hbm4b:s6+s3] =	stream.indirect_vreg.scatter [tilespmem:s28], [sflag:$0x2], $0x80, v4, vm0, $0xb8;
	[tilespmem:$0x14100] =	vst v63  }
0xc9: {  	s2 =	simm.s32 $0xD900  }
0xca: {  	[hbm4b:s7+s3] =	stream.indirect_vreg.scatter [tilespmem:s2], [sflag:$0x2], $0x80, v4, vm0, $0xb8;
	[tilespmem:$0x14100] =	vst v63  }
0xcb: {  	s28 =	simm.s32 $0xE100  }
0xcc: {  	[hbm4b:s4+s3] =	stream.indirect_vreg.scatter [tilespmem:s28], [sflag:$0x2], $0x80, v3, vm0, $0xb8;
	[tilespmem:$0x14100] =	vst v63  }
0xcd: {  	s2 =	simm.s32 $0xE900  }
0xce: {  	[hbm4b:s5+s3] =	stream.indirect_vreg.scatter [tilespmem:s2], [sflag:$0x2], $0x80, v3, vm0, $0xb8;
	[tilespmem:$0x14100] =	vst v63  }
0xcf: {  	s28 =	simm.s32 $0xF100  }
0xd0: {  	[hbm4b:s6+s3] =	stream.indirect_vreg.scatter [tilespmem:s28], [sflag:$0x2], $0x80, v3, vm0, $0xb8;
	[tilespmem:$0x14100] =	vst v63  }
0xd1: {  	_ = 	snop  }
0xd2: {  	[hbm4b:s7+s3] =	stream.indirect_vreg.scatter [tilespmem:s0], [sflag:$0x2], $0x80, v3, vm0, $0xb8;
	[tilespmem:$0x14100] =	vst v63  }
0xd3: {  	s2 =	simm.s32 $0x10100;
	s28 =	rddreg [dreg:$0x2];
	s0 =	simm.s32 $0x40  }
0xd4: {  	[hbm4b:s28+s0] =	stream.indirect.scatter [tilespmem:s2], [sflag:$0x3], $0x80, s3, s0, $0xb8;
	[tilespmem:$0x14100] =	vst v63  }
0xd5: {  	s1 =	simm.s32 $0x80;
	s2 =	simm.s32 $0x12100  }
0xd6: {  	[hbm4b:s28+s0] =	stream.indirect.scatter [tilespmem:s2], [sflag:$0x4], $0x80, s1, s0, $0xb8;
	[tilespmem:$0x14100] =	vst v63  }
0xd7: {  	s28 =	simm.s32 $0x1  }
0xd8: {  	_ =	swait.ge [sflag:s28], $0x10000  }
0xd9: {  	[sflag:s28] =	ssyncset.done $0x0  }
0xda: {  	s1 =	simm.s32 $0x2;
	[sflag:s28] =	ssyncadd.s32 $0xFFFF0000  }
0xdb: {  	_ =	swait.ge [sflag:s1], $0x10000  }
0xdc: {  	[sflag:s1] =	ssyncset.done $0x0  }
0xdd: {  	s2 =	simm.s32 $0x3;
	[sflag:s1] =	ssyncadd.s32 $0xFFFF0000  }
0xde: {  	p0 =	sne.s32 s8, $0x1;
	_ =	swait.ge [sflag:s2], $0x2000  }
.Ltmp0:
0xdf: {  	[sflag:s2] =	ssyncset.done $0x0;
	(pc) =	sbr.rel @p0 .LBB2_1-.Ltmp0, $4  }
0xe0: {  	s28 =	simm.s32 $0x4;
	[sflag:s2] =	ssyncadd.s32 $0xFFFFE000  }
0xe1: {  	_ =	swait.ge [sflag:s28], $0x2000  }
0xe2: {  	[sflag:s28] =	ssyncset.done $0x0  }
0xe3: {  	s8 =	sadd.s32 $0xFFFFFFFF, s8;
	[sflag:s28] =	ssyncadd.s32 $0xFFFFE000  }
0xe4: {  	_ =	sfence.sel $0x180000  }
0xe5: {  	[bflag:$0x0] =	sbarrier.arrive $0xFFFF  }
0xe6: {  	_ =	strace $0x90000047  }
0xe7: {  	s0 =	stileid.u32;
	[bflag:$0x2] =	sbarrier.arrive $0xFFFF  }
0xe8: {  	p0 =	sne.s32 s0, $0x0;
	s0 =	rddreg [dreg:$0x3]  }
0xe9: {  	s0 =	sadd.s32 @!p0 $0x100000, s0  }
0xea: {  	[sflag:s0] =	ssyncadd.tile.s32 @!p0 $0x1;
	_ =	shalt  }
.Lfunc_end2:
_tile_overlayer_lowered:
.L_overlay_start_2:
0xeb: {  	(tag) =	ssettag $0x2  }
0xec: {  	s0 =	rddreg [dreg:$0x0];
	s2 =	stileid.u32  }
0xed: {  	s1 =	rddreg [dreg:$0x1];
	p0 =	sne.s32 s2, $0x0  }
0xee: {  	s3 =	rddreg [dreg:$0x2];
	[bflag:$0x3] =	sbarrier.arrive $0xFFFF;
	s2 =	simm.s32 @!p0 $0x1C05  }
0xef: {  	[timem:s3], [sflag:s2] =	dma.local @!p0 [hbm:s0], s1  }
0xf0: {  	s0 =	simm.s32 @!p0 $0x5  }
0xf1: {  	_ =	swait.ge @!p0 [sflag:s0], s1  }
0xf2: {  	s1 =	ssub.s32 @!p0 $0x0, s1;
	[sflag:s0] =	ssyncset.done @!p0 $0x0  }
0xf3: {  	[sflag:s0] =	ssyncadd.s32 @!p0 s1  }
0xf4: {  	[bflag:$0x3] =	sbarrier.arrive $0xFFFF  }
0xf5: {  	_ =	shalt  }

// kernel: kernel.9.cloned.1.call-start
scs
__scs_entry_jumppad:
0x0: {  	(pc) =	sbr.rel $0x88, $3  }
0x1: {  	(tag) =	ssettag $0x0;
	lr =	simm.s32 $0x1  }
0x2: {  	[smem:$0x3F9A] =	sst lr;
	_ =	strace $0xD0000000  }
0x3: {  	_ = 	snop  }
0x4: {  	_ = 	snop  }
0x5: {  	_ = 	snop  }
0x6: {  	_ = 	snop  }
0x7: {  	_ = 	snop  }
__scs_overlays_trampoline_lowered:
0x8: {  	[smem:$0x3FA9] =	sst s0  }
0x9: {  	[smem:$0x3FAA] =	sst s1  }
0xa: {  	[smem:$0x3FAB] =	sst s2  }
0xb: {  	[smem:$0x3FAC] =	sst s3  }
0xc: {  	[smem:$0x3FAD] =	sst s4  }
0xd: {  	[smem:$0x3FAE] =	sst s5  }
0xe: {  	[smem:$0x3FAF] =	sst s6  }
0xf: {  	[smem:$0x3FB0] =	sst s7  }
0x10: {  	[smem:$0x3FB1] =	sst s8  }
0x11: {  	[smem:$0x3FB2] =	sst s9;
	s0 =	simm.s32 @!p0 $0x0  }
0x12: {  	s1 =	sld [smem:$0x3F98];
	s0 =	simm.s32 @p0 $0x1  }
0x13: {  	[smem:$0x3FB3] =	sst s0;
	s0 =	simm.s32 @!p1 $0x0  }
0x14: {  	s2 =	sld [smem:$0x3F97];
	s0 =	simm.s32 @p1 $0x1  }
0x15: {  	[smem:$0x3FB4] =	sst s0;
	s0 =	simm.s32 @!p2 $0x0  }
0x16: {  	s3 =	sld [smem:$0x3FDB];
	s0 =	simm.s32 @p2 $0x1  }
0x17: {  	s4 =	simm.s32 $0x1BF5;
	[smem:$0x3FB6] =	sst s0  }
0x18: {  	s0 =	sld [smem:$0x3F99];
	_ =	swait.ge [sflag:s4], $0x0  }
0x19: {  	s7 =	sld [smem:$0x3F9A]  }
0x1a: {  	s8 =	sadd.s32 $0xFFFFE003, lr  }
0x1b: {  	s9 =	sadd.s32 $0xFFFFFEF7, lr;
	s5 =	simm.s32 $0xFFFFFFFF;
	p2 =	slt.u32 s8, $0xFFFFF086  }
0x1c: {  	p1 =	slt.u32 s9, $0xF7A;
	s5 =	simm.s32 @!p2 $0x0  }
0x1d: {  	s5 =	simm.s32 @p1 $0x1;
	p0 =	seq.s32 s7, s2  }
0x1e: {  	s7 =	smul.u32 @!p0 $0xF7A, s2;
	p2 =	seq.s32 @!p0 s5, $0x0  }
0x1f: {  	s9 =	smul.u32 $0xF7A, s1;
	s8 =	simm.s32 @!p0 $0x1BF5;
	p2 =	por !p2, p0  }
0x20: {  	[sflag:s8] =	ssyncset.s32 @!p0 $0xFFFFF086;
	s6 =	sadd.s32 @!p0 s3, s7;
	s7 =	simm.s32 @!p0 $0x108  }
0x21: {  	s3 =	sadd.s32 s3, s9;
	s6 =	sadd.s32 @!p0 $0x88, s6;
	s7 =	simm.s32 @p2 $0x1082  }
0x22: {  	[simem:s7], [sflag:s8] =	dma.local @!p0 [hbm:s6], $0xF7A  }
0x23: {  	s9 =	sor.u32 $0xD0000000, s2;
	s6 =	simm.s32 $0x108;
	_ =	swait.ge @!p0 [sflag:s8], $0x0  }
0x24: {  	s3 =	sadd.s32 $0x88, s3;
	s6 =	simm.s32 @!p1 $0x1082;
	[sflag:s4] =	ssyncset.s32 $0xFFFFF086  }
0x25: {  	[simem:s6], [sflag:s4] =	dma.local [hbm:s3], $0xF7A  }
0x26: {  	[smem:$0x3F9A] =	sst s1;
	(tag) =	ssettag s2;
	_ =	strace s9  }
0x27: {  	s1 =	sld [smem:$0x3FAA]  }
0x28: {  	s2 =	sld [smem:$0x3FAB]  }
0x29: {  	s4 =	sld [smem:$0x3FAD]  }
0x2a: {  	p0 =	seq.s32 s5, $0x0;
	s5 =	sld [smem:$0x3FAE]  }
0x2b: {  	s6 =	sld [smem:$0x3FAF]  }
0x2c: {  	s7 =	sld [smem:$0x3FB0]  }
0x2d: {  	s3 =	simm.s32 $0x108;
	s8 =	sld [smem:$0x3FB1]  }
0x2e: {  	s3 =	simm.s32 @!p0 $0x1082;
	s9 =	sld [smem:$0x3FB2]  }
0x2f: {  	lr =	sadd.s32 s0, s3;
	s0 =	sld [smem:$0x3FA9]  }
0x30: {  	s3 =	sld [smem:$0x3FAC]  }
0x31: {  	[smem:$0x3FB5] =	sst s10  }
0x32: {  	s10 =	sld [smem:$0x3FB3];
	_ =	sdelay $0x3  }
0x33: {  	p0 =	seq.s32 s10, $0x1;
	s10 =	sld [smem:$0x3FB5];
	_ =	sdelay $0x3  }
0x34: {  	[smem:$0x3FB5] =	sst s10  }
0x35: {  	s10 =	sld [smem:$0x3FB4];
	_ =	sdelay $0x3  }
0x36: {  	p1 =	seq.s32 s10, $0x1;
	s10 =	sld [smem:$0x3FB5];
	_ =	sdelay $0x3  }
0x37: {  	[smem:$0x3FB5] =	sst s10  }
0x38: {  	s10 =	sld [smem:$0x3FB6]  }
0x39: {  	_ = 	snop;
	(pc) =	sbr.ind lr, $3  }
0x3a: {  	_ = 	snop  }
0x3b: {  	_ = 	snop  }
0x3c: {  	p2 =	seq.s32 s10, $0x1;
	s10 =	sld [smem:$0x3FB5]  }
0x3d: {  	_ =	shalt  }
0x3e: {  	_ =	shalt  }
0x3f: {  	_ =	shalt  }
0x40: {  	_ =	shalt  }
0x41: {  	_ =	shalt  }
0x42: {  	_ =	shalt  }
0x43: {  	_ =	shalt  }
0x44: {  	_ =	shalt  }
0x45: {  	_ =	shalt  }
0x46: {  	_ =	shalt  }
0x47: {  	_ =	shalt  }
0x48: {  	_ =	shalt  }
0x49: {  	_ =	shalt  }
0x4a: {  	_ =	shalt  }
0x4b: {  	_ =	shalt  }
0x4c: {  	_ =	shalt  }
0x4d: {  	_ =	shalt  }
0x4e: {  	_ =	shalt  }
0x4f: {  	_ =	shalt  }
0x50: {  	_ =	shalt  }
0x51: {  	_ =	shalt  }
0x52: {  	_ =	shalt  }
0x53: {  	_ =	shalt  }
0x54: {  	_ =	shalt  }
0x55: {  	_ =	shalt  }
0x56: {  	_ =	shalt  }
0x57: {  	_ =	shalt  }
0x58: {  	_ =	shalt  }
0x59: {  	_ =	shalt  }
0x5a: {  	_ =	shalt  }
0x5b: {  	_ =	shalt  }
0x5c: {  	_ =	shalt  }
0x5d: {  	_ =	shalt  }
0x5e: {  	_ =	shalt  }
0x5f: {  	_ =	shalt  }
0x60: {  	_ =	shalt  }
0x61: {  	_ =	shalt  }
0x62: {  	_ =	shalt  }
0x63: {  	_ =	shalt  }
0x64: {  	_ =	shalt  }
0x65: {  	_ =	shalt  }
0x66: {  	_ =	shalt  }
0x67: {  	_ =	shalt  }
0x68: {  	_ =	shalt  }
0x69: {  	_ =	shalt  }
0x6a: {  	_ =	shalt  }
0x6b: {  	_ =	shalt  }
0x6c: {  	_ =	shalt  }
0x6d: {  	_ =	shalt  }
0x6e: {  	_ =	shalt  }
0x6f: {  	_ =	shalt  }
0x70: {  	_ =	shalt  }
0x71: {  	_ =	shalt  }
0x72: {  	_ =	shalt  }
0x73: {  	_ =	shalt  }
0x74: {  	_ =	shalt  }
0x75: {  	_ =	shalt  }
0x76: {  	_ =	shalt  }
0x77: {  	_ =	shalt  }
0x78: {  	_ =	shalt  }
0x79: {  	_ =	shalt  }
0x7a: {  	_ =	shalt  }
0x7b: {  	_ =	shalt  }
0x7c: {  	_ =	shalt  }
0x7d: {  	_ =	shalt  }
0x7e: {  	_ =	shalt  }
0x7f: {  	_ =	shalt  }
0x80: {  	_ =	shalt  }
0x81: {  	_ =	shalt  }
0x82: {  	_ =	shalt  }
0x83: {  	_ =	shalt  }
0x84: {  	_ =	shalt  }
0x85: {  	_ =	shalt  }
0x86: {  	_ =	shalt  }
0x87: {  	_ =	shalt  }
.Lfunc_end0:
.L_simem_size_0:
called_computation.1_lowered:
.L_overlay_start_0:
0x88: {  	s2 =	sld [smem:$0x3FD9]  }
0x89: {  	s3 =	sld [smem:$0x3FFE];
	_ =	sdelay $0x1  }
0x8a: {  	s1 =	srdreg.scid  }
0x8b: {  	s0 =	sand.u32 $0x1, s1  }
0x8c: {  	s14 =	sshll.u32 s0, $0xA;
	s2 =	sadd.s32 s3, s2  }
0x8d: {  	s2 =	sadd.s32 s2, s14  }
0x8e: {  	[smem:$0x3FC1] =	sst s2  }
0x8f: {  	_ = 	snop  }
0x90: {  	s2 =	sld [smem:$0x3FD0];
	_ =	sdelay $0x2  }
0x91: {  	s15 =	simm.s32 $0xA;
	s4 =	simm.s32 $0x10  }
0x92: {  	[smem:s4], [sflag:s15] =	dma.local [hbm:s2], $0x1  }
0x93: {  	_ =	swait.eq [sflag:s15], $0x1  }
0x94: {  	[sflag:s15] =	ssyncset.done $0x0  }
0x95: {  	[sflag:s15] =	ssyncadd.s32 $0xFFFFFFFF  }
0x96: {  	s16 =	sld [smem:$0x10];
	(tm) =	ssettm $0x1  }
0x97: {  	s17 =	sld [smem:$0x3FFB];
	_ =	sdelay $0x3  }
0x98: {  	_ =	strace s17  }
0x99: {  	s3 =	sld [smem:$0x3FFC];
	_ =	sdelay $0x3  }
0x9a: {  	_ =	strace s3  }
0x9b: {  	s3 =	sld [smem:$0x3FFD];
	_ =	sdelay $0x3  }
0x9c: {  	_ =	strace s3  }
0x9d: {  	_ =	strace $0x8FFFFFFF  }
0x9e: {  	s18 =	sld [smem:$0x3FDB];
	_ =	sdelay $0x1  }
0x9f: {  	s19 =	simm.s32 $_scs_section_size  }
0xa0: {  	s5 =	simm.s32 $_size__tile_overlayer_lowered;
	s6 =	simm.s32 $_tile_overlayer_lowered  }
0xa1: {  	s22 =	simm.s32 $0x1BFF;
	s21 =	sshll.u32 s6, $0x1;
	s3 =	sadd.s32 s19, s18  }
0xa2: {  	s7 =	simm.s32 $0x0;
	s20 =	sshll.u32 s5, $0x1;
	s5 =	sadd.s32 s21, s3  }
0xa3: {  	[timem:s7], [sflag:s22] =	dma.local [hbm:s5], s20  }
0xa4: {  	_ =	swait.ge [sflag:s22], s20  }
0xa5: {  	s4 =	ssub.s32 $0x0, s20;
	[sflag:s22] =	ssyncset.done $0x0  }
0xa6: {  	[sflag:s22] =	ssyncadd.s32 s4;
	_ =	sdelay $0x1  }
0xa7: {  	s23 =	simm.s32 $0x1B8B  }
0xa8: {  	_ =	swait.ge [sflag:s23], $0x1  }
0xa9: {  	[sflag:s23] =	ssyncset.done $0x0  }
0xaa: {  	s25 =	simm.s32 $0x1B8E;
	s24 =	sld [smem:$0x3FFE];
	[sflag:s23] =	ssyncadd.s32 $0xFFFFFFFF  }
0xab: {  	s26 =	simm.s32 $execute0_lowered;
	[smem:$0x3FD2] =	sst s25  }
0xac: {  	s5 =	sshll.u32 s26, $0x1;
	_ =	strace $0x80000049;
	[dreg:$0x1] =	wrdreg $0xFFFFFFFF  }
0xad: {  	s28 =	simm.s32 $_size_execute0_lowered;
	s3 =	sadd.s32 s3, s5;
	[dreg:$0x0] =	wrdreg $0x0  }
0xae: {  	s5 =	sshll.u32 s28, $0x1;
	[dreg:$0x2] =	wrdreg s3  }
0xaf: {  	[dreg:$0x3] =	wrdreg s5  }
0xb0: {  	[dreg:$0x4] =	wrdreg $0xC0  }
0xb1: {  	_ =	task [dreg:s7], $0x5FFFF  }
0xb2: {  	[dreg:$0x1] =	wrdreg $0xFFFFFFFF  }
0xb3: {  	[dreg:$0x0] =	wrdreg $0x60  }
0xb4: {  	[dreg:$0x2] =	wrdreg s24  }
0xb5: {  	[dreg:$0x3] =	wrdreg s16  }
0xb6: {  	[dreg:$0x4] =	wrdreg $0x9  }
0xb7: {  	_ =	task.clear_ibuf [dreg:s7], $0x5FFFF;
	_ =	strace $0x90000049  }
0xb8: {  	s29 =	simm.s32 $0x9;
	_ =	strace $0x8000004B  }
0xb9: {  	_ =	swait.ge [sflag:s29], $0x1  }
0xba: {  	[sflag:s29] =	ssyncadd.s32 $0xFFFFFFFF  }
0xbb: {  	_ =	strace $0x9000004B  }
0xbc: {  	_ =	sfence  }
0xbd: {  	s30 =	sld [smem:$0x0];
	_ =	sdelay $0x2  }
0xbe: {  	s31 =	sshll.u32 s1, $0xD;
	s1 =	sshrl.u32 s1, $0x2  }
0xbf: {  	s3 =	sand.u32 $0x4000, s31;
	s1 =	sadd.s32 s1, s30  }
0xc0: {  	s0 =	sor.u32 s3, s0;
	s1 =	sshll.u32 s1, $0x11  }
0xc1: {  	s0 =	sor.u32 s1, s0  }
0xc2: {  	s0 =	sadd.s32 $0x8F2B, s0  }
0xc3: {  	[sflag:s0] =	ssyncadd.remote.s32 $0x1  }
0xc4: {  	_ =	sfence.sel $0xFFFF  }
0xc5: {  	[dreg:$0x0] =	wrdreg $0xFFFFFFFF;
	(pc) =	sbr.abs _section_cstart, $3  }
0xc6: {  	[dreg:$0x1] =	wrdreg $0xFFFFFFFF  }
0xc7: {  	_ =	task.clear_ibuf [dreg:s7], $0x2FFFF;
	_ =	strace $0x9FFFFFFF  }
0xc8: {  	(tm) =	ssettm $0x7FFFFFFF  }
0xc9: {  	_ =	shalt  }
tec
execute0_lowered:
.L_overlay_start_1:
0x0: {  	(tag) =	ssettag $0x1  }
0x1: {  	s0 =	rddreg [dreg:$0x0]  }
0x2: {  	s1 =	rddreg [dreg:$0x1];
	s3 =	srdreg.scid;
	s2 =	simm.s32 $0x0  }
0x3: {  	s4 =	stileid.u32;
	s14 =	simm.s32 $0x3;
	s16 =	simm.s32 $0x100  }
0x4: {  	s18 =	simm.s32 $0x9900;
	s19 =	simm.s32 $0xA100;
	s20 =	simm.s32 $0xB100  }
0x5: {  	s21 =	simm.s32 $0xB900;
	s22 =	simm.s32 $0xC900;
	s23 =	simm.s32 $0xD900  }
0x6: {  	s12 =	simm.s32 $0xE900;
	s13 =	simm.s32 $0xF900;
	s28 =	simm.s32 $0x0  }
0x7: {  	s3 =	sand.u32 $0x1, s3;
	[smem:$0x7FF] =	sst s2;
	s4 =	sshll.u32 s4, $0x7  }
0x8: {  	s9 =	sadd.s32 $0x12000, s0;
	s8 =	sadd.s32 $0x12500, s0;
	s5 =	sshll.u32 s3, $0x6  }
0x9: {  	_ =	strace $0x8000004A;
	s6 =	ssub.s32 $0x2, s3;
	s5 =	sor.u32 s5, s4  }
0xa: {  	s3 =	sadd.s32 $0x12200, s0;
	s7 =	sshrl.u32 s6, $0x1;
	s4 =	sshrl.u32 s5, $0x3  }
0xb: {  	s10 =	ssub.s32 s6, s7;
	s6 =	sadd.s32 $0x12300, s0;
	s7 =	sadd.s32 $0x12400, s0  }
0xc: {  	s11 =	sshll.u32 s5, $0x7;
	s5 =	sor.u32 $0x20, s5;
	s4 =	sadd.s32 s9, s4  }
0xd: {  	s25 =	sadd.s32 s1, s11;
	s26 =	sshrl.u32 s5, $0x3;
	s30 =	sshll.u32 s5, $0x7  }
0xe: {  	s31 =	smax.u32 s10, $0x1;
	s10 =	simm.s32 $0xC100;
	[dreg:$0x4] =	wrdreg s25  }
0xf: {  	s11 =	simm.s32 $0xD100;
	s24 =	sadd.s32 $0x100, s4;
	[dreg:$0x8] =	wrdreg s31  }
0x10: {  	s0 =	sadd.s32 s9, s26;
	s29 =	sadd.s32 $0x104, s4;
	[dreg:$0x3] =	wrdreg s24  }
0x11: {  	v2 =	vlaneseq.u32;
	s9 =	simm.s32 $0xA900;
	s25 =	simm.s32 $0xF100;
	[dreg:$0x5] =	wrdreg s0  }
0x12: {  	vm0 =	vmmov $0xffff;
	v1 =	vshrl.u32 v2, $0x3;
	s26 =	simm.s32 $0x2;
	[dreg:$0x6] =	wrdreg s29;
	s0 =	sadd.s32 s1, s30  }
0x13: {  	v0 =	vand.u32 $0x7, v2;
	v2 =	vor.u32 $0x8, v2;
	v1 =	vmul.u32 $0x8, v1;
	s1 =	simm.s32 $0x1;
	s24 =	simm.s32 $0xE100;
	[dreg:$0x7] =	wrdreg s0  }
.LBB2_1:
0x14: {  	[tilespmem:s2], [sflag:$0x3] =	stream.linear.gather [hbm4b:s4+s2], $0x20, $0x38;
	[tilespmem:$0x10100] =	vst v63  }
0x15: {  	_ =	swait.ge [sflag:s14], $0x20  }
0x16: {  	[sflag:s14] =	ssyncset.done $0x0  }
0x17: {  	s5 =	simm.s32 $0x80;
	s0 =	rddreg [dreg:$0x3];
	[sflag:s14] =	ssyncadd.s32 $0xFFFFFFE0  }
0x18: {  	[tilespmem:s5], [sflag:$0x3] =	stream.linear.gather [hbm4b:s0+s2], $0x20, $0x38;
	[tilespmem:$0x10100] =	vst v63  }
0x19: {  	_ =	swait.ge [sflag:s14], $0x20  }
0x1a: {  	[sflag:s14] =	ssyncset.done $0x0  }
0x1b: {  	[sflag:s14] =	ssyncadd.s32 $0xFFFFFFE0  }
0x1c: {  	v3 =	vld [tilespmem:$0x0];
	_ =	sdelay $0x4  }
0x1d: {  	v4 =	vshll.u32 v3, $0x3  }
0x1e: {  	v3 =	vand.u32 $0x7, v3;
	v4 =	vand.u32 $0xFFFFFFC0, v4  }
0x1f: {  	v3 =	vor.u32 v3, v4  }
0x20: {  	v4 =	vperm.xlane v3, v0;
	_ =	sdelay $0x1  }
0x21: {  	v4 =	vadd.s32 v1, v4;
	_ =	sdelay $0x4  }
0x22: {  	[tilespmem:s16], [sflag:$0x1] =	stream.indirect_vreg.gather [hbm4b:s3+s2], $0x80, v4, vm0, $0xb8;
	[tilespmem:$0x10100] =	vst v63  }
0x23: {  	s5 =	simm.s32 $0x900;
	v3 =	vperm.xlane v3, v2  }
0x24: {  	[tilespmem:s5], [sflag:$0x1] =	stream.indirect_vreg.gather [hbm4b:s6+s2], $0x80, v4, vm0, $0xb8;
	[tilespmem:$0x10100] =	vst v63  }
0x25: {  	s15 =	simm.s32 $0x1100;
	v3 =	vadd.s32 v1, v3  }
0x26: {  	[tilespmem:s15], [sflag:$0x1] =	stream.indirect_vreg.gather [hbm4b:s7+s2], $0x80, v4, vm0, $0xb8;
	[tilespmem:$0x10100] =	vst v63  }
0x27: {  	s17 =	simm.s32 $0x1900  }
0x28: {  	[tilespmem:s17], [sflag:$0x1] =	stream.indirect_vreg.gather [hbm4b:s8+s2], $0x80, v4, vm0, $0xb8;
	[tilespmem:$0x10100] =	vst v63  }
0x29: {  	s5 =	simm.s32 $0x2100  }
0x2a: {  	[tilespmem:s5], [sflag:$0x1] =	stream.indirect_vreg.gather [hbm4b:s3+s2], $0x80, v3, vm0, $0xb8;
	[tilespmem:$0x10100] =	vst v63  }
0x2b: {  	s15 =	simm.s32 $0x2900  }
0x2c: {  	[tilespmem:s15], [sflag:$0x1] =	stream.indirect_vreg.gather [hbm4b:s6+s2], $0x80, v3, vm0, $0xb8;
	[tilespmem:$0x10100] =	vst v63  }
0x2d: {  	s17 =	simm.s32 $0x3100  }
0x2e: {  	[tilespmem:s17], [sflag:$0x1] =	stream.indirect_vreg.gather [hbm4b:s7+s2], $0x80, v3, vm0, $0xb8;
	[tilespmem:$0x10100] =	vst v63  }
0x2f: {  	s5 =	simm.s32 $0x3900  }
0x30: {  	[tilespmem:s5], [sflag:$0x1] =	stream.indirect_vreg.gather [hbm4b:s8+s2], $0x80, v3, vm0, $0xb8;
	[tilespmem:$0x10100] =	vst v63  }
0x31: {  	v3 =	vld [tilespmem:$0x10];
	_ =	sdelay $0x4  }
0x32: {  	v61 =	vshll.u32 v3, $0x3  }
0x33: {  	v3 =	vand.u32 $0x7, v3;
	v4 =	vand.u32 $0xFFFFFFC0, v61  }
0x34: {  	v3 =	vor.u32 v3, v4  }
0x35: {  	v4 =	vperm.xlane v3, v0;
	_ =	sdelay $0x1  }
0x36: {  	v4 =	vadd.s32 v1, v4;
	_ =	sdelay $0x3  }
0x37: {  	s15 =	simm.s32 $0x4100  }
0x38: {  	[tilespmem:s15], [sflag:$0x1] =	stream.indirect_vreg.gather [hbm4b:s3+s2], $0x80, v4, vm0, $0xb8;
	[tilespmem:$0x10100] =	vst v63  }
0x39: {  	s17 =	simm.s32 $0x4900;
	v3 =	vperm.xlane v3, v2  }
0x3a: {  	[tilespmem:s17], [sflag:$0x1] =	stream.indirect_vreg.gather [hbm4b:s6+s2], $0x80, v4, vm0, $0xb8;
	[tilespmem:$0x10100] =	vst v63  }
0x3b: {  	s5 =	simm.s32 $0x5100;
	v3 =	vadd.s32 v1, v3  }
0x3c: {  	[tilespmem:s5], [sflag:$0x1] =	stream.indirect_vreg.gather [hbm4b:s7+s2], $0x80, v4, vm0, $0xb8;
	[tilespmem:$0x10100] =	vst v63  }
0x3d: {  	s15 =	simm.s32 $0x5900  }
0x3e: {  	[tilespmem:s15], [sflag:$0x1] =	stream.indirect_vreg.gather [hbm4b:s8+s2], $0x80, v4, vm0, $0xb8;
	[tilespmem:$0x10100] =	vst v63  }
0x3f: {  	s17 =	simm.s32 $0x6100  }
0x40: {  	[tilespmem:s17], [sflag:$0x1] =	stream.indirect_vreg.gather [hbm4b:s3+s2], $0x80, v3, vm0, $0xb8;
	[tilespmem:$0x10100] =	vst v63  }
0x41: {  	s5 =	simm.s32 $0x6900  }
0x42: {  	[tilespmem:s5], [sflag:$0x1] =	stream.indirect_vreg.gather [hbm4b:s6+s2], $0x80, v3, vm0, $0xb8;
	[tilespmem:$0x10100] =	vst v63  }
0x43: {  	s15 =	simm.s32 $0x7100  }
0x44: {  	[tilespmem:s15], [sflag:$0x1] =	stream.indirect_vreg.gather [hbm4b:s7+s2], $0x80, v3, vm0, $0xb8;
	[tilespmem:$0x10100] =	vst v63  }
0x45: {  	s17 =	simm.s32 $0x7900  }
0x46: {  	[tilespmem:s17], [sflag:$0x1] =	stream.indirect_vreg.gather [hbm4b:s8+s2], $0x80, v3, vm0, $0xb8;
	[tilespmem:$0x10100] =	vst v63  }
0x47: {  	_ =	swait.ge [sflag:s1], $0x8000  }
0x48: {  	[sflag:s1] =	ssyncset.done $0x0  }
0x49: {  	[sflag:s1] =	ssyncadd.s32 $0xFFFF8000  }
0x4a: {  	v3 =	vld [tilespmem:$0x80];
	_ =	sdelay $0x4  }
0x4b: {  	v62 =	vshll.u32 v3, $0x3  }
0x4c: {  	v3 =	vand.u32 $0x7, v3;
	v4 =	vand.u32 $0xFFFFFFC0, v62  }
0x4d: {  	v3 =	vor.u32 v3, v4  }
0x4e: {  	v4 =	vperm.xlane v3, v0;
	_ =	sdelay $0x1  }
0x4f: {  	v4 =	vadd.s32 v1, v4;
	_ =	sdelay $0x3  }
0x50: {  	s5 =	simm.s32 $0x8100  }
0x51: {  	[tilespmem:s5], [sflag:$0x2] =	stream.indirect_vreg.gather [hbm4b:s3+s2], $0x80, v4, vm0, $0xb8;
	[tilespmem:$0x10100] =	vst v63  }
0x52: {  	s15 =	simm.s32 $0x8900;
	v3 =	vperm.xlane v3, v2  }
0x53: {  	[tilespmem:s15], [sflag:$0x2] =	stream.indirect_vreg.gather [hbm4b:s6+s2], $0x80, v4, vm0, $0xb8;
	[tilespmem:$0x10100] =	vst v63  }
0x54: {  	s17 =	simm.s32 $0x9100;
	v3 =	vadd.s32 v1, v3  }
0x55: {  	[tilespmem:s17], [sflag:$0x2] =	stream.indirect_vreg.gather [hbm4b:s7+s2], $0x80, v4, vm0, $0xb8;
	[tilespmem:$0x10100] =	vst v63  }
0x56: {  	_ = 	snop  }
0x57: {  	[tilespmem:s18], [sflag:$0x2] =	stream.indirect_vreg.gather [hbm4b:s8+s2], $0x80, v4, vm0, $0xb8;
	[tilespmem:$0x10100] =	vst v63  }
0x58: {  	_ = 	snop  }
0x59: {  	[tilespmem:s19], [sflag:$0x2] =	stream.indirect_vreg.gather [hbm4b:s3+s2], $0x80, v3, vm0, $0xb8;
	[tilespmem:$0x10100] =	vst v63  }
0x5a: {  	_ = 	snop  }
0x5b: {  	[tilespmem:s9], [sflag:$0x2] =	stream.indirect_vreg.gather [hbm4b:s6+s2], $0x80, v3, vm0, $0xb8;
	[tilespmem:$0x10100] =	vst v63  }
0x5c: {  	_ = 	snop  }
0x5d: {  	[tilespmem:s20], [sflag:$0x2] =	stream.indirect_vreg.gather [hbm4b:s7+s2], $0x80, v3, vm0, $0xb8;
	[tilespmem:$0x10100] =	vst v63  }
0x5e: {  	_ = 	snop  }
0x5f: {  	[tilespmem:s21], [sflag:$0x2] =	stream.indirect_vreg.gather [hbm4b:s8+s2], $0x80, v3, vm0, $0xb8;
	[tilespmem:$0x10100] =	vst v63  }
0x60: {  	v3 =	vld [tilespmem:$0x90];
	_ =	sdelay $0x4  }
0x61: {  	v63 =	vshll.u32 v3, $0x3  }
0x62: {  	v3 =	vand.u32 $0x7, v3;
	v4 =	vand.u32 $0xFFFFFFC0, v63  }
0x63: {  	v3 =	vor.u32 v3, v4  }
0x64: {  	v4 =	vperm.xlane v3, v0;
	_ =	sdelay $0x1  }
0x65: {  	v4 =	vadd.s32 v1, v4;
	_ =	sdelay $0x4  }
0x66: {  	[tilespmem:s10], [sflag:$0x2] =	stream.indirect_vreg.gather [hbm4b:s3+s2], $0x80, v4, vm0, $0xb8;
	[tilespmem:$0x10100] =	vst v63  }
0x67: {  	v3 =	vperm.xlane v3, v2  }
0x68: {  	[tilespmem:s22], [sflag:$0x2] =	stream.indirect_vreg.gather [hbm4b:s6+s2], $0x80, v4, vm0, $0xb8;
	[tilespmem:$0x10100] =	vst v63  }
0x69: {  	v3 =	vadd.s32 v1, v3  }
0x6a: {  	[tilespmem:s11], [sflag:$0x2] =	stream.indirect_vreg.gather [hbm4b:s7+s2], $0x80, v4, vm0, $0xb8;
	[tilespmem:$0x10100] =	vst v63  }
0x6b: {  	_ = 	snop  }
0x6c: {  	[tilespmem:s23], [sflag:$0x2] =	stream.indirect_vreg.gather [hbm4b:s8+s2], $0x80, v4, vm0, $0xb8;
	[tilespmem:$0x10100] =	vst v63  }
0x6d: {  	_ = 	snop  }
0x6e: {  	[tilespmem:s24], [sflag:$0x2] =	stream.indirect_vreg.gather [hbm4b:s3+s2], $0x80, v3, vm0, $0xb8;
	[tilespmem:$0x10100] =	vst v63  }
0x6f: {  	_ = 	snop  }
0x70: {  	[tilespmem:s12], [sflag:$0x2] =	stream.indirect_vreg.gather [hbm4b:s6+s2], $0x80, v3, vm0, $0xb8;
	[tilespmem:$0x10100] =	vst v63  }
0x71: {  	_ = 	snop  }
0x72: {  	[tilespmem:s25], [sflag:$0x2] =	stream.indirect_vreg.gather [hbm4b:s7+s2], $0x80, v3, vm0, $0xb8;
	[tilespmem:$0x10100] =	vst v63  }
0x73: {  	_ = 	snop  }
0x74: {  	[tilespmem:s13], [sflag:$0x2] =	stream.indirect_vreg.gather [hbm4b:s8+s2], $0x80, v3, vm0, $0xb8;
	[tilespmem:$0x10100] =	vst v63  }
0x75: {  	_ =	swait.ge [sflag:s26], $0x8000  }
0x76: {  	s29 =	simm.s32 $0xFFFF8000;
	s30 =	simm.s32 $0x0;
	[sflag:s26] =	ssyncset.done $0x0  }
0x77: {  	s31 =	simm.s32 $0x0;
	s0 =	simm.s32 $0x0;
	[sflag:s26] =	ssyncadd.s32 $0xFFFF8000  }
.LBB2_2:
0x78: {  	s5 =	sadd.s32 $0x8000, s29  }
0x79: {  	s15 =	sand.u32 $0x380, s0;
	s5 =	sand.u32 $0x6000, s5  }
0x7a: {  	s5 =	sor.u32 s15, s5  }
0x7b: {  	v3 =	vld [tilespmem:s5+$0x100]  }
0x7c: {  	v4 =	vld [tilespmem:s5+$0x8100]  }
0x7d: {  	v5 =	vld [tilespmem:s5+$0x110]  }
0x7e: {  	v6 =	vld [tilespmem:s5+$0x8110]  }
0x7f: {  	v7 =	vld [tilespmem:s5+$0x120]  }
0x80: {  	v8 =	vld [tilespmem:s5+$0x8120]  }
0x81: {  	v9 =	vld [tilespmem:s5+$0x130]  }
0x82: {  	v10 =	vld [tilespmem:s5+$0x8130]  }
0x83: {  	v11 =	vld [tilespmem:s5+$0x140]  }
0x84: {  	v12 =	vld [tilespmem:s5+$0x8140]  }
0x85: {  	v13 =	vld [tilespmem:s5+$0x150]  }
0x86: {  	v14 =	vld [tilespmem:s5+$0x8150]  }
0x87: {  	v15 =	vld [tilespmem:s5+$0x160]  }
0x88: {  	v16 =	vld [tilespmem:s5+$0x8160]  }
0x89: {  	v17 =	vld [tilespmem:s5+$0x170]  }
0x8a: {  	v18 =	vld [tilespmem:s5+$0x8170]  }
0x8b: {  	v19 =	vld [tilespmem:s5+$0x500]  }
0x8c: {  	v20 =	vld [tilespmem:s5+$0x8500]  }
0x8d: {  	v21 =	vld [tilespmem:s5+$0x510]  }
0x8e: {  	v22 =	vld [tilespmem:s5+$0x8510]  }
0x8f: {  	v23 =	vld [tilespmem:s5+$0x520]  }
0x90: {  	v24 =	vld [tilespmem:s5+$0x8520]  }
0x91: {  	v25 =	vld [tilespmem:s5+$0x530]  }
0x92: {  	v26 =	vld [tilespmem:s5+$0x8530]  }
0x93: {  	v27 =	vld [tilespmem:s5+$0x540]  }
0x94: {  	v28 =	vld [tilespmem:s5+$0x8540]  }
0x95: {  	v29 =	vld [tilespmem:s5+$0x550]  }
0x96: {  	v30 =	vld [tilespmem:s5+$0x8550]  }
0x97: {  	v31 =	vld [tilespmem:s5+$0x560]  }
0x98: {  	v32 =	vld [tilespmem:s5+$0x8560]  }
0x99: {  	v33 =	vld [tilespmem:s5+$0x570]  }
0x9a: {  	v34 =	vld [tilespmem:s5+$0x8570]  }
0x9b: {  	v35 =	vld [tilespmem:s5+$0x900]  }
0x9c: {  	v36 =	vld [tilespmem:s5+$0x8900]  }
0x9d: {  	v37 =	vld [tilespmem:s5+$0x910]  }
0x9e: {  	v38 =	vld [tilespmem:s5+$0x8910]  }
0x9f: {  	v39 =	vld [tilespmem:s5+$0x920]  }
0xa0: {  	v40 =	vld [tilespmem:s5+$0x8920]  }
0xa1: {  	v41 =	vld [tilespmem:s5+$0x930]  }
0xa2: {  	v42 =	vld [tilespmem:s5+$0x8930]  }
0xa3: {  	v43 =	vld [tilespmem:s5+$0x940]  }
0xa4: {  	v44 =	vld [tilespmem:s5+$0x8940]  }
0xa5: {  	v45 =	vld [tilespmem:s5+$0x950]  }
0xa6: {  	v46 =	vld [tilespmem:s5+$0x8950]  }
0xa7: {  	v47 =	vld [tilespmem:s5+$0x960]  }
0xa8: {  	v48 =	vld [tilespmem:s5+$0x8960]  }
0xa9: {  	v49 =	vld [tilespmem:s5+$0x970]  }
0xaa: {  	v50 =	vld [tilespmem:s5+$0x8970]  }
0xab: {  	v51 =	vld [tilespmem:s5+$0xD00]  }
0xac: {  	v52 =	vld [tilespmem:s5+$0x8D00]  }
0xad: {  	v53 =	vld [tilespmem:s5+$0xD10]  }
0xae: {  	v54 =	vld [tilespmem:s5+$0x8D10]  }
0xaf: {  	v55 =	vld [tilespmem:s5+$0xD20]  }
0xb0: {  	v56 =	vld [tilespmem:s5+$0x8D20]  }
0xb1: {  	v57 =	vld [tilespmem:s5+$0xD30]  }
0xb2: {  	v58 =	vld [tilespmem:s5+$0x8D30]  }
0xb3: {  	v59 =	vld [tilespmem:s5+$0xD40]  }
0xb4: {  	v60 =	vld [tilespmem:s5+$0x8D40]  }
0xb5: {  	v61 =	vld [tilespmem:s5+$0xD50]  }
0xb6: {  	v62 =	vld [tilespmem:s5+$0x8D50]  }
0xb7: {  	v63 =	vld [tilespmem:s5+$0xD60]  }
0xb8: {  	v3 =	vadd.f32 v4, v3;
	v4 =	vld [tilespmem:s5+$0x8D60]  }
0xb9: {  	v5 =	vadd.f32 v6, v5;
	v6 =	vld [tilespmem:s5+$0xD70]  }
0xba: {  	v14 =	vadd.f32 v14, v13;
	v13 =	vld [tilespmem:s5+$0x9120];
	[tilespmem:s5+$0x100] =	vst v3;
	v3 =	vadd.f32 v8, v7  }
0xbb: {  	v18 =	vadd.f32 v18, v17;
	v17 =	vld [tilespmem:s5+$0x9140];
	[tilespmem:s5+$0x110] =	vst v5  }
0xbc: {  	v22 =	vadd.f32 v22, v21;
	v21 =	vld [tilespmem:s5+$0x9160];
	[tilespmem:s5+$0x120] =	vst v3;
	v3 =	vadd.f32 v12, v11  }
0xbd: {  	v7 =	vld [tilespmem:s5+$0x8D70];
	[tilespmem:s5+$0x150] =	vst v14  }
0xbe: {  	v8 =	vld [tilespmem:s5+$0x1100];
	[tilespmem:s5+$0x140] =	vst v3;
	v3 =	vadd.f32 v16, v15  }
0xbf: {  	v5 =	vadd.f32 v10, v9;
	v9 =	vld [tilespmem:s5+$0x9100];
	[tilespmem:s5+$0x170] =	vst v18  }
0xc0: {  	v10 =	vld [tilespmem:s5+$0x1110];
	[tilespmem:s5+$0x160] =	vst v3;
	v3 =	vadd.f32 v20, v19  }
0xc1: {  	v26 =	vadd.f32 v26, v25;
	v14 =	vld [tilespmem:s5+$0x1130];
	[tilespmem:s5+$0x510] =	vst v22  }
0xc2: {  	v18 =	vld [tilespmem:s5+$0x1150];
	[tilespmem:s5+$0x500] =	vst v3;
	v3 =	vadd.f32 v24, v23  }
0xc3: {  	v30 =	vadd.f32 v30, v29;
	[tilespmem:s5+$0x530] =	vst v26;
	v22 =	vld [tilespmem:s5+$0x1170]  }
0xc4: {  	v19 =	vld [tilespmem:s5+$0x9150];
	[tilespmem:s5+$0x520] =	vst v3;
	v3 =	vadd.f32 v28, v27  }
0xc5: {  	v34 =	vadd.f32 v34, v33;
	[tilespmem:s5+$0x550] =	vst v30;
	v11 =	vld [tilespmem:s5+$0x9110]  }
0xc6: {  	v12 =	vld [tilespmem:s5+$0x1120];
	[tilespmem:s5+$0x540] =	vst v3;
	v3 =	vadd.f32 v32, v31  }
0xc7: {  	[tilespmem:s5+$0x570] =	vst v34;
	v15 =	vld [tilespmem:s5+$0x9130]  }
0xc8: {  	v16 =	vld [tilespmem:s5+$0x1140];
	[tilespmem:s5+$0x560] =	vst v3;
	v3 =	vadd.f32 v36, v35  }
0xc9: {  	[tilespmem:s5+$0x130] =	vst v5;
	v20 =	vld [tilespmem:s5+$0x1160];
	v19 =	vadd.f32 v19, v18  }
0xca: {  	v24 =	vld [tilespmem:s5+$0x1500];
	[tilespmem:s5+$0x900] =	vst v3;
	v3 =	vadd.f32 v40, v39  }
0xcb: {  	[tilespmem:s5+$0x1150] =	vst v19;
	v36 =	vadd.f32 v38, v37;
	v37 =	vld [tilespmem:s5+$0x9170]  }
0xcc: {  	v38 =	vadd.f32 v42, v41;
	v41 =	vld [tilespmem:s5+$0x1510];
	[tilespmem:s5+$0x920] =	vst v3;
	v3 =	vadd.f32 v44, v43  }
0xcd: {  	v42 =	vld [tilespmem:s5+$0x9510];
	[tilespmem:s5+$0x910] =	vst v36  }
0xce: {  	v35 =	vld [tilespmem:s5+$0x1910];
	[tilespmem:s5+$0x940] =	vst v3;
	v3 =	vadd.f32 v48, v47  }
0xcf: {  	v39 =	vld [tilespmem:s5+$0x9500];
	[tilespmem:s5+$0x930] =	vst v38;
	v40 =	vadd.f32 v46, v45  }
0xd0: {  	v45 =	vld [tilespmem:s5+$0x9520];
	[tilespmem:s5+$0x960] =	vst v3;
	v3 =	vadd.f32 v52, v51  }
0xd1: {  	v46 =	vadd.f32 v54, v53;
	v53 =	vld [tilespmem:s5+$0x1550];
	[tilespmem:s5+$0x950] =	vst v40  }
0xd2: {  	v54 =	vld [tilespmem:s5+$0x9550];
	[tilespmem:s5+$0xD00] =	vst v3;
	v3 =	vadd.f32 v56, v55  }
0xd3: {  	v36 =	vld [tilespmem:s5+$0x9910];
	v43 =	vadd.f32 v50, v49;
	[tilespmem:s5+$0xD10] =	vst v46  }
0xd4: {  	v38 =	vld [tilespmem:s5+$0x1920];
	[tilespmem:s5+$0xD20] =	vst v3;
	v3 =	vadd.f32 v60, v59  }
0xd5: {  	v44 =	vld [tilespmem:s5+$0x1520];
	v49 =	vadd.f32 v58, v57;
	[tilespmem:s5+$0x970] =	vst v43  }
0xd6: {  	v50 =	vld [tilespmem:s5+$0x1540];
	[tilespmem:s5+$0xD40] =	vst v3;
	v3 =	vadd.f32 v4, v63  }
0xd7: {  	v57 =	vld [tilespmem:s5+$0x9560];
	v58 =	vadd.f32 v11, v10;
	[tilespmem:s5+$0xD30] =	vst v49  }
0xd8: {  	v46 =	vld [tilespmem:s5+$0x9950];
	[tilespmem:s5+$0xD60] =	vst v3;
	v3 =	vadd.f32 v9, v8  }
0xd9: {  	v37 =	vadd.f32 v37, v22;
	v40 =	vadd.f32 v42, v41;
	v41 =	vld [tilespmem:s5+$0x1930];
	[tilespmem:s5+$0x1110] =	vst v58  }
0xda: {  	v42 =	vld [tilespmem:s5+$0x9930];
	[tilespmem:s5+$0x1100] =	vst v3;
	v3 =	vadd.f32 v13, v12  }
0xdb: {  	v47 =	vld [tilespmem:s5+$0x1530];
	[tilespmem:s5+$0x1170] =	vst v37  }
0xdc: {  	v48 =	vld [tilespmem:s5+$0x9530];
	[tilespmem:s5+$0x1120] =	vst v3;
	v3 =	vadd.f32 v17, v16  }
0xdd: {  	v49 =	vld [tilespmem:s5+$0x9960];
	[tilespmem:s5+$0x1510] =	vst v40;
	v52 =	vadd.f32 v62, v61  }
0xde: {  	v51 =	vld [tilespmem:s5+$0x9540];
	[tilespmem:s5+$0x1140] =	vst v3;
	v3 =	vadd.f32 v21, v20  }
0xdf: {  	v61 =	vadd.f32 v15, v14;
	v62 =	vld [tilespmem:s5+$0x1900];
	[tilespmem:s5+$0xD50] =	vst v52  }
0xe0: {  	v56 =	vld [tilespmem:s5+$0x1560];
	[tilespmem:s5+$0x1160] =	vst v3;
	v3 =	vadd.f32 v39, v24  }
0xe1: {  	v55 =	vadd.f32 v7, v6;
	[tilespmem:s5+$0x1130] =	vst v61;
	v52 =	vld [tilespmem:s5+$0x9970]  }
0xe2: {  	v43 =	vadd.f32 v48, v47;
	v47 =	vld [tilespmem:s5+$0x1960];
	[tilespmem:s5+$0x1500] =	vst v3;
	v3 =	vadd.f32 v45, v44  }
0xe3: {  	[tilespmem:s5+$0xD70] =	vst v55;
	v63 =	vld [tilespmem:s5+$0x9900]  }
0xe4: {  	v59 =	vld [tilespmem:s5+$0x1570];
	[tilespmem:s5+$0x1520] =	vst v3;
	v3 =	vadd.f32 v51, v50  }
0xe5: {  	[tilespmem:s5+$0x1530] =	vst v43;
	v4 =	vadd.f32 v54, v53;
	v39 =	vld [tilespmem:s5+$0x9920]  }
0xe6: {  	v60 =	vld [tilespmem:s5+$0x9570];
	[tilespmem:s5+$0x1540] =	vst v3;
	v3 =	vadd.f32 v57, v56  }
0xe7: {  	v54 =	vadd.f32 v42, v41;
	[tilespmem:s5+$0x1550] =	vst v4;
	v45 =	vld [tilespmem:s5+$0x1950]  }
0xe8: {  	v53 =	vld [tilespmem:s5+$0x9940];
	[tilespmem:s5+$0x1560] =	vst v3;
	v3 =	vadd.f32 v63, v62  }
0xe9: {  	[tilespmem:s5+$0x1930] =	vst v54;
	v55 =	vadd.f32 v49, v47;
	v50 =	vld [tilespmem:s5+$0x1970]  }
0xea: {  	v44 =	vld [tilespmem:s5+$0x1940];
	[tilespmem:s5+$0x1900] =	vst v3;
	v3 =	vadd.f32 v39, v38  }
0xeb: {  	v48 =	vadd.f32 v60, v59;
	[tilespmem:s5+$0x1960] =	vst v55  }
0xec: {  	[tilespmem:s5+$0x1920] =	vst v3;
	v3 =	vadd.f32 v46, v45  }
0xed: {  	s17 =	sand.u32 $0x7, s30;
	[tilespmem:s5+$0x1570] =	vst v48;
	v51 =	vadd.f32 v36, v35  }
0xee: {  	s15 =	sshll.u32 s17, $0x7;
	[tilespmem:s5+$0x1950] =	vst v3;
	v3 =	vadd.f32 v52, v50  }
0xef: {  	s15 =	sadd.s32 s15, s31;
	[tilespmem:s5+$0x1910] =	vst v51;
	v56 =	vadd.f32 v53, v44  }
0xf0: {  	s17 =	sor.u32 $0x1C00, s15;
	[tilespmem:s5+$0x1970] =	vst v3  }
0xf1: {  	[tilespmem:s5+$0x1940] =	vst v56;
	v3 =	vld [tilespmem:s17+$0x100]  }
0xf2: {  	v4 =	vld [tilespmem:s17+$0x8100];
	_ =	sdelay $0x4  }
0xf3: {  	v3 =	vadd.f32 v4, v3;
	_ =	sdelay $0x1  }
0xf4: {  	[tilespmem:s17+$0x100] =	vst v3;
	s17 =	sor.u32 $0x1C10, s15  }
0xf5: {  	v3 =	vld [tilespmem:s17+$0x100]  }
0xf6: {  	v57 =	vld [tilespmem:s17+$0x8100];
	_ =	sdelay $0x4  }
0xf7: {  	v3 =	vadd.f32 v57, v3;
	_ =	sdelay $0x1  }
0xf8: {  	[tilespmem:s17+$0x100] =	vst v3;
	s17 =	sor.u32 $0x1C20, s15  }
0xf9: {  	v3 =	vld [tilespmem:s17+$0x100]  }
0xfa: {  	v58 =	vld [tilespmem:s17+$0x8100];
	_ =	sdelay $0x4  }
0xfb: {  	v3 =	vadd.f32 v58, v3;
	_ =	sdelay $0x1  }
0xfc: {  	[tilespmem:s17+$0x100] =	vst v3;
	s17 =	sor.u32 $0x1C30, s15  }
0xfd: {  	v3 =	vld [tilespmem:s17+$0x100]  }
0xfe: {  	v59 =	vld [tilespmem:s17+$0x8100];
	_ =	sdelay $0x4  }
0xff: {  	v3 =	vadd.f32 v59, v3;
	_ =	sdelay $0x1  }
0x100: {  	[tilespmem:s17+$0x100] =	vst v3;
	s17 =	sor.u32 $0x1C40, s15  }
0x101: {  	v3 =	vld [tilespmem:s17+$0x100]  }
0x102: {  	v60 =	vld [tilespmem:s17+$0x8100];
	_ =	sdelay $0x4  }
0x103: {  	v3 =	vadd.f32 v60, v3;
	_ =	sdelay $0x1  }
0x104: {  	[tilespmem:s17+$0x100] =	vst v3;
	s17 =	sor.u32 $0x1C50, s15  }
0x105: {  	v3 =	vld [tilespmem:s17+$0x100]  }
0x106: {  	v61 =	vld [tilespmem:s17+$0x8100];
	_ =	sdelay $0x4  }
0x107: {  	v3 =	vadd.f32 v61, v3;
	_ =	sdelay $0x1  }
0x108: {  	[tilespmem:s17+$0x100] =	vst v3;
	s17 =	sor.u32 $0x1C60, s15  }
0x109: {  	v3 =	vld [tilespmem:s17+$0x100]  }
0x10a: {  	v62 =	vld [tilespmem:s17+$0x8100];
	_ =	sdelay $0x4  }
0x10b: {  	v3 =	vadd.f32 v62, v3;
	_ =	sdelay $0x1  }
0x10c: {  	[tilespmem:s17+$0x100] =	vst v3;
	s17 =	sor.u32 $0x1C70, s15  }
0x10d: {  	v3 =	vld [tilespmem:s17+$0x100]  }
0x10e: {  	v63 =	vld [tilespmem:s17+$0x8100];
	_ =	sdelay $0x1  }
0x10f: {  	p0 =	sne.s32 s0, $0xF80  }
.Ltmp0:
0x110: {  	_ = 	snop;
	(pc) =	sbr.rel @p0 .LBB2_2-.Ltmp0, $4  }
0x111: {  	_ = 	snop  }
0x112: {  	v3 =	vadd.f32 v63, v3  }
0x113: {  	s30 =	sadd.s32 $0x1, s30  }
0x114: {  	s29 =	sadd.s32 $0x400, s29;
	s0 =	sadd.s32 $0x80, s0;
	s31 =	sadd.s32 $0x400, s31;
	[tilespmem:s17+$0x100] =	vst v3  }
0x115: {  	s29 =	simm.s32 $0x0;
	s0 =	rddreg [dreg:$0x4]  }
0x116: {  	[hbm4b:s0+s29] =	stream.linear.scatter [tilespmem:s16], [sflag:$0x3], $0x8000, $0x38;
	[tilespmem:$0x10100] =	vst v63  }
0x117: {  	_ =	swait.ge [sflag:s14], $0x8000  }
0x118: {  	[sflag:s14] =	ssyncset.done $0x0  }
0x119: {  	s15 =	rddreg [dreg:$0x5];
	[sflag:s14] =	ssyncadd.s32 $0xFFFF8000  }
0x11a: {  	[tilespmem:s29], [sflag:$0x3] =	stream.linear.gather [hbm4b:s15+s29], $0x20, $0x38;
	[tilespmem:$0x10100] =	vst v63  }
0x11b: {  	_ =	swait.ge [sflag:s14], $0x20  }
0x11c: {  	[sflag:s14] =	ssyncset.done $0x0  }
0x11d: {  	s5 =	simm.s32 $0x80;
	s17 =	rddreg [dreg:$0x6];
	[sflag:s14] =	ssyncadd.s32 $0xFFFFFFE0  }
0x11e: {  	[tilespmem:s5], [sflag:$0x3] =	stream.linear.gather [hbm4b:s17+s29], $0x20, $0x38;
	[tilespmem:$0x10100] =	vst v63  }
0x11f: {  	_ =	swait.ge [sflag:s14], $0x20  }
0x120: {  	[sflag:s14] =	ssyncset.done $0x0  }
0x121: {  	[sflag:s14] =	ssyncadd.s32 $0xFFFFFFE0  }
0x122: {  	v3 =	vld [tilespmem:$0x0];
	_ =	sdelay $0x4  }
0x123: {  	v4 =	vshll.u32 v3, $0x3  }
0x124: {  	v3 =	vand.u32 $0x7, v3;
	v4 =	vand.u32 $0xFFFFFFC0, v4  }
0x125: {  	v3 =	vor.u32 v3, v4  }
0x126: {  	v4 =	vperm.xlane v3, v0;
	_ =	sdelay $0x1  }
0x127: {  	v4 =	vadd.s32 v1, v4;
	_ =	sdelay $0x4  }
0x128: {  	[tilespmem:s16], [sflag:$0x1] =	stream.indirect_vreg.gather [hbm4b:s3+s29], $0x80, v4, vm0, $0xb8;
	[tilespmem:$0x10100] =	vst v63  }
0x129: {  	s5 =	simm.s32 $0x900;
	v3 =	vperm.xlane v3, v2  }
0x12a: {  	[tilespmem:s5], [sflag:$0x1] =	stream.indirect_vreg.gather [hbm4b:s6+s29], $0x80, v4, vm0, $0xb8;
	[tilespmem:$0x10100] =	vst v63  }
0x12b: {  	s15 =	simm.s32 $0x1100;
	v3 =	vadd.s32 v1, v3  }
0x12c: {  	[tilespmem:s15], [sflag:$0x1] =	stream.indirect_vreg.gather [hbm4b:s7+s29], $0x80, v4, vm0, $0xb8;
	[tilespmem:$0x10100] =	vst v63  }
0x12d: {  	s17 =	simm.s32 $0x1900  }
0x12e: {  	[tilespmem:s17], [sflag:$0x1] =	stream.indirect_vreg.gather [hbm4b:s8+s29], $0x80, v4, vm0, $0xb8;
	[tilespmem:$0x10100] =	vst v63  }
0x12f: {  	s5 =	simm.s32 $0x2100  }
0x130: {  	[tilespmem:s5], [sflag:$0x1] =	stream.indirect_vreg.gather [hbm4b:s3+s29], $0x80, v3, vm0, $0xb8;
	[tilespmem:$0x10100] =	vst v63  }
0x131: {  	s15 =	simm.s32 $0x2900  }
0x132: {  	[tilespmem:s15], [sflag:$0x1] =	stream.indirect_vreg.gather [hbm4b:s6+s29], $0x80, v3, vm0, $0xb8;
	[tilespmem:$0x10100] =	vst v63  }
0x133: {  	s17 =	simm.s32 $0x3100  }
0x134: {  	[tilespmem:s17], [sflag:$0x1] =	stream.indirect_vreg.gather [hbm4b:s7+s29], $0x80, v3, vm0, $0xb8;
	[tilespmem:$0x10100] =	vst v63  }
0x135: {  	s5 =	simm.s32 $0x3900  }
0x136: {  	[tilespmem:s5], [sflag:$0x1] =	stream.indirect_vreg.gather [hbm4b:s8+s29], $0x80, v3, vm0, $0xb8;
	[tilespmem:$0x10100] =	vst v63  }
0x137: {  	v3 =	vld [tilespmem:$0x10];
	_ =	sdelay $0x4  }
0x138: {  	v61 =	vshll.u32 v3, $0x3  }
0x139: {  	v3 =	vand.u32 $0x7, v3;
	v4 =	vand.u32 $0xFFFFFFC0, v61  }
0x13a: {  	v3 =	vor.u32 v3, v4  }
0x13b: {  	v4 =	vperm.xlane v3, v0;
	_ =	sdelay $0x1  }
0x13c: {  	v4 =	vadd.s32 v1, v4;
	_ =	sdelay $0x3  }
0x13d: {  	s15 =	simm.s32 $0x4100  }
0x13e: {  	[tilespmem:s15], [sflag:$0x1] =	stream.indirect_vreg.gather [hbm4b:s3+s29], $0x80, v4, vm0, $0xb8;
	[tilespmem:$0x10100] =	vst v63  }
0x13f: {  	s17 =	simm.s32 $0x4900;
	v3 =	vperm.xlane v3, v2  }
0x140: {  	[tilespmem:s17], [sflag:$0x1] =	stream.indirect_vreg.gather [hbm4b:s6+s29], $0x80, v4, vm0, $0xb8;
	[tilespmem:$0x10100] =	vst v63  }
0x141: {  	s5 =	simm.s32 $0x5100;
	v3 =	vadd.s32 v1, v3  }
0x142: {  	[tilespmem:s5], [sflag:$0x1] =	stream.indirect_vreg.gather [hbm4b:s7+s29], $0x80, v4, vm0, $0xb8;
	[tilespmem:$0x10100] =	vst v63  }
0x143: {  	s15 =	simm.s32 $0x5900  }
0x144: {  	[tilespmem:s15], [sflag:$0x1] =	stream.indirect_vreg.gather [hbm4b:s8+s29], $0x80, v4, vm0, $0xb8;
	[tilespmem:$0x10100] =	vst v63  }
0x145: {  	s17 =	simm.s32 $0x6100  }
0x146: {  	[tilespmem:s17], [sflag:$0x1] =	stream.indirect_vreg.gather [hbm4b:s3+s29], $0x80, v3, vm0, $0xb8;
	[tilespmem:$0x10100] =	vst v63  }
0x147: {  	s5 =	simm.s32 $0x6900  }
0x148: {  	[tilespmem:s5], [sflag:$0x1] =	stream.indirect_vreg.gather [hbm4b:s6+s29], $0x80, v3, vm0, $0xb8;
	[tilespmem:$0x10100] =	vst v63  }
0x149: {  	s15 =	simm.s32 $0x7100  }
0x14a: {  	[tilespmem:s15], [sflag:$0x1] =	stream.indirect_vreg.gather [hbm4b:s7+s29], $0x80, v3, vm0, $0xb8;
	[tilespmem:$0x10100] =	vst v63  }
0x14b: {  	s17 =	simm.s32 $0x7900  }
0x14c: {  	[tilespmem:s17], [sflag:$0x1] =	stream.indirect_vreg.gather [hbm4b:s8+s29], $0x80, v3, vm0, $0xb8;
	[tilespmem:$0x10100] =	vst v63  }
0x14d: {  	_ =	swait.ge [sflag:s1], $0x8000  }
0x14e: {  	[sflag:s1] =	ssyncset.done $0x0  }
0x14f: {  	[sflag:s1] =	ssyncadd.s32 $0xFFFF8000  }
0x150: {  	v3 =	vld [tilespmem:$0x80];
	_ =	sdelay $0x4  }
0x151: {  	v62 =	vshll.u32 v3, $0x3  }
0x152: {  	v3 =	vand.u32 $0x7, v3;
	v4 =	vand.u32 $0xFFFFFFC0, v62  }
0x153: {  	v3 =	vor.u32 v3, v4  }
0x154: {  	v4 =	vperm.xlane v3, v0;
	_ =	sdelay $0x1  }
0x155: {  	v4 =	vadd.s32 v1, v4;
	_ =	sdelay $0x3  }
0x156: {  	s5 =	simm.s32 $0x8100  }
0x157: {  	[tilespmem:s5], [sflag:$0x2] =	stream.indirect_vreg.gather [hbm4b:s3+s29], $0x80, v4, vm0, $0xb8;
	[tilespmem:$0x10100] =	vst v63  }
0x158: {  	s15 =	simm.s32 $0x8900;
	v3 =	vperm.xlane v3, v2  }
0x159: {  	[tilespmem:s15], [sflag:$0x2] =	stream.indirect_vreg.gather [hbm4b:s6+s29], $0x80, v4, vm0, $0xb8;
	[tilespmem:$0x10100] =	vst v63  }
0x15a: {  	s17 =	simm.s32 $0x9100;
	v3 =	vadd.s32 v1, v3  }
0x15b: {  	[tilespmem:s17], [sflag:$0x2] =	stream.indirect_vreg.gather [hbm4b:s7+s29], $0x80, v4, vm0, $0xb8;
	[tilespmem:$0x10100] =	vst v63  }
0x15c: {  	_ = 	snop  }
0x15d: {  	[tilespmem:s18], [sflag:$0x2] =	stream.indirect_vreg.gather [hbm4b:s8+s29], $0x80, v4, vm0, $0xb8;
	[tilespmem:$0x10100] =	vst v63  }
0x15e: {  	_ = 	snop  }
0x15f: {  	[tilespmem:s19], [sflag:$0x2] =	stream.indirect_vreg.gather [hbm4b:s3+s29], $0x80, v3, vm0, $0xb8;
	[tilespmem:$0x10100] =	vst v63  }
0x160: {  	_ = 	snop  }
0x161: {  	[tilespmem:s9], [sflag:$0x2] =	stream.indirect_vreg.gather [hbm4b:s6+s29], $0x80, v3, vm0, $0xb8;
	[tilespmem:$0x10100] =	vst v63  }
0x162: {  	_ = 	snop  }
0x163: {  	[tilespmem:s20], [sflag:$0x2] =	stream.indirect_vreg.gather [hbm4b:s7+s29], $0x80, v3, vm0, $0xb8;
	[tilespmem:$0x10100] =	vst v63  }
0x164: {  	_ = 	snop  }
0x165: {  	[tilespmem:s21], [sflag:$0x2] =	stream.indirect_vreg.gather [hbm4b:s8+s29], $0x80, v3, vm0, $0xb8;
	[tilespmem:$0x10100] =	vst v63  }
0x166: {  	v3 =	vld [tilespmem:$0x90];
	_ =	sdelay $0x4  }
0x167: {  	v63 =	vshll.u32 v3, $0x3  }
0x168: {  	v3 =	vand.u32 $0x7, v3;
	v4 =	vand.u32 $0xFFFFFFC0, v63  }
0x169: {  	v3 =	vor.u32 v3, v4  }
0x16a: {  	v4 =	vperm.xlane v3, v0;
	_ =	sdelay $0x1  }
0x16b: {  	v4 =	vadd.s32 v1, v4;
	_ =	sdelay $0x4  }
0x16c: {  	[tilespmem:s10], [sflag:$0x2] =	stream.indirect_vreg.gather [hbm4b:s3+s29], $0x80, v4, vm0, $0xb8;
	[tilespmem:$0x10100] =	vst v63  }
0x16d: {  	v3 =	vperm.xlane v3, v2  }
0x16e: {  	[tilespmem:s22], [sflag:$0x2] =	stream.indirect_vreg.gather [hbm4b:s6+s29], $0x80, v4, vm0, $0xb8;
	[tilespmem:$0x10100] =	vst v63  }
0x16f: {  	v3 =	vadd.s32 v1, v3  }
0x170: {  	[tilespmem:s11], [sflag:$0x2] =	stream.indirect_vreg.gather [hbm4b:s7+s29], $0x80, v4, vm0, $0xb8;
	[tilespmem:$0x10100] =	vst v63  }
0x171: {  	_ = 	snop  }
0x172: {  	[tilespmem:s23], [sflag:$0x2] =	stream.indirect_vreg.gather [hbm4b:s8+s29], $0x80, v4, vm0, $0xb8;
	[tilespmem:$0x10100] =	vst v63  }
0x173: {  	_ = 	snop  }
0x174: {  	[tilespmem:s24], [sflag:$0x2] =	stream.indirect_vreg.gather [hbm4b:s3+s29], $0x80, v3, vm0, $0xb8;
	[tilespmem:$0x10100] =	vst v63  }
0x175: {  	_ = 	snop  }
0x176: {  	[tilespmem:s12], [sflag:$0x2] =	stream.indirect_vreg.gather [hbm4b:s6+s29], $0x80, v3, vm0, $0xb8;
	[tilespmem:$0x10100] =	vst v63  }
0x177: {  	_ = 	snop  }
0x178: {  	[tilespmem:s25], [sflag:$0x2] =	stream.indirect_vreg.gather [hbm4b:s7+s29], $0x80, v3, vm0, $0xb8;
	[tilespmem:$0x10100] =	vst v63  }
0x179: {  	_ = 	snop  }
0x17a: {  	[tilespmem:s13], [sflag:$0x2] =	stream.indirect_vreg.gather [hbm4b:s8+s29], $0x80, v3, vm0, $0xb8;
	[tilespmem:$0x10100] =	vst v63  }
0x17b: {  	_ =	swait.ge [sflag:s26], $0x8000  }
0x17c: {  	s30 =	simm.s32 $0xFFFF8000;
	[sflag:s26] =	ssyncset.done $0x0  }
0x17d: {  	s31 =	simm.s32 $0x0;
	s0 =	simm.s32 $0x0;
	[sflag:s26] =	ssyncadd.s32 $0xFFFF8000  }
.LBB2_4:
0x17e: {  	s5 =	sadd.s32 $0x8000, s30  }
0x17f: {  	s15 =	sand.u32 $0x380, s0;
	s5 =	sand.u32 $0x6000, s5  }
0x180: {  	s5 =	sor.u32 s15, s5  }
0x181: {  	v3 =	vld [tilespmem:s5+$0x100]  }
0x182: {  	v4 =	vld [tilespmem:s5+$0x8100]  }
0x183: {  	v5 =	vld [tilespmem:s5+$0x110]  }
0x184: {  	v6 =	vld [tilespmem:s5+$0x8110]  }
0x185: {  	v7 =	vld [tilespmem:s5+$0x120]  }
0x186: {  	v8 =	vld [tilespmem:s5+$0x8120]  }
0x187: {  	v9 =	vld [tilespmem:s5+$0x130]  }
0x188: {  	v10 =	vld [tilespmem:s5+$0x8130]  }
0x189: {  	v11 =	vld [tilespmem:s5+$0x140]  }
0x18a: {  	v12 =	vld [tilespmem:s5+$0x8140]  }
0x18b: {  	v13 =	vld [tilespmem:s5+$0x150]  }
0x18c: {  	v14 =	vld [tilespmem:s5+$0x8150]  }
0x18d: {  	v15 =	vld [tilespmem:s5+$0x160]  }
0x18e: {  	v16 =	vld [tilespmem:s5+$0x8160]  }
0x18f: {  	v17 =	vld [tilespmem:s5+$0x170]  }
0x190: {  	v18 =	vld [tilespmem:s5+$0x8170]  }
0x191: {  	v19 =	vld [tilespmem:s5+$0x500]  }
0x192: {  	v20 =	vld [tilespmem:s5+$0x8500]  }
0x193: {  	v21 =	vld [tilespmem:s5+$0x510]  }
0x194: {  	v22 =	vld [tilespmem:s5+$0x8510]  }
0x195: {  	v23 =	vld [tilespmem:s5+$0x520]  }
0x196: {  	v24 =	vld [tilespmem:s5+$0x8520]  }
0x197: {  	v25 =	vld [tilespmem:s5+$0x530]  }
0x198: {  	v26 =	vld [tilespmem:s5+$0x8530]  }
0x199: {  	v27 =	vld [tilespmem:s5+$0x540]  }
0x19a: {  	v28 =	vld [tilespmem:s5+$0x8540]  }
0x19b: {  	v29 =	vld [tilespmem:s5+$0x550]  }
0x19c: {  	v30 =	vld [tilespmem:s5+$0x8550]  }
0x19d: {  	v31 =	vld [tilespmem:s5+$0x560]  }
0x19e: {  	v32 =	vld [tilespmem:s5+$0x8560]  }
0x19f: {  	v33 =	vld [tilespmem:s5+$0x570]  }
0x1a0: {  	v34 =	vld [tilespmem:s5+$0x8570]  }
0x1a1: {  	v35 =	vld [tilespmem:s5+$0x900]  }
0x1a2: {  	v36 =	vld [tilespmem:s5+$0x8900]  }
0x1a3: {  	v37 =	vld [tilespmem:s5+$0x910]  }
0x1a4: {  	v38 =	vld [tilespmem:s5+$0x8910]  }
0x1a5: {  	v39 =	vld [tilespmem:s5+$0x920]  }
0x1a6: {  	v40 =	vld [tilespmem:s5+$0x8920]  }
0x1a7: {  	v41 =	vld [tilespmem:s5+$0x930]  }
0x1a8: {  	v42 =	vld [tilespmem:s5+$0x8930]  }
0x1a9: {  	v43 =	vld [tilespmem:s5+$0x940]  }
0x1aa: {  	v44 =	vld [tilespmem:s5+$0x8940]  }
0x1ab: {  	v45 =	vld [tilespmem:s5+$0x950]  }
0x1ac: {  	v46 =	vld [tilespmem:s5+$0x8950]  }
0x1ad: {  	v47 =	vld [tilespmem:s5+$0x960]  }
0x1ae: {  	v48 =	vld [tilespmem:s5+$0x8960]  }
0x1af: {  	v49 =	vld [tilespmem:s5+$0x970]  }
0x1b0: {  	v50 =	vld [tilespmem:s5+$0x8970]  }
0x1b1: {  	v51 =	vld [tilespmem:s5+$0xD00]  }
0x1b2: {  	v52 =	vld [tilespmem:s5+$0x8D00]  }
0x1b3: {  	v53 =	vld [tilespmem:s5+$0xD10]  }
0x1b4: {  	v54 =	vld [tilespmem:s5+$0x8D10]  }
0x1b5: {  	v55 =	vld [tilespmem:s5+$0xD20]  }
0x1b6: {  	v56 =	vld [tilespmem:s5+$0x8D20]  }
0x1b7: {  	v57 =	vld [tilespmem:s5+$0xD30]  }
0x1b8: {  	v58 =	vld [tilespmem:s5+$0x8D30]  }
0x1b9: {  	v59 =	vld [tilespmem:s5+$0xD40]  }
0x1ba: {  	v60 =	vld [tilespmem:s5+$0x8D40]  }
0x1bb: {  	v61 =	vld [tilespmem:s5+$0xD50]  }
0x1bc: {  	v62 =	vld [tilespmem:s5+$0x8D50]  }
0x1bd: {  	v63 =	vld [tilespmem:s5+$0xD60]  }
0x1be: {  	v3 =	vadd.f32 v4, v3;
	v4 =	vld [tilespmem:s5+$0x8D60]  }
0x1bf: {  	v5 =	vadd.f32 v6, v5;
	v6 =	vld [tilespmem:s5+$0xD70]  }
0x1c0: {  	v14 =	vadd.f32 v14, v13;
	v13 =	vld [tilespmem:s5+$0x9120];
	[tilespmem:s5+$0x100] =	vst v3;
	v3 =	vadd.f32 v8, v7  }
0x1c1: {  	v18 =	vadd.f32 v18, v17;
	v17 =	vld [tilespmem:s5+$0x9140];
	[tilespmem:s5+$0x110] =	vst v5  }
0x1c2: {  	v22 =	vadd.f32 v22, v21;
	v21 =	vld [tilespmem:s5+$0x9160];
	[tilespmem:s5+$0x120] =	vst v3;
	v3 =	vadd.f32 v12, v11  }
0x1c3: {  	v7 =	vld [tilespmem:s5+$0x8D70];
	[tilespmem:s5+$0x150] =	vst v14  }
0x1c4: {  	v8 =	vld [tilespmem:s5+$0x1100];
	[tilespmem:s5+$0x140] =	vst v3;
	v3 =	vadd.f32 v16, v15  }
0x1c5: {  	v5 =	vadd.f32 v10, v9;
	v9 =	vld [tilespmem:s5+$0x9100];
	[tilespmem:s5+$0x170] =	vst v18  }
0x1c6: {  	v10 =	vld [tilespmem:s5+$0x1110];
	[tilespmem:s5+$0x160] =	vst v3;
	v3 =	vadd.f32 v20, v19  }
0x1c7: {  	v26 =	vadd.f32 v26, v25;
	v14 =	vld [tilespmem:s5+$0x1130];
	[tilespmem:s5+$0x510] =	vst v22  }
0x1c8: {  	v18 =	vld [tilespmem:s5+$0x1150];
	[tilespmem:s5+$0x500] =	vst v3;
	v3 =	vadd.f32 v24, v23  }
0x1c9: {  	v30 =	vadd.f32 v30, v29;
	[tilespmem:s5+$0x530] =	vst v26;
	v22 =	vld [tilespmem:s5+$0x1170]  }
0x1ca: {  	v19 =	vld [tilespmem:s5+$0x9150];
	[tilespmem:s5+$0x520] =	vst v3;
	v3 =	vadd.f32 v28, v27  }
0x1cb: {  	v34 =	vadd.f32 v34, v33;
	[tilespmem:s5+$0x550] =	vst v30;
	v11 =	vld [tilespmem:s5+$0x9110]  }
0x1cc: {  	v12 =	vld [tilespmem:s5+$0x1120];
	[tilespmem:s5+$0x540] =	vst v3;
	v3 =	vadd.f32 v32, v31  }
0x1cd: {  	[tilespmem:s5+$0x570] =	vst v34;
	v15 =	vld [tilespmem:s5+$0x9130]  }
0x1ce: {  	v16 =	vld [tilespmem:s5+$0x1140];
	[tilespmem:s5+$0x560] =	vst v3;
	v3 =	vadd.f32 v36, v35  }
0x1cf: {  	[tilespmem:s5+$0x130] =	vst v5;
	v20 =	vld [tilespmem:s5+$0x1160];
	v19 =	vadd.f32 v19, v18  }
0x1d0: {  	v24 =	vld [tilespmem:s5+$0x1500];
	[tilespmem:s5+$0x900] =	vst v3;
	v3 =	vadd.f32 v40, v39  }
0x1d1: {  	[tilespmem:s5+$0x1150] =	vst v19;
	v36 =	vadd.f32 v38, v37;
	v37 =	vld [tilespmem:s5+$0x9170]  }
0x1d2: {  	v38 =	vadd.f32 v42, v41;
	v41 =	vld [tilespmem:s5+$0x1510];
	[tilespmem:s5+$0x920] =	vst v3;
	v3 =	vadd.f32 v44, v43  }
0x1d3: {  	v42 =	vld [tilespmem:s5+$0x9510];
	[tilespmem:s5+$0x910] =	vst v36  }
0x1d4: {  	v35 =	vld [tilespmem:s5+$0x1910];
	[tilespmem:s5+$0x940] =	vst v3;
	v3 =	vadd.f32 v48, v47  }
0x1d5: {  	v39 =	vld [tilespmem:s5+$0x9500];
	[tilespmem:s5+$0x930] =	vst v38;
	v40 =	vadd.f32 v46, v45  }
0x1d6: {  	v45 =	vld [tilespmem:s5+$0x9520];
	[tilespmem:s5+$0x960] =	vst v3;
	v3 =	vadd.f32 v52, v51  }
0x1d7: {  	v46 =	vadd.f32 v54, v53;
	v53 =	vld [tilespmem:s5+$0x1550];
	[tilespmem:s5+$0x950] =	vst v40  }
0x1d8: {  	v54 =	vld [tilespmem:s5+$0x9550];
	[tilespmem:s5+$0xD00] =	vst v3;
	v3 =	vadd.f32 v56, v55  }
0x1d9: {  	v36 =	vld [tilespmem:s5+$0x9910];
	v43 =	vadd.f32 v50, v49;
	[tilespmem:s5+$0xD10] =	vst v46  }
0x1da: {  	v38 =	vld [tilespmem:s5+$0x1920];
	[tilespmem:s5+$0xD20] =	vst v3;
	v3 =	vadd.f32 v60, v59  }
0x1db: {  	v44 =	vld [tilespmem:s5+$0x1520];
	v49 =	vadd.f32 v58, v57;
	[tilespmem:s5+$0x970] =	vst v43  }
0x1dc: {  	v50 =	vld [tilespmem:s5+$0x1540];
	[tilespmem:s5+$0xD40] =	vst v3;
	v3 =	vadd.f32 v4, v63  }
0x1dd: {  	v57 =	vld [tilespmem:s5+$0x9560];
	v58 =	vadd.f32 v11, v10;
	[tilespmem:s5+$0xD30] =	vst v49  }
0x1de: {  	v46 =	vld [tilespmem:s5+$0x9950];
	[tilespmem:s5+$0xD60] =	vst v3;
	v3 =	vadd.f32 v9, v8  }
0x1df: {  	v37 =	vadd.f32 v37, v22;
	v40 =	vadd.f32 v42, v41;
	v41 =	vld [tilespmem:s5+$0x1930];
	[tilespmem:s5+$0x1110] =	vst v58  }
0x1e0: {  	v42 =	vld [tilespmem:s5+$0x9930];
	[tilespmem:s5+$0x1100] =	vst v3;
	v3 =	vadd.f32 v13, v12  }
0x1e1: {  	v47 =	vld [tilespmem:s5+$0x1530];
	[tilespmem:s5+$0x1170] =	vst v37  }
0x1e2: {  	v48 =	vld [tilespmem:s5+$0x9530];
	[tilespmem:s5+$0x1120] =	vst v3;
	v3 =	vadd.f32 v17, v16  }
0x1e3: {  	v49 =	vld [tilespmem:s5+$0x9960];
	[tilespmem:s5+$0x1510] =	vst v40;
	v52 =	vadd.f32 v62, v61  }
0x1e4: {  	v51 =	vld [tilespmem:s5+$0x9540];
	[tilespmem:s5+$0x1140] =	vst v3;
	v3 =	vadd.f32 v21, v20  }
0x1e5: {  	v61 =	vadd.f32 v15, v14;
	v62 =	vld [tilespmem:s5+$0x1900];
	[tilespmem:s5+$0xD50] =	vst v52  }
0x1e6: {  	v56 =	vld [tilespmem:s5+$0x1560];
	[tilespmem:s5+$0x1160] =	vst v3;
	v3 =	vadd.f32 v39, v24  }
0x1e7: {  	v55 =	vadd.f32 v7, v6;
	[tilespmem:s5+$0x1130] =	vst v61;
	v52 =	vld [tilespmem:s5+$0x9970]  }
0x1e8: {  	v43 =	vadd.f32 v48, v47;
	v47 =	vld [tilespmem:s5+$0x1960];
	[tilespmem:s5+$0x1500] =	vst v3;
	v3 =	vadd.f32 v45, v44  }
0x1e9: {  	[tilespmem:s5+$0xD70] =	vst v55;
	v63 =	vld [tilespmem:s5+$0x9900]  }
0x1ea: {  	v59 =	vld [tilespmem:s5+$0x1570];
	[tilespmem:s5+$0x1520] =	vst v3;
	v3 =	vadd.f32 v51, v50  }
0x1eb: {  	[tilespmem:s5+$0x1530] =	vst v43;
	v4 =	vadd.f32 v54, v53;
	v39 =	vld [tilespmem:s5+$0x9920]  }
0x1ec: {  	v60 =	vld [tilespmem:s5+$0x9570];
	[tilespmem:s5+$0x1540] =	vst v3;
	v3 =	vadd.f32 v57, v56  }
0x1ed: {  	v54 =	vadd.f32 v42, v41;
	[tilespmem:s5+$0x1550] =	vst v4;
	v45 =	vld [tilespmem:s5+$0x1950]  }
0x1ee: {  	v53 =	vld [tilespmem:s5+$0x9940];
	[tilespmem:s5+$0x1560] =	vst v3;
	v3 =	vadd.f32 v63, v62  }
0x1ef: {  	[tilespmem:s5+$0x1930] =	vst v54;
	v55 =	vadd.f32 v49, v47;
	v50 =	vld [tilespmem:s5+$0x1970]  }
0x1f0: {  	v44 =	vld [tilespmem:s5+$0x1940];
	[tilespmem:s5+$0x1900] =	vst v3;
	v3 =	vadd.f32 v39, v38  }
0x1f1: {  	v48 =	vadd.f32 v60, v59;
	[tilespmem:s5+$0x1960] =	vst v55  }
0x1f2: {  	[tilespmem:s5+$0x1920] =	vst v3;
	v3 =	vadd.f32 v46, v45  }
0x1f3: {  	s17 =	sand.u32 $0x7, s29;
	[tilespmem:s5+$0x1570] =	vst v48;
	v51 =	vadd.f32 v36, v35  }
0x1f4: {  	s15 =	sshll.u32 s17, $0x7;
	[tilespmem:s5+$0x1950] =	vst v3;
	v3 =	vadd.f32 v52, v50  }
0x1f5: {  	s15 =	sadd.s32 s15, s31;
	[tilespmem:s5+$0x1910] =	vst v51;
	v56 =	vadd.f32 v53, v44  }
0x1f6: {  	s17 =	sor.u32 $0x1C00, s15;
	[tilespmem:s5+$0x1970] =	vst v3  }
0x1f7: {  	[tilespmem:s5+$0x1940] =	vst v56;
	v3 =	vld [tilespmem:s17+$0x100]  }
0x1f8: {  	v4 =	vld [tilespmem:s17+$0x8100];
	_ =	sdelay $0x4  }
0x1f9: {  	v3 =	vadd.f32 v4, v3;
	_ =	sdelay $0x1  }
0x1fa: {  	[tilespmem:s17+$0x100] =	vst v3;
	s17 =	sor.u32 $0x1C10, s15  }
0x1fb: {  	v3 =	vld [tilespmem:s17+$0x100]  }
0x1fc: {  	v57 =	vld [tilespmem:s17+$0x8100];
	_ =	sdelay $0x4  }
0x1fd: {  	v3 =	vadd.f32 v57, v3;
	_ =	sdelay $0x1  }
0x1fe: {  	[tilespmem:s17+$0x100] =	vst v3;
	s17 =	sor.u32 $0x1C20, s15  }
0x1ff: {  	v3 =	vld [tilespmem:s17+$0x100]  }
0x200: {  	v58 =	vld [tilespmem:s17+$0x8100];
	_ =	sdelay $0x4  }
0x201: {  	v3 =	vadd.f32 v58, v3;
	_ =	sdelay $0x1  }
0x202: {  	[tilespmem:s17+$0x100] =	vst v3;
	s17 =	sor.u32 $0x1C30, s15  }
0x203: {  	v3 =	vld [tilespmem:s17+$0x100]  }
0x204: {  	v59 =	vld [tilespmem:s17+$0x8100];
	_ =	sdelay $0x4  }
0x205: {  	v3 =	vadd.f32 v59, v3;
	_ =	sdelay $0x1  }
0x206: {  	[tilespmem:s17+$0x100] =	vst v3;
	s17 =	sor.u32 $0x1C40, s15  }
0x207: {  	v3 =	vld [tilespmem:s17+$0x100]  }
0x208: {  	v60 =	vld [tilespmem:s17+$0x8100];
	_ =	sdelay $0x4  }
0x209: {  	v3 =	vadd.f32 v60, v3;
	_ =	sdelay $0x1  }
0x20a: {  	[tilespmem:s17+$0x100] =	vst v3;
	s17 =	sor.u32 $0x1C50, s15  }
0x20b: {  	v3 =	vld [tilespmem:s17+$0x100]  }
0x20c: {  	v61 =	vld [tilespmem:s17+$0x8100];
	_ =	sdelay $0x4  }
0x20d: {  	v3 =	vadd.f32 v61, v3;
	_ =	sdelay $0x1  }
0x20e: {  	[tilespmem:s17+$0x100] =	vst v3;
	s17 =	sor.u32 $0x1C60, s15  }
0x20f: {  	v3 =	vld [tilespmem:s17+$0x100]  }
0x210: {  	v62 =	vld [tilespmem:s17+$0x8100];
	_ =	sdelay $0x4  }
0x211: {  	v3 =	vadd.f32 v62, v3;
	_ =	sdelay $0x1  }
0x212: {  	[tilespmem:s17+$0x100] =	vst v3;
	s17 =	sor.u32 $0x1C70, s15  }
0x213: {  	v3 =	vld [tilespmem:s17+$0x100]  }
0x214: {  	v63 =	vld [tilespmem:s17+$0x8100];
	_ =	sdelay $0x1  }
0x215: {  	p0 =	sne.s32 s0, $0xF80  }
.Ltmp1:
0x216: {  	_ = 	snop;
	(pc) =	sbr.rel @p0 .LBB2_4-.Ltmp1, $4  }
0x217: {  	_ = 	snop  }
0x218: {  	v3 =	vadd.f32 v63, v3  }
0x219: {  	s29 =	sadd.s32 $0x1, s29  }
0x21a: {  	s30 =	sadd.s32 $0x400, s30;
	s0 =	sadd.s32 $0x80, s0;
	s31 =	sadd.s32 $0x400, s31;
	[tilespmem:s17+$0x100] =	vst v3  }
0x21b: {  	s0 =	rddreg [dreg:$0x7]  }
0x21c: {  	[hbm4b:s0+s2] =	stream.linear.scatter [tilespmem:s16], [sflag:$0x3], $0x8000, $0x38;
	[tilespmem:$0x10100] =	vst v63  }
0x21d: {  	_ =	swait.ge [sflag:s14], $0x8000  }
0x21e: {  	s28 =	sadd.s32 $0x1, s28;
	s31 =	rddreg [dreg:$0x8]  }
0x21f: {  	p0 =	sne.s32 s28, s31  }
.Ltmp2:
0x220: {  	_ = 	snop;
	(pc) =	sbr.rel @p0 .LBB2_1-.Ltmp2, $3  }
0x221: {  	_ =	sdelay $0x1  }
0x222: {  	[sflag:s14] =	ssyncset.done $0x0  }
0x223: {  	[sflag:s14] =	ssyncadd.s32 $0xFFFF8000  }
0x224: {  	_ =	sfence.sel $0x180000  }
0x225: {  	[bflag:$0x0] =	sbarrier.arrive $0xFFFF  }
0x226: {  	_ =	strace $0x9000004A  }
0x227: {  	s0 =	stileid.u32;
	[bflag:$0x2] =	sbarrier.arrive $0xFFFF  }
0x228: {  	p0 =	sne.s32 s0, $0x0;
	s0 =	rddreg [dreg:$0x2]  }
0x229: {  	s0 =	sadd.s32 @!p0 $0x100000, s0  }
0x22a: {  	[sflag:s0] =	ssyncadd.tile.s32 @!p0 $0x1;
	_ =	shalt  }
.Lfunc_end2:
_tile_overlayer_lowered:
.L_overlay_start_2:
0x22b: {  	(tag) =	ssettag $0x2  }
0x22c: {  	s0 =	rddreg [dreg:$0x0];
	s2 =	stileid.u32  }
0x22d: {  	s1 =	rddreg [dreg:$0x1];
	p0 =	sne.s32 s2, $0x0  }
0x22e: {  	s3 =	rddreg [dreg:$0x2];
	[bflag:$0x3] =	sbarrier.arrive $0xFFFF;
	s2 =	simm.s32 @!p0 $0x1C03  }
0x22f: {  	[timem:s3], [sflag:s2] =	dma.local @!p0 [hbm:s0], s1  }
0x230: {  	s0 =	simm.s32 @!p0 $0x3  }
0x231: {  	_ =	swait.ge @!p0 [sflag:s0], s1  }
0x232: {  	s1 =	ssub.s32 @!p0 $0x0, s1;
	[sflag:s0] =	ssyncset.done @!p0 $0x0  }
0x233: {  	[sflag:s0] =	ssyncadd.s32 @!p0 s1  }
0x234: {  	[bflag:$0x3] =	sbarrier.arrive $0xFFFF  }
0x235: {  	_ =	shalt  }

</sc_bundles>
